<compile_context>
chip_gen: v7x
topology: tpu7x:2x2x1
jax: 0.10.2.dev20260603
libtpu: 0.0.44.dev20260713+nightly
codegen_flags: <defaults>
</compile_context>

<pallas_src>
import functools

import jax
import jax.numpy as jnp
from jax import lax
from jax.experimental import pallas as pl
from jax.experimental.pallas import tpu as pltpu
from jax.experimental.pallas import tpu_sc as plsc

N = 10000
NH = N // 2
E = 320000
D = 128
DH = D // 2
G = 64
CLS = 32

NC = 2
NS = 16
NW = NC * NS
C = 100
NBUF = 4
EPW = E // NW
NCHD = EPW // C
EPT = E // NS
NCH = EPT // C
RPT = N // NS
ZROWS = 125
WB = 632
WBL = N - (NS - 1) * WB
DEGW = 64

TBH = 1000
NGS = NH // TBH
HI = lax.Precision.DEFAULT

_mesh = plsc.VectorSubcoreMesh(core_axis_name="c", subcore_axis_name="s")



def _writeback(acc, out_hbm, cid, sid):
    r0 = pl.multiple_of(sid * WB, 8)

    @pl.when(sid < NS - 1)
    def _():
        pltpu.sync_copy(acc.at[pl.ds(r0, WB)], out_hbm.at[cid, pl.ds(r0, WB)])

    @pl.when(sid == NS - 1)
    def _():
        pltpu.sync_copy(acc.at[pl.ds(r0, WBL)], out_hbm.at[cid, pl.ds(r0, WBL)])


@functools.partial(
    pl.kernel,
    out_type=jax.ShapeDtypeStruct((NC, N, DEGW), jnp.float32),
    mesh=_mesh,
    scratch_types=[
        pltpu.VMEM((NCHD, C), jnp.int32),
        pltpu.VMEM((C, DEGW), jnp.float32),
        pltpu.VMEM((ZROWS, DEGW), jnp.float32),
        pltpu.VMEM_SHARED((N, DEGW), jnp.float32),
        pltpu.SemaphoreType.DMA,
    ],
    compiler_params=pltpu.CompilerParams(use_tc_tiling_on_sc=False),
)
def _deg_kernel(dst_hbm, out_hbm, didx, ones_buf, zbuf, acc, sem):
    cid = lax.axis_index("c")
    sid = lax.axis_index("s")
    wid = cid * NS + sid

    one = jnp.ones((16,), jnp.float32)
    zero = jnp.zeros((16,), jnp.float32)

    idx_cp = pltpu.async_copy(dst_hbm.at[wid], didx, sem)

    def fill_z(i, _):
        for jj in range(DEGW // 16):
            zbuf[i, pl.ds(jj * 16, 16)] = zero
        return 0
    lax.fori_loop(0, ZROWS, fill_z, 0)

    def fill_o(i, _):
        for jj in range(DEGW // 16):
            ones_buf[i, pl.ds(jj * 16, 16)] = one
        return 0
    lax.fori_loop(0, C, fill_o, 0)

    r0 = sid * RPT
    for k in range(RPT // ZROWS):
        pltpu.sync_copy(zbuf, acc.at[pl.ds(r0 + k * ZROWS, ZROWS)])
    idx_cp.wait()
    plsc.subcore_barrier()

    def chunk(i, _):
        pltpu.sync_copy(ones_buf, acc.at[didx.at[i]], add=True)
        return 0
    lax.fori_loop(0, NCHD, chunk, 0)
    plsc.subcore_barrier()

    _writeback(acc, out_hbm, cid, sid)


@functools.partial(
    pl.kernel,
    out_type=jax.ShapeDtypeStruct((NC, N, DH), jnp.float32),
    mesh=_mesh,
    scratch_types=[
        pltpu.VMEM((NCH, C), jnp.int32),
        pltpu.VMEM((NCH, C), jnp.int32),
        [pltpu.VMEM((C, DH), jnp.float32) for _ in range(NBUF)],
        pltpu.VMEM((ZROWS, DH), jnp.float32),
        pltpu.VMEM_SHARED((N, DH), jnp.float32),
        [pltpu.SemaphoreType.DMA for _ in range(NBUF)],
        [pltpu.SemaphoreType.DMA for _ in range(NBUF)],
    ],
    compiler_params=pltpu.CompilerParams(use_tc_tiling_on_sc=False),
)
def _segsum_kernel(xs_hbm, src_hbm, dst_hbm, out_hbm,
                   sidx, didx, rows, zbuf, acc, sem_g, sem_s):
    cid = lax.axis_index("c")
    sid = lax.axis_index("s")

    zero = jnp.zeros((16,), jnp.float32)

    cp_s = pltpu.async_copy(src_hbm.at[cid, sid], sidx, sem_g[0])
    cp_d = pltpu.async_copy(dst_hbm.at[sid], didx, sem_g[1])

    def fill(i, _):
        for jj in range(DH // 16):
            zbuf[i, pl.ds(jj * 16, 16)] = zero
        return 0
    lax.fori_loop(0, ZROWS, fill, 0)

    r0 = sid * RPT
    for k in range(RPT // ZROWS):
        pltpu.sync_copy(zbuf, acc.at[pl.ds(r0 + k * ZROWS, ZROWS)])
    cp_s.wait()
    cp_d.wait()

    for k in range(NBUF):
        pltpu.async_copy(xs_hbm.at[sidx.at[k]], rows[k], sem_g[k])
    plsc.subcore_barrier()

    def body(j, _):
        i0 = NBUF * j
        for k in range(NBUF):
            pltpu.make_async_copy(xs_hbm.at[sidx.at[i0 + k]], rows[k],
                                  sem_g[k]).wait()
            pltpu.sync_copy(rows[k], acc.at[didx.at[i0 + k]], add=True)
            nxt = lax.rem(i0 + NBUF + k, NCH)
            pltpu.async_copy(xs_hbm.at[sidx.at[nxt]], rows[k], sem_g[k])
        return 0
    lax.fori_loop(0, NCH // NBUF, body, 0)
    for k in range(NBUF):
        pltpu.make_async_copy(xs_hbm.at[sidx.at[k]], rows[k], sem_g[k]).wait()
    plsc.subcore_barrier()

    _writeback(acc, out_hbm, cid, sid)



def _dinvs(deg_ref):
    dA = deg_ref[0, :, 0:1] + deg_ref[1, :, 0:1] + 1.0
    dB = deg_ref[0, :, DH:DH + 1] + deg_ref[1, :, DH:DH + 1] + 1.0
    return lax.rsqrt(dA), lax.rsqrt(dB)


def _pack_store(o_ref, yA, yB):
    o_ref[0] = jnp.concatenate([yA[:, :DH], yB[:, :DH]], axis=1)
    o_ref[1] = jnp.concatenate([yA[:, DH:], yB[:, DH:]], axis=1)


def _unpack(p_ref):
    a = jnp.concatenate([p_ref[0, :, :DH], p_ref[1, :, :DH]], axis=1)
    b = jnp.concatenate([p_ref[0, :, DH:], p_ref[1, :, DH:]], axis=1)
    return a, b


def _mm_scale_body(deg_ref, xA_ref, xB_ref, w_ref, o_ref):
    dinvA, dinvB = _dinvs(deg_ref)
    yA = jnp.dot(xA_ref[...], w_ref[...],
                 preferred_element_type=jnp.float32, precision=HI) * dinvA
    yB = jnp.dot(xB_ref[...], w_ref[...],
                 preferred_element_type=jnp.float32, precision=HI) * dinvB
    _pack_store(o_ref, yA, yB)


def _mm_scale(x, W, degp):
    return pl.pallas_call(
        _mm_scale_body,
        grid=(NGS,),
        in_specs=[
            pl.BlockSpec((NC, TBH, D), lambda i: (0, i, 0)),
            pl.BlockSpec((TBH, D), lambda i: (i, 0)),
            pl.BlockSpec((TBH, D), lambda i: (NGS + i, 0)),
            pl.BlockSpec((D, D), lambda i: (0, 0)),
        ],
        out_specs=pl.BlockSpec((NC, TBH, D), lambda i: (0, i, 0)),
        out_shape=jax.ShapeDtypeStruct((NC, NH, D), jnp.float32),
    )(degp, x, x, W)


def _halves(deg_ref, acc_ref, xs_ref, b_ref):
    dinvA, dinvB = _dinvs(deg_ref)
    sA, sB = _unpack(acc_ref)
    xA, xB = _unpack(xs_ref)
    hA = jnp.maximum((sA + xA) * dinvA + b_ref[...], 0.0)
    hB = jnp.maximum((sB + xB) * dinvB + b_ref[...], 0.0)
    return hA, hB, dinvA, dinvB


def _combine_body(deg_ref, acc_ref, xs_ref, b_ref, w_ref, o_ref):
    hA, hB, dinvA, dinvB = _halves(deg_ref, acc_ref, xs_ref, b_ref)
    yA = jnp.dot(hA, w_ref[...],
                 preferred_element_type=jnp.float32, precision=HI) * dinvA
    yB = jnp.dot(hB, w_ref[...],
                 preferred_element_type=jnp.float32, precision=HI) * dinvB
    _pack_store(o_ref, yA, yB)


def _combine(accp, xsp, degp, b, Wn):
    return pl.pallas_call(
        _combine_body,
        grid=(NGS,),
        in_specs=[
            pl.BlockSpec((NC, TBH, D), lambda i: (0, i, 0)),
            pl.BlockSpec((NC, TBH, D), lambda i: (0, i, 0)),
            pl.BlockSpec((NC, TBH, D), lambda i: (0, i, 0)),
            pl.BlockSpec((1, D), lambda i: (0, 0)),
            pl.BlockSpec((D, D), lambda i: (0, 0)),
        ],
        out_specs=pl.BlockSpec((NC, TBH, D), lambda i: (0, i, 0)),
        out_shape=jax.ShapeDtypeStruct((NC, NH, D), jnp.float32),
    )(degp, accp, xsp, b, Wn)


def _final_body(deg_ref, acc_ref, xs_ref, b_ref, batchA_ref, batchB_ref,
                wl1_ref, bl1_ref, wl2_ref, bl2_ref, o_ref, sums, cnts):
    i = pl.program_id(0)

    @pl.when(i == 0)
    def _init():
        sums[...] = jnp.zeros_like(sums)
        cnts[...] = jnp.zeros_like(cnts)

    hA, hB, _, _ = _halves(deg_ref, acc_ref, xs_ref, b_ref)
    gid = lax.broadcasted_iota(jnp.int32, (G, 1), 0)
    PA = (batchA_ref[0] == gid).astype(jnp.float32)
    PB = (batchB_ref[0] == gid).astype(jnp.float32)
    sums[...] += (jnp.dot(PA, hA, preferred_element_type=jnp.float32,
                          precision=HI)
                  + jnp.dot(PB, hB, preferred_element_type=jnp.float32,
                            precision=HI))
    cnt = jnp.sum(PA, axis=1, keepdims=True) + jnp.sum(PB, axis=1,
                                                       keepdims=True)
    cnts[...] += jnp.broadcast_to(cnt, (G, D))

    @pl.when(i == NGS - 1)
    def _head():
        g = sums[...] / jnp.maximum(cnts[...], 1.0)
        g1 = jnp.maximum(jnp.dot(g, wl1_ref[...],
                                 preferred_element_type=jnp.float32,
                                 precision=HI) + bl1_ref[...], 0.0)
        o_ref[...] = jnp.dot(g1, wl2_ref[...],
                             preferred_element_type=jnp.float32,
                             precision=HI) + bl2_ref[...]


def _final(accp, xsp, degp, b, batch3, Wl1, bl1, Wl2, bl2):
    return pl.pallas_call(
        _final_body,
        grid=(NGS,),
        in_specs=[
            pl.BlockSpec((NC, TBH, D), lambda i: (0, i, 0)),
            pl.BlockSpec((NC, TBH, D), lambda i: (0, i, 0)),
            pl.BlockSpec((NC, TBH, D), lambda i: (0, i, 0)),
            pl.BlockSpec((1, D), lambda i: (0, 0)),
            pl.BlockSpec((1, 1, TBH), lambda i: (i, 0, 0)),
            pl.BlockSpec((1, 1, TBH), lambda i: (NGS + i, 0, 0)),
            pl.BlockSpec((D, D), lambda i: (0, 0)),
            pl.BlockSpec((1, D), lambda i: (0, 0)),
            pl.BlockSpec((D, CLS), lambda i: (0, 0)),
            pl.BlockSpec((1, CLS), lambda i: (0, 0)),
        ],
        out_specs=pl.BlockSpec((G, CLS), lambda i: (0, 0)),
        out_shape=jax.ShapeDtypeStruct((G, CLS), jnp.float32),
        scratch_shapes=[
            pltpu.VMEM((G, D), jnp.float32),
            pltpu.VMEM((G, D), jnp.float32),
        ],
    )(degp, accp, xsp, b, batch3, batch3, Wl1, bl1, Wl2, bl2)



def kernel(x, edge_index, batch, W1, b1, W2, b2, W3, b3, Wl1, bl1, Wl2, bl2):
    src = edge_index[0].astype(jnp.int32)
    dst = edge_index[1].astype(jnp.int32)
    srcp = jnp.where(src < NH, 2 * src, 2 * (src - NH) + 1)
    dstp = jnp.where(dst < NH, 2 * dst, 2 * (dst - NH) + 1)
    dstd = dstp.reshape(NW, NCHD, C)
    srcb = jnp.stack([srcp, srcp + N]).reshape(NC, NS, NCH, C)
    dstb = dstp.reshape(NS, NCH, C)
    batch3 = batch.astype(jnp.int32).reshape(N // TBH, 1, TBH)
    b1r, b2r, b3r = b1.reshape(1, D), b2.reshape(1, D), b3.reshape(1, D)
    bl1r, bl2r = bl1.reshape(1, D), bl2.reshape(1, CLS)

    degp = _deg_kernel(dstd).reshape(NC, NH, D)

    def segsum(xsp):
        return _segsum_kernel(xsp.reshape(NC * N, DH), srcb,
                              dstb).reshape(NC, NH, D)

    xs1 = _mm_scale(x, W1, degp)
    acc1 = segsum(xs1)
    xs2 = _combine(acc1, xs1, degp, b1r, W2)
    acc2 = segsum(xs2)
    xs3 = _combine(acc2, xs2, degp, b2r, W3)
    acc3 = segsum(xs3)
    return _final(acc3, xs3, degp, b3r, batch3, Wl1, bl1r, Wl2, bl2r)

# --- scband reference (transcript-rebuilt; emitter-appended) ---
"""Pipeline reference for scband-py-g-gcn-52158082842625 (READ-ONLY COPY).

The authoritative reference and input builder live on the scoring server;
editing this copy changes nothing except your own understanding.
"""

import jax, jax.numpy as jnp
import numpy as np

N_NODES = 10000
N_EDGES = 320000
D_FEAT = 128
HIDDEN = 128
NUM_CLASSES = 32
NUM_GRAPHS = 64


def setup_inputs(seed: int = 0) -> dict:
    key = jax.random.key(seed)
    ks = jax.random.split(key, 16)
    x = jax.random.normal(ks[0], (N_NODES, D_FEAT), dtype=jnp.float32)
    edge_index = jax.random.randint(ks[1], (2, N_EDGES), 0, N_NODES, dtype=jnp.int64)
    batch = jnp.sort(jax.random.randint(ks[2], (N_NODES,), 0, NUM_GRAPHS, dtype=jnp.int64))
    def glorot(k, fan_in, fan_out):
        lim = jnp.sqrt(6.0 / (fan_in + fan_out))
        return jax.random.uniform(k, (fan_in, fan_out), jnp.float32, -lim, lim)
    W1 = glorot(ks[3], D_FEAT, HIDDEN)
    b1 = jnp.zeros((HIDDEN,), jnp.float32)
    W2 = glorot(ks[4], HIDDEN, HIDDEN)
    b2 = jnp.zeros((HIDDEN,), jnp.float32)
    W3 = glorot(ks[5], HIDDEN, HIDDEN)
    b3 = jnp.zeros((HIDDEN,), jnp.float32)
    Wl1 = glorot(ks[6], HIDDEN, HIDDEN)
    bl1 = jnp.zeros((HIDDEN,), jnp.float32)
    Wl2 = glorot(ks[7], HIDDEN, NUM_CLASSES)
    bl2 = jnp.zeros((NUM_CLASSES,), jnp.float32)
    return {"x": x, "edge_index": edge_index, "batch": batch,
            "W1": W1, "b1": b1, "W2": W2, "b2": b2, "W3": W3, "b3": b3,
            "Wl1": Wl1, "bl1": bl1, "Wl2": Wl2, "bl2": bl2}


def _gcn_conv(x, edge_index, W, b, num_nodes):
    # PyG GCNConv: linear transform, add self-loops, sym-normalize, scatter-add
    x = x @ W
    src = edge_index[0]
    dst = edge_index[1]
    sl = jnp.arange(num_nodes, dtype=src.dtype)
    src = jnp.concatenate([src, sl])
    dst = jnp.concatenate([dst, sl])
    ones = jnp.ones(src.shape[0], dtype=x.dtype)
    deg = jax.ops.segment_sum(ones, dst, num_segments=num_nodes)
    dinv = jnp.where(deg > 0, jax.lax.rsqrt(deg), 0.0)
    norm = dinv[src] * dinv[dst]
    msgs = jnp.take(x, src, axis=0) * norm[:, None]
    out = jax.ops.segment_sum(msgs, dst, num_segments=num_nodes)
    return out + b


def _global_mean_pool(x, batch, num_graphs):
    sums = jax.ops.segment_sum(x, batch, num_segments=num_graphs)
    cnts = jax.ops.segment_sum(jnp.ones((x.shape[0],), x.dtype), batch, num_segments=num_graphs)
    return sums / jnp.clip(cnts, 1.0)[:, None]


def reference(x, edge_index, batch, W1, b1, W2, b2, W3, b3, Wl1, bl1, Wl2, bl2):
    h = jax.nn.relu(_gcn_conv(x, edge_index, W1, b1, N_NODES))
    h = jax.nn.relu(_gcn_conv(h, edge_index, W2, b2, N_NODES))
    h = jax.nn.relu(_gcn_conv(h, edge_index, W3, b3, N_NODES))
    g = _global_mean_pool(h, batch, NUM_GRAPHS)
    g = jax.nn.relu(g @ Wl1 + bl1)
    # dropout p=0.5 is identity in eval mode
    return g @ Wl2 + bl2

if __name__ == "__main__":
    import jax
    _d = setup_inputs()
    print(jax.jit(kernel)(*tuple(_d.values())))

</pallas_src>

<mosaic_0001>
#map = affine_map<(d0, d1) -> (0, 0)>
#map1 = affine_map<(d0, d1) -> (0, 0, 0, 0)>
#map2 = affine_map<(d0, d1) -> (0, 0, 0)>
module attributes {stable_mosaic.version = 14 : i64} {
  func.func @_segsum_kernel(%arg0: i32, %arg1: i32, %arg2: memref<20000x64xf32, #tpu.memory_space<hbm>>, %arg3: memref<2x16x200x100xi32, #tpu.memory_space<hbm>>, %arg4: memref<16x200x100xi32, #tpu.memory_space<hbm>>, %arg5: memref<2x10000x64xf32, #tpu.memory_space<hbm>>, %arg6: memref<200x100xi32, #tpu.memory_space<vmem>>, %arg7: memref<200x100xi32, #tpu.memory_space<vmem>>, %arg8: memref<100x64xf32, #tpu.memory_space<vmem>>, %arg9: memref<100x64xf32, #tpu.memory_space<vmem>>, %arg10: memref<100x64xf32, #tpu.memory_space<vmem>>, %arg11: memref<100x64xf32, #tpu.memory_space<vmem>>, %arg12: memref<125x64xf32, #tpu.memory_space<vmem>>, %arg13: memref<10000x64xf32, #tpu.memory_space<vmem_shared>>, %arg14: memref<!tpu.dma_semaphore, #tpu.memory_space<semaphore_mem>>, %arg15: memref<!tpu.dma_semaphore, #tpu.memory_space<semaphore_mem>>, %arg16: memref<!tpu.dma_semaphore, #tpu.memory_space<semaphore_mem>>, %arg17: memref<!tpu.dma_semaphore, #tpu.memory_space<semaphore_mem>>, %arg18: memref<!tpu.dma_semaphore, #tpu.memory_space<semaphore_mem>>, %arg19: memref<!tpu.dma_semaphore, #tpu.memory_space<semaphore_mem>>, %arg20: memref<!tpu.dma_semaphore, #tpu.memory_space<semaphore_mem>>, %arg21: memref<!tpu.dma_semaphore, #tpu.memory_space<semaphore_mem>>) attributes {dimension_semantics = [#tpu.dimension_semantics<core_parallel>, #tpu.dimension_semantics<subcore_parallel>], iteration_bounds = array<i64: 2, 16>, scalar_prefetch = 0 : i64, scratch_operands = 16 : i64, tpu.core_type = #tpu.core_type<sc_vector_subcore>, window_params = [{transform_indices = #map}, {transform_indices = #map1}, {transform_indices = #map2}, {transform_indices = #map2}]} {
    %broadcast_in_dim3A = arith.constant 0.000000e+00 : f32
    %broadcast_in_dim3A_0 = vector.broadcast %broadcast_in_dim3A : f32 to vector<16xf32>
    %dma_start3A = arith.constant 0 : i32
    %dma_start3A_1 = arith.constant 0 : i32
    %dma_start3A_2 = tpu.memref_slice %arg3[%arg0, %arg1, %dma_start3A, %dma_start3A_1] : memref<2x16x200x100xi32, #tpu.memory_space<hbm>> -> memref<1x1x200x100xi32, #tpu.memory_space<hbm>>
    %dma_start3A_3 = tpu.memref_squeeze %dma_start3A_2 : memref<1x1x200x100xi32, #tpu.memory_space<hbm>> -> memref<200x100xi32, #tpu.memory_space<hbm>>
    %dma_start3A_4 = arith.constant 0 : i32
    %dma_start3A_5 = arith.constant 0 : i32
    %dma_start3A_6 = tpu.memref_slice %arg3[%arg0, %arg1, %dma_start3A_4, %dma_start3A_5] : memref<2x16x200x100xi32, #tpu.memory_space<hbm>> -> memref<1x1x200x100xi32, #tpu.memory_space<hbm>>
    %dma_start3A_7 = tpu.memref_squeeze %dma_start3A_6 : memref<1x1x200x100xi32, #tpu.memory_space<hbm>> -> memref<200x100xi32, #tpu.memory_space<hbm>>
    tpu.enqueue_dma source(%dma_start3A_7 : memref<200x100xi32, #tpu.memory_space<hbm>>) target(%arg6 : memref<200x100xi32, #tpu.memory_space<vmem>>) target_semaphore(%arg14 : memref<!tpu.dma_semaphore, #tpu.memory_space<semaphore_mem>>)
    %dma_start3A_8 = arith.constant 0 : i32
    %dma_start3A_9 = arith.constant 0 : i32
    %dma_start3A_10 = tpu.memref_slice %arg4[%arg1, %dma_start3A_8, %dma_start3A_9] : memref<16x200x100xi32, #tpu.memory_space<hbm>> -> memref<1x200x100xi32, #tpu.memory_space<hbm>>
    %dma_start3A_11 = tpu.memref_squeeze %dma_start3A_10 : memref<1x200x100xi32, #tpu.memory_space<hbm>> -> memref<200x100xi32, #tpu.memory_space<hbm>>
    %dma_start3A_12 = arith.constant 0 : i32
    %dma_start3A_13 = arith.constant 0 : i32
    %dma_start3A_14 = tpu.memref_slice %arg4[%arg1, %dma_start3A_12, %dma_start3A_13] : memref<16x200x100xi32, #tpu.memory_space<hbm>> -> memref<1x200x100xi32, #tpu.memory_space<hbm>>
    %dma_start3A_15 = tpu.memref_squeeze %dma_start3A_14 : memref<1x200x100xi32, #tpu.memory_space<hbm>> -> memref<200x100xi32, #tpu.memory_space<hbm>>
    tpu.enqueue_dma source(%dma_start3A_15 : memref<200x100xi32, #tpu.memory_space<hbm>>) target(%arg7 : memref<200x100xi32, #tpu.memory_space<vmem>>) target_semaphore(%arg15 : memref<!tpu.dma_semaphore, #tpu.memory_space<semaphore_mem>>)
    %scan3A = arith.constant 0 : i32
    %scan3A_16 = arith.constant 0 : i32
    %scan3A_17 = arith.constant 125 : i32
    %scan3A_18 = arith.addi %scan3A_16, %scan3A_17 : i32
    %scan3A_19 = arith.constant 1 : i32
    %scan3A_20 = scf.for %scan3A_119 = %scan3A_16 to %scan3A_18 step %scan3A_19 iter_args(%scan3A_120 = %scan3A) -> (i32)  : i32 {
      %swap3A = arith.index_cast %scan3A_119 : i32 to index
      %swap3A_121 = arith.constant 0 : index
      %swap3A_122 = tpu.vector_load %arg12[%swap3A, %swap3A_121] {strides = array<i32>} : memref<125x64xf32, #tpu.memory_space<vmem>>, vector<1x16xf32>,
      %swap3A_123 = vector.shape_cast %swap3A_122 : vector<1x16xf32> to vector<16xf32>
      %swap3A_124 = vector.shape_cast %broadcast_in_dim3A_0 : vector<16xf32> to vector<1x16xf32>
      tpu.vector_store %arg12[%swap3A, %swap3A_121], %swap3A_124 {strides = array<i32>} : memref<125x64xf32, #tpu.memory_space<vmem>>, vector<1x16xf32>,
      %swap3A_125 = arith.index_cast %scan3A_119 : i32 to index
      %swap3A_126 = arith.constant 16 : index
      %swap3A_127 = tpu.vector_load %arg12[%swap3A_125, %swap3A_126] {strides = array<i32>} : memref<125x64xf32, #tpu.memory_space<vmem>>, vector<1x16xf32>,
      %swap3A_128 = vector.shape_cast %swap3A_127 : vector<1x16xf32> to vector<16xf32>
      %swap3A_129 = vector.shape_cast %broadcast_in_dim3A_0 : vector<16xf32> to vector<1x16xf32>
      tpu.vector_store %arg12[%swap3A_125, %swap3A_126], %swap3A_129 {strides = array<i32>} : memref<125x64xf32, #tpu.memory_space<vmem>>, vector<1x16xf32>,
      %swap3A_130 = arith.index_cast %scan3A_119 : i32 to index
      %swap3A_131 = arith.constant 32 : index
      %swap3A_132 = tpu.vector_load %arg12[%swap3A_130, %swap3A_131] {strides = array<i32>} : memref<125x64xf32, #tpu.memory_space<vmem>>, vector<1x16xf32>,
      %swap3A_133 = vector.shape_cast %swap3A_132 : vector<1x16xf32> to vector<16xf32>
      %swap3A_134 = vector.shape_cast %broadcast_in_dim3A_0 : vector<16xf32> to vector<1x16xf32>
      tpu.vector_store %arg12[%swap3A_130, %swap3A_131], %swap3A_134 {strides = array<i32>} : memref<125x64xf32, #tpu.memory_space<vmem>>, vector<1x16xf32>,
      %swap3A_135 = arith.index_cast %scan3A_119 : i32 to index
      %swap3A_136 = arith.constant 48 : index
      %swap3A_137 = tpu.vector_load %arg12[%swap3A_135, %swap3A_136] {strides = array<i32>} : memref<125x64xf32, #tpu.memory_space<vmem>>, vector<1x16xf32>,
      %swap3A_138 = vector.shape_cast %swap3A_137 : vector<1x16xf32> to vector<16xf32>
      %swap3A_139 = vector.shape_cast %broadcast_in_dim3A_0 : vector<16xf32> to vector<1x16xf32>
      tpu.vector_store %arg12[%swap3A_135, %swap3A_136], %swap3A_139 {strides = array<i32>} : memref<125x64xf32, #tpu.memory_space<vmem>>, vector<1x16xf32>,
      %scan3A_140 = arith.constant 0 : i32
      scf.yield %scan3A_140 : i32
    }
    %scan3A_21 = arith.constant 125 : i32
    %mul3A = arith.constant 625 : i32
    %mul3A_22 = arith.muli %arg1, %mul3A : i32
    %add3A = arith.constant 0 : i32
    %add3A_23 = arith.addi %mul3A_22, %add3A : i32
    "tpu.region"() ({
      %run_scoped3A = tpu.sem_alloc : memref<!tpu.dma_semaphore, #tpu.memory_space<semaphore_mem>>
      %dma_start3A_119 = arith.constant 0 : i32
      %dma_start3A_120 = tpu.memref_slice %arg13[%add3A_23, %dma_start3A_119] : memref<10000x64xf32, #tpu.memory_space<vmem_shared>> -> memref<125x64xf32, #tpu.memory_space<vmem_shared>>
      %dma_start3A_121 = arith.constant 0 : i32
      %dma_start3A_122 = tpu.memref_slice %arg13[%add3A_23, %dma_start3A_121] : memref<10000x64xf32, #tpu.memory_space<vmem_shared>> -> memref<125x64xf32, #tpu.memory_space<vmem_shared>>
      tpu.enqueue_dma source(%arg12 : memref<125x64xf32, #tpu.memory_space<vmem>>) target(%dma_start3A_122 : memref<125x64xf32, #tpu.memory_space<vmem_shared>>) target_semaphore(%run_scoped3A : memref<!tpu.dma_semaphore, #tpu.memory_space<semaphore_mem>>)
      %dma_wait3A_123 = arith.constant 0 : i32
      %dma_wait3A_124 = tpu.memref_slice %arg13[%add3A_23, %dma_wait3A_123] : memref<10000x64xf32, #tpu.memory_space<vmem_shared>> -> memref<125x64xf32, #tpu.memory_space<vmem_shared>>
      %dma_wait3A_125 = arith.constant 0 : i32
      %dma_wait3A_126 = tpu.memref_slice %arg13[%add3A_23, %dma_wait3A_125] : memref<10000x64xf32, #tpu.memory_space<vmem_shared>> -> memref<125x64xf32, #tpu.memory_space<vmem_shared>>
      tpu.wait_dma2 semaphore(%run_scoped3A : memref<!tpu.dma_semaphore, #tpu.memory_space<semaphore_mem>>) src(%arg12 : memref<125x64xf32, #tpu.memory_space<vmem>>) dst(%dma_wait3A_126 : memref<125x64xf32, #tpu.memory_space<vmem_shared>>)
      tpu.yield
    }) : () -> ()
    %add3A_24 = arith.constant 125 : i32
    %add3A_25 = arith.addi %mul3A_22, %add3A_24 : i32
    "tpu.region"() ({
      %run_scoped3A = tpu.sem_alloc : memref<!tpu.dma_semaphore, #tpu.memory_space<semaphore_mem>>
      %dma_start3A_119 = arith.constant 0 : i32
      %dma_start3A_120 = tpu.memref_slice %arg13[%add3A_25, %dma_start3A_119] : memref<10000x64xf32, #tpu.memory_space<vmem_shared>> -> memref<125x64xf32, #tpu.memory_space<vmem_shared>>
      %dma_start3A_121 = arith.constant 0 : i32
      %dma_start3A_122 = tpu.memref_slice %arg13[%add3A_25, %dma_start3A_121] : memref<10000x64xf32, #tpu.memory_space<vmem_shared>> -> memref<125x64xf32, #tpu.memory_space<vmem_shared>>
      tpu.enqueue_dma source(%arg12 : memref<125x64xf32, #tpu.memory_space<vmem>>) target(%dma_start3A_122 : memref<125x64xf32, #tpu.memory_space<vmem_shared>>) target_semaphore(%run_scoped3A : memref<!tpu.dma_semaphore, #tpu.memory_space<semaphore_mem>>)
      %dma_wait3A_123 = arith.constant 0 : i32
      %dma_wait3A_124 = tpu.memref_slice %arg13[%add3A_25, %dma_wait3A_123] : memref<10000x64xf32, #tpu.memory_space<vmem_shared>> -> memref<125x64xf32, #tpu.memory_space<vmem_shared>>
      %dma_wait3A_125 = arith.constant 0 : i32
      %dma_wait3A_126 = tpu.memref_slice %arg13[%add3A_25, %dma_wait3A_125] : memref<10000x64xf32, #tpu.memory_space<vmem_shared>> -> memref<125x64xf32, #tpu.memory_space<vmem_shared>>
      tpu.wait_dma2 semaphore(%run_scoped3A : memref<!tpu.dma_semaphore, #tpu.memory_space<semaphore_mem>>) src(%arg12 : memref<125x64xf32, #tpu.memory_space<vmem>>) dst(%dma_wait3A_126 : memref<125x64xf32, #tpu.memory_space<vmem_shared>>)
      tpu.yield
    }) : () -> ()
    %add3A_26 = arith.constant 250 : i32
    %add3A_27 = arith.addi %mul3A_22, %add3A_26 : i32
    "tpu.region"() ({
      %run_scoped3A = tpu.sem_alloc : memref<!tpu.dma_semaphore, #tpu.memory_space<semaphore_mem>>
      %dma_start3A_119 = arith.constant 0 : i32
      %dma_start3A_120 = tpu.memref_slice %arg13[%add3A_27, %dma_start3A_119] : memref<10000x64xf32, #tpu.memory_space<vmem_shared>> -> memref<125x64xf32, #tpu.memory_space<vmem_shared>>
      %dma_start3A_121 = arith.constant 0 : i32
      %dma_start3A_122 = tpu.memref_slice %arg13[%add3A_27, %dma_start3A_121] : memref<10000x64xf32, #tpu.memory_space<vmem_shared>> -> memref<125x64xf32, #tpu.memory_space<vmem_shared>>
      tpu.enqueue_dma source(%arg12 : memref<125x64xf32, #tpu.memory_space<vmem>>) target(%dma_start3A_122 : memref<125x64xf32, #tpu.memory_space<vmem_shared>>) target_semaphore(%run_scoped3A : memref<!tpu.dma_semaphore, #tpu.memory_space<semaphore_mem>>)
      %dma_wait3A_123 = arith.constant 0 : i32
      %dma_wait3A_124 = tpu.memref_slice %arg13[%add3A_27, %dma_wait3A_123] : memref<10000x64xf32, #tpu.memory_space<vmem_shared>> -> memref<125x64xf32, #tpu.memory_space<vmem_shared>>
      %dma_wait3A_125 = arith.constant 0 : i32
      %dma_wait3A_126 = tpu.memref_slice %arg13[%add3A_27, %dma_wait3A_125] : memref<10000x64xf32, #tpu.memory_space<vmem_shared>> -> memref<125x64xf32, #tpu.memory_space<vmem_shared>>
      tpu.wait_dma2 semaphore(%run_scoped3A : memref<!tpu.dma_semaphore, #tpu.memory_space<semaphore_mem>>) src(%arg12 : memref<125x64xf32, #tpu.memory_space<vmem>>) dst(%dma_wait3A_126 : memref<125x64xf32, #tpu.memory_space<vmem_shared>>)
      tpu.yield
    }) : () -> ()
    %add3A_28 = arith.constant 375 : i32
    %add3A_29 = arith.addi %mul3A_22, %add3A_28 : i32
    "tpu.region"() ({
      %run_scoped3A = tpu.sem_alloc : memref<!tpu.dma_semaphore, #tpu.memory_space<semaphore_mem>>
      %dma_start3A_119 = arith.constant 0 : i32
      %dma_start3A_120 = tpu.memref_slice %arg13[%add3A_29, %dma_start3A_119] : memref<10000x64xf32, #tpu.memory_space<vmem_shared>> -> memref<125x64xf32, #tpu.memory_space<vmem_shared>>
      %dma_start3A_121 = arith.constant 0 : i32
      %dma_start3A_122 = tpu.memref_slice %arg13[%add3A_29, %dma_start3A_121] : memref<10000x64xf32, #tpu.memory_space<vmem_shared>> -> memref<125x64xf32, #tpu.memory_space<vmem_shared>>
      tpu.enqueue_dma source(%arg12 : memref<125x64xf32, #tpu.memory_space<vmem>>) target(%dma_start3A_122 : memref<125x64xf32, #tpu.memory_space<vmem_shared>>) target_semaphore(%run_scoped3A : memref<!tpu.dma_semaphore, #tpu.memory_space<semaphore_mem>>)
      %dma_wait3A_123 = arith.constant 0 : i32
      %dma_wait3A_124 = tpu.memref_slice %arg13[%add3A_29, %dma_wait3A_123] : memref<10000x64xf32, #tpu.memory_space<vmem_shared>> -> memref<125x64xf32, #tpu.memory_space<vmem_shared>>
      %dma_wait3A_125 = arith.constant 0 : i32
      %dma_wait3A_126 = tpu.memref_slice %arg13[%add3A_29, %dma_wait3A_125] : memref<10000x64xf32, #tpu.memory_space<vmem_shared>> -> memref<125x64xf32, #tpu.memory_space<vmem_shared>>
      tpu.wait_dma2 semaphore(%run_scoped3A : memref<!tpu.dma_semaphore, #tpu.memory_space<semaphore_mem>>) src(%arg12 : memref<125x64xf32, #tpu.memory_space<vmem>>) dst(%dma_wait3A_126 : memref<125x64xf32, #tpu.memory_space<vmem_shared>>)
      tpu.yield
    }) : () -> ()
    %add3A_30 = arith.constant 500 : i32
    %add3A_31 = arith.addi %mul3A_22, %add3A_30 : i32
    "tpu.region"() ({
      %run_scoped3A = tpu.sem_alloc : memref<!tpu.dma_semaphore, #tpu.memory_space<semaphore_mem>>
      %dma_start3A_119 = arith.constant 0 : i32
      %dma_start3A_120 = tpu.memref_slice %arg13[%add3A_31, %dma_start3A_119] : memref<10000x64xf32, #tpu.memory_space<vmem_shared>> -> memref<125x64xf32, #tpu.memory_space<vmem_shared>>
      %dma_start3A_121 = arith.constant 0 : i32
      %dma_start3A_122 = tpu.memref_slice %arg13[%add3A_31, %dma_start3A_121] : memref<10000x64xf32, #tpu.memory_space<vmem_shared>> -> memref<125x64xf32, #tpu.memory_space<vmem_shared>>
      tpu.enqueue_dma source(%arg12 : memref<125x64xf32, #tpu.memory_space<vmem>>) target(%dma_start3A_122 : memref<125x64xf32, #tpu.memory_space<vmem_shared>>) target_semaphore(%run_scoped3A : memref<!tpu.dma_semaphore, #tpu.memory_space<semaphore_mem>>)
      %dma_wait3A_123 = arith.constant 0 : i32
      %dma_wait3A_124 = tpu.memref_slice %arg13[%add3A_31, %dma_wait3A_123] : memref<10000x64xf32, #tpu.memory_space<vmem_shared>> -> memref<125x64xf32, #tpu.memory_space<vmem_shared>>
      %dma_wait3A_125 = arith.constant 0 : i32
      %dma_wait3A_126 = tpu.memref_slice %arg13[%add3A_31, %dma_wait3A_125] : memref<10000x64xf32, #tpu.memory_space<vmem_shared>> -> memref<125x64xf32, #tpu.memory_space<vmem_shared>>
      tpu.wait_dma2 semaphore(%run_scoped3A : memref<!tpu.dma_semaphore, #tpu.memory_space<semaphore_mem>>) src(%arg12 : memref<125x64xf32, #tpu.memory_space<vmem>>) dst(%dma_wait3A_126 : memref<125x64xf32, #tpu.memory_space<vmem_shared>>)
      tpu.yield
    }) : () -> ()
    %dma_wait3A = arith.constant 0 : i32
    %dma_wait3A_32 = arith.constant 0 : i32
    %dma_wait3A_33 = tpu.memref_slice %arg3[%arg0, %arg1, %dma_wait3A, %dma_wait3A_32] : memref<2x16x200x100xi32, #tpu.memory_space<hbm>> -> memref<1x1x200x100xi32, #tpu.memory_space<hbm>>
    %dma_wait3A_34 = tpu.memref_squeeze %dma_wait3A_33 : memref<1x1x200x100xi32, #tpu.memory_space<hbm>> -> memref<200x100xi32, #tpu.memory_space<hbm>>
    %dma_wait3A_35 = arith.constant 0 : i32
    %dma_wait3A_36 = arith.constant 0 : i32
    %dma_wait3A_37 = tpu.memref_slice %arg3[%arg0, %arg1, %dma_wait3A_35, %dma_wait3A_36] : memref<2x16x200x100xi32, #tpu.memory_space<hbm>> -> memref<1x1x200x100xi32, #tpu.memory_space<hbm>>
    %dma_wait3A_38 = tpu.memref_squeeze %dma_wait3A_37 : memref<1x1x200x100xi32, #tpu.memory_space<hbm>> -> memref<200x100xi32, #tpu.memory_space<hbm>>
    tpu.wait_dma2 semaphore(%arg14 : memref<!tpu.dma_semaphore, #tpu.memory_space<semaphore_mem>>) src(%dma_wait3A_38 : memref<200x100xi32, #tpu.memory_space<hbm>>) dst(%arg6 : memref<200x100xi32, #tpu.memory_space<vmem>>)
    %dma_wait3A_39 = arith.constant 0 : i32
    %dma_wait3A_40 = arith.constant 0 : i32
    %dma_wait3A_41 = tpu.memref_slice %arg4[%arg1, %dma_wait3A_39, %dma_wait3A_40] : memref<16x200x100xi32, #tpu.memory_space<hbm>> -> memref<1x200x100xi32, #tpu.memory_space<hbm>>
    %dma_wait3A_42 = tpu.memref_squeeze %dma_wait3A_41 : memref<1x200x100xi32, #tpu.memory_space<hbm>> -> memref<200x100xi32, #tpu.memory_space<hbm>>
    %dma_wait3A_43 = arith.constant 0 : i32
    %dma_wait3A_44 = arith.constant 0 : i32
    %dma_wait3A_45 = tpu.memref_slice %arg4[%arg1, %dma_wait3A_43, %dma_wait3A_44] : memref<16x200x100xi32, #tpu.memory_space<hbm>> -> memref<1x200x100xi32, #tpu.memory_space<hbm>>
    %dma_wait3A_46 = tpu.memref_squeeze %dma_wait3A_45 : memref<1x200x100xi32, #tpu.memory_space<hbm>> -> memref<200x100xi32, #tpu.memory_space<hbm>>
    tpu.wait_dma2 semaphore(%arg15 : memref<!tpu.dma_semaphore, #tpu.memory_space<semaphore_mem>>) src(%dma_wait3A_46 : memref<200x100xi32, #tpu.memory_space<hbm>>) dst(%arg7 : memref<200x100xi32, #tpu.memory_space<vmem>>)
    %dma_start3A_47 = arith.constant 0 : i32
    %dma_start3A_48 = arith.constant 0 : i32
    %dma_start3A_49 = tpu.memref_slice %arg6[%dma_start3A_47, %dma_start3A_48] : memref<200x100xi32, #tpu.memory_space<vmem>> -> memref<1x100xi32, #tpu.memory_space<vmem>>
    %dma_start3A_50 = tpu.memref_squeeze %dma_start3A_49 : memref<1x100xi32, #tpu.memory_space<vmem>> -> memref<100xi32, #tpu.memory_space<vmem>>
    %dma_start3A_51 = arith.constant 0 : i32
    %dma_start3A_52 = arith.constant 0 : i32
    %dma_start3A_53 = tpu.memref_slice %arg2[%dma_start3A_51, %dma_start3A_52] : memref<20000x64xf32, #tpu.memory_space<hbm>> -> memref<20000x64xf32, #tpu.memory_space<hbm>>
    tpu.enqueue_indirect_dma source(%dma_start3A_53 : memref<20000x64xf32, #tpu.memory_space<hbm>>) target(%arg8 : memref<100x64xf32, #tpu.memory_space<vmem>>) offsets(%dma_start3A_50 : memref<100xi32, #tpu.memory_space<vmem>>) semaphore(%arg14 : memref<!tpu.dma_semaphore, #tpu.memory_space<semaphore_mem>>)
    %dma_start3A_54 = arith.constant 1 : i32
    %dma_start3A_55 = arith.constant 0 : i32
    %dma_start3A_56 = tpu.memref_slice %arg6[%dma_start3A_54, %dma_start3A_55] : memref<200x100xi32, #tpu.memory_space<vmem>> -> memref<1x100xi32, #tpu.memory_space<vmem>>
    %dma_start3A_57 = tpu.memref_squeeze %dma_start3A_56 : memref<1x100xi32, #tpu.memory_space<vmem>> -> memref<100xi32, #tpu.memory_space<vmem>>
    %dma_start3A_58 = arith.constant 0 : i32
    %dma_start3A_59 = arith.constant 0 : i32
    %dma_start3A_60 = tpu.memref_slice %arg2[%dma_start3A_58, %dma_start3A_59] : memref<20000x64xf32, #tpu.memory_space<hbm>> -> memref<20000x64xf32, #tpu.memory_space<hbm>>
    tpu.enqueue_indirect_dma source(%dma_start3A_60 : memref<20000x64xf32, #tpu.memory_space<hbm>>) target(%arg9 : memref<100x64xf32, #tpu.memory_space<vmem>>) offsets(%dma_start3A_57 : memref<100xi32, #tpu.memory_space<vmem>>) semaphore(%arg15 : memref<!tpu.dma_semaphore, #tpu.memory_space<semaphore_mem>>)
    %dma_start3A_61 = arith.constant 2 : i32
    %dma_start3A_62 = arith.constant 0 : i32
    %dma_start3A_63 = tpu.memref_slice %arg6[%dma_start3A_61, %dma_start3A_62] : memref<200x100xi32, #tpu.memory_space<vmem>> -> memref<1x100xi32, #tpu.memory_space<vmem>>
    %dma_start3A_64 = tpu.memref_squeeze %dma_start3A_63 : memref<1x100xi32, #tpu.memory_space<vmem>> -> memref<100xi32, #tpu.memory_space<vmem>>
    %dma_start3A_65 = arith.constant 0 : i32
    %dma_start3A_66 = arith.constant 0 : i32
    %dma_start3A_67 = tpu.memref_slice %arg2[%dma_start3A_65, %dma_start3A_66] : memref<20000x64xf32, #tpu.memory_space<hbm>> -> memref<20000x64xf32, #tpu.memory_space<hbm>>
    tpu.enqueue_indirect_dma source(%dma_start3A_67 : memref<20000x64xf32, #tpu.memory_space<hbm>>) target(%arg10 : memref<100x64xf32, #tpu.memory_space<vmem>>) offsets(%dma_start3A_64 : memref<100xi32, #tpu.memory_space<vmem>>) semaphore(%arg16 : memref<!tpu.dma_semaphore, #tpu.memory_space<semaphore_mem>>)
    %dma_start3A_68 = arith.constant 3 : i32
    %dma_start3A_69 = arith.constant 0 : i32
    %dma_start3A_70 = tpu.memref_slice %arg6[%dma_start3A_68, %dma_start3A_69] : memref<200x100xi32, #tpu.memory_space<vmem>> -> memref<1x100xi32, #tpu.memory_space<vmem>>
    %dma_start3A_71 = tpu.memref_squeeze %dma_start3A_70 : memref<1x100xi32, #tpu.memory_space<vmem>> -> memref<100xi32, #tpu.memory_space<vmem>>
    %dma_start3A_72 = arith.constant 0 : i32
    %dma_start3A_73 = arith.constant 0 : i32
    %dma_start3A_74 = tpu.memref_slice %arg2[%dma_start3A_72, %dma_start3A_73] : memref<20000x64xf32, #tpu.memory_space<hbm>> -> memref<20000x64xf32, #tpu.memory_space<hbm>>
    tpu.enqueue_indirect_dma source(%dma_start3A_74 : memref<20000x64xf32, #tpu.memory_space<hbm>>) target(%arg11 : memref<100x64xf32, #tpu.memory_space<vmem>>) offsets(%dma_start3A_71 : memref<100xi32, #tpu.memory_space<vmem>>) semaphore(%arg17 : memref<!tpu.dma_semaphore, #tpu.memory_space<semaphore_mem>>)
    %barrier3A = arith.constant 0 : index
    tpu.barrier barrier_id(%barrier3A)
    %scan3A_75 = arith.constant 0 : i32
    %scan3A_76 = arith.constant 0 : i32
    %scan3A_77 = arith.constant 50 : i32
    %scan3A_78 = arith.addi %scan3A_76, %scan3A_77 : i32
    %scan3A_79 = arith.constant 1 : i32
    %scan3A_80 = scf.for %scan3A_119 = %scan3A_76 to %scan3A_78 step %scan3A_79 iter_args(%scan3A_120 = %scan3A_75) -> (i32)  : i32 {
      %mul3A_121 = arith.constant 4 : i32
      %mul3A_122 = arith.muli %mul3A_121, %scan3A_119 : i32
      %add3A_123 = arith.constant 0 : i32
      %add3A_124 = arith.addi %mul3A_122, %add3A_123 : i32
      %dma_wait3A_125 = arith.constant 0 : i32
      %dma_wait3A_126 = tpu.memref_slice %arg6[%add3A_124, %dma_wait3A_125] : memref<200x100xi32, #tpu.memory_space<vmem>> -> memref<1x100xi32, #tpu.memory_space<vmem>>
      %dma_wait3A_127 = tpu.memref_squeeze %dma_wait3A_126 : memref<1x100xi32, #tpu.memory_space<vmem>> -> memref<100xi32, #tpu.memory_space<vmem>>
      %dma_wait3A_128 = arith.constant 0 : i32
      %dma_wait3A_129 = arith.constant 0 : i32
      %dma_wait3A_130 = tpu.memref_slice %arg2[%dma_wait3A_128, %dma_wait3A_129] : memref<20000x64xf32, #tpu.memory_space<hbm>> -> memref<20000x64xf32, #tpu.memory_space<hbm>>
      tpu.wait_indirect_dma semaphore(%arg14 : memref<!tpu.dma_semaphore, #tpu.memory_space<semaphore_mem>>) src(%dma_wait3A_130 : memref<20000x64xf32, #tpu.memory_space<hbm>>) dst(%arg8 : memref<100x64xf32, #tpu.memory_space<vmem>>)
      %add3A_131 = arith.constant 0 : i32
      %add3A_132 = arith.addi %mul3A_122, %add3A_131 : i32
      "tpu.region"() ({
        %run_scoped3A = tpu.sem_alloc : memref<!tpu.dma_semaphore, #tpu.memory_space<semaphore_mem>>
        %dma_start3A_211 = arith.constant 0 : i32
        %dma_start3A_212 = tpu.memref_slice %arg7[%add3A_132, %dma_start3A_211] : memref<200x100xi32, #tpu.memory_space<vmem>> -> memref<1x100xi32, #tpu.memory_space<vmem>>
        %dma_start3A_213 = tpu.memref_squeeze %dma_start3A_212 : memref<1x100xi32, #tpu.memory_space<vmem>> -> memref<100xi32, #tpu.memory_space<vmem>>
        %dma_start3A_214 = arith.constant 0 : i32
        %dma_start3A_215 = arith.constant 0 : i32
        %dma_start3A_216 = tpu.memref_slice %arg13[%dma_start3A_214, %dma_start3A_215] : memref<10000x64xf32, #tpu.memory_space<vmem_shared>> -> memref<10000x64xf32, #tpu.memory_space<vmem_shared>>
        tpu.enqueue_indirect_dma source(%arg8 : memref<100x64xf32, #tpu.memory_space<vmem>>) target(%dma_start3A_216 : memref<10000x64xf32, #tpu.memory_space<vmem_shared>>) offsets(%dma_start3A_213 : memref<100xi32, #tpu.memory_space<vmem>>) semaphore(%run_scoped3A : memref<!tpu.dma_semaphore, #tpu.memory_space<semaphore_mem>>) {add = true}
        %dma_wait3A_217 = arith.constant 0 : i32
        %dma_wait3A_218 = tpu.memref_slice %arg7[%add3A_132, %dma_wait3A_217] : memref<200x100xi32, #tpu.memory_space<vmem>> -> memref<1x100xi32, #tpu.memory_space<vmem>>
        %dma_wait3A_219 = tpu.memref_squeeze %dma_wait3A_218 : memref<1x100xi32, #tpu.memory_space<vmem>> -> memref<100xi32, #tpu.memory_space<vmem>>
        %dma_wait3A_220 = arith.constant 0 : i32
        %dma_wait3A_221 = arith.constant 0 : i32
        %dma_wait3A_222 = tpu.memref_slice %arg13[%dma_wait3A_220, %dma_wait3A_221] : memref<10000x64xf32, #tpu.memory_space<vmem_shared>> -> memref<10000x64xf32, #tpu.memory_space<vmem_shared>>
        tpu.wait_indirect_dma semaphore(%run_scoped3A : memref<!tpu.dma_semaphore, #tpu.memory_space<semaphore_mem>>) src(%arg8 : memref<100x64xf32, #tpu.memory_space<vmem>>) dst(%dma_wait3A_222 : memref<10000x64xf32, #tpu.memory_space<vmem_shared>>)
        tpu.yield
      }) : () -> ()
      %add3A_133 = arith.constant 4 : i32
      %add3A_134 = arith.addi %mul3A_122, %add3A_133 : i32
      %add3A_135 = arith.constant 0 : i32
      %add3A_136 = arith.addi %add3A_134, %add3A_135 : i32
      %rem3A = arith.constant 200 : i32
      %rem3A_137 = arith.remsi %add3A_136, %rem3A : i32
      %dma_start3A_138 = arith.constant 0 : i32
      %dma_start3A_139 = tpu.memref_slice %arg6[%rem3A_137, %dma_start3A_138] : memref<200x100xi32, #tpu.memory_space<vmem>> -> memref<1x100xi32, #tpu.memory_space<vmem>>
      %dma_start3A_140 = tpu.memref_squeeze %dma_start3A_139 : memref<1x100xi32, #tpu.memory_space<vmem>> -> memref<100xi32, #tpu.memory_space<vmem>>
      %dma_start3A_141 = arith.constant 0 : i32
      %dma_start3A_142 = arith.constant 0 : i32
      %dma_start3A_143 = tpu.memref_slice %arg2[%dma_start3A_141, %dma_start3A_142] : memref<20000x64xf32, #tpu.memory_space<hbm>> -> memref<20000x64xf32, #tpu.memory_space<hbm>>
      tpu.enqueue_indirect_dma source(%dma_start3A_143 : memref<20000x64xf32, #tpu.memory_space<hbm>>) target(%arg8 : memref<100x64xf32, #tpu.memory_space<vmem>>) offsets(%dma_start3A_140 : memref<100xi32, #tpu.memory_space<vmem>>) semaphore(%arg14 : memref<!tpu.dma_semaphore, #tpu.memory_space<semaphore_mem>>)
      %add3A_144 = arith.constant 1 : i32
      %add3A_145 = arith.addi %mul3A_122, %add3A_144 : i32
      %dma_wait3A_146 = arith.constant 0 : i32
      %dma_wait3A_147 = tpu.memref_slice %arg6[%add3A_145, %dma_wait3A_146] : memref<200x100xi32, #tpu.memory_space<vmem>> -> memref<1x100xi32, #tpu.memory_space<vmem>>
      %dma_wait3A_148 = tpu.memref_squeeze %dma_wait3A_147 : memref<1x100xi32, #tpu.memory_space<vmem>> -> memref<100xi32, #tpu.memory_space<vmem>>
      %dma_wait3A_149 = arith.constant 0 : i32
      %dma_wait3A_150 = arith.constant 0 : i32
      %dma_wait3A_151 = tpu.memref_slice %arg2[%dma_wait3A_149, %dma_wait3A_150] : memref<20000x64xf32, #tpu.memory_space<hbm>> -> memref<20000x64xf32, #tpu.memory_space<hbm>>
      tpu.wait_indirect_dma semaphore(%arg15 : memref<!tpu.dma_semaphore, #tpu.memory_space<semaphore_mem>>) src(%dma_wait3A_151 : memref<20000x64xf32, #tpu.memory_space<hbm>>) dst(%arg9 : memref<100x64xf32, #tpu.memory_space<vmem>>)
      %add3A_152 = arith.constant 1 : i32
      %add3A_153 = arith.addi %mul3A_122, %add3A_152 : i32
      "tpu.region"() ({
        %run_scoped3A = tpu.sem_alloc : memref<!tpu.dma_semaphore, #tpu.memory_space<semaphore_mem>>
        %dma_start3A_211 = arith.constant 0 : i32
        %dma_start3A_212 = tpu.memref_slice %arg7[%add3A_153, %dma_start3A_211] : memref<200x100xi32, #tpu.memory_space<vmem>> -> memref<1x100xi32, #tpu.memory_space<vmem>>
        %dma_start3A_213 = tpu.memref_squeeze %dma_start3A_212 : memref<1x100xi32, #tpu.memory_space<vmem>> -> memref<100xi32, #tpu.memory_space<vmem>>
        %dma_start3A_214 = arith.constant 0 : i32
        %dma_start3A_215 = arith.constant 0 : i32
        %dma_start3A_216 = tpu.memref_slice %arg13[%dma_start3A_214, %dma_start3A_215] : memref<10000x64xf32, #tpu.memory_space<vmem_shared>> -> memref<10000x64xf32, #tpu.memory_space<vmem_shared>>
        tpu.enqueue_indirect_dma source(%arg9 : memref<100x64xf32, #tpu.memory_space<vmem>>) target(%dma_start3A_216 : memref<10000x64xf32, #tpu.memory_space<vmem_shared>>) offsets(%dma_start3A_213 : memref<100xi32, #tpu.memory_space<vmem>>) semaphore(%run_scoped3A : memref<!tpu.dma_semaphore, #tpu.memory_space<semaphore_mem>>) {add = true}
        %dma_wait3A_217 = arith.constant 0 : i32
        %dma_wait3A_218 = tpu.memref_slice %arg7[%add3A_153, %dma_wait3A_217] : memref<200x100xi32, #tpu.memory_space<vmem>> -> memref<1x100xi32, #tpu.memory_space<vmem>>
        %dma_wait3A_219 = tpu.memref_squeeze %dma_wait3A_218 : memref<1x100xi32, #tpu.memory_space<vmem>> -> memref<100xi32, #tpu.memory_space<vmem>>
        %dma_wait3A_220 = arith.constant 0 : i32
        %dma_wait3A_221 = arith.constant 0 : i32
        %dma_wait3A_222 = tpu.memref_slice %arg13[%dma_wait3A_220, %dma_wait3A_221] : memref<10000x64xf32, #tpu.memory_space<vmem_shared>> -> memref<10000x64xf32, #tpu.memory_space<vmem_shared>>
        tpu.wait_indirect_dma semaphore(%run_scoped3A : memref<!tpu.dma_semaphore, #tpu.memory_space<semaphore_mem>>) src(%arg9 : memref<100x64xf32, #tpu.memory_space<vmem>>) dst(%dma_wait3A_222 : memref<10000x64xf32, #tpu.memory_space<vmem_shared>>)
        tpu.yield
      }) : () -> ()
      %add3A_154 = arith.constant 4 : i32
      %add3A_155 = arith.addi %mul3A_122, %add3A_154 : i32
      %add3A_156 = arith.constant 1 : i32
      %add3A_157 = arith.addi %add3A_155, %add3A_156 : i32
      %rem3A_158 = arith.constant 200 : i32
      %rem3A_159 = arith.remsi %add3A_157, %rem3A_158 : i32
      %dma_start3A_160 = arith.constant 0 : i32
      %dma_start3A_161 = tpu.memref_slice %arg6[%rem3A_159, %dma_start3A_160] : memref<200x100xi32, #tpu.memory_space<vmem>> -> memref<1x100xi32, #tpu.memory_space<vmem>>
      %dma_start3A_162 = tpu.memref_squeeze %dma_start3A_161 : memref<1x100xi32, #tpu.memory_space<vmem>> -> memref<100xi32, #tpu.memory_space<vmem>>
      %dma_start3A_163 = arith.constant 0 : i32
      %dma_start3A_164 = arith.constant 0 : i32
      %dma_start3A_165 = tpu.memref_slice %arg2[%dma_start3A_163, %dma_start3A_164] : memref<20000x64xf32, #tpu.memory_space<hbm>> -> memref<20000x64xf32, #tpu.memory_space<hbm>>
      tpu.enqueue_indirect_dma source(%dma_start3A_165 : memref<20000x64xf32, #tpu.memory_space<hbm>>) target(%arg9 : memref<100x64xf32, #tpu.memory_space<vmem>>) offsets(%dma_start3A_162 : memref<100xi32, #tpu.memory_space<vmem>>) semaphore(%arg15 : memref<!tpu.dma_semaphore, #tpu.memory_space<semaphore_mem>>)
      %add3A_166 = arith.constant 2 : i32
      %add3A_167 = arith.addi %mul3A_122, %add3A_166 : i32
      %dma_wait3A_168 = arith.constant 0 : i32
      %dma_wait3A_169 = tpu.memref_slice %arg6[%add3A_167, %dma_wait3A_168] : memref<200x100xi32, #tpu.memory_space<vmem>> -> memref<1x100xi32, #tpu.memory_space<vmem>>
      %dma_wait3A_170 = tpu.memref_squeeze %dma_wait3A_169 : memref<1x100xi32, #tpu.memory_space<vmem>> -> memref<100xi32, #tpu.memory_space<vmem>>
      %dma_wait3A_171 = arith.constant 0 : i32
      %dma_wait3A_172 = arith.constant 0 : i32
      %dma_wait3A_173 = tpu.memref_slice %arg2[%dma_wait3A_171, %dma_wait3A_172] : memref<20000x64xf32, #tpu.memory_space<hbm>> -> memref<20000x64xf32, #tpu.memory_space<hbm>>
      tpu.wait_indirect_dma semaphore(%arg16 : memref<!tpu.dma_semaphore, #tpu.memory_space<semaphore_mem>>) src(%dma_wait3A_173 : memref<20000x64xf32, #tpu.memory_space<hbm>>) dst(%arg10 : memref<100x64xf32, #tpu.memory_space<vmem>>)
      %add3A_174 = arith.constant 2 : i32
      %add3A_175 = arith.addi %mul3A_122, %add3A_174 : i32
      "tpu.region"() ({
        %run_scoped3A = tpu.sem_alloc : memref<!tpu.dma_semaphore, #tpu.memory_space<semaphore_mem>>
        %dma_start3A_211 = arith.constant 0 : i32
        %dma_start3A_212 = tpu.memref_slice %arg7[%add3A_175, %dma_start3A_211] : memref<200x100xi32, #tpu.memory_space<vmem>> -> memref<1x100xi32, #tpu.memory_space<vmem>>
        %dma_start3A_213 = tpu.memref_squeeze %dma_start3A_212 : memref<1x100xi32, #tpu.memory_space<vmem>> -> memref<100xi32, #tpu.memory_space<vmem>>
        %dma_start3A_214 = arith.constant 0 : i32
        %dma_start3A_215 = arith.constant 0 : i32
        %dma_start3A_216 = tpu.memref_slice %arg13[%dma_start3A_214, %dma_start3A_215] : memref<10000x64xf32, #tpu.memory_space<vmem_shared>> -> memref<10000x64xf32, #tpu.memory_space<vmem_shared>>
        tpu.enqueue_indirect_dma source(%arg10 : memref<100x64xf32, #tpu.memory_space<vmem>>) target(%dma_start3A_216 : memref<10000x64xf32, #tpu.memory_space<vmem_shared>>) offsets(%dma_start3A_213 : memref<100xi32, #tpu.memory_space<vmem>>) semaphore(%run_scoped3A : memref<!tpu.dma_semaphore, #tpu.memory_space<semaphore_mem>>) {add = true}
        %dma_wait3A_217 = arith.constant 0 : i32
        %dma_wait3A_218 = tpu.memref_slice %arg7[%add3A_175, %dma_wait3A_217] : memref<200x100xi32, #tpu.memory_space<vmem>> -> memref<1x100xi32, #tpu.memory_space<vmem>>
        %dma_wait3A_219 = tpu.memref_squeeze %dma_wait3A_218 : memref<1x100xi32, #tpu.memory_space<vmem>> -> memref<100xi32, #tpu.memory_space<vmem>>
        %dma_wait3A_220 = arith.constant 0 : i32
        %dma_wait3A_221 = arith.constant 0 : i32
        %dma_wait3A_222 = tpu.memref_slice %arg13[%dma_wait3A_220, %dma_wait3A_221] : memref<10000x64xf32, #tpu.memory_space<vmem_shared>> -> memref<10000x64xf32, #tpu.memory_space<vmem_shared>>
        tpu.wait_indirect_dma semaphore(%run_scoped3A : memref<!tpu.dma_semaphore, #tpu.memory_space<semaphore_mem>>) src(%arg10 : memref<100x64xf32, #tpu.memory_space<vmem>>) dst(%dma_wait3A_222 : memref<10000x64xf32, #tpu.memory_space<vmem_shared>>)
        tpu.yield
      }) : () -> ()
      %add3A_176 = arith.constant 4 : i32
      %add3A_177 = arith.addi %mul3A_122, %add3A_176 : i32
      %add3A_178 = arith.constant 2 : i32
      %add3A_179 = arith.addi %add3A_177, %add3A_178 : i32
      %rem3A_180 = arith.constant 200 : i32
      %rem3A_181 = arith.remsi %add3A_179, %rem3A_180 : i32
      %dma_start3A_182 = arith.constant 0 : i32
      %dma_start3A_183 = tpu.memref_slice %arg6[%rem3A_181, %dma_start3A_182] : memref<200x100xi32, #tpu.memory_space<vmem>> -> memref<1x100xi32, #tpu.memory_space<vmem>>
      %dma_start3A_184 = tpu.memref_squeeze %dma_start3A_183 : memref<1x100xi32, #tpu.memory_space<vmem>> -> memref<100xi32, #tpu.memory_space<vmem>>
      %dma_start3A_185 = arith.constant 0 : i32
      %dma_start3A_186 = arith.constant 0 : i32
      %dma_start3A_187 = tpu.memref_slice %arg2[%dma_start3A_185, %dma_start3A_186] : memref<20000x64xf32, #tpu.memory_space<hbm>> -> memref<20000x64xf32, #tpu.memory_space<hbm>>
      tpu.enqueue_indirect_dma source(%dma_start3A_187 : memref<20000x64xf32, #tpu.memory_space<hbm>>) target(%arg10 : memref<100x64xf32, #tpu.memory_space<vmem>>) offsets(%dma_start3A_184 : memref<100xi32, #tpu.memory_space<vmem>>) semaphore(%arg16 : memref<!tpu.dma_semaphore, #tpu.memory_space<semaphore_mem>>)
      %add3A_188 = arith.constant 3 : i32
      %add3A_189 = arith.addi %mul3A_122, %add3A_188 : i32
      %dma_wait3A_190 = arith.constant 0 : i32
      %dma_wait3A_191 = tpu.memref_slice %arg6[%add3A_189, %dma_wait3A_190] : memref<200x100xi32, #tpu.memory_space<vmem>> -> memref<1x100xi32, #tpu.memory_space<vmem>>
      %dma_wait3A_192 = tpu.memref_squeeze %dma_wait3A_191 : memref<1x100xi32, #tpu.memory_space<vmem>> -> memref<100xi32, #tpu.memory_space<vmem>>
      %dma_wait3A_193 = arith.constant 0 : i32
      %dma_wait3A_194 = arith.constant 0 : i32
      %dma_wait3A_195 = tpu.memref_slice %arg2[%dma_wait3A_193, %dma_wait3A_194] : memref<20000x64xf32, #tpu.memory_space<hbm>> -> memref<20000x64xf32, #tpu.memory_space<hbm>>
      tpu.wait_indirect_dma semaphore(%arg17 : memref<!tpu.dma_semaphore, #tpu.memory_space<semaphore_mem>>) src(%dma_wait3A_195 : memref<20000x64xf32, #tpu.memory_space<hbm>>) dst(%arg11 : memref<100x64xf32, #tpu.memory_space<vmem>>)
      %add3A_196 = arith.constant 3 : i32
      %add3A_197 = arith.addi %mul3A_122, %add3A_196 : i32
      "tpu.region"() ({
        %run_scoped3A = tpu.sem_alloc : memref<!tpu.dma_semaphore, #tpu.memory_space<semaphore_mem>>
        %dma_start3A_211 = arith.constant 0 : i32
        %dma_start3A_212 = tpu.memref_slice %arg7[%add3A_197, %dma_start3A_211] : memref<200x100xi32, #tpu.memory_space<vmem>> -> memref<1x100xi32, #tpu.memory_space<vmem>>
        %dma_start3A_213 = tpu.memref_squeeze %dma_start3A_212 : memref<1x100xi32, #tpu.memory_space<vmem>> -> memref<100xi32, #tpu.memory_space<vmem>>
        %dma_start3A_214 = arith.constant 0 : i32
        %dma_start3A_215 = arith.constant 0 : i32
        %dma_start3A_216 = tpu.memref_slice %arg13[%dma_start3A_214, %dma_start3A_215] : memref<10000x64xf32, #tpu.memory_space<vmem_shared>> -> memref<10000x64xf32, #tpu.memory_space<vmem_shared>>
        tpu.enqueue_indirect_dma source(%arg11 : memref<100x64xf32, #tpu.memory_space<vmem>>) target(%dma_start3A_216 : memref<10000x64xf32, #tpu.memory_space<vmem_shared>>) offsets(%dma_start3A_213 : memref<100xi32, #tpu.memory_space<vmem>>) semaphore(%run_scoped3A : memref<!tpu.dma_semaphore, #tpu.memory_space<semaphore_mem>>) {add = true}
        %dma_wait3A_217 = arith.constant 0 : i32
        %dma_wait3A_218 = tpu.memref_slice %arg7[%add3A_197, %dma_wait3A_217] : memref<200x100xi32, #tpu.memory_space<vmem>> -> memref<1x100xi32, #tpu.memory_space<vmem>>
        %dma_wait3A_219 = tpu.memref_squeeze %dma_wait3A_218 : memref<1x100xi32, #tpu.memory_space<vmem>> -> memref<100xi32, #tpu.memory_space<vmem>>
        %dma_wait3A_220 = arith.constant 0 : i32
        %dma_wait3A_221 = arith.constant 0 : i32
        %dma_wait3A_222 = tpu.memref_slice %arg13[%dma_wait3A_220, %dma_wait3A_221] : memref<10000x64xf32, #tpu.memory_space<vmem_shared>> -> memref<10000x64xf32, #tpu.memory_space<vmem_shared>>
        tpu.wait_indirect_dma semaphore(%run_scoped3A : memref<!tpu.dma_semaphore, #tpu.memory_space<semaphore_mem>>) src(%arg11 : memref<100x64xf32, #tpu.memory_space<vmem>>) dst(%dma_wait3A_222 : memref<10000x64xf32, #tpu.memory_space<vmem_shared>>)
        tpu.yield
      }) : () -> ()
      %add3A_198 = arith.constant 4 : i32
      %add3A_199 = arith.addi %mul3A_122, %add3A_198 : i32
      %add3A_200 = arith.constant 3 : i32
      %add3A_201 = arith.addi %add3A_199, %add3A_200 : i32
      %rem3A_202 = arith.constant 200 : i32
      %rem3A_203 = arith.remsi %add3A_201, %rem3A_202 : i32
      %dma_start3A_204 = arith.constant 0 : i32
      %dma_start3A_205 = tpu.memref_slice %arg6[%rem3A_203, %dma_start3A_204] : memref<200x100xi32, #tpu.memory_space<vmem>> -> memref<1x100xi32, #tpu.memory_space<vmem>>
      %dma_start3A_206 = tpu.memref_squeeze %dma_start3A_205 : memref<1x100xi32, #tpu.memory_space<vmem>> -> memref<100xi32, #tpu.memory_space<vmem>>
      %dma_start3A_207 = arith.constant 0 : i32
      %dma_start3A_208 = arith.constant 0 : i32
      %dma_start3A_209 = tpu.memref_slice %arg2[%dma_start3A_207, %dma_start3A_208] : memref<20000x64xf32, #tpu.memory_space<hbm>> -> memref<20000x64xf32, #tpu.memory_space<hbm>>
      tpu.enqueue_indirect_dma source(%dma_start3A_209 : memref<20000x64xf32, #tpu.memory_space<hbm>>) target(%arg11 : memref<100x64xf32, #tpu.memory_space<vmem>>) offsets(%dma_start3A_206 : memref<100xi32, #tpu.memory_space<vmem>>) semaphore(%arg17 : memref<!tpu.dma_semaphore, #tpu.memory_space<semaphore_mem>>)
      %scan3A_210 = arith.constant 0 : i32
      scf.yield %scan3A_210 : i32
    }
    %scan3A_81 = arith.constant 50 : i32
    %dma_wait3A_82 = arith.constant 0 : i32
    %dma_wait3A_83 = arith.constant 0 : i32
    %dma_wait3A_84 = tpu.memref_slice %arg6[%dma_wait3A_82, %dma_wait3A_83] : memref<200x100xi32, #tpu.memory_space<vmem>> -> memref<1x100xi32, #tpu.memory_space<vmem>>
    %dma_wait3A_85 = tpu.memref_squeeze %dma_wait3A_84 : memref<1x100xi32, #tpu.memory_space<vmem>> -> memref<100xi32, #tpu.memory_space<vmem>>
    %dma_wait3A_86 = arith.constant 0 : i32
    %dma_wait3A_87 = arith.constant 0 : i32
    %dma_wait3A_88 = tpu.memref_slice %arg2[%dma_wait3A_86, %dma_wait3A_87] : memref<20000x64xf32, #tpu.memory_space<hbm>> -> memref<20000x64xf32, #tpu.memory_space<hbm>>
    tpu.wait_indirect_dma semaphore(%arg14 : memref<!tpu.dma_semaphore, #tpu.memory_space<semaphore_mem>>) src(%dma_wait3A_88 : memref<20000x64xf32, #tpu.memory_space<hbm>>) dst(%arg8 : memref<100x64xf32, #tpu.memory_space<vmem>>)
    %dma_wait3A_89 = arith.constant 1 : i32
    %dma_wait3A_90 = arith.constant 0 : i32
    %dma_wait3A_91 = tpu.memref_slice %arg6[%dma_wait3A_89, %dma_wait3A_90] : memref<200x100xi32, #tpu.memory_space<vmem>> -> memref<1x100xi32, #tpu.memory_space<vmem>>
    %dma_wait3A_92 = tpu.memref_squeeze %dma_wait3A_91 : memref<1x100xi32, #tpu.memory_space<vmem>> -> memref<100xi32, #tpu.memory_space<vmem>>
    %dma_wait3A_93 = arith.constant 0 : i32
    %dma_wait3A_94 = arith.constant 0 : i32
    %dma_wait3A_95 = tpu.memref_slice %arg2[%dma_wait3A_93, %dma_wait3A_94] : memref<20000x64xf32, #tpu.memory_space<hbm>> -> memref<20000x64xf32, #tpu.memory_space<hbm>>
    tpu.wait_indirect_dma semaphore(%arg15 : memref<!tpu.dma_semaphore, #tpu.memory_space<semaphore_mem>>) src(%dma_wait3A_95 : memref<20000x64xf32, #tpu.memory_space<hbm>>) dst(%arg9 : memref<100x64xf32, #tpu.memory_space<vmem>>)
    %dma_wait3A_96 = arith.constant 2 : i32
    %dma_wait3A_97 = arith.constant 0 : i32
    %dma_wait3A_98 = tpu.memref_slice %arg6[%dma_wait3A_96, %dma_wait3A_97] : memref<200x100xi32, #tpu.memory_space<vmem>> -> memref<1x100xi32, #tpu.memory_space<vmem>>
    %dma_wait3A_99 = tpu.memref_squeeze %dma_wait3A_98 : memref<1x100xi32, #tpu.memory_space<vmem>> -> memref<100xi32, #tpu.memory_space<vmem>>
    %dma_wait3A_100 = arith.constant 0 : i32
    %dma_wait3A_101 = arith.constant 0 : i32
    %dma_wait3A_102 = tpu.memref_slice %arg2[%dma_wait3A_100, %dma_wait3A_101] : memref<20000x64xf32, #tpu.memory_space<hbm>> -> memref<20000x64xf32, #tpu.memory_space<hbm>>
    tpu.wait_indirect_dma semaphore(%arg16 : memref<!tpu.dma_semaphore, #tpu.memory_space<semaphore_mem>>) src(%dma_wait3A_102 : memref<20000x64xf32, #tpu.memory_space<hbm>>) dst(%arg10 : memref<100x64xf32, #tpu.memory_space<vmem>>)
    %dma_wait3A_103 = arith.constant 3 : i32
    %dma_wait3A_104 = arith.constant 0 : i32
    %dma_wait3A_105 = tpu.memref_slice %arg6[%dma_wait3A_103, %dma_wait3A_104] : memref<200x100xi32, #tpu.memory_space<vmem>> -> memref<1x100xi32, #tpu.memory_space<vmem>>
    %dma_wait3A_106 = tpu.memref_squeeze %dma_wait3A_105 : memref<1x100xi32, #tpu.memory_space<vmem>> -> memref<100xi32, #tpu.memory_space<vmem>>
    %dma_wait3A_107 = arith.constant 0 : i32
    %dma_wait3A_108 = arith.constant 0 : i32
    %dma_wait3A_109 = tpu.memref_slice %arg2[%dma_wait3A_107, %dma_wait3A_108] : memref<20000x64xf32, #tpu.memory_space<hbm>> -> memref<20000x64xf32, #tpu.memory_space<hbm>>
    tpu.wait_indirect_dma semaphore(%arg17 : memref<!tpu.dma_semaphore, #tpu.memory_space<semaphore_mem>>) src(%dma_wait3A_109 : memref<20000x64xf32, #tpu.memory_space<hbm>>) dst(%arg11 : memref<100x64xf32, #tpu.memory_space<vmem>>)
    %barrier3A_110 = arith.constant 0 : index
    tpu.barrier barrier_id(%barrier3A_110)
    %mul3A_111 = arith.constant 632 : i32
    %mul3A_112 = arith.muli %arg1, %mul3A_111 : i32
    %multiple_of3A = tpu.assume_multiple %mul3A_112, 8 : i32
    %lt3A = arith.constant 15 : i32
    %lt3A_113 = arith.cmpi slt, %arg1, %lt3A : i32
    %convert_element_type3A = arith.extui %lt3A_113 : i1 to i32
    %cond3A = arith.constant 0 : i32
    %cond3A_114 = arith.cmpi ne, %convert_element_type3A, %cond3A : i32
    scf.if %cond3A_114 {
      "tpu.region"() ({
        %run_scoped3A = tpu.sem_alloc : memref<!tpu.dma_semaphore, #tpu.memory_space<semaphore_mem>>
        %dma_start3A_119 = arith.constant 0 : i32
        %dma_start3A_120 = tpu.memref_slice %arg5[%arg0, %multiple_of3A, %dma_start3A_119] : memref<2x10000x64xf32, #tpu.memory_space<hbm>> -> memref<1x632x64xf32, #tpu.memory_space<hbm>>
        %dma_start3A_121 = tpu.memref_squeeze %dma_start3A_120 : memref<1x632x64xf32, #tpu.memory_space<hbm>> -> memref<632x64xf32, #tpu.memory_space<hbm>>
        %dma_start3A_122 = arith.constant 0 : i32
        %dma_start3A_123 = tpu.memref_slice %arg13[%multiple_of3A, %dma_start3A_122] : memref<10000x64xf32, #tpu.memory_space<vmem_shared>> -> memref<632x64xf32, #tpu.memory_space<vmem_shared>>
        tpu.enqueue_dma source(%dma_start3A_123 : memref<632x64xf32, #tpu.memory_space<vmem_shared>>) target(%dma_start3A_121 : memref<632x64xf32, #tpu.memory_space<hbm>>) target_semaphore(%run_scoped3A : memref<!tpu.dma_semaphore, #tpu.memory_space<semaphore_mem>>)
        %dma_wait3A_124 = arith.constant 0 : i32
        %dma_wait3A_125 = tpu.memref_slice %arg5[%arg0, %multiple_of3A, %dma_wait3A_124] : memref<2x10000x64xf32, #tpu.memory_space<hbm>> -> memref<1x632x64xf32, #tpu.memory_space<hbm>>
        %dma_wait3A_126 = tpu.memref_squeeze %dma_wait3A_125 : memref<1x632x64xf32, #tpu.memory_space<hbm>> -> memref<632x64xf32, #tpu.memory_space<hbm>>
        %dma_wait3A_127 = arith.constant 0 : i32
        %dma_wait3A_128 = tpu.memref_slice %arg13[%multiple_of3A, %dma_wait3A_127] : memref<10000x64xf32, #tpu.memory_space<vmem_shared>> -> memref<632x64xf32, #tpu.memory_space<vmem_shared>>
        tpu.wait_dma2 semaphore(%run_scoped3A : memref<!tpu.dma_semaphore, #tpu.memory_space<semaphore_mem>>) src(%dma_wait3A_128 : memref<632x64xf32, #tpu.memory_space<vmem_shared>>) dst(%dma_wait3A_126 : memref<632x64xf32, #tpu.memory_space<hbm>>)
        tpu.yield
      }) : () -> ()
    } else {
    }
    %eq3A = arith.constant 15 : i32
    %eq3A_115 = arith.cmpi eq, %arg1, %eq3A : i32
    %convert_element_type3A_116 = arith.extui %eq3A_115 : i1 to i32
    %cond3A_117 = arith.constant 0 : i32
    %cond3A_118 = arith.cmpi ne, %convert_element_type3A_116, %cond3A_117 : i32
    scf.if %cond3A_118 {
      "tpu.region"() ({
        %run_scoped3A = tpu.sem_alloc : memref<!tpu.dma_semaphore, #tpu.memory_space<semaphore_mem>>
        %dma_start3A_119 = arith.constant 0 : i32
        %dma_start3A_120 = tpu.memref_slice %arg5[%arg0, %multiple_of3A, %dma_start3A_119] : memref<2x10000x64xf32, #tpu.memory_space<hbm>> -> memref<1x520x64xf32, #tpu.memory_space<hbm>>
        %dma_start3A_121 = tpu.memref_squeeze %dma_start3A_120 : memref<1x520x64xf32, #tpu.memory_space<hbm>> -> memref<520x64xf32, #tpu.memory_space<hbm>>
        %dma_start3A_122 = arith.constant 0 : i32
        %dma_start3A_123 = tpu.memref_slice %arg13[%multiple_of3A, %dma_start3A_122] : memref<10000x64xf32, #tpu.memory_space<vmem_shared>> -> memref<520x64xf32, #tpu.memory_space<vmem_shared>>
        tpu.enqueue_dma source(%dma_start3A_123 : memref<520x64xf32, #tpu.memory_space<vmem_shared>>) target(%dma_start3A_121 : memref<520x64xf32, #tpu.memory_space<hbm>>) target_semaphore(%run_scoped3A : memref<!tpu.dma_semaphore, #tpu.memory_space<semaphore_mem>>)
        %dma_wait3A_124 = arith.constant 0 : i32
        %dma_wait3A_125 = tpu.memref_slice %arg5[%arg0, %multiple_of3A, %dma_wait3A_124] : memref<2x10000x64xf32, #tpu.memory_space<hbm>> -> memref<1x520x64xf32, #tpu.memory_space<hbm>>
        %dma_wait3A_126 = tpu.memref_squeeze %dma_wait3A_125 : memref<1x520x64xf32, #tpu.memory_space<hbm>> -> memref<520x64xf32, #tpu.memory_space<hbm>>
        %dma_wait3A_127 = arith.constant 0 : i32
        %dma_wait3A_128 = tpu.memref_slice %arg13[%multiple_of3A, %dma_wait3A_127] : memref<10000x64xf32, #tpu.memory_space<vmem_shared>> -> memref<520x64xf32, #tpu.memory_space<vmem_shared>>
        tpu.wait_dma2 semaphore(%run_scoped3A : memref<!tpu.dma_semaphore, #tpu.memory_space<semaphore_mem>>) src(%dma_wait3A_128 : memref<520x64xf32, #tpu.memory_space<vmem_shared>>) dst(%dma_wait3A_126 : memref<520x64xf32, #tpu.memory_space<hbm>>)
        tpu.yield
      }) : () -> ()
    } else {
    }
    return
  }
}

#map = affine_map<(d0, d1) -> (0, 0)>
#map1 = affine_map<(d0, d1) -> (0, 0, 0, 0)>
#map2 = affine_map<(d0, d1) -> (0, 0, 0)>
module attributes {stable_mosaic.version = 14 : i64} {
  func.func @_segsum_kernel(%arg0: i32, %arg1: i32, %arg2: memref<20000x64xf32, #tpu.memory_space<hbm>>, %arg3: memref<2x16x200x100xi32, #tpu.memory_space<hbm>>, %arg4: memref<16x200x100xi32, #tpu.memory_space<hbm>>, %arg5: memref<2x10000x64xf32, #tpu.memory_space<hbm>>, %arg6: memref<200x100xi32, #tpu.memory_space<vmem>>, %arg7: memref<200x100xi32, #tpu.memory_space<vmem>>, %arg8: memref<100x64xf32, #tpu.memory_space<vmem>>, %arg9: memref<100x64xf32, #tpu.memory_space<vmem>>, %arg10: memref<100x64xf32, #tpu.memory_space<vmem>>, %arg11: memref<100x64xf32, #tpu.memory_space<vmem>>, %arg12: memref<125x64xf32, #tpu.memory_space<vmem>>, %arg13: memref<10000x64xf32, #tpu.memory_space<vmem_shared>>, %arg14: memref<!tpu.dma_semaphore, #tpu.memory_space<semaphore_mem>>, %arg15: memref<!tpu.dma_semaphore, #tpu.memory_space<semaphore_mem>>, %arg16: memref<!tpu.dma_semaphore, #tpu.memory_space<semaphore_mem>>, %arg17: memref<!tpu.dma_semaphore, #tpu.memory_space<semaphore_mem>>, %arg18: memref<!tpu.dma_semaphore, #tpu.memory_space<semaphore_mem>>, %arg19: memref<!tpu.dma_semaphore, #tpu.memory_space<semaphore_mem>>, %arg20: memref<!tpu.dma_semaphore, #tpu.memory_space<semaphore_mem>>, %arg21: memref<!tpu.dma_semaphore, #tpu.memory_space<semaphore_mem>>) attributes {dimension_semantics = [#tpu.dimension_semantics<core_parallel>, #tpu.dimension_semantics<subcore_parallel>], iteration_bounds = array<i64: 2, 16>, scalar_prefetch = 0 : i64, scratch_operands = 16 : i64, tpu.core_type = #tpu.core_type<sc_vector_subcore>, window_params = [{transform_indices = #map}, {transform_indices = #map1}, {transform_indices = #map2}, {transform_indices = #map2}]} {
    %broadcast_in_dim3A = arith.constant 0.000000e+00 : f32
    %broadcast_in_dim3A_0 = vector.broadcast %broadcast_in_dim3A : f32 to vector<16xf32>
    %dma_start3A = arith.constant 0 : i32
    %dma_start3A_1 = arith.constant 0 : i32
    %dma_start3A_2 = tpu.memref_slice %arg3[%arg0, %arg1, %dma_start3A, %dma_start3A_1] : memref<2x16x200x100xi32, #tpu.memory_space<hbm>> -> memref<1x1x200x100xi32, #tpu.memory_space<hbm>>
    %dma_start3A_3 = tpu.memref_squeeze %dma_start3A_2 : memref<1x1x200x100xi32, #tpu.memory_space<hbm>> -> memref<200x100xi32, #tpu.memory_space<hbm>>
    %dma_start3A_4 = arith.constant 0 : i32
    %dma_start3A_5 = arith.constant 0 : i32
    %dma_start3A_6 = tpu.memref_slice %arg3[%arg0, %arg1, %dma_start3A_4, %dma_start3A_5] : memref<2x16x200x100xi32, #tpu.memory_space<hbm>> -> memref<1x1x200x100xi32, #tpu.memory_space<hbm>>
    %dma_start3A_7 = tpu.memref_squeeze %dma_start3A_6 : memref<1x1x200x100xi32, #tpu.memory_space<hbm>> -> memref<200x100xi32, #tpu.memory_space<hbm>>
    tpu.enqueue_dma source(%dma_start3A_7 : memref<200x100xi32, #tpu.memory_space<hbm>>) target(%arg6 : memref<200x100xi32, #tpu.memory_space<vmem>>) target_semaphore(%arg14 : memref<!tpu.dma_semaphore, #tpu.memory_space<semaphore_mem>>)
    %dma_start3A_8 = arith.constant 0 : i32
    %dma_start3A_9 = arith.constant 0 : i32
    %dma_start3A_10 = tpu.memref_slice %arg4[%arg1, %dma_start3A_8, %dma_start3A_9] : memref<16x200x100xi32, #tpu.memory_space<hbm>> -> memref<1x200x100xi32, #tpu.memory_space<hbm>>
    %dma_start3A_11 = tpu.memref_squeeze %dma_start3A_10 : memref<1x200x100xi32, #tpu.memory_space<hbm>> -> memref<200x100xi32, #tpu.memory_space<hbm>>
    %dma_start3A_12 = arith.constant 0 : i32
    %dma_start3A_13 = arith.constant 0 : i32
    %dma_start3A_14 = tpu.memref_slice %arg4[%arg1, %dma_start3A_12, %dma_start3A_13] : memref<16x200x100xi32, #tpu.memory_space<hbm>> -> memref<1x200x100xi32, #tpu.memory_space<hbm>>
    %dma_start3A_15 = tpu.memref_squeeze %dma_start3A_14 : memref<1x200x100xi32, #tpu.memory_space<hbm>> -> memref<200x100xi32, #tpu.memory_space<hbm>>
    tpu.enqueue_dma source(%dma_start3A_15 : memref<200x100xi32, #tpu.memory_space<hbm>>) target(%arg7 : memref<200x100xi32, #tpu.memory_space<vmem>>) target_semaphore(%arg15 : memref<!tpu.dma_semaphore, #tpu.memory_space<semaphore_mem>>)
    %scan3A = arith.constant 0 : i32
    %scan3A_16 = arith.constant 0 : i32
    %scan3A_17 = arith.constant 125 : i32
    %scan3A_18 = arith.addi %scan3A_16, %scan3A_17 : i32
    %scan3A_19 = arith.constant 1 : i32
    %scan3A_20 = scf.for %scan3A_119 = %scan3A_16 to %scan3A_18 step %scan3A_19 iter_args(%scan3A_120 = %scan3A) -> (i32)  : i32 {
      %swap3A = arith.index_cast %scan3A_119 : i32 to index
      %swap3A_121 = arith.constant 0 : index
      %swap3A_122 = tpu.vector_load %arg12[%swap3A, %swap3A_121] {strides = array<i32>} : memref<125x64xf32, #tpu.memory_space<vmem>>, vector<1x16xf32>,
      %swap3A_123 = vector.shape_cast %swap3A_122 : vector<1x16xf32> to vector<16xf32>
      %swap3A_124 = vector.shape_cast %broadcast_in_dim3A_0 : vector<16xf32> to vector<1x16xf32>
      tpu.vector_store %arg12[%swap3A, %swap3A_121], %swap3A_124 {strides = array<i32>} : memref<125x64xf32, #tpu.memory_space<vmem>>, vector<1x16xf32>,
      %swap3A_125 = arith.index_cast %scan3A_119 : i32 to index
      %swap3A_126 = arith.constant 16 : index
      %swap3A_127 = tpu.vector_load %arg12[%swap3A_125, %swap3A_126] {strides = array<i32>} : memref<125x64xf32, #tpu.memory_space<vmem>>, vector<1x16xf32>,
      %swap3A_128 = vector.shape_cast %swap3A_127 : vector<1x16xf32> to vector<16xf32>
      %swap3A_129 = vector.shape_cast %broadcast_in_dim3A_0 : vector<16xf32> to vector<1x16xf32>
      tpu.vector_store %arg12[%swap3A_125, %swap3A_126], %swap3A_129 {strides = array<i32>} : memref<125x64xf32, #tpu.memory_space<vmem>>, vector<1x16xf32>,
      %swap3A_130 = arith.index_cast %scan3A_119 : i32 to index
      %swap3A_131 = arith.constant 32 : index
      %swap3A_132 = tpu.vector_load %arg12[%swap3A_130, %swap3A_131] {strides = array<i32>} : memref<125x64xf32, #tpu.memory_space<vmem>>, vector<1x16xf32>,
      %swap3A_133 = vector.shape_cast %swap3A_132 : vector<1x16xf32> to vector<16xf32>
      %swap3A_134 = vector.shape_cast %broadcast_in_dim3A_0 : vector<16xf32> to vector<1x16xf32>
      tpu.vector_store %arg12[%swap3A_130, %swap3A_131], %swap3A_134 {strides = array<i32>} : memref<125x64xf32, #tpu.memory_space<vmem>>, vector<1x16xf32>,
      %swap3A_135 = arith.index_cast %scan3A_119 : i32 to index
      %swap3A_136 = arith.constant 48 : index
      %swap3A_137 = tpu.vector_load %arg12[%swap3A_135, %swap3A_136] {strides = array<i32>} : memref<125x64xf32, #tpu.memory_space<vmem>>, vector<1x16xf32>,
      %swap3A_138 = vector.shape_cast %swap3A_137 : vector<1x16xf32> to vector<16xf32>
      %swap3A_139 = vector.shape_cast %broadcast_in_dim3A_0 : vector<16xf32> to vector<1x16xf32>
      tpu.vector_store %arg12[%swap3A_135, %swap3A_136], %swap3A_139 {strides = array<i32>} : memref<125x64xf32, #tpu.memory_space<vmem>>, vector<1x16xf32>,
      %scan3A_140 = arith.constant 0 : i32
      scf.yield %scan3A_140 : i32
    }
    %scan3A_21 = arith.constant 125 : i32
    %mul3A = arith.constant 625 : i32
    %mul3A_22 = arith.muli %arg1, %mul3A : i32
    %add3A = arith.constant 0 : i32
    %add3A_23 = arith.addi %mul3A_22, %add3A : i32
    "tpu.region"() ({
      %run_scoped3A = tpu.sem_alloc : memref<!tpu.dma_semaphore, #tpu.memory_space<semaphore_mem>>
      %dma_start3A_119 = arith.constant 0 : i32
      %dma_start3A_120 = tpu.memref_slice %arg13[%add3A_23, %dma_start3A_119] : memref<10000x64xf32, #tpu.memory_space<vmem_shared>> -> memref<125x64xf32, #tpu.memory_space<vmem_shared>>
      %dma_start3A_121 = arith.constant 0 : i32
      %dma_start3A_122 = tpu.memref_slice %arg13[%add3A_23, %dma_start3A_121] : memref<10000x64xf32, #tpu.memory_space<vmem_shared>> -> memref<125x64xf32, #tpu.memory_space<vmem_shared>>
      tpu.enqueue_dma source(%arg12 : memref<125x64xf32, #tpu.memory_space<vmem>>) target(%dma_start3A_122 : memref<125x64xf32, #tpu.memory_space<vmem_shared>>) target_semaphore(%run_scoped3A : memref<!tpu.dma_semaphore, #tpu.memory_space<semaphore_mem>>)
      %dma_wait3A_123 = arith.constant 0 : i32
      %dma_wait3A_124 = tpu.memref_slice %arg13[%add3A_23, %dma_wait3A_123] : memref<10000x64xf32, #tpu.memory_space<vmem_shared>> -> memref<125x64xf32, #tpu.memory_space<vmem_shared>>
      %dma_wait3A_125 = arith.constant 0 : i32
      %dma_wait3A_126 = tpu.memref_slice %arg13[%add3A_23, %dma_wait3A_125] : memref<10000x64xf32, #tpu.memory_space<vmem_shared>> -> memref<125x64xf32, #tpu.memory_space<vmem_shared>>
      tpu.wait_dma2 semaphore(%run_scoped3A : memref<!tpu.dma_semaphore, #tpu.memory_space<semaphore_mem>>) src(%arg12 : memref<125x64xf32, #tpu.memory_space<vmem>>) dst(%dma_wait3A_126 : memref<125x64xf32, #tpu.memory_space<vmem_shared>>)
      tpu.yield
    }) : () -> ()
    %add3A_24 = arith.constant 125 : i32
    %add3A_25 = arith.addi %mul3A_22, %add3A_24 : i32
    "tpu.region"() ({
      %run_scoped3A = tpu.sem_alloc : memref<!tpu.dma_semaphore, #tpu.memory_space<semaphore_mem>>
      %dma_start3A_119 = arith.constant 0 : i32
      %dma_start3A_120 = tpu.memref_slice %arg13[%add3A_25, %dma_start3A_119] : memref<10000x64xf32, #tpu.memory_space<vmem_shared>> -> memref<125x64xf32, #tpu.memory_space<vmem_shared>>
      %dma_start3A_121 = arith.constant 0 : i32
      %dma_start3A_122 = tpu.memref_slice %arg13[%add3A_25, %dma_start3A_121] : memref<10000x64xf32, #tpu.memory_space<vmem_shared>> -> memref<125x64xf32, #tpu.memory_space<vmem_shared>>
      tpu.enqueue_dma source(%arg12 : memref<125x64xf32, #tpu.memory_space<vmem>>) target(%dma_start3A_122 : memref<125x64xf32, #tpu.memory_space<vmem_shared>>) target_semaphore(%run_scoped3A : memref<!tpu.dma_semaphore, #tpu.memory_space<semaphore_mem>>)
      %dma_wait3A_123 = arith.constant 0 : i32
      %dma_wait3A_124 = tpu.memref_slice %arg13[%add3A_25, %dma_wait3A_123] : memref<10000x64xf32, #tpu.memory_space<vmem_shared>> -> memref<125x64xf32, #tpu.memory_space<vmem_shared>>
      %dma_wait3A_125 = arith.constant 0 : i32
      %dma_wait3A_126 = tpu.memref_slice %arg13[%add3A_25, %dma_wait3A_125] : memref<10000x64xf32, #tpu.memory_space<vmem_shared>> -> memref<125x64xf32, #tpu.memory_space<vmem_shared>>
      tpu.wait_dma2 semaphore(%run_scoped3A : memref<!tpu.dma_semaphore, #tpu.memory_space<semaphore_mem>>) src(%arg12 : memref<125x64xf32, #tpu.memory_space<vmem>>) dst(%dma_wait3A_126 : memref<125x64xf32, #tpu.memory_space<vmem_shared>>)
      tpu.yield
    }) : () -> ()
    %add3A_26 = arith.constant 250 : i32
    %add3A_27 = arith.addi %mul3A_22, %add3A_26 : i32
    "tpu.region"() ({
      %run_scoped3A = tpu.sem_alloc : memref<!tpu.dma_semaphore, #tpu.memory_space<semaphore_mem>>
      %dma_start3A_119 = arith.constant 0 : i32
      %dma_start3A_120 = tpu.memref_slice %arg13[%add3A_27, %dma_start3A_119] : memref<10000x64xf32, #tpu.memory_space<vmem_shared>> -> memref<125x64xf32, #tpu.memory_space<vmem_shared>>
      %dma_start3A_121 = arith.constant 0 : i32
      %dma_start3A_122 = tpu.memref_slice %arg13[%add3A_27, %dma_start3A_121] : memref<10000x64xf32, #tpu.memory_space<vmem_shared>> -> memref<125x64xf32, #tpu.memory_space<vmem_shared>>
      tpu.enqueue_dma source(%arg12 : memref<125x64xf32, #tpu.memory_space<vmem>>) target(%dma_start3A_122 : memref<125x64xf32, #tpu.memory_space<vmem_shared>>) target_semaphore(%run_scoped3A : memref<!tpu.dma_semaphore, #tpu.memory_space<semaphore_mem>>)
      %dma_wait3A_123 = arith.constant 0 : i32
      %dma_wait3A_124 = tpu.memref_slice %arg13[%add3A_27, %dma_wait3A_123] : memref<10000x64xf32, #tpu.memory_space<vmem_shared>> -> memref<125x64xf32, #tpu.memory_space<vmem_shared>>
      %dma_wait3A_125 = arith.constant 0 : i32
      %dma_wait3A_126 = tpu.memref_slice %arg13[%add3A_27, %dma_wait3A_125] : memref<10000x64xf32, #tpu.memory_space<vmem_shared>> -> memref<125x64xf32, #tpu.memory_space<vmem_shared>>
      tpu.wait_dma2 semaphore(%run_scoped3A : memref<!tpu.dma_semaphore, #tpu.memory_space<semaphore_mem>>) src(%arg12 : memref<125x64xf32, #tpu.memory_space<vmem>>) dst(%dma_wait3A_126 : memref<125x64xf32, #tpu.memory_space<vmem_shared>>)
      tpu.yield
    }) : () -> ()
    %add3A_28 = arith.constant 375 : i32
    %add3A_29 = arith.addi %mul3A_22, %add3A_28 : i32
    "tpu.region"() ({
      %run_scoped3A = tpu.sem_alloc : memref<!tpu.dma_semaphore, #tpu.memory_space<semaphore_mem>>
      %dma_start3A_119 = arith.constant 0 : i32
      %dma_start3A_120 = tpu.memref_slice %arg13[%add3A_29, %dma_start3A_119] : memref<10000x64xf32, #tpu.memory_space<vmem_shared>> -> memref<125x64xf32, #tpu.memory_space<vmem_shared>>
      %dma_start3A_121 = arith.constant 0 : i32
      %dma_start3A_122 = tpu.memref_slice %arg13[%add3A_29, %dma_start3A_121] : memref<10000x64xf32, #tpu.memory_space<vmem_shared>> -> memref<125x64xf32, #tpu.memory_space<vmem_shared>>
      tpu.enqueue_dma source(%arg12 : memref<125x64xf32, #tpu.memory_space<vmem>>) target(%dma_start3A_122 : memref<125x64xf32, #tpu.memory_space<vmem_shared>>) target_semaphore(%run_scoped3A : memref<!tpu.dma_semaphore, #tpu.memory_space<semaphore_mem>>)
      %dma_wait3A_123 = arith.constant 0 : i32
      %dma_wait3A_124 = tpu.memref_slice %arg13[%add3A_29, %dma_wait3A_123] : memref<10000x64xf32, #tpu.memory_space<vmem_shared>> -> memref<125x64xf32, #tpu.memory_space<vmem_shared>>
      %dma_wait3A_125 = arith.constant 0 : i32
      %dma_wait3A_126 = tpu.memref_slice %arg13[%add3A_29, %dma_wait3A_125] : memref<10000x64xf32, #tpu.memory_space<vmem_shared>> -> memref<125x64xf32, #tpu.memory_space<vmem_shared>>
      tpu.wait_dma2 semaphore(%run_scoped3A : memref<!tpu.dma_semaphore, #tpu.memory_space<semaphore_mem>>) src(%arg12 : memref<125x64xf32, #tpu.memory_space<vmem>>) dst(%dma_wait3A_126 : memref<125x64xf32, #tpu.memory_space<vmem_shared>>)
      tpu.yield
    }) : () -> ()
    %add3A_30 = arith.constant 500 : i32
    %add3A_31 = arith.addi %mul3A_22, %add3A_30 : i32
    "tpu.region"() ({
      %run_scoped3A = tpu.sem_alloc : memref<!tpu.dma_semaphore, #tpu.memory_space<semaphore_mem>>
      %dma_start3A_119 = arith.constant 0 : i32
      %dma_start3A_120 = tpu.memref_slice %arg13[%add3A_31, %dma_start3A_119] : memref<10000x64xf32, #tpu.memory_space<vmem_shared>> -> memref<125x64xf32, #tpu.memory_space<vmem_shared>>
      %dma_start3A_121 = arith.constant 0 : i32
      %dma_start3A_122 = tpu.memref_slice %arg13[%add3A_31, %dma_start3A_121] : memref<10000x64xf32, #tpu.memory_space<vmem_shared>> -> memref<125x64xf32, #tpu.memory_space<vmem_shared>>
      tpu.enqueue_dma source(%arg12 : memref<125x64xf32, #tpu.memory_space<vmem>>) target(%dma_start3A_122 : memref<125x64xf32, #tpu.memory_space<vmem_shared>>) target_semaphore(%run_scoped3A : memref<!tpu.dma_semaphore, #tpu.memory_space<semaphore_mem>>)
      %dma_wait3A_123 = arith.constant 0 : i32
      %dma_wait3A_124 = tpu.memref_slice %arg13[%add3A_31, %dma_wait3A_123] : memref<10000x64xf32, #tpu.memory_space<vmem_shared>> -> memref<125x64xf32, #tpu.memory_space<vmem_shared>>
      %dma_wait3A_125 = arith.constant 0 : i32
      %dma_wait3A_126 = tpu.memref_slice %arg13[%add3A_31, %dma_wait3A_125] : memref<10000x64xf32, #tpu.memory_space<vmem_shared>> -> memref<125x64xf32, #tpu.memory_space<vmem_shared>>
      tpu.wait_dma2 semaphore(%run_scoped3A : memref<!tpu.dma_semaphore, #tpu.memory_space<semaphore_mem>>) src(%arg12 : memref<125x64xf32, #tpu.memory_space<vmem>>) dst(%dma_wait3A_126 : memref<125x64xf32, #tpu.memory_space<vmem_shared>>)
      tpu.yield
    }) : () -> ()
    %dma_wait3A = arith.constant 0 : i32
    %dma_wait3A_32 = arith.constant 0 : i32
    %dma_wait3A_33 = tpu.memref_slice %arg3[%arg0, %arg1, %dma_wait3A, %dma_wait3A_32] : memref<2x16x200x100xi32, #tpu.memory_space<hbm>> -> memref<1x1x200x100xi32, #tpu.memory_space<hbm>>
    %dma_wait3A_34 = tpu.memref_squeeze %dma_wait3A_33 : memref<1x1x200x100xi32, #tpu.memory_space<hbm>> -> memref<200x100xi32, #tpu.memory_space<hbm>>
    %dma_wait3A_35 = arith.constant 0 : i32
    %dma_wait3A_36 = arith.constant 0 : i32
    %dma_wait3A_37 = tpu.memref_slice %arg3[%arg0, %arg1, %dma_wait3A_35, %dma_wait3A_36] : memref<2x16x200x100xi32, #tpu.memory_space<hbm>> -> memref<1x1x200x100xi32, #tpu.memory_space<hbm>>
    %dma_wait3A_38 = tpu.memref_squeeze %dma_wait3A_37 : memref<1x1x200x100xi32, #tpu.memory_space<hbm>> -> memref<200x100xi32, #tpu.memory_space<hbm>>
    tpu.wait_dma2 semaphore(%arg14 : memref<!tpu.dma_semaphore, #tpu.memory_space<semaphore_mem>>) src(%dma_wait3A_38 : memref<200x100xi32, #tpu.memory_space<hbm>>) dst(%arg6 : memref<200x100xi32, #tpu.memory_space<vmem>>)
    %dma_wait3A_39 = arith.constant 0 : i32
    %dma_wait3A_40 = arith.constant 0 : i32
    %dma_wait3A_41 = tpu.memref_slice %arg4[%arg1, %dma_wait3A_39, %dma_wait3A_40] : memref<16x200x100xi32, #tpu.memory_space<hbm>> -> memref<1x200x100xi32, #tpu.memory_space<hbm>>
    %dma_wait3A_42 = tpu.memref_squeeze %dma_wait3A_41 : memref<1x200x100xi32, #tpu.memory_space<hbm>> -> memref<200x100xi32, #tpu.memory_space<hbm>>
    %dma_wait3A_43 = arith.constant 0 : i32
    %dma_wait3A_44 = arith.constant 0 : i32
    %dma_wait3A_45 = tpu.memref_slice %arg4[%arg1, %dma_wait3A_43, %dma_wait3A_44] : memref<16x200x100xi32, #tpu.memory_space<hbm>> -> memref<1x200x100xi32, #tpu.memory_space<hbm>>
    %dma_wait3A_46 = tpu.memref_squeeze %dma_wait3A_45 : memref<1x200x100xi32, #tpu.memory_space<hbm>> -> memref<200x100xi32, #tpu.memory_space<hbm>>
    tpu.wait_dma2 semaphore(%arg15 : memref<!tpu.dma_semaphore, #tpu.memory_space<semaphore_mem>>) src(%dma_wait3A_46 : memref<200x100xi32, #tpu.memory_space<hbm>>) dst(%arg7 : memref<200x100xi32, #tpu.memory_space<vmem>>)
    %dma_start3A_47 = arith.constant 0 : i32
    %dma_start3A_48 = arith.constant 0 : i32
    %dma_start3A_49 = tpu.memref_slice %arg6[%dma_start3A_47, %dma_start3A_48] : memref<200x100xi32, #tpu.memory_space<vmem>> -> memref<1x100xi32, #tpu.memory_space<vmem>>
    %dma_start3A_50 = tpu.memref_squeeze %dma_start3A_49 : memref<1x100xi32, #tpu.memory_space<vmem>> -> memref<100xi32, #tpu.memory_space<vmem>>
    %dma_start3A_51 = arith.constant 0 : i32
    %dma_start3A_52 = arith.constant 0 : i32
    %dma_start3A_53 = tpu.memref_slice %arg2[%dma_start3A_51, %dma_start3A_52] : memref<20000x64xf32, #tpu.memory_space<hbm>> -> memref<20000x64xf32, #tpu.memory_space<hbm>>
    tpu.enqueue_indirect_dma source(%dma_start3A_53 : memref<20000x64xf32, #tpu.memory_space<hbm>>) target(%arg8 : memref<100x64xf32, #tpu.memory_space<vmem>>) offsets(%dma_start3A_50 : memref<100xi32, #tpu.memory_space<vmem>>) semaphore(%arg14 : memref<!tpu.dma_semaphore, #tpu.memory_space<semaphore_mem>>)
    %dma_start3A_54 = arith.constant 1 : i32
    %dma_start3A_55 = arith.constant 0 : i32
    %dma_start3A_56 = tpu.memref_slice %arg6[%dma_start3A_54, %dma_start3A_55] : memref<200x100xi32, #tpu.memory_space<vmem>> -> memref<1x100xi32, #tpu.memory_space<vmem>>
    %dma_start3A_57 = tpu.memref_squeeze %dma_start3A_56 : memref<1x100xi32, #tpu.memory_space<vmem>> -> memref<100xi32, #tpu.memory_space<vmem>>
    %dma_start3A_58 = arith.constant 0 : i32
    %dma_start3A_59 = arith.constant 0 : i32
    %dma_start3A_60 = tpu.memref_slice %arg2[%dma_start3A_58, %dma_start3A_59] : memref<20000x64xf32, #tpu.memory_space<hbm>> -> memref<20000x64xf32, #tpu.memory_space<hbm>>
    tpu.enqueue_indirect_dma source(%dma_start3A_60 : memref<20000x64xf32, #tpu.memory_space<hbm>>) target(%arg9 : memref<100x64xf32, #tpu.memory_space<vmem>>) offsets(%dma_start3A_57 : memref<100xi32, #tpu.memory_space<vmem>>) semaphore(%arg15 : memref<!tpu.dma_semaphore, #tpu.memory_space<semaphore_mem>>)
    %dma_start3A_61 = arith.constant 2 : i32
    %dma_start3A_62 = arith.constant 0 : i32
    %dma_start3A_63 = tpu.memref_slice %arg6[%dma_start3A_61, %dma_start3A_62] : memref<200x100xi32, #tpu.memory_space<vmem>> -> memref<1x100xi32, #tpu.memory_space<vmem>>
    %dma_start3A_64 = tpu.memref_squeeze %dma_start3A_63 : memref<1x100xi32, #tpu.memory_space<vmem>> -> memref<100xi32, #tpu.memory_space<vmem>>
    %dma_start3A_65 = arith.constant 0 : i32
    %dma_start3A_66 = arith.constant 0 : i32
    %dma_start3A_67 = tpu.memref_slice %arg2[%dma_start3A_65, %dma_start3A_66] : memref<20000x64xf32, #tpu.memory_space<hbm>> -> memref<20000x64xf32, #tpu.memory_space<hbm>>
    tpu.enqueue_indirect_dma source(%dma_start3A_67 : memref<20000x64xf32, #tpu.memory_space<hbm>>) target(%arg10 : memref<100x64xf32, #tpu.memory_space<vmem>>) offsets(%dma_start3A_64 : memref<100xi32, #tpu.memory_space<vmem>>) semaphore(%arg16 : memref<!tpu.dma_semaphore, #tpu.memory_space<semaphore_mem>>)
    %dma_start3A_68 = arith.constant 3 : i32
    %dma_start3A_69 = arith.constant 0 : i32
    %dma_start3A_70 = tpu.memref_slice %arg6[%dma_start3A_68, %dma_start3A_69] : memref<200x100xi32, #tpu.memory_space<vmem>> -> memref<1x100xi32, #tpu.memory_space<vmem>>
    %dma_start3A_71 = tpu.memref_squeeze %dma_start3A_70 : memref<1x100xi32, #tpu.memory_space<vmem>> -> memref<100xi32, #tpu.memory_space<vmem>>
    %dma_start3A_72 = arith.constant 0 : i32
    %dma_start3A_73 = arith.constant 0 : i32
    %dma_start3A_74 = tpu.memref_slice %arg2[%dma_start3A_72, %dma_start3A_73] : memref<20000x64xf32, #tpu.memory_space<hbm>> -> memref<20000x64xf32, #tpu.memory_space<hbm>>
    tpu.enqueue_indirect_dma source(%dma_start3A_74 : memref<20000x64xf32, #tpu.memory_space<hbm>>) target(%arg11 : memref<100x64xf32, #tpu.memory_space<vmem>>) offsets(%dma_start3A_71 : memref<100xi32, #tpu.memory_space<vmem>>) semaphore(%arg17 : memref<!tpu.dma_semaphore, #tpu.memory_space<semaphore_mem>>)
    %barrier3A = arith.constant 0 : index
    tpu.barrier barrier_id(%barrier3A)
    %scan3A_75 = arith.constant 0 : i32
    %scan3A_76 = arith.constant 0 : i32
    %scan3A_77 = arith.constant 50 : i32
    %scan3A_78 = arith.addi %scan3A_76, %scan3A_77 : i32
    %scan3A_79 = arith.constant 1 : i32
    %scan3A_80 = scf.for %scan3A_119 = %scan3A_76 to %scan3A_78 step %scan3A_79 iter_args(%scan3A_120 = %scan3A_75) -> (i32)  : i32 {
      %mul3A_121 = arith.constant 4 : i32
      %mul3A_122 = arith.muli %mul3A_121, %scan3A_119 : i32
      %add3A_123 = arith.constant 0 : i32
      %add3A_124 = arith.addi %mul3A_122, %add3A_123 : i32
      %dma_wait3A_125 = arith.constant 0 : i32
      %dma_wait3A_126 = tpu.memref_slice %arg6[%add3A_124, %dma_wait3A_125] : memref<200x100xi32, #tpu.memory_space<vmem>> -> memref<1x100xi32, #tpu.memory_space<vmem>>
      %dma_wait3A_127 = tpu.memref_squeeze %dma_wait3A_126 : memref<1x100xi32, #tpu.memory_space<vmem>> -> memref<100xi32, #tpu.memory_space<vmem>>
      %dma_wait3A_128 = arith.constant 0 : i32
      %dma_wait3A_129 = arith.constant 0 : i32
      %dma_wait3A_130 = tpu.memref_slice %arg2[%dma_wait3A_128, %dma_wait3A_129] : memref<20000x64xf32, #tpu.memory_space<hbm>> -> memref<20000x64xf32, #tpu.memory_space<hbm>>
      tpu.wait_indirect_dma semaphore(%arg14 : memref<!tpu.dma_semaphore, #tpu.memory_space<semaphore_mem>>) src(%dma_wait3A_130 : memref<20000x64xf32, #tpu.memory_space<hbm>>) dst(%arg8 : memref<100x64xf32, #tpu.memory_space<vmem>>)
      %add3A_131 = arith.constant 0 : i32
      %add3A_132 = arith.addi %mul3A_122, %add3A_131 : i32
      "tpu.region"() ({
        %run_scoped3A = tpu.sem_alloc : memref<!tpu.dma_semaphore, #tpu.memory_space<semaphore_mem>>
        %dma_start3A_211 = arith.constant 0 : i32
        %dma_start3A_212 = tpu.memref_slice %arg7[%add3A_132, %dma_start3A_211] : memref<200x100xi32, #tpu.memory_space<vmem>> -> memref<1x100xi32, #tpu.memory_space<vmem>>
        %dma_start3A_213 = tpu.memref_squeeze %dma_start3A_212 : memref<1x100xi32, #tpu.memory_space<vmem>> -> memref<100xi32, #tpu.memory_space<vmem>>
        %dma_start3A_214 = arith.constant 0 : i32
        %dma_start3A_215 = arith.constant 0 : i32
        %dma_start3A_216 = tpu.memref_slice %arg13[%dma_start3A_214, %dma_start3A_215] : memref<10000x64xf32, #tpu.memory_space<vmem_shared>> -> memref<10000x64xf32, #tpu.memory_space<vmem_shared>>
        tpu.enqueue_indirect_dma source(%arg8 : memref<100x64xf32, #tpu.memory_space<vmem>>) target(%dma_start3A_216 : memref<10000x64xf32, #tpu.memory_space<vmem_shared>>) offsets(%dma_start3A_213 : memref<100xi32, #tpu.memory_space<vmem>>) semaphore(%run_scoped3A : memref<!tpu.dma_semaphore, #tpu.memory_space<semaphore_mem>>) {add = true}
        %dma_wait3A_217 = arith.constant 0 : i32
        %dma_wait3A_218 = tpu.memref_slice %arg7[%add3A_132, %dma_wait3A_217] : memref<200x100xi32, #tpu.memory_space<vmem>> -> memref<1x100xi32, #tpu.memory_space<vmem>>
        %dma_wait3A_219 = tpu.memref_squeeze %dma_wait3A_218 : memref<1x100xi32, #tpu.memory_space<vmem>> -> memref<100xi32, #tpu.memory_space<vmem>>
        %dma_wait3A_220 = arith.constant 0 : i32
        %dma_wait3A_221 = arith.constant 0 : i32
        %dma_wait3A_222 = tpu.memref_slice %arg13[%dma_wait3A_220, %dma_wait3A_221] : memref<10000x64xf32, #tpu.memory_space<vmem_shared>> -> memref<10000x64xf32, #tpu.memory_space<vmem_shared>>
        tpu.wait_indirect_dma semaphore(%run_scoped3A : memref<!tpu.dma_semaphore, #tpu.memory_space<semaphore_mem>>) src(%arg8 : memref<100x64xf32, #tpu.memory_space<vmem>>) dst(%dma_wait3A_222 : memref<10000x64xf32, #tpu.memory_space<vmem_shared>>)
        tpu.yield
      }) : () -> ()
      %add3A_133 = arith.constant 4 : i32
      %add3A_134 = arith.addi %mul3A_122, %add3A_133 : i32
      %add3A_135 = arith.constant 0 : i32
      %add3A_136 = arith.addi %add3A_134, %add3A_135 : i32
      %rem3A = arith.constant 200 : i32
      %rem3A_137 = arith.remsi %add3A_136, %rem3A : i32
      %dma_start3A_138 = arith.constant 0 : i32
      %dma_start3A_139 = tpu.memref_slice %arg6[%rem3A_137, %dma_start3A_138] : memref<200x100xi32, #tpu.memory_space<vmem>> -> memref<1x100xi32, #tpu.memory_space<vmem>>
      %dma_start3A_140 = tpu.memref_squeeze %dma_start3A_139 : memref<1x100xi32, #tpu.memory_space<vmem>> -> memref<100xi32, #tpu.memory_space<vmem>>
      %dma_start3A_141 = arith.constant 0 : i32
      %dma_start3A_142 = arith.constant 0 : i32
      %dma_start3A_143 = tpu.memref_slice %arg2[%dma_start3A_141, %dma_start3A_142] : memref<20000x64xf32, #tpu.memory_space<hbm>> -> memref<20000x64xf32, #tpu.memory_space<hbm>>
      tpu.enqueue_indirect_dma source(%dma_start3A_143 : memref<20000x64xf32, #tpu.memory_space<hbm>>) target(%arg8 : memref<100x64xf32, #tpu.memory_space<vmem>>) offsets(%dma_start3A_140 : memref<100xi32, #tpu.memory_space<vmem>>) semaphore(%arg14 : memref<!tpu.dma_semaphore, #tpu.memory_space<semaphore_mem>>)
      %add3A_144 = arith.constant 1 : i32
      %add3A_145 = arith.addi %mul3A_122, %add3A_144 : i32
      %dma_wait3A_146 = arith.constant 0 : i32
      %dma_wait3A_147 = tpu.memref_slice %arg6[%add3A_145, %dma_wait3A_146] : memref<200x100xi32, #tpu.memory_space<vmem>> -> memref<1x100xi32, #tpu.memory_space<vmem>>
      %dma_wait3A_148 = tpu.memref_squeeze %dma_wait3A_147 : memref<1x100xi32, #tpu.memory_space<vmem>> -> memref<100xi32, #tpu.memory_space<vmem>>
      %dma_wait3A_149 = arith.constant 0 : i32
      %dma_wait3A_150 = arith.constant 0 : i32
      %dma_wait3A_151 = tpu.memref_slice %arg2[%dma_wait3A_149, %dma_wait3A_150] : memref<20000x64xf32, #tpu.memory_space<hbm>> -> memref<20000x64xf32, #tpu.memory_space<hbm>>
      tpu.wait_indirect_dma semaphore(%arg15 : memref<!tpu.dma_semaphore, #tpu.memory_space<semaphore_mem>>) src(%dma_wait3A_151 : memref<20000x64xf32, #tpu.memory_space<hbm>>) dst(%arg9 : memref<100x64xf32, #tpu.memory_space<vmem>>)
      %add3A_152 = arith.constant 1 : i32
      %add3A_153 = arith.addi %mul3A_122, %add3A_152 : i32
      "tpu.region"() ({
        %run_scoped3A = tpu.sem_alloc : memref<!tpu.dma_semaphore, #tpu.memory_space<semaphore_mem>>
        %dma_start3A_211 = arith.constant 0 : i32
        %dma_start3A_212 = tpu.memref_slice %arg7[%add3A_153, %dma_start3A_211] : memref<200x100xi32, #tpu.memory_space<vmem>> -> memref<1x100xi32, #tpu.memory_space<vmem>>
        %dma_start3A_213 = tpu.memref_squeeze %dma_start3A_212 : memref<1x100xi32, #tpu.memory_space<vmem>> -> memref<100xi32, #tpu.memory_space<vmem>>
        %dma_start3A_214 = arith.constant 0 : i32
        %dma_start3A_215 = arith.constant 0 : i32
        %dma_start3A_216 = tpu.memref_slice %arg13[%dma_start3A_214, %dma_start3A_215] : memref<10000x64xf32, #tpu.memory_space<vmem_shared>> -> memref<10000x64xf32, #tpu.memory_space<vmem_shared>>
        tpu.enqueue_indirect_dma source(%arg9 : memref<100x64xf32, #tpu.memory_space<vmem>>) target(%dma_start3A_216 : memref<10000x64xf32, #tpu.memory_space<vmem_shared>>) offsets(%dma_start3A_213 : memref<100xi32, #tpu.memory_space<vmem>>) semaphore(%run_scoped3A : memref<!tpu.dma_semaphore, #tpu.memory_space<semaphore_mem>>) {add = true}
        %dma_wait3A_217 = arith.constant 0 : i32
        %dma_wait3A_218 = tpu.memref_slice %arg7[%add3A_153, %dma_wait3A_217] : memref<200x100xi32, #tpu.memory_space<vmem>> -> memref<1x100xi32, #tpu.memory_space<vmem>>
        %dma_wait3A_219 = tpu.memref_squeeze %dma_wait3A_218 : memref<1x100xi32, #tpu.memory_space<vmem>> -> memref<100xi32, #tpu.memory_space<vmem>>
        %dma_wait3A_220 = arith.constant 0 : i32
        %dma_wait3A_221 = arith.constant 0 : i32
        %dma_wait3A_222 = tpu.memref_slice %arg13[%dma_wait3A_220, %dma_wait3A_221] : memref<10000x64xf32, #tpu.memory_space<vmem_shared>> -> memref<10000x64xf32, #tpu.memory_space<vmem_shared>>
        tpu.wait_indirect_dma semaphore(%run_scoped3A : memref<!tpu.dma_semaphore, #tpu.memory_space<semaphore_mem>>) src(%arg9 : memref<100x64xf32, #tpu.memory_space<vmem>>) dst(%dma_wait3A_222 : memref<10000x64xf32, #tpu.memory_space<vmem_shared>>)
        tpu.yield
      }) : () -> ()
      %add3A_154 = arith.constant 4 : i32
      %add3A_155 = arith.addi %mul3A_122, %add3A_154 : i32
      %add3A_156 = arith.constant 1 : i32
      %add3A_157 = arith.addi %add3A_155, %add3A_156 : i32
      %rem3A_158 = arith.constant 200 : i32
      %rem3A_159 = arith.remsi %add3A_157, %rem3A_158 : i32
      %dma_start3A_160 = arith.constant 0 : i32
      %dma_start3A_161 = tpu.memref_slice %arg6[%rem3A_159, %dma_start3A_160] : memref<200x100xi32, #tpu.memory_space<vmem>> -> memref<1x100xi32, #tpu.memory_space<vmem>>
      %dma_start3A_162 = tpu.memref_squeeze %dma_start3A_161 : memref<1x100xi32, #tpu.memory_space<vmem>> -> memref<100xi32, #tpu.memory_space<vmem>>
      %dma_start3A_163 = arith.constant 0 : i32
      %dma_start3A_164 = arith.constant 0 : i32
      %dma_start3A_165 = tpu.memref_slice %arg2[%dma_start3A_163, %dma_start3A_164] : memref<20000x64xf32, #tpu.memory_space<hbm>> -> memref<20000x64xf32, #tpu.memory_space<hbm>>
      tpu.enqueue_indirect_dma source(%dma_start3A_165 : memref<20000x64xf32, #tpu.memory_space<hbm>>) target(%arg9 : memref<100x64xf32, #tpu.memory_space<vmem>>) offsets(%dma_start3A_162 : memref<100xi32, #tpu.memory_space<vmem>>) semaphore(%arg15 : memref<!tpu.dma_semaphore, #tpu.memory_space<semaphore_mem>>)
      %add3A_166 = arith.constant 2 : i32
      %add3A_167 = arith.addi %mul3A_122, %add3A_166 : i32
      %dma_wait3A_168 = arith.constant 0 : i32
      %dma_wait3A_169 = tpu.memref_slice %arg6[%add3A_167, %dma_wait3A_168] : memref<200x100xi32, #tpu.memory_space<vmem>> -> memref<1x100xi32, #tpu.memory_space<vmem>>
      %dma_wait3A_170 = tpu.memref_squeeze %dma_wait3A_169 : memref<1x100xi32, #tpu.memory_space<vmem>> -> memref<100xi32, #tpu.memory_space<vmem>>
      %dma_wait3A_171 = arith.constant 0 : i32
      %dma_wait3A_172 = arith.constant 0 : i32
      %dma_wait3A_173 = tpu.memref_slice %arg2[%dma_wait3A_171, %dma_wait3A_172] : memref<20000x64xf32, #tpu.memory_space<hbm>> -> memref<20000x64xf32, #tpu.memory_space<hbm>>
      tpu.wait_indirect_dma semaphore(%arg16 : memref<!tpu.dma_semaphore, #tpu.memory_space<semaphore_mem>>) src(%dma_wait3A_173 : memref<20000x64xf32, #tpu.memory_space<hbm>>) dst(%arg10 : memref<100x64xf32, #tpu.memory_space<vmem>>)
      %add3A_174 = arith.constant 2 : i32
      %add3A_175 = arith.addi %mul3A_122, %add3A_174 : i32
      "tpu.region"() ({
        %run_scoped3A = tpu.sem_alloc : memref<!tpu.dma_semaphore, #tpu.memory_space<semaphore_mem>>
        %dma_start3A_211 = arith.constant 0 : i32
        %dma_start3A_212 = tpu.memref_slice %arg7[%add3A_175, %dma_start3A_211] : memref<200x100xi32, #tpu.memory_space<vmem>> -> memref<1x100xi32, #tpu.memory_space<vmem>>
        %dma_start3A_213 = tpu.memref_squeeze %dma_start3A_212 : memref<1x100xi32, #tpu.memory_space<vmem>> -> memref<100xi32, #tpu.memory_space<vmem>>
        %dma_start3A_214 = arith.constant 0 : i32
        %dma_start3A_215 = arith.constant 0 : i32
        %dma_start3A_216 = tpu.memref_slice %arg13[%dma_start3A_214, %dma_start3A_215] : memref<10000x64xf32, #tpu.memory_space<vmem_shared>> -> memref<10000x64xf32, #tpu.memory_space<vmem_shared>>
        tpu.enqueue_indirect_dma source(%arg10 : memref<100x64xf32, #tpu.memory_space<vmem>>) target(%dma_start3A_216 : memref<10000x64xf32, #tpu.memory_space<vmem_shared>>) offsets(%dma_start3A_213 : memref<100xi32, #tpu.memory_space<vmem>>) semaphore(%run_scoped3A : memref<!tpu.dma_semaphore, #tpu.memory_space<semaphore_mem>>) {add = true}
        %dma_wait3A_217 = arith.constant 0 : i32
        %dma_wait3A_218 = tpu.memref_slice %arg7[%add3A_175, %dma_wait3A_217] : memref<200x100xi32, #tpu.memory_space<vmem>> -> memref<1x100xi32, #tpu.memory_space<vmem>>
        %dma_wait3A_219 = tpu.memref_squeeze %dma_wait3A_218 : memref<1x100xi32, #tpu.memory_space<vmem>> -> memref<100xi32, #tpu.memory_space<vmem>>
        %dma_wait3A_220 = arith.constant 0 : i32
        %dma_wait3A_221 = arith.constant 0 : i32
        %dma_wait3A_222 = tpu.memref_slice %arg13[%dma_wait3A_220, %dma_wait3A_221] : memref<10000x64xf32, #tpu.memory_space<vmem_shared>> -> memref<10000x64xf32, #tpu.memory_space<vmem_shared>>
        tpu.wait_indirect_dma semaphore(%run_scoped3A : memref<!tpu.dma_semaphore, #tpu.memory_space<semaphore_mem>>) src(%arg10 : memref<100x64xf32, #tpu.memory_space<vmem>>) dst(%dma_wait3A_222 : memref<10000x64xf32, #tpu.memory_space<vmem_shared>>)
        tpu.yield
      }) : () -> ()
      %add3A_176 = arith.constant 4 : i32
      %add3A_177 = arith.addi %mul3A_122, %add3A_176 : i32
      %add3A_178 = arith.constant 2 : i32
      %add3A_179 = arith.addi %add3A_177, %add3A_178 : i32
      %rem3A_180 = arith.constant 200 : i32
      %rem3A_181 = arith.remsi %add3A_179, %rem3A_180 : i32
      %dma_start3A_182 = arith.constant 0 : i32
      %dma_start3A_183 = tpu.memref_slice %arg6[%rem3A_181, %dma_start3A_182] : memref<200x100xi32, #tpu.memory_space<vmem>> -> memref<1x100xi32, #tpu.memory_space<vmem>>
      %dma_start3A_184 = tpu.memref_squeeze %dma_start3A_183 : memref<1x100xi32, #tpu.memory_space<vmem>> -> memref<100xi32, #tpu.memory_space<vmem>>
      %dma_start3A_185 = arith.constant 0 : i32
      %dma_start3A_186 = arith.constant 0 : i32
      %dma_start3A_187 = tpu.memref_slice %arg2[%dma_start3A_185, %dma_start3A_186] : memref<20000x64xf32, #tpu.memory_space<hbm>> -> memref<20000x64xf32, #tpu.memory_space<hbm>>
      tpu.enqueue_indirect_dma source(%dma_start3A_187 : memref<20000x64xf32, #tpu.memory_space<hbm>>) target(%arg10 : memref<100x64xf32, #tpu.memory_space<vmem>>) offsets(%dma_start3A_184 : memref<100xi32, #tpu.memory_space<vmem>>) semaphore(%arg16 : memref<!tpu.dma_semaphore, #tpu.memory_space<semaphore_mem>>)
      %add3A_188 = arith.constant 3 : i32
      %add3A_189 = arith.addi %mul3A_122, %add3A_188 : i32
      %dma_wait3A_190 = arith.constant 0 : i32
      %dma_wait3A_191 = tpu.memref_slice %arg6[%add3A_189, %dma_wait3A_190] : memref<200x100xi32, #tpu.memory_space<vmem>> -> memref<1x100xi32, #tpu.memory_space<vmem>>
      %dma_wait3A_192 = tpu.memref_squeeze %dma_wait3A_191 : memref<1x100xi32, #tpu.memory_space<vmem>> -> memref<100xi32, #tpu.memory_space<vmem>>
      %dma_wait3A_193 = arith.constant 0 : i32
      %dma_wait3A_194 = arith.constant 0 : i32
      %dma_wait3A_195 = tpu.memref_slice %arg2[%dma_wait3A_193, %dma_wait3A_194] : memref<20000x64xf32, #tpu.memory_space<hbm>> -> memref<20000x64xf32, #tpu.memory_space<hbm>>
      tpu.wait_indirect_dma semaphore(%arg17 : memref<!tpu.dma_semaphore, #tpu.memory_space<semaphore_mem>>) src(%dma_wait3A_195 : memref<20000x64xf32, #tpu.memory_space<hbm>>) dst(%arg11 : memref<100x64xf32, #tpu.memory_space<vmem>>)
      %add3A_196 = arith.constant 3 : i32
      %add3A_197 = arith.addi %mul3A_122, %add3A_196 : i32
      "tpu.region"() ({
        %run_scoped3A = tpu.sem_alloc : memref<!tpu.dma_semaphore, #tpu.memory_space<semaphore_mem>>
        %dma_start3A_211 = arith.constant 0 : i32
        %dma_start3A_212 = tpu.memref_slice %arg7[%add3A_197, %dma_start3A_211] : memref<200x100xi32, #tpu.memory_space<vmem>> -> memref<1x100xi32, #tpu.memory_space<vmem>>
        %dma_start3A_213 = tpu.memref_squeeze %dma_start3A_212 : memref<1x100xi32, #tpu.memory_space<vmem>> -> memref<100xi32, #tpu.memory_space<vmem>>
        %dma_start3A_214 = arith.constant 0 : i32
        %dma_start3A_215 = arith.constant 0 : i32
        %dma_start3A_216 = tpu.memref_slice %arg13[%dma_start3A_214, %dma_start3A_215] : memref<10000x64xf32, #tpu.memory_space<vmem_shared>> -> memref<10000x64xf32, #tpu.memory_space<vmem_shared>>
        tpu.enqueue_indirect_dma source(%arg11 : memref<100x64xf32, #tpu.memory_space<vmem>>) target(%dma_start3A_216 : memref<10000x64xf32, #tpu.memory_space<vmem_shared>>) offsets(%dma_start3A_213 : memref<100xi32, #tpu.memory_space<vmem>>) semaphore(%run_scoped3A : memref<!tpu.dma_semaphore, #tpu.memory_space<semaphore_mem>>) {add = true}
        %dma_wait3A_217 = arith.constant 0 : i32
        %dma_wait3A_218 = tpu.memref_slice %arg7[%add3A_197, %dma_wait3A_217] : memref<200x100xi32, #tpu.memory_space<vmem>> -> memref<1x100xi32, #tpu.memory_space<vmem>>
        %dma_wait3A_219 = tpu.memref_squeeze %dma_wait3A_218 : memref<1x100xi32, #tpu.memory_space<vmem>> -> memref<100xi32, #tpu.memory_space<vmem>>
        %dma_wait3A_220 = arith.constant 0 : i32
        %dma_wait3A_221 = arith.constant 0 : i32
        %dma_wait3A_222 = tpu.memref_slice %arg13[%dma_wait3A_220, %dma_wait3A_221] : memref<10000x64xf32, #tpu.memory_space<vmem_shared>> -> memref<10000x64xf32, #tpu.memory_space<vmem_shared>>
        tpu.wait_indirect_dma semaphore(%run_scoped3A : memref<!tpu.dma_semaphore, #tpu.memory_space<semaphore_mem>>) src(%arg11 : memref<100x64xf32, #tpu.memory_space<vmem>>) dst(%dma_wait3A_222 : memref<10000x64xf32, #tpu.memory_space<vmem_shared>>)
        tpu.yield
      }) : () -> ()
      %add3A_198 = arith.constant 4 : i32
      %add3A_199 = arith.addi %mul3A_122, %add3A_198 : i32
      %add3A_200 = arith.constant 3 : i32
      %add3A_201 = arith.addi %add3A_199, %add3A_200 : i32
      %rem3A_202 = arith.constant 200 : i32
      %rem3A_203 = arith.remsi %add3A_201, %rem3A_202 : i32
      %dma_start3A_204 = arith.constant 0 : i32
      %dma_start3A_205 = tpu.memref_slice %arg6[%rem3A_203, %dma_start3A_204] : memref<200x100xi32, #tpu.memory_space<vmem>> -> memref<1x100xi32, #tpu.memory_space<vmem>>
      %dma_start3A_206 = tpu.memref_squeeze %dma_start3A_205 : memref<1x100xi32, #tpu.memory_space<vmem>> -> memref<100xi32, #tpu.memory_space<vmem>>
      %dma_start3A_207 = arith.constant 0 : i32
      %dma_start3A_208 = arith.constant 0 : i32
      %dma_start3A_209 = tpu.memref_slice %arg2[%dma_start3A_207, %dma_start3A_208] : memref<20000x64xf32, #tpu.memory_space<hbm>> -> memref<20000x64xf32, #tpu.memory_space<hbm>>
      tpu.enqueue_indirect_dma source(%dma_start3A_209 : memref<20000x64xf32, #tpu.memory_space<hbm>>) target(%arg11 : memref<100x64xf32, #tpu.memory_space<vmem>>) offsets(%dma_start3A_206 : memref<100xi32, #tpu.memory_space<vmem>>) semaphore(%arg17 : memref<!tpu.dma_semaphore, #tpu.memory_space<semaphore_mem>>)
      %scan3A_210 = arith.constant 0 : i32
      scf.yield %scan3A_210 : i32
    }
    %scan3A_81 = arith.constant 50 : i32
    %dma_wait3A_82 = arith.constant 0 : i32
    %dma_wait3A_83 = arith.constant 0 : i32
    %dma_wait3A_84 = tpu.memref_slice %arg6[%dma_wait3A_82, %dma_wait3A_83] : memref<200x100xi32, #tpu.memory_space<vmem>> -> memref<1x100xi32, #tpu.memory_space<vmem>>
    %dma_wait3A_85 = tpu.memref_squeeze %dma_wait3A_84 : memref<1x100xi32, #tpu.memory_space<vmem>> -> memref<100xi32, #tpu.memory_space<vmem>>
    %dma_wait3A_86 = arith.constant 0 : i32
    %dma_wait3A_87 = arith.constant 0 : i32
    %dma_wait3A_88 = tpu.memref_slice %arg2[%dma_wait3A_86, %dma_wait3A_87] : memref<20000x64xf32, #tpu.memory_space<hbm>> -> memref<20000x64xf32, #tpu.memory_space<hbm>>
    tpu.wait_indirect_dma semaphore(%arg14 : memref<!tpu.dma_semaphore, #tpu.memory_space<semaphore_mem>>) src(%dma_wait3A_88 : memref<20000x64xf32, #tpu.memory_space<hbm>>) dst(%arg8 : memref<100x64xf32, #tpu.memory_space<vmem>>)
    %dma_wait3A_89 = arith.constant 1 : i32
    %dma_wait3A_90 = arith.constant 0 : i32
    %dma_wait3A_91 = tpu.memref_slice %arg6[%dma_wait3A_89, %dma_wait3A_90] : memref<200x100xi32, #tpu.memory_space<vmem>> -> memref<1x100xi32, #tpu.memory_space<vmem>>
    %dma_wait3A_92 = tpu.memref_squeeze %dma_wait3A_91 : memref<1x100xi32, #tpu.memory_space<vmem>> -> memref<100xi32, #tpu.memory_space<vmem>>
    %dma_wait3A_93 = arith.constant 0 : i32
    %dma_wait3A_94 = arith.constant 0 : i32
    %dma_wait3A_95 = tpu.memref_slice %arg2[%dma_wait3A_93, %dma_wait3A_94] : memref<20000x64xf32, #tpu.memory_space<hbm>> -> memref<20000x64xf32, #tpu.memory_space<hbm>>
    tpu.wait_indirect_dma semaphore(%arg15 : memref<!tpu.dma_semaphore, #tpu.memory_space<semaphore_mem>>) src(%dma_wait3A_95 : memref<20000x64xf32, #tpu.memory_space<hbm>>) dst(%arg9 : memref<100x64xf32, #tpu.memory_space<vmem>>)
    %dma_wait3A_96 = arith.constant 2 : i32
    %dma_wait3A_97 = arith.constant 0 : i32
    %dma_wait3A_98 = tpu.memref_slice %arg6[%dma_wait3A_96, %dma_wait3A_97] : memref<200x100xi32, #tpu.memory_space<vmem>> -> memref<1x100xi32, #tpu.memory_space<vmem>>
    %dma_wait3A_99 = tpu.memref_squeeze %dma_wait3A_98 : memref<1x100xi32, #tpu.memory_space<vmem>> -> memref<100xi32, #tpu.memory_space<vmem>>
    %dma_wait3A_100 = arith.constant 0 : i32
    %dma_wait3A_101 = arith.constant 0 : i32
    %dma_wait3A_102 = tpu.memref_slice %arg2[%dma_wait3A_100, %dma_wait3A_101] : memref<20000x64xf32, #tpu.memory_space<hbm>> -> memref<20000x64xf32, #tpu.memory_space<hbm>>
    tpu.wait_indirect_dma semaphore(%arg16 : memref<!tpu.dma_semaphore, #tpu.memory_space<semaphore_mem>>) src(%dma_wait3A_102 : memref<20000x64xf32, #tpu.memory_space<hbm>>) dst(%arg10 : memref<100x64xf32, #tpu.memory_space<vmem>>)
    %dma_wait3A_103 = arith.constant 3 : i32
    %dma_wait3A_104 = arith.constant 0 : i32
    %dma_wait3A_105 = tpu.memref_slice %arg6[%dma_wait3A_103, %dma_wait3A_104] : memref<200x100xi32, #tpu.memory_space<vmem>> -> memref<1x100xi32, #tpu.memory_space<vmem>>
    %dma_wait3A_106 = tpu.memref_squeeze %dma_wait3A_105 : memref<1x100xi32, #tpu.memory_space<vmem>> -> memref<100xi32, #tpu.memory_space<vmem>>
    %dma_wait3A_107 = arith.constant 0 : i32
    %dma_wait3A_108 = arith.constant 0 : i32
    %dma_wait3A_109 = tpu.memref_slice %arg2[%dma_wait3A_107, %dma_wait3A_108] : memref<20000x64xf32, #tpu.memory_space<hbm>> -> memref<20000x64xf32, #tpu.memory_space<hbm>>
    tpu.wait_indirect_dma semaphore(%arg17 : memref<!tpu.dma_semaphore, #tpu.memory_space<semaphore_mem>>) src(%dma_wait3A_109 : memref<20000x64xf32, #tpu.memory_space<hbm>>) dst(%arg11 : memref<100x64xf32, #tpu.memory_space<vmem>>)
    %barrier3A_110 = arith.constant 0 : index
    tpu.barrier barrier_id(%barrier3A_110)
    %mul3A_111 = arith.constant 632 : i32
    %mul3A_112 = arith.muli %arg1, %mul3A_111 : i32
    %multiple_of3A = tpu.assume_multiple %mul3A_112, 8 : i32
    %lt3A = arith.constant 15 : i32
    %lt3A_113 = arith.cmpi slt, %arg1, %lt3A : i32
    %convert_element_type3A = arith.extui %lt3A_113 : i1 to i32
    %cond3A = arith.constant 0 : i32
    %cond3A_114 = arith.cmpi ne, %convert_element_type3A, %cond3A : i32
    scf.if %cond3A_114 {
      "tpu.region"() ({
        %run_scoped3A = tpu.sem_alloc : memref<!tpu.dma_semaphore, #tpu.memory_space<semaphore_mem>>
        %dma_start3A_119 = arith.constant 0 : i32
        %dma_start3A_120 = tpu.memref_slice %arg5[%arg0, %multiple_of3A, %dma_start3A_119] : memref<2x10000x64xf32, #tpu.memory_space<hbm>> -> memref<1x632x64xf32, #tpu.memory_space<hbm>>
        %dma_start3A_121 = tpu.memref_squeeze %dma_start3A_120 : memref<1x632x64xf32, #tpu.memory_space<hbm>> -> memref<632x64xf32, #tpu.memory_space<hbm>>
        %dma_start3A_122 = arith.constant 0 : i32
        %dma_start3A_123 = tpu.memref_slice %arg13[%multiple_of3A, %dma_start3A_122] : memref<10000x64xf32, #tpu.memory_space<vmem_shared>> -> memref<632x64xf32, #tpu.memory_space<vmem_shared>>
        tpu.enqueue_dma source(%dma_start3A_123 : memref<632x64xf32, #tpu.memory_space<vmem_shared>>) target(%dma_start3A_121 : memref<632x64xf32, #tpu.memory_space<hbm>>) target_semaphore(%run_scoped3A : memref<!tpu.dma_semaphore, #tpu.memory_space<semaphore_mem>>)
        %dma_wait3A_124 = arith.constant 0 : i32
        %dma_wait3A_125 = tpu.memref_slice %arg5[%arg0, %multiple_of3A, %dma_wait3A_124] : memref<2x10000x64xf32, #tpu.memory_space<hbm>> -> memref<1x632x64xf32, #tpu.memory_space<hbm>>
        %dma_wait3A_126 = tpu.memref_squeeze %dma_wait3A_125 : memref<1x632x64xf32, #tpu.memory_space<hbm>> -> memref<632x64xf32, #tpu.memory_space<hbm>>
        %dma_wait3A_127 = arith.constant 0 : i32
        %dma_wait3A_128 = tpu.memref_slice %arg13[%multiple_of3A, %dma_wait3A_127] : memref<10000x64xf32, #tpu.memory_space<vmem_shared>> -> memref<632x64xf32, #tpu.memory_space<vmem_shared>>
        tpu.wait_dma2 semaphore(%run_scoped3A : memref<!tpu.dma_semaphore, #tpu.memory_space<semaphore_mem>>) src(%dma_wait3A_128 : memref<632x64xf32, #tpu.memory_space<vmem_shared>>) dst(%dma_wait3A_126 : memref<632x64xf32, #tpu.memory_space<hbm>>)
        tpu.yield
      }) : () -> ()
    } else {
    }
    %eq3A = arith.constant 15 : i32
    %eq3A_115 = arith.cmpi eq, %arg1, %eq3A : i32
    %convert_element_type3A_116 = arith.extui %eq3A_115 : i1 to i32
    %cond3A_117 = arith.constant 0 : i32
    %cond3A_118 = arith.cmpi ne, %convert_element_type3A_116, %cond3A_117 : i32
    scf.if %cond3A_118 {
      "tpu.region"() ({
        %run_scoped3A = tpu.sem_alloc : memref<!tpu.dma_semaphore, #tpu.memory_space<semaphore_mem>>
        %dma_start3A_119 = arith.constant 0 : i32
        %dma_start3A_120 = tpu.memref_slice %arg5[%arg0, %multiple_of3A, %dma_start3A_119] : memref<2x10000x64xf32, #tpu.memory_space<hbm>> -> memref<1x520x64xf32, #tpu.memory_space<hbm>>
        %dma_start3A_121 = tpu.memref_squeeze %dma_start3A_120 : memref<1x520x64xf32, #tpu.memory_space<hbm>> -> memref<520x64xf32, #tpu.memory_space<hbm>>
        %dma_start3A_122 = arith.constant 0 : i32
        %dma_start3A_123 = tpu.memref_slice %arg13[%multiple_of3A, %dma_start3A_122] : memref<10000x64xf32, #tpu.memory_space<vmem_shared>> -> memref<520x64xf32, #tpu.memory_space<vmem_shared>>
        tpu.enqueue_dma source(%dma_start3A_123 : memref<520x64xf32, #tpu.memory_space<vmem_shared>>) target(%dma_start3A_121 : memref<520x64xf32, #tpu.memory_space<hbm>>) target_semaphore(%run_scoped3A : memref<!tpu.dma_semaphore, #tpu.memory_space<semaphore_mem>>)
        %dma_wait3A_124 = arith.constant 0 : i32
        %dma_wait3A_125 = tpu.memref_slice %arg5[%arg0, %multiple_of3A, %dma_wait3A_124] : memref<2x10000x64xf32, #tpu.memory_space<hbm>> -> memref<1x520x64xf32, #tpu.memory_space<hbm>>
        %dma_wait3A_126 = tpu.memref_squeeze %dma_wait3A_125 : memref<1x520x64xf32, #tpu.memory_space<hbm>> -> memref<520x64xf32, #tpu.memory_space<hbm>>
        %dma_wait3A_127 = arith.constant 0 : i32
        %dma_wait3A_128 = tpu.memref_slice %arg13[%multiple_of3A, %dma_wait3A_127] : memref<10000x64xf32, #tpu.memory_space<vmem_shared>> -> memref<520x64xf32, #tpu.memory_space<vmem_shared>>
        tpu.wait_dma2 semaphore(%run_scoped3A : memref<!tpu.dma_semaphore, #tpu.memory_space<semaphore_mem>>) src(%dma_wait3A_128 : memref<520x64xf32, #tpu.memory_space<vmem_shared>>) dst(%dma_wait3A_126 : memref<520x64xf32, #tpu.memory_space<hbm>>)
        tpu.yield
      }) : () -> ()
    } else {
    }
    return
  }
}

#map = affine_map<(d0, d1) -> (0, 0, 0)>
module attributes {stable_mosaic.version = 14 : i64} {
  func.func @_deg_kernel(%arg0: i32, %arg1: i32, %arg2: memref<32x100x100xi32, #tpu.memory_space<hbm>>, %arg3: memref<2x10000x64xf32, #tpu.memory_space<hbm>>, %arg4: memref<100x100xi32, #tpu.memory_space<vmem>>, %arg5: memref<100x64xf32, #tpu.memory_space<vmem>>, %arg6: memref<125x64xf32, #tpu.memory_space<vmem>>, %arg7: memref<10000x64xf32, #tpu.memory_space<vmem_shared>>, %arg8: memref<!tpu.dma_semaphore, #tpu.memory_space<semaphore_mem>>) attributes {dimension_semantics = [#tpu.dimension_semantics<core_parallel>, #tpu.dimension_semantics<subcore_parallel>], iteration_bounds = array<i64: 2, 16>, scalar_prefetch = 0 : i64, scratch_operands = 5 : i64, tpu.core_type = #tpu.core_type<sc_vector_subcore>, window_params = [{transform_indices = #map}, {transform_indices = #map}]} {
    %mul3A = arith.constant 16 : i32
    %mul3A_0 = arith.muli %arg0, %mul3A : i32
    %add3A = arith.addi %mul3A_0, %arg1 : i32
    %broadcast_in_dim3A = arith.constant 1.000000e+00 : f32
    %broadcast_in_dim3A_1 = vector.broadcast %broadcast_in_dim3A : f32 to vector<16xf32>
    %broadcast_in_dim3A_2 = arith.constant 0.000000e+00 : f32
    %broadcast_in_dim3A_3 = vector.broadcast %broadcast_in_dim3A_2 : f32 to vector<16xf32>
    %dma_start3A = arith.constant 0 : i32
    %dma_start3A_4 = arith.constant 0 : i32
    %dma_start3A_5 = tpu.memref_slice %arg2[%add3A, %dma_start3A, %dma_start3A_4] : memref<32x100x100xi32, #tpu.memory_space<hbm>> -> memref<1x100x100xi32, #tpu.memory_space<hbm>>
    %dma_start3A_6 = tpu.memref_squeeze %dma_start3A_5 : memref<1x100x100xi32, #tpu.memory_space<hbm>> -> memref<100x100xi32, #tpu.memory_space<hbm>>
    %dma_start3A_7 = arith.constant 0 : i32
    %dma_start3A_8 = arith.constant 0 : i32
    %dma_start3A_9 = tpu.memref_slice %arg2[%add3A, %dma_start3A_7, %dma_start3A_8] : memref<32x100x100xi32, #tpu.memory_space<hbm>> -> memref<1x100x100xi32, #tpu.memory_space<hbm>>
    %dma_start3A_10 = tpu.memref_squeeze %dma_start3A_9 : memref<1x100x100xi32, #tpu.memory_space<hbm>> -> memref<100x100xi32, #tpu.memory_space<hbm>>
    tpu.enqueue_dma source(%dma_start3A_10 : memref<100x100xi32, #tpu.memory_space<hbm>>) target(%arg4 : memref<100x100xi32, #tpu.memory_space<vmem>>) target_semaphore(%arg8 : memref<!tpu.dma_semaphore, #tpu.memory_space<semaphore_mem>>)
    %scan3A = arith.constant 0 : i32
    %scan3A_11 = arith.constant 0 : i32
    %scan3A_12 = arith.constant 125 : i32
    %scan3A_13 = arith.addi %scan3A_11, %scan3A_12 : i32
    %scan3A_14 = arith.constant 1 : i32
    %scan3A_15 = scf.for %scan3A_59 = %scan3A_11 to %scan3A_13 step %scan3A_14 iter_args(%scan3A_60 = %scan3A) -> (i32)  : i32 {
      %swap3A = arith.index_cast %scan3A_59 : i32 to index
      %swap3A_61 = arith.constant 0 : index
      %swap3A_62 = tpu.vector_load %arg6[%swap3A, %swap3A_61] {strides = array<i32>} : memref<125x64xf32, #tpu.memory_space<vmem>>, vector<1x16xf32>,
      %swap3A_63 = vector.shape_cast %swap3A_62 : vector<1x16xf32> to vector<16xf32>
      %swap3A_64 = vector.shape_cast %broadcast_in_dim3A_3 : vector<16xf32> to vector<1x16xf32>
      tpu.vector_store %arg6[%swap3A, %swap3A_61], %swap3A_64 {strides = array<i32>} : memref<125x64xf32, #tpu.memory_space<vmem>>, vector<1x16xf32>,
      %swap3A_65 = arith.index_cast %scan3A_59 : i32 to index
      %swap3A_66 = arith.constant 16 : index
      %swap3A_67 = tpu.vector_load %arg6[%swap3A_65, %swap3A_66] {strides = array<i32>} : memref<125x64xf32, #tpu.memory_space<vmem>>, vector<1x16xf32>,
      %swap3A_68 = vector.shape_cast %swap3A_67 : vector<1x16xf32> to vector<16xf32>
      %swap3A_69 = vector.shape_cast %broadcast_in_dim3A_3 : vector<16xf32> to vector<1x16xf32>
      tpu.vector_store %arg6[%swap3A_65, %swap3A_66], %swap3A_69 {strides = array<i32>} : memref<125x64xf32, #tpu.memory_space<vmem>>, vector<1x16xf32>,
      %swap3A_70 = arith.index_cast %scan3A_59 : i32 to index
      %swap3A_71 = arith.constant 32 : index
      %swap3A_72 = tpu.vector_load %arg6[%swap3A_70, %swap3A_71] {strides = array<i32>} : memref<125x64xf32, #tpu.memory_space<vmem>>, vector<1x16xf32>,
      %swap3A_73 = vector.shape_cast %swap3A_72 : vector<1x16xf32> to vector<16xf32>
      %swap3A_74 = vector.shape_cast %broadcast_in_dim3A_3 : vector<16xf32> to vector<1x16xf32>
      tpu.vector_store %arg6[%swap3A_70, %swap3A_71], %swap3A_74 {strides = array<i32>} : memref<125x64xf32, #tpu.memory_space<vmem>>, vector<1x16xf32>,
      %swap3A_75 = arith.index_cast %scan3A_59 : i32 to index
      %swap3A_76 = arith.constant 48 : index
      %swap3A_77 = tpu.vector_load %arg6[%swap3A_75, %swap3A_76] {strides = array<i32>} : memref<125x64xf32, #tpu.memory_space<vmem>>, vector<1x16xf32>,
      %swap3A_78 = vector.shape_cast %swap3A_77 : vector<1x16xf32> to vector<16xf32>
      %swap3A_79 = vector.shape_cast %broadcast_in_dim3A_3 : vector<16xf32> to vector<1x16xf32>
      tpu.vector_store %arg6[%swap3A_75, %swap3A_76], %swap3A_79 {strides = array<i32>} : memref<125x64xf32, #tpu.memory_space<vmem>>, vector<1x16xf32>,
      %scan3A_80 = arith.constant 0 : i32
      scf.yield %scan3A_80 : i32
    }
    %scan3A_16 = arith.constant 125 : i32
    %scan3A_17 = arith.constant 0 : i32
    %scan3A_18 = arith.constant 0 : i32
    %scan3A_19 = arith.constant 100 : i32
    %scan3A_20 = arith.addi %scan3A_18, %scan3A_19 : i32
    %scan3A_21 = arith.constant 1 : i32
    %scan3A_22 = scf.for %scan3A_59 = %scan3A_18 to %scan3A_20 step %scan3A_21 iter_args(%scan3A_60 = %scan3A_17) -> (i32)  : i32 {
      %swap3A = arith.index_cast %scan3A_59 : i32 to index
      %swap3A_61 = arith.constant 0 : index
      %swap3A_62 = tpu.vector_load %arg5[%swap3A, %swap3A_61] {strides = array<i32>} : memref<100x64xf32, #tpu.memory_space<vmem>>, vector<1x16xf32>,
      %swap3A_63 = vector.shape_cast %swap3A_62 : vector<1x16xf32> to vector<16xf32>
      %swap3A_64 = vector.shape_cast %broadcast_in_dim3A_1 : vector<16xf32> to vector<1x16xf32>
      tpu.vector_store %arg5[%swap3A, %swap3A_61], %swap3A_64 {strides = array<i32>} : memref<100x64xf32, #tpu.memory_space<vmem>>, vector<1x16xf32>,
      %swap3A_65 = arith.index_cast %scan3A_59 : i32 to index
      %swap3A_66 = arith.constant 16 : index
      %swap3A_67 = tpu.vector_load %arg5[%swap3A_65, %swap3A_66] {strides = array<i32>} : memref<100x64xf32, #tpu.memory_space<vmem>>, vector<1x16xf32>,
      %swap3A_68 = vector.shape_cast %swap3A_67 : vector<1x16xf32> to vector<16xf32>
      %swap3A_69 = vector.shape_cast %broadcast_in_dim3A_1 : vector<16xf32> to vector<1x16xf32>
      tpu.vector_store %arg5[%swap3A_65, %swap3A_66], %swap3A_69 {strides = array<i32>} : memref<100x64xf32, #tpu.memory_space<vmem>>, vector<1x16xf32>,
      %swap3A_70 = arith.index_cast %scan3A_59 : i32 to index
      %swap3A_71 = arith.constant 32 : index
      %swap3A_72 = tpu.vector_load %arg5[%swap3A_70, %swap3A_71] {strides = array<i32>} : memref<100x64xf32, #tpu.memory_space<vmem>>, vector<1x16xf32>,
      %swap3A_73 = vector.shape_cast %swap3A_72 : vector<1x16xf32> to vector<16xf32>
      %swap3A_74 = vector.shape_cast %broadcast_in_dim3A_1 : vector<16xf32> to vector<1x16xf32>
      tpu.vector_store %arg5[%swap3A_70, %swap3A_71], %swap3A_74 {strides = array<i32>} : memref<100x64xf32, #tpu.memory_space<vmem>>, vector<1x16xf32>,
      %swap3A_75 = arith.index_cast %scan3A_59 : i32 to index
      %swap3A_76 = arith.constant 48 : index
      %swap3A_77 = tpu.vector_load %arg5[%swap3A_75, %swap3A_76] {strides = array<i32>} : memref<100x64xf32, #tpu.memory_space<vmem>>, vector<1x16xf32>,
      %swap3A_78 = vector.shape_cast %swap3A_77 : vector<1x16xf32> to vector<16xf32>
      %swap3A_79 = vector.shape_cast %broadcast_in_dim3A_1 : vector<16xf32> to vector<1x16xf32>
      tpu.vector_store %arg5[%swap3A_75, %swap3A_76], %swap3A_79 {strides = array<i32>} : memref<100x64xf32, #tpu.memory_space<vmem>>, vector<1x16xf32>,
      %scan3A_80 = arith.constant 0 : i32
      scf.yield %scan3A_80 : i32
    }
    %scan3A_23 = arith.constant 100 : i32
    %mul3A_24 = arith.constant 625 : i32
    %mul3A_25 = arith.muli %arg1, %mul3A_24 : i32
    %add3A_26 = arith.constant 0 : i32
    %add3A_27 = arith.addi %mul3A_25, %add3A_26 : i32
    "tpu.region"() ({
      %run_scoped3A = tpu.sem_alloc : memref<!tpu.dma_semaphore, #tpu.memory_space<semaphore_mem>>
      %dma_start3A_59 = arith.constant 0 : i32
      %dma_start3A_60 = tpu.memref_slice %arg7[%add3A_27, %dma_start3A_59] : memref<10000x64xf32, #tpu.memory_space<vmem_shared>> -> memref<125x64xf32, #tpu.memory_space<vmem_shared>>
      %dma_start3A_61 = arith.constant 0 : i32
      %dma_start3A_62 = tpu.memref_slice %arg7[%add3A_27, %dma_start3A_61] : memref<10000x64xf32, #tpu.memory_space<vmem_shared>> -> memref<125x64xf32, #tpu.memory_space<vmem_shared>>
      tpu.enqueue_dma source(%arg6 : memref<125x64xf32, #tpu.memory_space<vmem>>) target(%dma_start3A_62 : memref<125x64xf32, #tpu.memory_space<vmem_shared>>) target_semaphore(%run_scoped3A : memref<!tpu.dma_semaphore, #tpu.memory_space<semaphore_mem>>)
      %dma_wait3A_63 = arith.constant 0 : i32
      %dma_wait3A_64 = tpu.memref_slice %arg7[%add3A_27, %dma_wait3A_63] : memref<10000x64xf32, #tpu.memory_space<vmem_shared>> -> memref<125x64xf32, #tpu.memory_space<vmem_shared>>
      %dma_wait3A_65 = arith.constant 0 : i32
      %dma_wait3A_66 = tpu.memref_slice %arg7[%add3A_27, %dma_wait3A_65] : memref<10000x64xf32, #tpu.memory_space<vmem_shared>> -> memref<125x64xf32, #tpu.memory_space<vmem_shared>>
      tpu.wait_dma2 semaphore(%run_scoped3A : memref<!tpu.dma_semaphore, #tpu.memory_space<semaphore_mem>>) src(%arg6 : memref<125x64xf32, #tpu.memory_space<vmem>>) dst(%dma_wait3A_66 : memref<125x64xf32, #tpu.memory_space<vmem_shared>>)
      tpu.yield
    }) : () -> ()
    %add3A_28 = arith.constant 125 : i32
    %add3A_29 = arith.addi %mul3A_25, %add3A_28 : i32
    "tpu.region"() ({
      %run_scoped3A = tpu.sem_alloc : memref<!tpu.dma_semaphore, #tpu.memory_space<semaphore_mem>>
      %dma_start3A_59 = arith.constant 0 : i32
      %dma_start3A_60 = tpu.memref_slice %arg7[%add3A_29, %dma_start3A_59] : memref<10000x64xf32, #tpu.memory_space<vmem_shared>> -> memref<125x64xf32, #tpu.memory_space<vmem_shared>>
      %dma_start3A_61 = arith.constant 0 : i32
      %dma_start3A_62 = tpu.memref_slice %arg7[%add3A_29, %dma_start3A_61] : memref<10000x64xf32, #tpu.memory_space<vmem_shared>> -> memref<125x64xf32, #tpu.memory_space<vmem_shared>>
      tpu.enqueue_dma source(%arg6 : memref<125x64xf32, #tpu.memory_space<vmem>>) target(%dma_start3A_62 : memref<125x64xf32, #tpu.memory_space<vmem_shared>>) target_semaphore(%run_scoped3A : memref<!tpu.dma_semaphore, #tpu.memory_space<semaphore_mem>>)
      %dma_wait3A_63 = arith.constant 0 : i32
      %dma_wait3A_64 = tpu.memref_slice %arg7[%add3A_29, %dma_wait3A_63] : memref<10000x64xf32, #tpu.memory_space<vmem_shared>> -> memref<125x64xf32, #tpu.memory_space<vmem_shared>>
      %dma_wait3A_65 = arith.constant 0 : i32
      %dma_wait3A_66 = tpu.memref_slice %arg7[%add3A_29, %dma_wait3A_65] : memref<10000x64xf32, #tpu.memory_space<vmem_shared>> -> memref<125x64xf32, #tpu.memory_space<vmem_shared>>
      tpu.wait_dma2 semaphore(%run_scoped3A : memref<!tpu.dma_semaphore, #tpu.memory_space<semaphore_mem>>) src(%arg6 : memref<125x64xf32, #tpu.memory_space<vmem>>) dst(%dma_wait3A_66 : memref<125x64xf32, #tpu.memory_space<vmem_shared>>)
      tpu.yield
    }) : () -> ()
    %add3A_30 = arith.constant 250 : i32
    %add3A_31 = arith.addi %mul3A_25, %add3A_30 : i32
    "tpu.region"() ({
      %run_scoped3A = tpu.sem_alloc : memref<!tpu.dma_semaphore, #tpu.memory_space<semaphore_mem>>
      %dma_start3A_59 = arith.constant 0 : i32
      %dma_start3A_60 = tpu.memref_slice %arg7[%add3A_31, %dma_start3A_59] : memref<10000x64xf32, #tpu.memory_space<vmem_shared>> -> memref<125x64xf32, #tpu.memory_space<vmem_shared>>
      %dma_start3A_61 = arith.constant 0 : i32
      %dma_start3A_62 = tpu.memref_slice %arg7[%add3A_31, %dma_start3A_61] : memref<10000x64xf32, #tpu.memory_space<vmem_shared>> -> memref<125x64xf32, #tpu.memory_space<vmem_shared>>
      tpu.enqueue_dma source(%arg6 : memref<125x64xf32, #tpu.memory_space<vmem>>) target(%dma_start3A_62 : memref<125x64xf32, #tpu.memory_space<vmem_shared>>) target_semaphore(%run_scoped3A : memref<!tpu.dma_semaphore, #tpu.memory_space<semaphore_mem>>)
      %dma_wait3A_63 = arith.constant 0 : i32
      %dma_wait3A_64 = tpu.memref_slice %arg7[%add3A_31, %dma_wait3A_63] : memref<10000x64xf32, #tpu.memory_space<vmem_shared>> -> memref<125x64xf32, #tpu.memory_space<vmem_shared>>
      %dma_wait3A_65 = arith.constant 0 : i32
      %dma_wait3A_66 = tpu.memref_slice %arg7[%add3A_31, %dma_wait3A_65] : memref<10000x64xf32, #tpu.memory_space<vmem_shared>> -> memref<125x64xf32, #tpu.memory_space<vmem_shared>>
      tpu.wait_dma2 semaphore(%run_scoped3A : memref<!tpu.dma_semaphore, #tpu.memory_space<semaphore_mem>>) src(%arg6 : memref<125x64xf32, #tpu.memory_space<vmem>>) dst(%dma_wait3A_66 : memref<125x64xf32, #tpu.memory_space<vmem_shared>>)
      tpu.yield
    }) : () -> ()
    %add3A_32 = arith.constant 375 : i32
    %add3A_33 = arith.addi %mul3A_25, %add3A_32 : i32
    "tpu.region"() ({
      %run_scoped3A = tpu.sem_alloc : memref<!tpu.dma_semaphore, #tpu.memory_space<semaphore_mem>>
      %dma_start3A_59 = arith.constant 0 : i32
      %dma_start3A_60 = tpu.memref_slice %arg7[%add3A_33, %dma_start3A_59] : memref<10000x64xf32, #tpu.memory_space<vmem_shared>> -> memref<125x64xf32, #tpu.memory_space<vmem_shared>>
      %dma_start3A_61 = arith.constant 0 : i32
      %dma_start3A_62 = tpu.memref_slice %arg7[%add3A_33, %dma_start3A_61] : memref<10000x64xf32, #tpu.memory_space<vmem_shared>> -> memref<125x64xf32, #tpu.memory_space<vmem_shared>>
      tpu.enqueue_dma source(%arg6 : memref<125x64xf32, #tpu.memory_space<vmem>>) target(%dma_start3A_62 : memref<125x64xf32, #tpu.memory_space<vmem_shared>>) target_semaphore(%run_scoped3A : memref<!tpu.dma_semaphore, #tpu.memory_space<semaphore_mem>>)
      %dma_wait3A_63 = arith.constant 0 : i32
      %dma_wait3A_64 = tpu.memref_slice %arg7[%add3A_33, %dma_wait3A_63] : memref<10000x64xf32, #tpu.memory_space<vmem_shared>> -> memref<125x64xf32, #tpu.memory_space<vmem_shared>>
      %dma_wait3A_65 = arith.constant 0 : i32
      %dma_wait3A_66 = tpu.memref_slice %arg7[%add3A_33, %dma_wait3A_65] : memref<10000x64xf32, #tpu.memory_space<vmem_shared>> -> memref<125x64xf32, #tpu.memory_space<vmem_shared>>
      tpu.wait_dma2 semaphore(%run_scoped3A : memref<!tpu.dma_semaphore, #tpu.memory_space<semaphore_mem>>) src(%arg6 : memref<125x64xf32, #tpu.memory_space<vmem>>) dst(%dma_wait3A_66 : memref<125x64xf32, #tpu.memory_space<vmem_shared>>)
      tpu.yield
    }) : () -> ()
    %add3A_34 = arith.constant 500 : i32
    %add3A_35 = arith.addi %mul3A_25, %add3A_34 : i32
    "tpu.region"() ({
      %run_scoped3A = tpu.sem_alloc : memref<!tpu.dma_semaphore, #tpu.memory_space<semaphore_mem>>
      %dma_start3A_59 = arith.constant 0 : i32
      %dma_start3A_60 = tpu.memref_slice %arg7[%add3A_35, %dma_start3A_59] : memref<10000x64xf32, #tpu.memory_space<vmem_shared>> -> memref<125x64xf32, #tpu.memory_space<vmem_shared>>
      %dma_start3A_61 = arith.constant 0 : i32
      %dma_start3A_62 = tpu.memref_slice %arg7[%add3A_35, %dma_start3A_61] : memref<10000x64xf32, #tpu.memory_space<vmem_shared>> -> memref<125x64xf32, #tpu.memory_space<vmem_shared>>
      tpu.enqueue_dma source(%arg6 : memref<125x64xf32, #tpu.memory_space<vmem>>) target(%dma_start3A_62 : memref<125x64xf32, #tpu.memory_space<vmem_shared>>) target_semaphore(%run_scoped3A : memref<!tpu.dma_semaphore, #tpu.memory_space<semaphore_mem>>)
      %dma_wait3A_63 = arith.constant 0 : i32
      %dma_wait3A_64 = tpu.memref_slice %arg7[%add3A_35, %dma_wait3A_63] : memref<10000x64xf32, #tpu.memory_space<vmem_shared>> -> memref<125x64xf32, #tpu.memory_space<vmem_shared>>
      %dma_wait3A_65 = arith.constant 0 : i32
      %dma_wait3A_66 = tpu.memref_slice %arg7[%add3A_35, %dma_wait3A_65] : memref<10000x64xf32, #tpu.memory_space<vmem_shared>> -> memref<125x64xf32, #tpu.memory_space<vmem_shared>>
      tpu.wait_dma2 semaphore(%run_scoped3A : memref<!tpu.dma_semaphore, #tpu.memory_space<semaphore_mem>>) src(%arg6 : memref<125x64xf32, #tpu.memory_space<vmem>>) dst(%dma_wait3A_66 : memref<125x64xf32, #tpu.memory_space<vmem_shared>>)
      tpu.yield
    }) : () -> ()
    %dma_wait3A = arith.constant 0 : i32
    %dma_wait3A_36 = arith.constant 0 : i32
    %dma_wait3A_37 = tpu.memref_slice %arg2[%add3A, %dma_wait3A, %dma_wait3A_36] : memref<32x100x100xi32, #tpu.memory_space<hbm>> -> memref<1x100x100xi32, #tpu.memory_space<hbm>>
    %dma_wait3A_38 = tpu.memref_squeeze %dma_wait3A_37 : memref<1x100x100xi32, #tpu.memory_space<hbm>> -> memref<100x100xi32, #tpu.memory_space<hbm>>
    %dma_wait3A_39 = arith.constant 0 : i32
    %dma_wait3A_40 = arith.constant 0 : i32
    %dma_wait3A_41 = tpu.memref_slice %arg2[%add3A, %dma_wait3A_39, %dma_wait3A_40] : memref<32x100x100xi32, #tpu.memory_space<hbm>> -> memref<1x100x100xi32, #tpu.memory_space<hbm>>
    %dma_wait3A_42 = tpu.memref_squeeze %dma_wait3A_41 : memref<1x100x100xi32, #tpu.memory_space<hbm>> -> memref<100x100xi32, #tpu.memory_space<hbm>>
    tpu.wait_dma2 semaphore(%arg8 : memref<!tpu.dma_semaphore, #tpu.memory_space<semaphore_mem>>) src(%dma_wait3A_42 : memref<100x100xi32, #tpu.memory_space<hbm>>) dst(%arg4 : memref<100x100xi32, #tpu.memory_space<vmem>>)
    %barrier3A = arith.constant 0 : index
    tpu.barrier barrier_id(%barrier3A)
    %scan3A_43 = arith.constant 0 : i32
    %scan3A_44 = arith.constant 0 : i32
    %scan3A_45 = arith.constant 100 : i32
    %scan3A_46 = arith.addi %scan3A_44, %scan3A_45 : i32
    %scan3A_47 = arith.constant 1 : i32
    %scan3A_48 = scf.for %scan3A_59 = %scan3A_44 to %scan3A_46 step %scan3A_47 iter_args(%scan3A_60 = %scan3A_43) -> (i32)  : i32 {
      "tpu.region"() ({
        %run_scoped3A = tpu.sem_alloc : memref<!tpu.dma_semaphore, #tpu.memory_space<semaphore_mem>>
        %dma_start3A_62 = arith.constant 0 : i32
        %dma_start3A_63 = tpu.memref_slice %arg4[%scan3A_59, %dma_start3A_62] : memref<100x100xi32, #tpu.memory_space<vmem>> -> memref<1x100xi32, #tpu.memory_space<vmem>>
        %dma_start3A_64 = tpu.memref_squeeze %dma_start3A_63 : memref<1x100xi32, #tpu.memory_space<vmem>> -> memref<100xi32, #tpu.memory_space<vmem>>
        %dma_start3A_65 = arith.constant 0 : i32
        %dma_start3A_66 = arith.constant 0 : i32
        %dma_start3A_67 = tpu.memref_slice %arg7[%dma_start3A_65, %dma_start3A_66] : memref<10000x64xf32, #tpu.memory_space<vmem_shared>> -> memref<10000x64xf32, #tpu.memory_space<vmem_shared>>
        tpu.enqueue_indirect_dma source(%arg5 : memref<100x64xf32, #tpu.memory_space<vmem>>) target(%dma_start3A_67 : memref<10000x64xf32, #tpu.memory_space<vmem_shared>>) offsets(%dma_start3A_64 : memref<100xi32, #tpu.memory_space<vmem>>) semaphore(%run_scoped3A : memref<!tpu.dma_semaphore, #tpu.memory_space<semaphore_mem>>) {add = true}
        %dma_wait3A_68 = arith.constant 0 : i32
        %dma_wait3A_69 = tpu.memref_slice %arg4[%scan3A_59, %dma_wait3A_68] : memref<100x100xi32, #tpu.memory_space<vmem>> -> memref<1x100xi32, #tpu.memory_space<vmem>>
        %dma_wait3A_70 = tpu.memref_squeeze %dma_wait3A_69 : memref<1x100xi32, #tpu.memory_space<vmem>> -> memref<100xi32, #tpu.memory_space<vmem>>
        %dma_wait3A_71 = arith.constant 0 : i32
        %dma_wait3A_72 = arith.constant 0 : i32
        %dma_wait3A_73 = tpu.memref_slice %arg7[%dma_wait3A_71, %dma_wait3A_72] : memref<10000x64xf32, #tpu.memory_space<vmem_shared>> -> memref<10000x64xf32, #tpu.memory_space<vmem_shared>>
        tpu.wait_indirect_dma semaphore(%run_scoped3A : memref<!tpu.dma_semaphore, #tpu.memory_space<semaphore_mem>>) src(%arg5 : memref<100x64xf32, #tpu.memory_space<vmem>>) dst(%dma_wait3A_73 : memref<10000x64xf32, #tpu.memory_space<vmem_shared>>)
        tpu.yield
      }) : () -> ()
      %scan3A_61 = arith.constant 0 : i32
      scf.yield %scan3A_61 : i32
    }
    %scan3A_49 = arith.constant 100 : i32
    %barrier3A_50 = arith.constant 0 : index
    tpu.barrier barrier_id(%barrier3A_50)
    %mul3A_51 = arith.constant 632 : i32
    %mul3A_52 = arith.muli %arg1, %mul3A_51 : i32
    %multiple_of3A = tpu.assume_multiple %mul3A_52, 8 : i32
    %lt3A = arith.constant 15 : i32
    %lt3A_53 = arith.cmpi slt, %arg1, %lt3A : i32
    %convert_element_type3A = arith.extui %lt3A_53 : i1 to i32
    %cond3A = arith.constant 0 : i32
    %cond3A_54 = arith.cmpi ne, %convert_element_type3A, %cond3A : i32
    scf.if %cond3A_54 {
      "tpu.region"() ({
        %run_scoped3A = tpu.sem_alloc : memref<!tpu.dma_semaphore, #tpu.memory_space<semaphore_mem>>
        %dma_start3A_59 = arith.constant 0 : i32
        %dma_start3A_60 = tpu.memref_slice %arg3[%arg0, %multiple_of3A, %dma_start3A_59] : memref<2x10000x64xf32, #tpu.memory_space<hbm>> -> memref<1x632x64xf32, #tpu.memory_space<hbm>>
        %dma_start3A_61 = tpu.memref_squeeze %dma_start3A_60 : memref<1x632x64xf32, #tpu.memory_space<hbm>> -> memref<632x64xf32, #tpu.memory_space<hbm>>
        %dma_start3A_62 = arith.constant 0 : i32
        %dma_start3A_63 = tpu.memref_slice %arg7[%multiple_of3A, %dma_start3A_62] : memref<10000x64xf32, #tpu.memory_space<vmem_shared>> -> memref<632x64xf32, #tpu.memory_space<vmem_shared>>
        tpu.enqueue_dma source(%dma_start3A_63 : memref<632x64xf32, #tpu.memory_space<vmem_shared>>) target(%dma_start3A_61 : memref<632x64xf32, #tpu.memory_space<hbm>>) target_semaphore(%run_scoped3A : memref<!tpu.dma_semaphore, #tpu.memory_space<semaphore_mem>>)
        %dma_wait3A_64 = arith.constant 0 : i32
        %dma_wait3A_65 = tpu.memref_slice %arg3[%arg0, %multiple_of3A, %dma_wait3A_64] : memref<2x10000x64xf32, #tpu.memory_space<hbm>> -> memref<1x632x64xf32, #tpu.memory_space<hbm>>
        %dma_wait3A_66 = tpu.memref_squeeze %dma_wait3A_65 : memref<1x632x64xf32, #tpu.memory_space<hbm>> -> memref<632x64xf32, #tpu.memory_space<hbm>>
        %dma_wait3A_67 = arith.constant 0 : i32
        %dma_wait3A_68 = tpu.memref_slice %arg7[%multiple_of3A, %dma_wait3A_67] : memref<10000x64xf32, #tpu.memory_space<vmem_shared>> -> memref<632x64xf32, #tpu.memory_space<vmem_shared>>
        tpu.wait_dma2 semaphore(%run_scoped3A : memref<!tpu.dma_semaphore, #tpu.memory_space<semaphore_mem>>) src(%dma_wait3A_68 : memref<632x64xf32, #tpu.memory_space<vmem_shared>>) dst(%dma_wait3A_66 : memref<632x64xf32, #tpu.memory_space<hbm>>)
        tpu.yield
      }) : () -> ()
    } else {
    }
    %eq3A = arith.constant 15 : i32
    %eq3A_55 = arith.cmpi eq, %arg1, %eq3A : i32
    %convert_element_type3A_56 = arith.extui %eq3A_55 : i1 to i32
    %cond3A_57 = arith.constant 0 : i32
    %cond3A_58 = arith.cmpi ne, %convert_element_type3A_56, %cond3A_57 : i32
    scf.if %cond3A_58 {
      "tpu.region"() ({
        %run_scoped3A = tpu.sem_alloc : memref<!tpu.dma_semaphore, #tpu.memory_space<semaphore_mem>>
        %dma_start3A_59 = arith.constant 0 : i32
        %dma_start3A_60 = tpu.memref_slice %arg3[%arg0, %multiple_of3A, %dma_start3A_59] : memref<2x10000x64xf32, #tpu.memory_space<hbm>> -> memref<1x520x64xf32, #tpu.memory_space<hbm>>
        %dma_start3A_61 = tpu.memref_squeeze %dma_start3A_60 : memref<1x520x64xf32, #tpu.memory_space<hbm>> -> memref<520x64xf32, #tpu.memory_space<hbm>>
        %dma_start3A_62 = arith.constant 0 : i32
        %dma_start3A_63 = tpu.memref_slice %arg7[%multiple_of3A, %dma_start3A_62] : memref<10000x64xf32, #tpu.memory_space<vmem_shared>> -> memref<520x64xf32, #tpu.memory_space<vmem_shared>>
        tpu.enqueue_dma source(%dma_start3A_63 : memref<520x64xf32, #tpu.memory_space<vmem_shared>>) target(%dma_start3A_61 : memref<520x64xf32, #tpu.memory_space<hbm>>) target_semaphore(%run_scoped3A : memref<!tpu.dma_semaphore, #tpu.memory_space<semaphore_mem>>)
        %dma_wait3A_64 = arith.constant 0 : i32
        %dma_wait3A_65 = tpu.memref_slice %arg3[%arg0, %multiple_of3A, %dma_wait3A_64] : memref<2x10000x64xf32, #tpu.memory_space<hbm>> -> memref<1x520x64xf32, #tpu.memory_space<hbm>>
        %dma_wait3A_66 = tpu.memref_squeeze %dma_wait3A_65 : memref<1x520x64xf32, #tpu.memory_space<hbm>> -> memref<520x64xf32, #tpu.memory_space<hbm>>
        %dma_wait3A_67 = arith.constant 0 : i32
        %dma_wait3A_68 = tpu.memref_slice %arg7[%multiple_of3A, %dma_wait3A_67] : memref<10000x64xf32, #tpu.memory_space<vmem_shared>> -> memref<520x64xf32, #tpu.memory_space<vmem_shared>>
        tpu.wait_dma2 semaphore(%run_scoped3A : memref<!tpu.dma_semaphore, #tpu.memory_space<semaphore_mem>>) src(%dma_wait3A_68 : memref<520x64xf32, #tpu.memory_space<vmem_shared>>) dst(%dma_wait3A_66 : memref<520x64xf32, #tpu.memory_space<hbm>>)
        tpu.yield
      }) : () -> ()
    } else {
    }
    return
  }
}

#map = affine_map<(d0, d1) -> (0, 0)>
#map1 = affine_map<(d0, d1) -> (0, 0, 0, 0)>
#map2 = affine_map<(d0, d1) -> (0, 0, 0)>
module attributes {stable_mosaic.version = 14 : i64} {
  func.func @_segsum_kernel(%arg0: i32, %arg1: i32, %arg2: memref<20000x64xf32, #tpu.memory_space<hbm>>, %arg3: memref<2x16x200x100xi32, #tpu.memory_space<hbm>>, %arg4: memref<16x200x100xi32, #tpu.memory_space<hbm>>, %arg5: memref<2x10000x64xf32, #tpu.memory_space<hbm>>, %arg6: memref<200x100xi32, #tpu.memory_space<vmem>>, %arg7: memref<200x100xi32, #tpu.memory_space<vmem>>, %arg8: memref<100x64xf32, #tpu.memory_space<vmem>>, %arg9: memref<100x64xf32, #tpu.memory_space<vmem>>, %arg10: memref<100x64xf32, #tpu.memory_space<vmem>>, %arg11: memref<100x64xf32, #tpu.memory_space<vmem>>, %arg12: memref<125x64xf32, #tpu.memory_space<vmem>>, %arg13: memref<10000x64xf32, #tpu.memory_space<vmem_shared>>, %arg14: memref<!tpu.dma_semaphore, #tpu.memory_space<semaphore_mem>>, %arg15: memref<!tpu.dma_semaphore, #tpu.memory_space<semaphore_mem>>, %arg16: memref<!tpu.dma_semaphore, #tpu.memory_space<semaphore_mem>>, %arg17: memref<!tpu.dma_semaphore, #tpu.memory_space<semaphore_mem>>, %arg18: memref<!tpu.dma_semaphore, #tpu.memory_space<semaphore_mem>>, %arg19: memref<!tpu.dma_semaphore, #tpu.memory_space<semaphore_mem>>, %arg20: memref<!tpu.dma_semaphore, #tpu.memory_space<semaphore_mem>>, %arg21: memref<!tpu.dma_semaphore, #tpu.memory_space<semaphore_mem>>) attributes {dimension_semantics = [#tpu.dimension_semantics<core_parallel>, #tpu.dimension_semantics<subcore_parallel>], iteration_bounds = array<i64: 2, 16>, scalar_prefetch = 0 : i64, scratch_operands = 16 : i64, tpu.core_type = #tpu.core_type<sc_vector_subcore>, window_params = [{transform_indices = #map}, {transform_indices = #map1}, {transform_indices = #map2}, {transform_indices = #map2}]} {
    %broadcast_in_dim3A = arith.constant 0.000000e+00 : f32
    %broadcast_in_dim3A_0 = vector.broadcast %broadcast_in_dim3A : f32 to vector<16xf32>
    %dma_start3A = arith.constant 0 : i32
    %dma_start3A_1 = arith.constant 0 : i32
    %dma_start3A_2 = tpu.memref_slice %arg3[%arg0, %arg1, %dma_start3A, %dma_start3A_1] : memref<2x16x200x100xi32, #tpu.memory_space<hbm>> -> memref<1x1x200x100xi32, #tpu.memory_space<hbm>>
    %dma_start3A_3 = tpu.memref_squeeze %dma_start3A_2 : memref<1x1x200x100xi32, #tpu.memory_space<hbm>> -> memref<200x100xi32, #tpu.memory_space<hbm>>
    %dma_start3A_4 = arith.constant 0 : i32
    %dma_start3A_5 = arith.constant 0 : i32
    %dma_start3A_6 = tpu.memref_slice %arg3[%arg0, %arg1, %dma_start3A_4, %dma_start3A_5] : memref<2x16x200x100xi32, #tpu.memory_space<hbm>> -> memref<1x1x200x100xi32, #tpu.memory_space<hbm>>
    %dma_start3A_7 = tpu.memref_squeeze %dma_start3A_6 : memref<1x1x200x100xi32, #tpu.memory_space<hbm>> -> memref<200x100xi32, #tpu.memory_space<hbm>>
    tpu.enqueue_dma source(%dma_start3A_7 : memref<200x100xi32, #tpu.memory_space<hbm>>) target(%arg6 : memref<200x100xi32, #tpu.memory_space<vmem>>) target_semaphore(%arg14 : memref<!tpu.dma_semaphore, #tpu.memory_space<semaphore_mem>>)
    %dma_start3A_8 = arith.constant 0 : i32
    %dma_start3A_9 = arith.constant 0 : i32
    %dma_start3A_10 = tpu.memref_slice %arg4[%arg1, %dma_start3A_8, %dma_start3A_9] : memref<16x200x100xi32, #tpu.memory_space<hbm>> -> memref<1x200x100xi32, #tpu.memory_space<hbm>>
    %dma_start3A_11 = tpu.memref_squeeze %dma_start3A_10 : memref<1x200x100xi32, #tpu.memory_space<hbm>> -> memref<200x100xi32, #tpu.memory_space<hbm>>
    %dma_start3A_12 = arith.constant 0 : i32
    %dma_start3A_13 = arith.constant 0 : i32
    %dma_start3A_14 = tpu.memref_slice %arg4[%arg1, %dma_start3A_12, %dma_start3A_13] : memref<16x200x100xi32, #tpu.memory_space<hbm>> -> memref<1x200x100xi32, #tpu.memory_space<hbm>>
    %dma_start3A_15 = tpu.memref_squeeze %dma_start3A_14 : memref<1x200x100xi32, #tpu.memory_space<hbm>> -> memref<200x100xi32, #tpu.memory_space<hbm>>
    tpu.enqueue_dma source(%dma_start3A_15 : memref<200x100xi32, #tpu.memory_space<hbm>>) target(%arg7 : memref<200x100xi32, #tpu.memory_space<vmem>>) target_semaphore(%arg15 : memref<!tpu.dma_semaphore, #tpu.memory_space<semaphore_mem>>)
    %scan3A = arith.constant 0 : i32
    %scan3A_16 = arith.constant 0 : i32
    %scan3A_17 = arith.constant 125 : i32
    %scan3A_18 = arith.addi %scan3A_16, %scan3A_17 : i32
    %scan3A_19 = arith.constant 1 : i32
    %scan3A_20 = scf.for %scan3A_119 = %scan3A_16 to %scan3A_18 step %scan3A_19 iter_args(%scan3A_120 = %scan3A) -> (i32)  : i32 {
      %swap3A = arith.index_cast %scan3A_119 : i32 to index
      %swap3A_121 = arith.constant 0 : index
      %swap3A_122 = tpu.vector_load %arg12[%swap3A, %swap3A_121] {strides = array<i32>} : memref<125x64xf32, #tpu.memory_space<vmem>>, vector<1x16xf32>,
      %swap3A_123 = vector.shape_cast %swap3A_122 : vector<1x16xf32> to vector<16xf32>
      %swap3A_124 = vector.shape_cast %broadcast_in_dim3A_0 : vector<16xf32> to vector<1x16xf32>
      tpu.vector_store %arg12[%swap3A, %swap3A_121], %swap3A_124 {strides = array<i32>} : memref<125x64xf32, #tpu.memory_space<vmem>>, vector<1x16xf32>,
      %swap3A_125 = arith.index_cast %scan3A_119 : i32 to index
      %swap3A_126 = arith.constant 16 : index
      %swap3A_127 = tpu.vector_load %arg12[%swap3A_125, %swap3A_126] {strides = array<i32>} : memref<125x64xf32, #tpu.memory_space<vmem>>, vector<1x16xf32>,
      %swap3A_128 = vector.shape_cast %swap3A_127 : vector<1x16xf32> to vector<16xf32>
      %swap3A_129 = vector.shape_cast %broadcast_in_dim3A_0 : vector<16xf32> to vector<1x16xf32>
      tpu.vector_store %arg12[%swap3A_125, %swap3A_126], %swap3A_129 {strides = array<i32>} : memref<125x64xf32, #tpu.memory_space<vmem>>, vector<1x16xf32>,
      %swap3A_130 = arith.index_cast %scan3A_119 : i32 to index
      %swap3A_131 = arith.constant 32 : index
      %swap3A_132 = tpu.vector_load %arg12[%swap3A_130, %swap3A_131] {strides = array<i32>} : memref<125x64xf32, #tpu.memory_space<vmem>>, vector<1x16xf32>,
      %swap3A_133 = vector.shape_cast %swap3A_132 : vector<1x16xf32> to vector<16xf32>
      %swap3A_134 = vector.shape_cast %broadcast_in_dim3A_0 : vector<16xf32> to vector<1x16xf32>
      tpu.vector_store %arg12[%swap3A_130, %swap3A_131], %swap3A_134 {strides = array<i32>} : memref<125x64xf32, #tpu.memory_space<vmem>>, vector<1x16xf32>,
      %swap3A_135 = arith.index_cast %scan3A_119 : i32 to index
      %swap3A_136 = arith.constant 48 : index
      %swap3A_137 = tpu.vector_load %arg12[%swap3A_135, %swap3A_136] {strides = array<i32>} : memref<125x64xf32, #tpu.memory_space<vmem>>, vector<1x16xf32>,
      %swap3A_138 = vector.shape_cast %swap3A_137 : vector<1x16xf32> to vector<16xf32>
      %swap3A_139 = vector.shape_cast %broadcast_in_dim3A_0 : vector<16xf32> to vector<1x16xf32>
      tpu.vector_store %arg12[%swap3A_135, %swap3A_136], %swap3A_139 {strides = array<i32>} : memref<125x64xf32, #tpu.memory_space<vmem>>, vector<1x16xf32>,
      %scan3A_140 = arith.constant 0 : i32
      scf.yield %scan3A_140 : i32
    }
    %scan3A_21 = arith.constant 125 : i32
    %mul3A = arith.constant 625 : i32
    %mul3A_22 = arith.muli %arg1, %mul3A : i32
    %add3A = arith.constant 0 : i32
    %add3A_23 = arith.addi %mul3A_22, %add3A : i32
    "tpu.region"() ({
      %run_scoped3A = tpu.sem_alloc : memref<!tpu.dma_semaphore, #tpu.memory_space<semaphore_mem>>
      %dma_start3A_119 = arith.constant 0 : i32
      %dma_start3A_120 = tpu.memref_slice %arg13[%add3A_23, %dma_start3A_119] : memref<10000x64xf32, #tpu.memory_space<vmem_shared>> -> memref<125x64xf32, #tpu.memory_space<vmem_shared>>
      %dma_start3A_121 = arith.constant 0 : i32
      %dma_start3A_122 = tpu.memref_slice %arg13[%add3A_23, %dma_start3A_121] : memref<10000x64xf32, #tpu.memory_space<vmem_shared>> -> memref<125x64xf32, #tpu.memory_space<vmem_shared>>
      tpu.enqueue_dma source(%arg12 : memref<125x64xf32, #tpu.memory_space<vmem>>) target(%dma_start3A_122 : memref<125x64xf32, #tpu.memory_space<vmem_shared>>) target_semaphore(%run_scoped3A : memref<!tpu.dma_semaphore, #tpu.memory_space<semaphore_mem>>)
      %dma_wait3A_123 = arith.constant 0 : i32
      %dma_wait3A_124 = tpu.memref_slice %arg13[%add3A_23, %dma_wait3A_123] : memref<10000x64xf32, #tpu.memory_space<vmem_shared>> -> memref<125x64xf32, #tpu.memory_space<vmem_shared>>
      %dma_wait3A_125 = arith.constant 0 : i32
      %dma_wait3A_126 = tpu.memref_slice %arg13[%add3A_23, %dma_wait3A_125] : memref<10000x64xf32, #tpu.memory_space<vmem_shared>> -> memref<125x64xf32, #tpu.memory_space<vmem_shared>>
      tpu.wait_dma2 semaphore(%run_scoped3A : memref<!tpu.dma_semaphore, #tpu.memory_space<semaphore_mem>>) src(%arg12 : memref<125x64xf32, #tpu.memory_space<vmem>>) dst(%dma_wait3A_126 : memref<125x64xf32, #tpu.memory_space<vmem_shared>>)
      tpu.yield
    }) : () -> ()
    %add3A_24 = arith.constant 125 : i32
    %add3A_25 = arith.addi %mul3A_22, %add3A_24 : i32
    "tpu.region"() ({
      %run_scoped3A = tpu.sem_alloc : memref<!tpu.dma_semaphore, #tpu.memory_space<semaphore_mem>>
      %dma_start3A_119 = arith.constant 0 : i32
      %dma_start3A_120 = tpu.memref_slice %arg13[%add3A_25, %dma_start3A_119] : memref<10000x64xf32, #tpu.memory_space<vmem_shared>> -> memref<125x64xf32, #tpu.memory_space<vmem_shared>>
      %dma_start3A_121 = arith.constant 0 : i32
      %dma_start3A_122 = tpu.memref_slice %arg13[%add3A_25, %dma_start3A_121] : memref<10000x64xf32, #tpu.memory_space<vmem_shared>> -> memref<125x64xf32, #tpu.memory_space<vmem_shared>>
      tpu.enqueue_dma source(%arg12 : memref<125x64xf32, #tpu.memory_space<vmem>>) target(%dma_start3A_122 : memref<125x64xf32, #tpu.memory_space<vmem_shared>>) target_semaphore(%run_scoped3A : memref<!tpu.dma_semaphore, #tpu.memory_space<semaphore_mem>>)
      %dma_wait3A_123 = arith.constant 0 : i32
      %dma_wait3A_124 = tpu.memref_slice %arg13[%add3A_25, %dma_wait3A_123] : memref<10000x64xf32, #tpu.memory_space<vmem_shared>> -> memref<125x64xf32, #tpu.memory_space<vmem_shared>>
      %dma_wait3A_125 = arith.constant 0 : i32
      %dma_wait3A_126 = tpu.memref_slice %arg13[%add3A_25, %dma_wait3A_125] : memref<10000x64xf32, #tpu.memory_space<vmem_shared>> -> memref<125x64xf32, #tpu.memory_space<vmem_shared>>
      tpu.wait_dma2 semaphore(%run_scoped3A : memref<!tpu.dma_semaphore, #tpu.memory_space<semaphore_mem>>) src(%arg12 : memref<125x64xf32, #tpu.memory_space<vmem>>) dst(%dma_wait3A_126 : memref<125x64xf32, #tpu.memory_space<vmem_shared>>)
      tpu.yield
    }) : () -> ()
    %add3A_26 = arith.constant 250 : i32
    %add3A_27 = arith.addi %mul3A_22, %add3A_26 : i32
    "tpu.region"() ({
      %run_scoped3A = tpu.sem_alloc : memref<!tpu.dma_semaphore, #tpu.memory_space<semaphore_mem>>
      %dma_start3A_119 = arith.constant 0 : i32
      %dma_start3A_120 = tpu.memref_slice %arg13[%add3A_27, %dma_start3A_119] : memref<10000x64xf32, #tpu.memory_space<vmem_shared>> -> memref<125x64xf32, #tpu.memory_space<vmem_shared>>
      %dma_start3A_121 = arith.constant 0 : i32
      %dma_start3A_122 = tpu.memref_slice %arg13[%add3A_27, %dma_start3A_121] : memref<10000x64xf32, #tpu.memory_space<vmem_shared>> -> memref<125x64xf32, #tpu.memory_space<vmem_shared>>
      tpu.enqueue_dma source(%arg12 : memref<125x64xf32, #tpu.memory_space<vmem>>) target(%dma_start3A_122 : memref<125x64xf32, #tpu.memory_space<vmem_shared>>) target_semaphore(%run_scoped3A : memref<!tpu.dma_semaphore, #tpu.memory_space<semaphore_mem>>)
      %dma_wait3A_123 = arith.constant 0 : i32
      %dma_wait3A_124 = tpu.memref_slice %arg13[%add3A_27, %dma_wait3A_123] : memref<10000x64xf32, #tpu.memory_space<vmem_shared>> -> memref<125x64xf32, #tpu.memory_space<vmem_shared>>
      %dma_wait3A_125 = arith.constant 0 : i32
      %dma_wait3A_126 = tpu.memref_slice %arg13[%add3A_27, %dma_wait3A_125] : memref<10000x64xf32, #tpu.memory_space<vmem_shared>> -> memref<125x64xf32, #tpu.memory_space<vmem_shared>>
      tpu.wait_dma2 semaphore(%run_scoped3A : memref<!tpu.dma_semaphore, #tpu.memory_space<semaphore_mem>>) src(%arg12 : memref<125x64xf32, #tpu.memory_space<vmem>>) dst(%dma_wait3A_126 : memref<125x64xf32, #tpu.memory_space<vmem_shared>>)
      tpu.yield
    }) : () -> ()
    %add3A_28 = arith.constant 375 : i32
    %add3A_29 = arith.addi %mul3A_22, %add3A_28 : i32
    "tpu.region"() ({
      %run_scoped3A = tpu.sem_alloc : memref<!tpu.dma_semaphore, #tpu.memory_space<semaphore_mem>>
      %dma_start3A_119 = arith.constant 0 : i32
      %dma_start3A_120 = tpu.memref_slice %arg13[%add3A_29, %dma_start3A_119] : memref<10000x64xf32, #tpu.memory_space<vmem_shared>> -> memref<125x64xf32, #tpu.memory_space<vmem_shared>>
      %dma_start3A_121 = arith.constant 0 : i32
      %dma_start3A_122 = tpu.memref_slice %arg13[%add3A_29, %dma_start3A_121] : memref<10000x64xf32, #tpu.memory_space<vmem_shared>> -> memref<125x64xf32, #tpu.memory_space<vmem_shared>>
      tpu.enqueue_dma source(%arg12 : memref<125x64xf32, #tpu.memory_space<vmem>>) target(%dma_start3A_122 : memref<125x64xf32, #tpu.memory_space<vmem_shared>>) target_semaphore(%run_scoped3A : memref<!tpu.dma_semaphore, #tpu.memory_space<semaphore_mem>>)
      %dma_wait3A_123 = arith.constant 0 : i32
      %dma_wait3A_124 = tpu.memref_slice %arg13[%add3A_29, %dma_wait3A_123] : memref<10000x64xf32, #tpu.memory_space<vmem_shared>> -> memref<125x64xf32, #tpu.memory_space<vmem_shared>>
      %dma_wait3A_125 = arith.constant 0 : i32
      %dma_wait3A_126 = tpu.memref_slice %arg13[%add3A_29, %dma_wait3A_125] : memref<10000x64xf32, #tpu.memory_space<vmem_shared>> -> memref<125x64xf32, #tpu.memory_space<vmem_shared>>
      tpu.wait_dma2 semaphore(%run_scoped3A : memref<!tpu.dma_semaphore, #tpu.memory_space<semaphore_mem>>) src(%arg12 : memref<125x64xf32, #tpu.memory_space<vmem>>) dst(%dma_wait3A_126 : memref<125x64xf32, #tpu.memory_space<vmem_shared>>)
      tpu.yield
    }) : () -> ()
    %add3A_30 = arith.constant 500 : i32
    %add3A_31 = arith.addi %mul3A_22, %add3A_30 : i32
    "tpu.region"() ({
      %run_scoped3A = tpu.sem_alloc : memref<!tpu.dma_semaphore, #tpu.memory_space<semaphore_mem>>
      %dma_start3A_119 = arith.constant 0 : i32
      %dma_start3A_120 = tpu.memref_slice %arg13[%add3A_31, %dma_start3A_119] : memref<10000x64xf32, #tpu.memory_space<vmem_shared>> -> memref<125x64xf32, #tpu.memory_space<vmem_shared>>
      %dma_start3A_121 = arith.constant 0 : i32
      %dma_start3A_122 = tpu.memref_slice %arg13[%add3A_31, %dma_start3A_121] : memref<10000x64xf32, #tpu.memory_space<vmem_shared>> -> memref<125x64xf32, #tpu.memory_space<vmem_shared>>
      tpu.enqueue_dma source(%arg12 : memref<125x64xf32, #tpu.memory_space<vmem>>) target(%dma_start3A_122 : memref<125x64xf32, #tpu.memory_space<vmem_shared>>) target_semaphore(%run_scoped3A : memref<!tpu.dma_semaphore, #tpu.memory_space<semaphore_mem>>)
      %dma_wait3A_123 = arith.constant 0 : i32
      %dma_wait3A_124 = tpu.memref_slice %arg13[%add3A_31, %dma_wait3A_123] : memref<10000x64xf32, #tpu.memory_space<vmem_shared>> -> memref<125x64xf32, #tpu.memory_space<vmem_shared>>
      %dma_wait3A_125 = arith.constant 0 : i32
      %dma_wait3A_126 = tpu.memref_slice %arg13[%add3A_31, %dma_wait3A_125] : memref<10000x64xf32, #tpu.memory_space<vmem_shared>> -> memref<125x64xf32, #tpu.memory_space<vmem_shared>>
      tpu.wait_dma2 semaphore(%run_scoped3A : memref<!tpu.dma_semaphore, #tpu.memory_space<semaphore_mem>>) src(%arg12 : memref<125x64xf32, #tpu.memory_space<vmem>>) dst(%dma_wait3A_126 : memref<125x64xf32, #tpu.memory_space<vmem_shared>>)
      tpu.yield
    }) : () -> ()
    %dma_wait3A = arith.constant 0 : i32
    %dma_wait3A_32 = arith.constant 0 : i32
    %dma_wait3A_33 = tpu.memref_slice %arg3[%arg0, %arg1, %dma_wait3A, %dma_wait3A_32] : memref<2x16x200x100xi32, #tpu.memory_space<hbm>> -> memref<1x1x200x100xi32, #tpu.memory_space<hbm>>
    %dma_wait3A_34 = tpu.memref_squeeze %dma_wait3A_33 : memref<1x1x200x100xi32, #tpu.memory_space<hbm>> -> memref<200x100xi32, #tpu.memory_space<hbm>>
    %dma_wait3A_35 = arith.constant 0 : i32
    %dma_wait3A_36 = arith.constant 0 : i32
    %dma_wait3A_37 = tpu.memref_slice %arg3[%arg0, %arg1, %dma_wait3A_35, %dma_wait3A_36] : memref<2x16x200x100xi32, #tpu.memory_space<hbm>> -> memref<1x1x200x100xi32, #tpu.memory_space<hbm>>
    %dma_wait3A_38 = tpu.memref_squeeze %dma_wait3A_37 : memref<1x1x200x100xi32, #tpu.memory_space<hbm>> -> memref<200x100xi32, #tpu.memory_space<hbm>>
    tpu.wait_dma2 semaphore(%arg14 : memref<!tpu.dma_semaphore, #tpu.memory_space<semaphore_mem>>) src(%dma_wait3A_38 : memref<200x100xi32, #tpu.memory_space<hbm>>) dst(%arg6 : memref<200x100xi32, #tpu.memory_space<vmem>>)
    %dma_wait3A_39 = arith.constant 0 : i32
    %dma_wait3A_40 = arith.constant 0 : i32
    %dma_wait3A_41 = tpu.memref_slice %arg4[%arg1, %dma_wait3A_39, %dma_wait3A_40] : memref<16x200x100xi32, #tpu.memory_space<hbm>> -> memref<1x200x100xi32, #tpu.memory_space<hbm>>
    %dma_wait3A_42 = tpu.memref_squeeze %dma_wait3A_41 : memref<1x200x100xi32, #tpu.memory_space<hbm>> -> memref<200x100xi32, #tpu.memory_space<hbm>>
    %dma_wait3A_43 = arith.constant 0 : i32
    %dma_wait3A_44 = arith.constant 0 : i32
    %dma_wait3A_45 = tpu.memref_slice %arg4[%arg1, %dma_wait3A_43, %dma_wait3A_44] : memref<16x200x100xi32, #tpu.memory_space<hbm>> -> memref<1x200x100xi32, #tpu.memory_space<hbm>>
    %dma_wait3A_46 = tpu.memref_squeeze %dma_wait3A_45 : memref<1x200x100xi32, #tpu.memory_space<hbm>> -> memref<200x100xi32, #tpu.memory_space<hbm>>
    tpu.wait_dma2 semaphore(%arg15 : memref<!tpu.dma_semaphore, #tpu.memory_space<semaphore_mem>>) src(%dma_wait3A_46 : memref<200x100xi32, #tpu.memory_space<hbm>>) dst(%arg7 : memref<200x100xi32, #tpu.memory_space<vmem>>)
    %dma_start3A_47 = arith.constant 0 : i32
    %dma_start3A_48 = arith.constant 0 : i32
    %dma_start3A_49 = tpu.memref_slice %arg6[%dma_start3A_47, %dma_start3A_48] : memref<200x100xi32, #tpu.memory_space<vmem>> -> memref<1x100xi32, #tpu.memory_space<vmem>>
    %dma_start3A_50 = tpu.memref_squeeze %dma_start3A_49 : memref<1x100xi32, #tpu.memory_space<vmem>> -> memref<100xi32, #tpu.memory_space<vmem>>
    %dma_start3A_51 = arith.constant 0 : i32
    %dma_start3A_52 = arith.constant 0 : i32
    %dma_start3A_53 = tpu.memref_slice %arg2[%dma_start3A_51, %dma_start3A_52] : memref<20000x64xf32, #tpu.memory_space<hbm>> -> memref<20000x64xf32, #tpu.memory_space<hbm>>
    tpu.enqueue_indirect_dma source(%dma_start3A_53 : memref<20000x64xf32, #tpu.memory_space<hbm>>) target(%arg8 : memref<100x64xf32, #tpu.memory_space<vmem>>) offsets(%dma_start3A_50 : memref<100xi32, #tpu.memory_space<vmem>>) semaphore(%arg14 : memref<!tpu.dma_semaphore, #tpu.memory_space<semaphore_mem>>)
    %dma_start3A_54 = arith.constant 1 : i32
    %dma_start3A_55 = arith.constant 0 : i32
    %dma_start3A_56 = tpu.memref_slice %arg6[%dma_start3A_54, %dma_start3A_55] : memref<200x100xi32, #tpu.memory_space<vmem>> -> memref<1x100xi32, #tpu.memory_space<vmem>>
    %dma_start3A_57 = tpu.memref_squeeze %dma_start3A_56 : memref<1x100xi32, #tpu.memory_space<vmem>> -> memref<100xi32, #tpu.memory_space<vmem>>
    %dma_start3A_58 = arith.constant 0 : i32
    %dma_start3A_59 = arith.constant 0 : i32
    %dma_start3A_60 = tpu.memref_slice %arg2[%dma_start3A_58, %dma_start3A_59] : memref<20000x64xf32, #tpu.memory_space<hbm>> -> memref<20000x64xf32, #tpu.memory_space<hbm>>
    tpu.enqueue_indirect_dma source(%dma_start3A_60 : memref<20000x64xf32, #tpu.memory_space<hbm>>) target(%arg9 : memref<100x64xf32, #tpu.memory_space<vmem>>) offsets(%dma_start3A_57 : memref<100xi32, #tpu.memory_space<vmem>>) semaphore(%arg15 : memref<!tpu.dma_semaphore, #tpu.memory_space<semaphore_mem>>)
    %dma_start3A_61 = arith.constant 2 : i32
    %dma_start3A_62 = arith.constant 0 : i32
    %dma_start3A_63 = tpu.memref_slice %arg6[%dma_start3A_61, %dma_start3A_62] : memref<200x100xi32, #tpu.memory_space<vmem>> -> memref<1x100xi32, #tpu.memory_space<vmem>>
    %dma_start3A_64 = tpu.memref_squeeze %dma_start3A_63 : memref<1x100xi32, #tpu.memory_space<vmem>> -> memref<100xi32, #tpu.memory_space<vmem>>
    %dma_start3A_65 = arith.constant 0 : i32
    %dma_start3A_66 = arith.constant 0 : i32
    %dma_start3A_67 = tpu.memref_slice %arg2[%dma_start3A_65, %dma_start3A_66] : memref<20000x64xf32, #tpu.memory_space<hbm>> -> memref<20000x64xf32, #tpu.memory_space<hbm>>
    tpu.enqueue_indirect_dma source(%dma_start3A_67 : memref<20000x64xf32, #tpu.memory_space<hbm>>) target(%arg10 : memref<100x64xf32, #tpu.memory_space<vmem>>) offsets(%dma_start3A_64 : memref<100xi32, #tpu.memory_space<vmem>>) semaphore(%arg16 : memref<!tpu.dma_semaphore, #tpu.memory_space<semaphore_mem>>)
    %dma_start3A_68 = arith.constant 3 : i32
    %dma_start3A_69 = arith.constant 0 : i32
    %dma_start3A_70 = tpu.memref_slice %arg6[%dma_start3A_68, %dma_start3A_69] : memref<200x100xi32, #tpu.memory_space<vmem>> -> memref<1x100xi32, #tpu.memory_space<vmem>>
    %dma_start3A_71 = tpu.memref_squeeze %dma_start3A_70 : memref<1x100xi32, #tpu.memory_space<vmem>> -> memref<100xi32, #tpu.memory_space<vmem>>
    %dma_start3A_72 = arith.constant 0 : i32
    %dma_start3A_73 = arith.constant 0 : i32
    %dma_start3A_74 = tpu.memref_slice %arg2[%dma_start3A_72, %dma_start3A_73] : memref<20000x64xf32, #tpu.memory_space<hbm>> -> memref<20000x64xf32, #tpu.memory_space<hbm>>
    tpu.enqueue_indirect_dma source(%dma_start3A_74 : memref<20000x64xf32, #tpu.memory_space<hbm>>) target(%arg11 : memref<100x64xf32, #tpu.memory_space<vmem>>) offsets(%dma_start3A_71 : memref<100xi32, #tpu.memory_space<vmem>>) semaphore(%arg17 : memref<!tpu.dma_semaphore, #tpu.memory_space<semaphore_mem>>)
    %barrier3A = arith.constant 0 : index
    tpu.barrier barrier_id(%barrier3A)
    %scan3A_75 = arith.constant 0 : i32
    %scan3A_76 = arith.constant 0 : i32
    %scan3A_77 = arith.constant 50 : i32
    %scan3A_78 = arith.addi %scan3A_76, %scan3A_77 : i32
    %scan3A_79 = arith.constant 1 : i32
    %scan3A_80 = scf.for %scan3A_119 = %scan3A_76 to %scan3A_78 step %scan3A_79 iter_args(%scan3A_120 = %scan3A_75) -> (i32)  : i32 {
      %mul3A_121 = arith.constant 4 : i32
      %mul3A_122 = arith.muli %mul3A_121, %scan3A_119 : i32
      %add3A_123 = arith.constant 0 : i32
      %add3A_124 = arith.addi %mul3A_122, %add3A_123 : i32
      %dma_wait3A_125 = arith.constant 0 : i32
      %dma_wait3A_126 = tpu.memref_slice %arg6[%add3A_124, %dma_wait3A_125] : memref<200x100xi32, #tpu.memory_space<vmem>> -> memref<1x100xi32, #tpu.memory_space<vmem>>
      %dma_wait3A_127 = tpu.memref_squeeze %dma_wait3A_126 : memref<1x100xi32, #tpu.memory_space<vmem>> -> memref<100xi32, #tpu.memory_space<vmem>>
      %dma_wait3A_128 = arith.constant 0 : i32
      %dma_wait3A_129 = arith.constant 0 : i32
      %dma_wait3A_130 = tpu.memref_slice %arg2[%dma_wait3A_128, %dma_wait3A_129] : memref<20000x64xf32, #tpu.memory_space<hbm>> -> memref<20000x64xf32, #tpu.memory_space<hbm>>
      tpu.wait_indirect_dma semaphore(%arg14 : memref<!tpu.dma_semaphore, #tpu.memory_space<semaphore_mem>>) src(%dma_wait3A_130 : memref<20000x64xf32, #tpu.memory_space<hbm>>) dst(%arg8 : memref<100x64xf32, #tpu.memory_space<vmem>>)
      %add3A_131 = arith.constant 0 : i32
      %add3A_132 = arith.addi %mul3A_122, %add3A_131 : i32
      "tpu.region"() ({
        %run_scoped3A = tpu.sem_alloc : memref<!tpu.dma_semaphore, #tpu.memory_space<semaphore_mem>>
        %dma_start3A_211 = arith.constant 0 : i32
        %dma_start3A_212 = tpu.memref_slice %arg7[%add3A_132, %dma_start3A_211] : memref<200x100xi32, #tpu.memory_space<vmem>> -> memref<1x100xi32, #tpu.memory_space<vmem>>
        %dma_start3A_213 = tpu.memref_squeeze %dma_start3A_212 : memref<1x100xi32, #tpu.memory_space<vmem>> -> memref<100xi32, #tpu.memory_space<vmem>>
        %dma_start3A_214 = arith.constant 0 : i32
        %dma_start3A_215 = arith.constant 0 : i32
        %dma_start3A_216 = tpu.memref_slice %arg13[%dma_start3A_214, %dma_start3A_215] : memref<10000x64xf32, #tpu.memory_space<vmem_shared>> -> memref<10000x64xf32, #tpu.memory_space<vmem_shared>>
        tpu.enqueue_indirect_dma source(%arg8 : memref<100x64xf32, #tpu.memory_space<vmem>>) target(%dma_start3A_216 : memref<10000x64xf32, #tpu.memory_space<vmem_shared>>) offsets(%dma_start3A_213 : memref<100xi32, #tpu.memory_space<vmem>>) semaphore(%run_scoped3A : memref<!tpu.dma_semaphore, #tpu.memory_space<semaphore_mem>>) {add = true}
        %dma_wait3A_217 = arith.constant 0 : i32
        %dma_wait3A_218 = tpu.memref_slice %arg7[%add3A_132, %dma_wait3A_217] : memref<200x100xi32, #tpu.memory_space<vmem>> -> memref<1x100xi32, #tpu.memory_space<vmem>>
        %dma_wait3A_219 = tpu.memref_squeeze %dma_wait3A_218 : memref<1x100xi32, #tpu.memory_space<vmem>> -> memref<100xi32, #tpu.memory_space<vmem>>
        %dma_wait3A_220 = arith.constant 0 : i32
        %dma_wait3A_221 = arith.constant 0 : i32
        %dma_wait3A_222 = tpu.memref_slice %arg13[%dma_wait3A_220, %dma_wait3A_221] : memref<10000x64xf32, #tpu.memory_space<vmem_shared>> -> memref<10000x64xf32, #tpu.memory_space<vmem_shared>>
        tpu.wait_indirect_dma semaphore(%run_scoped3A : memref<!tpu.dma_semaphore, #tpu.memory_space<semaphore_mem>>) src(%arg8 : memref<100x64xf32, #tpu.memory_space<vmem>>) dst(%dma_wait3A_222 : memref<10000x64xf32, #tpu.memory_space<vmem_shared>>)
        tpu.yield
      }) : () -> ()
      %add3A_133 = arith.constant 4 : i32
      %add3A_134 = arith.addi %mul3A_122, %add3A_133 : i32
      %add3A_135 = arith.constant 0 : i32
      %add3A_136 = arith.addi %add3A_134, %add3A_135 : i32
      %rem3A = arith.constant 200 : i32
      %rem3A_137 = arith.remsi %add3A_136, %rem3A : i32
      %dma_start3A_138 = arith.constant 0 : i32
      %dma_start3A_139 = tpu.memref_slice %arg6[%rem3A_137, %dma_start3A_138] : memref<200x100xi32, #tpu.memory_space<vmem>> -> memref<1x100xi32, #tpu.memory_space<vmem>>
      %dma_start3A_140 = tpu.memref_squeeze %dma_start3A_139 : memref<1x100xi32, #tpu.memory_space<vmem>> -> memref<100xi32, #tpu.memory_space<vmem>>
      %dma_start3A_141 = arith.constant 0 : i32
      %dma_start3A_142 = arith.constant 0 : i32
      %dma_start3A_143 = tpu.memref_slice %arg2[%dma_start3A_141, %dma_start3A_142] : memref<20000x64xf32, #tpu.memory_space<hbm>> -> memref<20000x64xf32, #tpu.memory_space<hbm>>
      tpu.enqueue_indirect_dma source(%dma_start3A_143 : memref<20000x64xf32, #tpu.memory_space<hbm>>) target(%arg8 : memref<100x64xf32, #tpu.memory_space<vmem>>) offsets(%dma_start3A_140 : memref<100xi32, #tpu.memory_space<vmem>>) semaphore(%arg14 : memref<!tpu.dma_semaphore, #tpu.memory_space<semaphore_mem>>)
      %add3A_144 = arith.constant 1 : i32
      %add3A_145 = arith.addi %mul3A_122, %add3A_144 : i32
      %dma_wait3A_146 = arith.constant 0 : i32
      %dma_wait3A_147 = tpu.memref_slice %arg6[%add3A_145, %dma_wait3A_146] : memref<200x100xi32, #tpu.memory_space<vmem>> -> memref<1x100xi32, #tpu.memory_space<vmem>>
      %dma_wait3A_148 = tpu.memref_squeeze %dma_wait3A_147 : memref<1x100xi32, #tpu.memory_space<vmem>> -> memref<100xi32, #tpu.memory_space<vmem>>
      %dma_wait3A_149 = arith.constant 0 : i32
      %dma_wait3A_150 = arith.constant 0 : i32
      %dma_wait3A_151 = tpu.memref_slice %arg2[%dma_wait3A_149, %dma_wait3A_150] : memref<20000x64xf32, #tpu.memory_space<hbm>> -> memref<20000x64xf32, #tpu.memory_space<hbm>>
      tpu.wait_indirect_dma semaphore(%arg15 : memref<!tpu.dma_semaphore, #tpu.memory_space<semaphore_mem>>) src(%dma_wait3A_151 : memref<20000x64xf32, #tpu.memory_space<hbm>>) dst(%arg9 : memref<100x64xf32, #tpu.memory_space<vmem>>)
      %add3A_152 = arith.constant 1 : i32
      %add3A_153 = arith.addi %mul3A_122, %add3A_152 : i32
      "tpu.region"() ({
        %run_scoped3A = tpu.sem_alloc : memref<!tpu.dma_semaphore, #tpu.memory_space<semaphore_mem>>
        %dma_start3A_211 = arith.constant 0 : i32
        %dma_start3A_212 = tpu.memref_slice %arg7[%add3A_153, %dma_start3A_211] : memref<200x100xi32, #tpu.memory_space<vmem>> -> memref<1x100xi32, #tpu.memory_space<vmem>>
        %dma_start3A_213 = tpu.memref_squeeze %dma_start3A_212 : memref<1x100xi32, #tpu.memory_space<vmem>> -> memref<100xi32, #tpu.memory_space<vmem>>
        %dma_start3A_214 = arith.constant 0 : i32
        %dma_start3A_215 = arith.constant 0 : i32
        %dma_start3A_216 = tpu.memref_slice %arg13[%dma_start3A_214, %dma_start3A_215] : memref<10000x64xf32, #tpu.memory_space<vmem_shared>> -> memref<10000x64xf32, #tpu.memory_space<vmem_shared>>
        tpu.enqueue_indirect_dma source(%arg9 : memref<100x64xf32, #tpu.memory_space<vmem>>) target(%dma_start3A_216 : memref<10000x64xf32, #tpu.memory_space<vmem_shared>>) offsets(%dma_start3A_213 : memref<100xi32, #tpu.memory_space<vmem>>) semaphore(%run_scoped3A : memref<!tpu.dma_semaphore, #tpu.memory_space<semaphore_mem>>) {add = true}
        %dma_wait3A_217 = arith.constant 0 : i32
        %dma_wait3A_218 = tpu.memref_slice %arg7[%add3A_153, %dma_wait3A_217] : memref<200x100xi32, #tpu.memory_space<vmem>> -> memref<1x100xi32, #tpu.memory_space<vmem>>
        %dma_wait3A_219 = tpu.memref_squeeze %dma_wait3A_218 : memref<1x100xi32, #tpu.memory_space<vmem>> -> memref<100xi32, #tpu.memory_space<vmem>>
        %dma_wait3A_220 = arith.constant 0 : i32
        %dma_wait3A_221 = arith.constant 0 : i32
        %dma_wait3A_222 = tpu.memref_slice %arg13[%dma_wait3A_220, %dma_wait3A_221] : memref<10000x64xf32, #tpu.memory_space<vmem_shared>> -> memref<10000x64xf32, #tpu.memory_space<vmem_shared>>
        tpu.wait_indirect_dma semaphore(%run_scoped3A : memref<!tpu.dma_semaphore, #tpu.memory_space<semaphore_mem>>) src(%arg9 : memref<100x64xf32, #tpu.memory_space<vmem>>) dst(%dma_wait3A_222 : memref<10000x64xf32, #tpu.memory_space<vmem_shared>>)
        tpu.yield
      }) : () -> ()
      %add3A_154 = arith.constant 4 : i32
      %add3A_155 = arith.addi %mul3A_122, %add3A_154 : i32
      %add3A_156 = arith.constant 1 : i32
      %add3A_157 = arith.addi %add3A_155, %add3A_156 : i32
      %rem3A_158 = arith.constant 200 : i32
      %rem3A_159 = arith.remsi %add3A_157, %rem3A_158 : i32
      %dma_start3A_160 = arith.constant 0 : i32
      %dma_start3A_161 = tpu.memref_slice %arg6[%rem3A_159, %dma_start3A_160] : memref<200x100xi32, #tpu.memory_space<vmem>> -> memref<1x100xi32, #tpu.memory_space<vmem>>
      %dma_start3A_162 = tpu.memref_squeeze %dma_start3A_161 : memref<1x100xi32, #tpu.memory_space<vmem>> -> memref<100xi32, #tpu.memory_space<vmem>>
      %dma_start3A_163 = arith.constant 0 : i32
      %dma_start3A_164 = arith.constant 0 : i32
      %dma_start3A_165 = tpu.memref_slice %arg2[%dma_start3A_163, %dma_start3A_164] : memref<20000x64xf32, #tpu.memory_space<hbm>> -> memref<20000x64xf32, #tpu.memory_space<hbm>>
      tpu.enqueue_indirect_dma source(%dma_start3A_165 : memref<20000x64xf32, #tpu.memory_space<hbm>>) target(%arg9 : memref<100x64xf32, #tpu.memory_space<vmem>>) offsets(%dma_start3A_162 : memref<100xi32, #tpu.memory_space<vmem>>) semaphore(%arg15 : memref<!tpu.dma_semaphore, #tpu.memory_space<semaphore_mem>>)
      %add3A_166 = arith.constant 2 : i32
      %add3A_167 = arith.addi %mul3A_122, %add3A_166 : i32
      %dma_wait3A_168 = arith.constant 0 : i32
      %dma_wait3A_169 = tpu.memref_slice %arg6[%add3A_167, %dma_wait3A_168] : memref<200x100xi32, #tpu.memory_space<vmem>> -> memref<1x100xi32, #tpu.memory_space<vmem>>
      %dma_wait3A_170 = tpu.memref_squeeze %dma_wait3A_169 : memref<1x100xi32, #tpu.memory_space<vmem>> -> memref<100xi32, #tpu.memory_space<vmem>>
      %dma_wait3A_171 = arith.constant 0 : i32
      %dma_wait3A_172 = arith.constant 0 : i32
      %dma_wait3A_173 = tpu.memref_slice %arg2[%dma_wait3A_171, %dma_wait3A_172] : memref<20000x64xf32, #tpu.memory_space<hbm>> -> memref<20000x64xf32, #tpu.memory_space<hbm>>
      tpu.wait_indirect_dma semaphore(%arg16 : memref<!tpu.dma_semaphore, #tpu.memory_space<semaphore_mem>>) src(%dma_wait3A_173 : memref<20000x64xf32, #tpu.memory_space<hbm>>) dst(%arg10 : memref<100x64xf32, #tpu.memory_space<vmem>>)
      %add3A_174 = arith.constant 2 : i32
      %add3A_175 = arith.addi %mul3A_122, %add3A_174 : i32
      "tpu.region"() ({
        %run_scoped3A = tpu.sem_alloc : memref<!tpu.dma_semaphore, #tpu.memory_space<semaphore_mem>>
        %dma_start3A_211 = arith.constant 0 : i32
        %dma_start3A_212 = tpu.memref_slice %arg7[%add3A_175, %dma_start3A_211] : memref<200x100xi32, #tpu.memory_space<vmem>> -> memref<1x100xi32, #tpu.memory_space<vmem>>
        %dma_start3A_213 = tpu.memref_squeeze %dma_start3A_212 : memref<1x100xi32, #tpu.memory_space<vmem>> -> memref<100xi32, #tpu.memory_space<vmem>>
        %dma_start3A_214 = arith.constant 0 : i32
        %dma_start3A_215 = arith.constant 0 : i32
        %dma_start3A_216 = tpu.memref_slice %arg13[%dma_start3A_214, %dma_start3A_215] : memref<10000x64xf32, #tpu.memory_space<vmem_shared>> -> memref<10000x64xf32, #tpu.memory_space<vmem_shared>>
        tpu.enqueue_indirect_dma source(%arg10 : memref<100x64xf32, #tpu.memory_space<vmem>>) target(%dma_start3A_216 : memref<10000x64xf32, #tpu.memory_space<vmem_shared>>) offsets(%dma_start3A_213 : memref<100xi32, #tpu.memory_space<vmem>>) semaphore(%run_scoped3A : memref<!tpu.dma_semaphore, #tpu.memory_space<semaphore_mem>>) {add = true}
        %dma_wait3A_217 = arith.constant 0 : i32
        %dma_wait3A_218 = tpu.memref_slice %arg7[%add3A_175, %dma_wait3A_217] : memref<200x100xi32, #tpu.memory_space<vmem>> -> memref<1x100xi32, #tpu.memory_space<vmem>>
        %dma_wait3A_219 = tpu.memref_squeeze %dma_wait3A_218 : memref<1x100xi32, #tpu.memory_space<vmem>> -> memref<100xi32, #tpu.memory_space<vmem>>
        %dma_wait3A_220 = arith.constant 0 : i32
        %dma_wait3A_221 = arith.constant 0 : i32
        %dma_wait3A_222 = tpu.memref_slice %arg13[%dma_wait3A_220, %dma_wait3A_221] : memref<10000x64xf32, #tpu.memory_space<vmem_shared>> -> memref<10000x64xf32, #tpu.memory_space<vmem_shared>>
        tpu.wait_indirect_dma semaphore(%run_scoped3A : memref<!tpu.dma_semaphore, #tpu.memory_space<semaphore_mem>>) src(%arg10 : memref<100x64xf32, #tpu.memory_space<vmem>>) dst(%dma_wait3A_222 : memref<10000x64xf32, #tpu.memory_space<vmem_shared>>)
        tpu.yield
      }) : () -> ()
      %add3A_176 = arith.constant 4 : i32
      %add3A_177 = arith.addi %mul3A_122, %add3A_176 : i32
      %add3A_178 = arith.constant 2 : i32
      %add3A_179 = arith.addi %add3A_177, %add3A_178 : i32
      %rem3A_180 = arith.constant 200 : i32
      %rem3A_181 = arith.remsi %add3A_179, %rem3A_180 : i32
      %dma_start3A_182 = arith.constant 0 : i32
      %dma_start3A_183 = tpu.memref_slice %arg6[%rem3A_181, %dma_start3A_182] : memref<200x100xi32, #tpu.memory_space<vmem>> -> memref<1x100xi32, #tpu.memory_space<vmem>>
      %dma_start3A_184 = tpu.memref_squeeze %dma_start3A_183 : memref<1x100xi32, #tpu.memory_space<vmem>> -> memref<100xi32, #tpu.memory_space<vmem>>
      %dma_start3A_185 = arith.constant 0 : i32
      %dma_start3A_186 = arith.constant 0 : i32
      %dma_start3A_187 = tpu.memref_slice %arg2[%dma_start3A_185, %dma_start3A_186] : memref<20000x64xf32, #tpu.memory_space<hbm>> -> memref<20000x64xf32, #tpu.memory_space<hbm>>
      tpu.enqueue_indirect_dma source(%dma_start3A_187 : memref<20000x64xf32, #tpu.memory_space<hbm>>) target(%arg10 : memref<100x64xf32, #tpu.memory_space<vmem>>) offsets(%dma_start3A_184 : memref<100xi32, #tpu.memory_space<vmem>>) semaphore(%arg16 : memref<!tpu.dma_semaphore, #tpu.memory_space<semaphore_mem>>)
      %add3A_188 = arith.constant 3 : i32
      %add3A_189 = arith.addi %mul3A_122, %add3A_188 : i32
      %dma_wait3A_190 = arith.constant 0 : i32
      %dma_wait3A_191 = tpu.memref_slice %arg6[%add3A_189, %dma_wait3A_190] : memref<200x100xi32, #tpu.memory_space<vmem>> -> memref<1x100xi32, #tpu.memory_space<vmem>>
      %dma_wait3A_192 = tpu.memref_squeeze %dma_wait3A_191 : memref<1x100xi32, #tpu.memory_space<vmem>> -> memref<100xi32, #tpu.memory_space<vmem>>
      %dma_wait3A_193 = arith.constant 0 : i32
      %dma_wait3A_194 = arith.constant 0 : i32
      %dma_wait3A_195 = tpu.memref_slice %arg2[%dma_wait3A_193, %dma_wait3A_194] : memref<20000x64xf32, #tpu.memory_space<hbm>> -> memref<20000x64xf32, #tpu.memory_space<hbm>>
      tpu.wait_indirect_dma semaphore(%arg17 : memref<!tpu.dma_semaphore, #tpu.memory_space<semaphore_mem>>) src(%dma_wait3A_195 : memref<20000x64xf32, #tpu.memory_space<hbm>>) dst(%arg11 : memref<100x64xf32, #tpu.memory_space<vmem>>)
      %add3A_196 = arith.constant 3 : i32
      %add3A_197 = arith.addi %mul3A_122, %add3A_196 : i32
      "tpu.region"() ({
        %run_scoped3A = tpu.sem_alloc : memref<!tpu.dma_semaphore, #tpu.memory_space<semaphore_mem>>
        %dma_start3A_211 = arith.constant 0 : i32
        %dma_start3A_212 = tpu.memref_slice %arg7[%add3A_197, %dma_start3A_211] : memref<200x100xi32, #tpu.memory_space<vmem>> -> memref<1x100xi32, #tpu.memory_space<vmem>>
        %dma_start3A_213 = tpu.memref_squeeze %dma_start3A_212 : memref<1x100xi32, #tpu.memory_space<vmem>> -> memref<100xi32, #tpu.memory_space<vmem>>
        %dma_start3A_214 = arith.constant 0 : i32
        %dma_start3A_215 = arith.constant 0 : i32
        %dma_start3A_216 = tpu.memref_slice %arg13[%dma_start3A_214, %dma_start3A_215] : memref<10000x64xf32, #tpu.memory_space<vmem_shared>> -> memref<10000x64xf32, #tpu.memory_space<vmem_shared>>
        tpu.enqueue_indirect_dma source(%arg11 : memref<100x64xf32, #tpu.memory_space<vmem>>) target(%dma_start3A_216 : memref<10000x64xf32, #tpu.memory_space<vmem_shared>>) offsets(%dma_start3A_213 : memref<100xi32, #tpu.memory_space<vmem>>) semaphore(%run_scoped3A : memref<!tpu.dma_semaphore, #tpu.memory_space<semaphore_mem>>) {add = true}
        %dma_wait3A_217 = arith.constant 0 : i32
        %dma_wait3A_218 = tpu.memref_slice %arg7[%add3A_197, %dma_wait3A_217] : memref<200x100xi32, #tpu.memory_space<vmem>> -> memref<1x100xi32, #tpu.memory_space<vmem>>
        %dma_wait3A_219 = tpu.memref_squeeze %dma_wait3A_218 : memref<1x100xi32, #tpu.memory_space<vmem>> -> memref<100xi32, #tpu.memory_space<vmem>>
        %dma_wait3A_220 = arith.constant 0 : i32
        %dma_wait3A_221 = arith.constant 0 : i32
        %dma_wait3A_222 = tpu.memref_slice %arg13[%dma_wait3A_220, %dma_wait3A_221] : memref<10000x64xf32, #tpu.memory_space<vmem_shared>> -> memref<10000x64xf32, #tpu.memory_space<vmem_shared>>
        tpu.wait_indirect_dma semaphore(%run_scoped3A : memref<!tpu.dma_semaphore, #tpu.memory_space<semaphore_mem>>) src(%arg11 : memref<100x64xf32, #tpu.memory_space<vmem>>) dst(%dma_wait3A_222 : memref<10000x64xf32, #tpu.memory_space<vmem_shared>>)
        tpu.yield
      }) : () -> ()
      %add3A_198 = arith.constant 4 : i32
      %add3A_199 = arith.addi %mul3A_122, %add3A_198 : i32
      %add3A_200 = arith.constant 3 : i32
      %add3A_201 = arith.addi %add3A_199, %add3A_200 : i32
      %rem3A_202 = arith.constant 200 : i32
      %rem3A_203 = arith.remsi %add3A_201, %rem3A_202 : i32
      %dma_start3A_204 = arith.constant 0 : i32
      %dma_start3A_205 = tpu.memref_slice %arg6[%rem3A_203, %dma_start3A_204] : memref<200x100xi32, #tpu.memory_space<vmem>> -> memref<1x100xi32, #tpu.memory_space<vmem>>
      %dma_start3A_206 = tpu.memref_squeeze %dma_start3A_205 : memref<1x100xi32, #tpu.memory_space<vmem>> -> memref<100xi32, #tpu.memory_space<vmem>>
      %dma_start3A_207 = arith.constant 0 : i32
      %dma_start3A_208 = arith.constant 0 : i32
      %dma_start3A_209 = tpu.memref_slice %arg2[%dma_start3A_207, %dma_start3A_208] : memref<20000x64xf32, #tpu.memory_space<hbm>> -> memref<20000x64xf32, #tpu.memory_space<hbm>>
      tpu.enqueue_indirect_dma source(%dma_start3A_209 : memref<20000x64xf32, #tpu.memory_space<hbm>>) target(%arg11 : memref<100x64xf32, #tpu.memory_space<vmem>>) offsets(%dma_start3A_206 : memref<100xi32, #tpu.memory_space<vmem>>) semaphore(%arg17 : memref<!tpu.dma_semaphore, #tpu.memory_space<semaphore_mem>>)
      %scan3A_210 = arith.constant 0 : i32
      scf.yield %scan3A_210 : i32
    }
    %scan3A_81 = arith.constant 50 : i32
    %dma_wait3A_82 = arith.constant 0 : i32
    %dma_wait3A_83 = arith.constant 0 : i32
    %dma_wait3A_84 = tpu.memref_slice %arg6[%dma_wait3A_82, %dma_wait3A_83] : memref<200x100xi32, #tpu.memory_space<vmem>> -> memref<1x100xi32, #tpu.memory_space<vmem>>
    %dma_wait3A_85 = tpu.memref_squeeze %dma_wait3A_84 : memref<1x100xi32, #tpu.memory_space<vmem>> -> memref<100xi32, #tpu.memory_space<vmem>>
    %dma_wait3A_86 = arith.constant 0 : i32
    %dma_wait3A_87 = arith.constant 0 : i32
    %dma_wait3A_88 = tpu.memref_slice %arg2[%dma_wait3A_86, %dma_wait3A_87] : memref<20000x64xf32, #tpu.memory_space<hbm>> -> memref<20000x64xf32, #tpu.memory_space<hbm>>
    tpu.wait_indirect_dma semaphore(%arg14 : memref<!tpu.dma_semaphore, #tpu.memory_space<semaphore_mem>>) src(%dma_wait3A_88 : memref<20000x64xf32, #tpu.memory_space<hbm>>) dst(%arg8 : memref<100x64xf32, #tpu.memory_space<vmem>>)
    %dma_wait3A_89 = arith.constant 1 : i32
    %dma_wait3A_90 = arith.constant 0 : i32
    %dma_wait3A_91 = tpu.memref_slice %arg6[%dma_wait3A_89, %dma_wait3A_90] : memref<200x100xi32, #tpu.memory_space<vmem>> -> memref<1x100xi32, #tpu.memory_space<vmem>>
    %dma_wait3A_92 = tpu.memref_squeeze %dma_wait3A_91 : memref<1x100xi32, #tpu.memory_space<vmem>> -> memref<100xi32, #tpu.memory_space<vmem>>
    %dma_wait3A_93 = arith.constant 0 : i32
    %dma_wait3A_94 = arith.constant 0 : i32
    %dma_wait3A_95 = tpu.memref_slice %arg2[%dma_wait3A_93, %dma_wait3A_94] : memref<20000x64xf32, #tpu.memory_space<hbm>> -> memref<20000x64xf32, #tpu.memory_space<hbm>>
    tpu.wait_indirect_dma semaphore(%arg15 : memref<!tpu.dma_semaphore, #tpu.memory_space<semaphore_mem>>) src(%dma_wait3A_95 : memref<20000x64xf32, #tpu.memory_space<hbm>>) dst(%arg9 : memref<100x64xf32, #tpu.memory_space<vmem>>)
    %dma_wait3A_96 = arith.constant 2 : i32
    %dma_wait3A_97 = arith.constant 0 : i32
    %dma_wait3A_98 = tpu.memref_slice %arg6[%dma_wait3A_96, %dma_wait3A_97] : memref<200x100xi32, #tpu.memory_space<vmem>> -> memref<1x100xi32, #tpu.memory_space<vmem>>
    %dma_wait3A_99 = tpu.memref_squeeze %dma_wait3A_98 : memref<1x100xi32, #tpu.memory_space<vmem>> -> memref<100xi32, #tpu.memory_space<vmem>>
    %dma_wait3A_100 = arith.constant 0 : i32
    %dma_wait3A_101 = arith.constant 0 : i32
    %dma_wait3A_102 = tpu.memref_slice %arg2[%dma_wait3A_100, %dma_wait3A_101] : memref<20000x64xf32, #tpu.memory_space<hbm>> -> memref<20000x64xf32, #tpu.memory_space<hbm>>
    tpu.wait_indirect_dma semaphore(%arg16 : memref<!tpu.dma_semaphore, #tpu.memory_space<semaphore_mem>>) src(%dma_wait3A_102 : memref<20000x64xf32, #tpu.memory_space<hbm>>) dst(%arg10 : memref<100x64xf32, #tpu.memory_space<vmem>>)
    %dma_wait3A_103 = arith.constant 3 : i32
    %dma_wait3A_104 = arith.constant 0 : i32
    %dma_wait3A_105 = tpu.memref_slice %arg6[%dma_wait3A_103, %dma_wait3A_104] : memref<200x100xi32, #tpu.memory_space<vmem>> -> memref<1x100xi32, #tpu.memory_space<vmem>>
    %dma_wait3A_106 = tpu.memref_squeeze %dma_wait3A_105 : memref<1x100xi32, #tpu.memory_space<vmem>> -> memref<100xi32, #tpu.memory_space<vmem>>
    %dma_wait3A_107 = arith.constant 0 : i32
    %dma_wait3A_108 = arith.constant 0 : i32
    %dma_wait3A_109 = tpu.memref_slice %arg2[%dma_wait3A_107, %dma_wait3A_108] : memref<20000x64xf32, #tpu.memory_space<hbm>> -> memref<20000x64xf32, #tpu.memory_space<hbm>>
    tpu.wait_indirect_dma semaphore(%arg17 : memref<!tpu.dma_semaphore, #tpu.memory_space<semaphore_mem>>) src(%dma_wait3A_109 : memref<20000x64xf32, #tpu.memory_space<hbm>>) dst(%arg11 : memref<100x64xf32, #tpu.memory_space<vmem>>)
    %barrier3A_110 = arith.constant 0 : index
    tpu.barrier barrier_id(%barrier3A_110)
    %mul3A_111 = arith.constant 632 : i32
    %mul3A_112 = arith.muli %arg1, %mul3A_111 : i32
    %multiple_of3A = tpu.assume_multiple %mul3A_112, 8 : i32
    %lt3A = arith.constant 15 : i32
    %lt3A_113 = arith.cmpi slt, %arg1, %lt3A : i32
    %convert_element_type3A = arith.extui %lt3A_113 : i1 to i32
    %cond3A = arith.constant 0 : i32
    %cond3A_114 = arith.cmpi ne, %convert_element_type3A, %cond3A : i32
    scf.if %cond3A_114 {
      "tpu.region"() ({
        %run_scoped3A = tpu.sem_alloc : memref<!tpu.dma_semaphore, #tpu.memory_space<semaphore_mem>>
        %dma_start3A_119 = arith.constant 0 : i32
        %dma_start3A_120 = tpu.memref_slice %arg5[%arg0, %multiple_of3A, %dma_start3A_119] : memref<2x10000x64xf32, #tpu.memory_space<hbm>> -> memref<1x632x64xf32, #tpu.memory_space<hbm>>
        %dma_start3A_121 = tpu.memref_squeeze %dma_start3A_120 : memref<1x632x64xf32, #tpu.memory_space<hbm>> -> memref<632x64xf32, #tpu.memory_space<hbm>>
        %dma_start3A_122 = arith.constant 0 : i32
        %dma_start3A_123 = tpu.memref_slice %arg13[%multiple_of3A, %dma_start3A_122] : memref<10000x64xf32, #tpu.memory_space<vmem_shared>> -> memref<632x64xf32, #tpu.memory_space<vmem_shared>>
        tpu.enqueue_dma source(%dma_start3A_123 : memref<632x64xf32, #tpu.memory_space<vmem_shared>>) target(%dma_start3A_121 : memref<632x64xf32, #tpu.memory_space<hbm>>) target_semaphore(%run_scoped3A : memref<!tpu.dma_semaphore, #tpu.memory_space<semaphore_mem>>)
        %dma_wait3A_124 = arith.constant 0 : i32
        %dma_wait3A_125 = tpu.memref_slice %arg5[%arg0, %multiple_of3A, %dma_wait3A_124] : memref<2x10000x64xf32, #tpu.memory_space<hbm>> -> memref<1x632x64xf32, #tpu.memory_space<hbm>>
        %dma_wait3A_126 = tpu.memref_squeeze %dma_wait3A_125 : memref<1x632x64xf32, #tpu.memory_space<hbm>> -> memref<632x64xf32, #tpu.memory_space<hbm>>
        %dma_wait3A_127 = arith.constant 0 : i32
        %dma_wait3A_128 = tpu.memref_slice %arg13[%multiple_of3A, %dma_wait3A_127] : memref<10000x64xf32, #tpu.memory_space<vmem_shared>> -> memref<632x64xf32, #tpu.memory_space<vmem_shared>>
        tpu.wait_dma2 semaphore(%run_scoped3A : memref<!tpu.dma_semaphore, #tpu.memory_space<semaphore_mem>>) src(%dma_wait3A_128 : memref<632x64xf32, #tpu.memory_space<vmem_shared>>) dst(%dma_wait3A_126 : memref<632x64xf32, #tpu.memory_space<hbm>>)
        tpu.yield
      }) : () -> ()
    } else {
    }
    %eq3A = arith.constant 15 : i32
    %eq3A_115 = arith.cmpi eq, %arg1, %eq3A : i32
    %convert_element_type3A_116 = arith.extui %eq3A_115 : i1 to i32
    %cond3A_117 = arith.constant 0 : i32
    %cond3A_118 = arith.cmpi ne, %convert_element_type3A_116, %cond3A_117 : i32
    scf.if %cond3A_118 {
      "tpu.region"() ({
        %run_scoped3A = tpu.sem_alloc : memref<!tpu.dma_semaphore, #tpu.memory_space<semaphore_mem>>
        %dma_start3A_119 = arith.constant 0 : i32
        %dma_start3A_120 = tpu.memref_slice %arg5[%arg0, %multiple_of3A, %dma_start3A_119] : memref<2x10000x64xf32, #tpu.memory_space<hbm>> -> memref<1x520x64xf32, #tpu.memory_space<hbm>>
        %dma_start3A_121 = tpu.memref_squeeze %dma_start3A_120 : memref<1x520x64xf32, #tpu.memory_space<hbm>> -> memref<520x64xf32, #tpu.memory_space<hbm>>
        %dma_start3A_122 = arith.constant 0 : i32
        %dma_start3A_123 = tpu.memref_slice %arg13[%multiple_of3A, %dma_start3A_122] : memref<10000x64xf32, #tpu.memory_space<vmem_shared>> -> memref<520x64xf32, #tpu.memory_space<vmem_shared>>
        tpu.enqueue_dma source(%dma_start3A_123 : memref<520x64xf32, #tpu.memory_space<vmem_shared>>) target(%dma_start3A_121 : memref<520x64xf32, #tpu.memory_space<hbm>>) target_semaphore(%run_scoped3A : memref<!tpu.dma_semaphore, #tpu.memory_space<semaphore_mem>>)
        %dma_wait3A_124 = arith.constant 0 : i32
        %dma_wait3A_125 = tpu.memref_slice %arg5[%arg0, %multiple_of3A, %dma_wait3A_124] : memref<2x10000x64xf32, #tpu.memory_space<hbm>> -> memref<1x520x64xf32, #tpu.memory_space<hbm>>
        %dma_wait3A_126 = tpu.memref_squeeze %dma_wait3A_125 : memref<1x520x64xf32, #tpu.memory_space<hbm>> -> memref<520x64xf32, #tpu.memory_space<hbm>>
        %dma_wait3A_127 = arith.constant 0 : i32
        %dma_wait3A_128 = tpu.memref_slice %arg13[%multiple_of3A, %dma_wait3A_127] : memref<10000x64xf32, #tpu.memory_space<vmem_shared>> -> memref<520x64xf32, #tpu.memory_space<vmem_shared>>
        tpu.wait_dma2 semaphore(%run_scoped3A : memref<!tpu.dma_semaphore, #tpu.memory_space<semaphore_mem>>) src(%dma_wait3A_128 : memref<520x64xf32, #tpu.memory_space<vmem_shared>>) dst(%dma_wait3A_126 : memref<520x64xf32, #tpu.memory_space<hbm>>)
        tpu.yield
      }) : () -> ()
    } else {
    }
    return
  }
}

module attributes {stable_mosaic.version = 14 : i64} {
  func.func @_mm_scale_body(%arg0: i32, %arg1: memref<2x1000x128xf32, #tpu.memory_space<vmem>>, %arg2: memref<1000x128xf32, #tpu.memory_space<vmem>>, %arg3: memref<1000x128xf32, #tpu.memory_space<vmem>>, %arg4: memref<128x128xf32, #tpu.memory_space<vmem>>, %arg5: memref<2x1000x128xf32, #tpu.memory_space<vmem>>) attributes {dimension_semantics = [#tpu.dimension_semantics<arbitrary>], iteration_bounds = array<i64: 5>, scalar_prefetch = 0 : i64, scratch_operands = 0 : i64, tpu.core_type = #tpu.core_type<tc>, window_params = [{transform_indices = @transform_0, window_bounds = array<i64: 2, 1000, 128>}, {transform_indices = @transform_1, window_bounds = array<i64: 1000, 128>}, {transform_indices = @transform_2, window_bounds = array<i64: 1000, 128>}, {pipeline_mode = #tpu.pipeline_mode<synchronous>, transform_indices = @transform_3, window_bounds = array<i64: 128, 128>}, {transform_indices = @transform_4, window_bounds = array<i64: 2, 1000, 128>}]} {
    %get3A = arith.constant 0 : index
    %get3A_0 = arith.constant 0 : index
    %get3A_1 = arith.constant 0 : index
    %get3A_2 = vector.load %arg1[%get3A, %get3A_0, %get3A_1] : memref<2x1000x128xf32, #tpu.memory_space<vmem>>, vector<1x1000x1xf32>
    %get3A_3 = vector.shape_cast %get3A_2 : vector<1x1000x1xf32> to vector<1000x1xf32>
    %get3A_4 = arith.constant 1 : index
    %get3A_5 = arith.constant 0 : index
    %get3A_6 = arith.constant 0 : index
    %get3A_7 = vector.load %arg1[%get3A_4, %get3A_5, %get3A_6] : memref<2x1000x128xf32, #tpu.memory_space<vmem>>, vector<1x1000x1xf32>
    %get3A_8 = vector.shape_cast %get3A_7 : vector<1x1000x1xf32> to vector<1000x1xf32>
    %add3A = arith.addf %get3A_3, %get3A_8 : vector<1000x1xf32>
    %add3A_9 = arith.constant 1.000000e+00 : f32
    %add3A_10 = vector.broadcast %add3A_9 : f32 to vector<1000x1xf32>
    %add3A_11 = arith.addf %add3A, %add3A_10 : vector<1000x1xf32>
    %get3A_12 = arith.constant 0 : index
    %get3A_13 = arith.constant 0 : index
    %get3A_14 = arith.constant 64 : index
    %get3A_15 = vector.load %arg1[%get3A_12, %get3A_13, %get3A_14] : memref<2x1000x128xf32, #tpu.memory_space<vmem>>, vector<1x1000x1xf32>
    %get3A_16 = vector.shape_cast %get3A_15 : vector<1x1000x1xf32> to vector<1000x1xf32>
    %get3A_17 = arith.constant 1 : index
    %get3A_18 = arith.constant 0 : index
    %get3A_19 = arith.constant 64 : index
    %get3A_20 = vector.load %arg1[%get3A_17, %get3A_18, %get3A_19] : memref<2x1000x128xf32, #tpu.memory_space<vmem>>, vector<1x1000x1xf32>
    %get3A_21 = vector.shape_cast %get3A_20 : vector<1x1000x1xf32> to vector<1000x1xf32>
    %add3A_22 = arith.addf %get3A_16, %get3A_21 : vector<1000x1xf32>
    %add3A_23 = arith.constant 1.000000e+00 : f32
    %add3A_24 = vector.broadcast %add3A_23 : f32 to vector<1000x1xf32>
    %add3A_25 = arith.addf %add3A_22, %add3A_24 : vector<1000x1xf32>
    %rsqrt3A = math.rsqrt %add3A_11 : vector<1000x1xf32>
    %rsqrt3A_26 = math.rsqrt %add3A_25 : vector<1000x1xf32>
    %get3A_27 = arith.constant 0 : index
    %get3A_28 = arith.constant 0 : index
    %get3A_29 = vector.load %arg2[%get3A_27, %get3A_28] : memref<1000x128xf32, #tpu.memory_space<vmem>>, vector<1000x128xf32>
    %get3A_30 = arith.constant 0 : index
    %get3A_31 = arith.constant 0 : index
    %get3A_32 = vector.load %arg4[%get3A_30, %get3A_31] : memref<128x128xf32, #tpu.memory_space<vmem>>, vector<128x128xf32>
    %dot_general3A = arith.constant dense<0.000000e+00> : vector<1000x128xf32>
    %dot_general3A_33 = tpu.matmul %get3A_29, %get3A_32, %dot_general3A {dimension_numbers = #tpu.dot_dimension_numbers<[1], [0], [0], [1], [0, 0, 1, 1], [], []>, transpose_lhs_hint = false} : vector<1000x128xf32>, vector<128x128xf32>, vector<1000x128xf32> -> vector<1000x128xf32>
    %mul3A = vector.broadcast %rsqrt3A : vector<1000x1xf32> to vector<1000x128xf32>
    %mul3A_34 = arith.mulf %dot_general3A_33, %mul3A : vector<1000x128xf32>
    %get3A_35 = arith.constant 0 : index
    %get3A_36 = arith.constant 0 : index
    %get3A_37 = vector.load %arg3[%get3A_35, %get3A_36] : memref<1000x128xf32, #tpu.memory_space<vmem>>, vector<1000x128xf32>
    %get3A_38 = arith.constant 0 : index
    %get3A_39 = arith.constant 0 : index
    %get3A_40 = vector.load %arg4[%get3A_38, %get3A_39] : memref<128x128xf32, #tpu.memory_space<vmem>>, vector<128x128xf32>
    %dot_general3A_41 = arith.constant dense<0.000000e+00> : vector<1000x128xf32>
    %dot_general3A_42 = tpu.matmul %get3A_37, %get3A_40, %dot_general3A_41 {dimension_numbers = #tpu.dot_dimension_numbers<[1], [0], [0], [1], [0, 0, 1, 1], [], []>, transpose_lhs_hint = false} : vector<1000x128xf32>, vector<128x128xf32>, vector<1000x128xf32> -> vector<1000x128xf32>
    %mul3A_43 = vector.broadcast %rsqrt3A_26 : vector<1000x1xf32> to vector<1000x128xf32>
    %mul3A_44 = arith.mulf %dot_general3A_42, %mul3A_43 : vector<1000x128xf32>
    %slice3A = vector.extract_strided_slice %mul3A_34 {offsets = [0, 0], sizes = [1000, 64], strides = [1, 1]} : vector<1000x128xf32> to vector<1000x64xf32>
    %slice3A_45 = vector.extract_strided_slice %mul3A_44 {offsets = [0, 0], sizes = [1000, 64], strides = [1, 1]} : vector<1000x128xf32> to vector<1000x64xf32>
    %concatenate3A = tpu.concatenate %slice3A, %slice3A_45 in 1 : vector<1000x64xf32>, vector<1000x64xf32> -> vector<1000x128xf32>
    %swap3A = arith.constant 0 : index
    %swap3A_46 = arith.constant 0 : index
    %swap3A_47 = arith.constant 0 : index
    %swap3A_48 = vector.load %arg5[%swap3A, %swap3A_46, %swap3A_47] : memref<2x1000x128xf32, #tpu.memory_space<vmem>>, vector<1x1000x128xf32>
    %swap3A_49 = vector.shape_cast %swap3A_48 : vector<1x1000x128xf32> to vector<1000x128xf32>
    %swap3A_50 = vector.shape_cast %concatenate3A : vector<1000x128xf32> to vector<1x1000x128xf32>
    tpu.vector_store %arg5[%swap3A, %swap3A_46, %swap3A_47], %swap3A_50 {strides = array<i32>} : memref<2x1000x128xf32, #tpu.memory_space<vmem>>, vector<1x1000x128xf32>,
    %slice3A_51 = vector.extract_strided_slice %mul3A_34 {offsets = [0, 64], sizes = [1000, 64], strides = [1, 1]} : vector<1000x128xf32> to vector<1000x64xf32>
    %slice3A_52 = vector.extract_strided_slice %mul3A_44 {offsets = [0, 64], sizes = [1000, 64], strides = [1, 1]} : vector<1000x128xf32> to vector<1000x64xf32>
    %concatenate3A_53 = tpu.concatenate %slice3A_51, %slice3A_52 in 1 : vector<1000x64xf32>, vector<1000x64xf32> -> vector<1000x128xf32>
    %swap3A_54 = arith.constant 1 : index
    %swap3A_55 = arith.constant 0 : index
    %swap3A_56 = arith.constant 0 : index
    %swap3A_57 = vector.load %arg5[%swap3A_54, %swap3A_55, %swap3A_56] : memref<2x1000x128xf32, #tpu.memory_space<vmem>>, vector<1x1000x128xf32>
    %swap3A_58 = vector.shape_cast %swap3A_57 : vector<1x1000x128xf32> to vector<1000x128xf32>
    %swap3A_59 = vector.shape_cast %concatenate3A_53 : vector<1000x128xf32> to vector<1x1000x128xf32>
    tpu.vector_store %arg5[%swap3A_54, %swap3A_55, %swap3A_56], %swap3A_59 {strides = array<i32>} : memref<2x1000x128xf32, #tpu.memory_space<vmem>>, vector<1x1000x128xf32>,
    return
  }
  func.func @transform_0(%arg0: i32) -> (i32, i32, i32) {
    %c0_i32 = arith.constant 0 : i32
    %c0_i32_0 = arith.constant 0 : i32
    %c0_i32_1 = arith.constant 0 : i32
    return %c0_i32, %arg0, %c0_i32_0 : i32, i32, i32
  }
  func.func @transform_1(%arg0: i32) -> (i32, i32) {
    %c0_i32 = arith.constant 0 : i32
    %c0_i32_0 = arith.constant 0 : i32
    return %arg0, %c0_i32 : i32, i32
  }
  func.func @transform_2(%arg0: i32) -> (i32, i32) {
    %add3A = arith.constant 5 : i32
    %add3A_0 = arith.addi %add3A, %arg0 : i32
    %c0_i32 = arith.constant 0 : i32
    %c0_i32_1 = arith.constant 0 : i32
    return %add3A_0, %c0_i32 : i32, i32
  }
  func.func @transform_3(%arg0: i32) -> (i32, i32) {
    %c0_i32 = arith.constant 0 : i32
    %c0_i32_0 = arith.constant 0 : i32
    %c0_i32_1 = arith.constant 0 : i32
    return %c0_i32, %c0_i32_0 : i32, i32
  }
  func.func @transform_4(%arg0: i32) -> (i32, i32, i32) {
    %c0_i32 = arith.constant 0 : i32
    %c0_i32_0 = arith.constant 0 : i32
    %c0_i32_1 = arith.constant 0 : i32
    return %c0_i32, %arg0, %c0_i32_0 : i32, i32, i32
  }
}

module attributes {stable_mosaic.version = 14 : i64} {
  func.func @_combine_body(%arg0: i32, %arg1: memref<2x1000x128xf32, #tpu.memory_space<vmem>>, %arg2: memref<2x1000x128xf32, #tpu.memory_space<vmem>>, %arg3: memref<2x1000x128xf32, #tpu.memory_space<vmem>>, %arg4: memref<1x128xf32, #tpu.memory_space<vmem>>, %arg5: memref<128x128xf32, #tpu.memory_space<vmem>>, %arg6: memref<2x1000x128xf32, #tpu.memory_space<vmem>>) attributes {dimension_semantics = [#tpu.dimension_semantics<arbitrary>], iteration_bounds = array<i64: 5>, scalar_prefetch = 0 : i64, scratch_operands = 0 : i64, tpu.core_type = #tpu.core_type<tc>, window_params = [{transform_indices = @transform_0, window_bounds = array<i64: 2, 1000, 128>}, {transform_indices = @transform_1, window_bounds = array<i64: 2, 1000, 128>}, {transform_indices = @transform_2, window_bounds = array<i64: 2, 1000, 128>}, {pipeline_mode = #tpu.pipeline_mode<synchronous>, transform_indices = @transform_3, window_bounds = array<i64: 1, 128>}, {pipeline_mode = #tpu.pipeline_mode<synchronous>, transform_indices = @transform_4, window_bounds = array<i64: 128, 128>}, {transform_indices = @transform_5, window_bounds = array<i64: 2, 1000, 128>}]} {
    %get3A = arith.constant 0 : index
    %get3A_0 = arith.constant 0 : index
    %get3A_1 = arith.constant 0 : index
    %get3A_2 = vector.load %arg1[%get3A, %get3A_0, %get3A_1] : memref<2x1000x128xf32, #tpu.memory_space<vmem>>, vector<1x1000x1xf32>
    %get3A_3 = vector.shape_cast %get3A_2 : vector<1x1000x1xf32> to vector<1000x1xf32>
    %get3A_4 = arith.constant 1 : index
    %get3A_5 = arith.constant 0 : index
    %get3A_6 = arith.constant 0 : index
    %get3A_7 = vector.load %arg1[%get3A_4, %get3A_5, %get3A_6] : memref<2x1000x128xf32, #tpu.memory_space<vmem>>, vector<1x1000x1xf32>
    %get3A_8 = vector.shape_cast %get3A_7 : vector<1x1000x1xf32> to vector<1000x1xf32>
    %add3A = arith.addf %get3A_3, %get3A_8 : vector<1000x1xf32>
    %add3A_9 = arith.constant 1.000000e+00 : f32
    %add3A_10 = vector.broadcast %add3A_9 : f32 to vector<1000x1xf32>
    %add3A_11 = arith.addf %add3A, %add3A_10 : vector<1000x1xf32>
    %get3A_12 = arith.constant 0 : index
    %get3A_13 = arith.constant 0 : index
    %get3A_14 = arith.constant 64 : index
    %get3A_15 = vector.load %arg1[%get3A_12, %get3A_13, %get3A_14] : memref<2x1000x128xf32, #tpu.memory_space<vmem>>, vector<1x1000x1xf32>
    %get3A_16 = vector.shape_cast %get3A_15 : vector<1x1000x1xf32> to vector<1000x1xf32>
    %get3A_17 = arith.constant 1 : index
    %get3A_18 = arith.constant 0 : index
    %get3A_19 = arith.constant 64 : index
    %get3A_20 = vector.load %arg1[%get3A_17, %get3A_18, %get3A_19] : memref<2x1000x128xf32, #tpu.memory_space<vmem>>, vector<1x1000x1xf32>
    %get3A_21 = vector.shape_cast %get3A_20 : vector<1x1000x1xf32> to vector<1000x1xf32>
    %add3A_22 = arith.addf %get3A_16, %get3A_21 : vector<1000x1xf32>
    %add3A_23 = arith.constant 1.000000e+00 : f32
    %add3A_24 = vector.broadcast %add3A_23 : f32 to vector<1000x1xf32>
    %add3A_25 = arith.addf %add3A_22, %add3A_24 : vector<1000x1xf32>
    %rsqrt3A = math.rsqrt %add3A_11 : vector<1000x1xf32>
    %rsqrt3A_26 = math.rsqrt %add3A_25 : vector<1000x1xf32>
    %get3A_27 = arith.constant 0 : index
    %get3A_28 = arith.constant 0 : index
    %get3A_29 = arith.constant 0 : index
    %get3A_30 = vector.load %arg2[%get3A_27, %get3A_28, %get3A_29] : memref<2x1000x128xf32, #tpu.memory_space<vmem>>, vector<1x1000x64xf32>
    %get3A_31 = vector.shape_cast %get3A_30 : vector<1x1000x64xf32> to vector<1000x64xf32>
    %get3A_32 = arith.constant 1 : index
    %get3A_33 = arith.constant 0 : index
    %get3A_34 = arith.constant 0 : index
    %get3A_35 = vector.load %arg2[%get3A_32, %get3A_33, %get3A_34] : memref<2x1000x128xf32, #tpu.memory_space<vmem>>, vector<1x1000x64xf32>
    %get3A_36 = vector.shape_cast %get3A_35 : vector<1x1000x64xf32> to vector<1000x64xf32>
    %concatenate3A = tpu.concatenate %get3A_31, %get3A_36 in 1 : vector<1000x64xf32>, vector<1000x64xf32> -> vector<1000x128xf32>
    %get3A_37 = arith.constant 0 : index
    %get3A_38 = arith.constant 0 : index
    %get3A_39 = arith.constant 64 : index
    %get3A_40 = vector.load %arg2[%get3A_37, %get3A_38, %get3A_39] : memref<2x1000x128xf32, #tpu.memory_space<vmem>>, vector<1x1000x64xf32>
    %get3A_41 = vector.shape_cast %get3A_40 : vector<1x1000x64xf32> to vector<1000x64xf32>
    %get3A_42 = arith.constant 1 : index
    %get3A_43 = arith.constant 0 : index
    %get3A_44 = arith.constant 64 : index
    %get3A_45 = vector.load %arg2[%get3A_42, %get3A_43, %get3A_44] : memref<2x1000x128xf32, #tpu.memory_space<vmem>>, vector<1x1000x64xf32>
    %get3A_46 = vector.shape_cast %get3A_45 : vector<1x1000x64xf32> to vector<1000x64xf32>
    %concatenate3A_47 = tpu.concatenate %get3A_41, %get3A_46 in 1 : vector<1000x64xf32>, vector<1000x64xf32> -> vector<1000x128xf32>
    %get3A_48 = arith.constant 0 : index
    %get3A_49 = arith.constant 0 : index
    %get3A_50 = arith.constant 0 : index
    %get3A_51 = vector.load %arg3[%get3A_48, %get3A_49, %get3A_50] : memref<2x1000x128xf32, #tpu.memory_space<vmem>>, vector<1x1000x64xf32>
    %get3A_52 = vector.shape_cast %get3A_51 : vector<1x1000x64xf32> to vector<1000x64xf32>
    %get3A_53 = arith.constant 1 : index
    %get3A_54 = arith.constant 0 : index
    %get3A_55 = arith.constant 0 : index
    %get3A_56 = vector.load %arg3[%get3A_53, %get3A_54, %get3A_55] : memref<2x1000x128xf32, #tpu.memory_space<vmem>>, vector<1x1000x64xf32>
    %get3A_57 = vector.shape_cast %get3A_56 : vector<1x1000x64xf32> to vector<1000x64xf32>
    %concatenate3A_58 = tpu.concatenate %get3A_52, %get3A_57 in 1 : vector<1000x64xf32>, vector<1000x64xf32> -> vector<1000x128xf32>
    %get3A_59 = arith.constant 0 : index
    %get3A_60 = arith.constant 0 : index
    %get3A_61 = arith.constant 64 : index
    %get3A_62 = vector.load %arg3[%get3A_59, %get3A_60, %get3A_61] : memref<2x1000x128xf32, #tpu.memory_space<vmem>>, vector<1x1000x64xf32>
    %get3A_63 = vector.shape_cast %get3A_62 : vector<1x1000x64xf32> to vector<1000x64xf32>
    %get3A_64 = arith.constant 1 : index
    %get3A_65 = arith.constant 0 : index
    %get3A_66 = arith.constant 64 : index
    %get3A_67 = vector.load %arg3[%get3A_64, %get3A_65, %get3A_66] : memref<2x1000x128xf32, #tpu.memory_space<vmem>>, vector<1x1000x64xf32>
    %get3A_68 = vector.shape_cast %get3A_67 : vector<1x1000x64xf32> to vector<1000x64xf32>
    %concatenate3A_69 = tpu.concatenate %get3A_63, %get3A_68 in 1 : vector<1000x64xf32>, vector<1000x64xf32> -> vector<1000x128xf32>
    %add3A_70 = arith.addf %concatenate3A, %concatenate3A_58 : vector<1000x128xf32>
    %mul3A = vector.broadcast %rsqrt3A : vector<1000x1xf32> to vector<1000x128xf32>
    %mul3A_71 = arith.mulf %add3A_70, %mul3A : vector<1000x128xf32>
    %get3A_72 = arith.constant 0 : index
    %get3A_73 = arith.constant 0 : index
    %get3A_74 = vector.load %arg4[%get3A_72, %get3A_73] : memref<1x128xf32, #tpu.memory_space<vmem>>, vector<1x128xf32>
    %add3A_75 = vector.broadcast %get3A_74 : vector<1x128xf32> to vector<1000x128xf32>
    %add3A_76 = arith.addf %mul3A_71, %add3A_75 : vector<1000x128xf32>
    %max3A = arith.constant 0.000000e+00 : f32
    %max3A_77 = vector.broadcast %max3A : f32 to vector<1000x128xf32>
    %max3A_78 = arith.maximumf %add3A_76, %max3A_77 : vector<1000x128xf32>
    %add3A_79 = arith.addf %concatenate3A_47, %concatenate3A_69 : vector<1000x128xf32>
    %mul3A_80 = vector.broadcast %rsqrt3A_26 : vector<1000x1xf32> to vector<1000x128xf32>
    %mul3A_81 = arith.mulf %add3A_79, %mul3A_80 : vector<1000x128xf32>
    %get3A_82 = arith.constant 0 : index
    %get3A_83 = arith.constant 0 : index
    %get3A_84 = vector.load %arg4[%get3A_82, %get3A_83] : memref<1x128xf32, #tpu.memory_space<vmem>>, vector<1x128xf32>
    %add3A_85 = vector.broadcast %get3A_84 : vector<1x128xf32> to vector<1000x128xf32>
    %add3A_86 = arith.addf %mul3A_81, %add3A_85 : vector<1000x128xf32>
    %max3A_87 = arith.constant 0.000000e+00 : f32
    %max3A_88 = vector.broadcast %max3A_87 : f32 to vector<1000x128xf32>
    %max3A_89 = arith.maximumf %add3A_86, %max3A_88 : vector<1000x128xf32>
    %get3A_90 = arith.constant 0 : index
    %get3A_91 = arith.constant 0 : index
    %get3A_92 = vector.load %arg5[%get3A_90, %get3A_91] : memref<128x128xf32, #tpu.memory_space<vmem>>, vector<128x128xf32>
    %dot_general3A = arith.constant dense<0.000000e+00> : vector<1000x128xf32>
    %dot_general3A_93 = tpu.matmul %max3A_78, %get3A_92, %dot_general3A {dimension_numbers = #tpu.dot_dimension_numbers<[1], [0], [0], [1], [0, 0, 1, 1], [], []>, transpose_lhs_hint = false} : vector<1000x128xf32>, vector<128x128xf32>, vector<1000x128xf32> -> vector<1000x128xf32>
    %mul3A_94 = vector.broadcast %rsqrt3A : vector<1000x1xf32> to vector<1000x128xf32>
    %mul3A_95 = arith.mulf %dot_general3A_93, %mul3A_94 : vector<1000x128xf32>
    %get3A_96 = arith.constant 0 : index
    %get3A_97 = arith.constant 0 : index
    %get3A_98 = vector.load %arg5[%get3A_96, %get3A_97] : memref<128x128xf32, #tpu.memory_space<vmem>>, vector<128x128xf32>
    %dot_general3A_99 = arith.constant dense<0.000000e+00> : vector<1000x128xf32>
    %dot_general3A_100 = tpu.matmul %max3A_89, %get3A_98, %dot_general3A_99 {dimension_numbers = #tpu.dot_dimension_numbers<[1], [0], [0], [1], [0, 0, 1, 1], [], []>, transpose_lhs_hint = false} : vector<1000x128xf32>, vector<128x128xf32>, vector<1000x128xf32> -> vector<1000x128xf32>
    %mul3A_101 = vector.broadcast %rsqrt3A_26 : vector<1000x1xf32> to vector<1000x128xf32>
    %mul3A_102 = arith.mulf %dot_general3A_100, %mul3A_101 : vector<1000x128xf32>
    %slice3A = vector.extract_strided_slice %mul3A_95 {offsets = [0, 0], sizes = [1000, 64], strides = [1, 1]} : vector<1000x128xf32> to vector<1000x64xf32>
    %slice3A_103 = vector.extract_strided_slice %mul3A_102 {offsets = [0, 0], sizes = [1000, 64], strides = [1, 1]} : vector<1000x128xf32> to vector<1000x64xf32>
    %concatenate3A_104 = tpu.concatenate %slice3A, %slice3A_103 in 1 : vector<1000x64xf32>, vector<1000x64xf32> -> vector<1000x128xf32>
    %swap3A = arith.constant 0 : index
    %swap3A_105 = arith.constant 0 : index
    %swap3A_106 = arith.constant 0 : index
    %swap3A_107 = vector.load %arg6[%swap3A, %swap3A_105, %swap3A_106] : memref<2x1000x128xf32, #tpu.memory_space<vmem>>, vector<1x1000x128xf32>
    %swap3A_108 = vector.shape_cast %swap3A_107 : vector<1x1000x128xf32> to vector<1000x128xf32>
    %swap3A_109 = vector.shape_cast %concatenate3A_104 : vector<1000x128xf32> to vector<1x1000x128xf32>
    tpu.vector_store %arg6[%swap3A, %swap3A_105, %swap3A_106], %swap3A_109 {strides = array<i32>} : memref<2x1000x128xf32, #tpu.memory_space<vmem>>, vector<1x1000x128xf32>,
    %slice3A_110 = vector.extract_strided_slice %mul3A_95 {offsets = [0, 64], sizes = [1000, 64], strides = [1, 1]} : vector<1000x128xf32> to vector<1000x64xf32>
    %slice3A_111 = vector.extract_strided_slice %mul3A_102 {offsets = [0, 64], sizes = [1000, 64], strides = [1, 1]} : vector<1000x128xf32> to vector<1000x64xf32>
    %concatenate3A_112 = tpu.concatenate %slice3A_110, %slice3A_111 in 1 : vector<1000x64xf32>, vector<1000x64xf32> -> vector<1000x128xf32>
    %swap3A_113 = arith.constant 1 : index
    %swap3A_114 = arith.constant 0 : index
    %swap3A_115 = arith.constant 0 : index
    %swap3A_116 = vector.load %arg6[%swap3A_113, %swap3A_114, %swap3A_115] : memref<2x1000x128xf32, #tpu.memory_space<vmem>>, vector<1x1000x128xf32>
    %swap3A_117 = vector.shape_cast %swap3A_116 : vector<1x1000x128xf32> to vector<1000x128xf32>
    %swap3A_118 = vector.shape_cast %concatenate3A_112 : vector<1000x128xf32> to vector<1x1000x128xf32>
    tpu.vector_store %arg6[%swap3A_113, %swap3A_114, %swap3A_115], %swap3A_118 {strides = array<i32>} : memref<2x1000x128xf32, #tpu.memory_space<vmem>>, vector<1x1000x128xf32>,
    return
  }
  func.func @transform_0(%arg0: i32) -> (i32, i32, i32) {
    %c0_i32 = arith.constant 0 : i32
    %c0_i32_0 = arith.constant 0 : i32
    %c0_i32_1 = arith.constant 0 : i32
    return %c0_i32, %arg0, %c0_i32_0 : i32, i32, i32
  }
  func.func @transform_1(%arg0: i32) -> (i32, i32, i32) {
    %c0_i32 = arith.constant 0 : i32
    %c0_i32_0 = arith.constant 0 : i32
    %c0_i32_1 = arith.constant 0 : i32
    return %c0_i32, %arg0, %c0_i32_0 : i32, i32, i32
  }
  func.func @transform_2(%arg0: i32) -> (i32, i32, i32) {
    %c0_i32 = arith.constant 0 : i32
    %c0_i32_0 = arith.constant 0 : i32
    %c0_i32_1 = arith.constant 0 : i32
    return %c0_i32, %arg0, %c0_i32_0 : i32, i32, i32
  }
  func.func @transform_3(%arg0: i32) -> (i32, i32) {
    %c0_i32 = arith.constant 0 : i32
    %c0_i32_0 = arith.constant 0 : i32
    %c0_i32_1 = arith.constant 0 : i32
    return %c0_i32, %c0_i32_0 : i32, i32
  }
  func.func @transform_4(%arg0: i32) -> (i32, i32) {
    %c0_i32 = arith.constant 0 : i32
    %c0_i32_0 = arith.constant 0 : i32
    %c0_i32_1 = arith.constant 0 : i32
    return %c0_i32, %c0_i32_0 : i32, i32
  }
  func.func @transform_5(%arg0: i32) -> (i32, i32, i32) {
    %c0_i32 = arith.constant 0 : i32
    %c0_i32_0 = arith.constant 0 : i32
    %c0_i32_1 = arith.constant 0 : i32
    return %c0_i32, %arg0, %c0_i32_0 : i32, i32, i32
  }
}

module attributes {stable_mosaic.version = 14 : i64} {
  func.func @_final_body(%arg0: i32, %arg1: memref<2x1000x128xf32, #tpu.memory_space<vmem>>, %arg2: memref<2x1000x128xf32, #tpu.memory_space<vmem>>, %arg3: memref<2x1000x128xf32, #tpu.memory_space<vmem>>, %arg4: memref<1x128xf32, #tpu.memory_space<vmem>>, %arg5: memref<1x1x1000xi32, #tpu.memory_space<vmem>>, %arg6: memref<1x1x1000xi32, #tpu.memory_space<vmem>>, %arg7: memref<128x128xf32, #tpu.memory_space<vmem>>, %arg8: memref<1x128xf32, #tpu.memory_space<vmem>>, %arg9: memref<128x32xf32, #tpu.memory_space<vmem>>, %arg10: memref<1x32xf32, #tpu.memory_space<vmem>>, %arg11: memref<64x32xf32, #tpu.memory_space<vmem>>, %arg12: memref<64x128xf32, #tpu.memory_space<vmem>>, %arg13: memref<64x128xf32, #tpu.memory_space<vmem>>) attributes {dimension_semantics = [#tpu.dimension_semantics<arbitrary>], iteration_bounds = array<i64: 5>, scalar_prefetch = 0 : i64, scratch_operands = 2 : i64, tpu.core_type = #tpu.core_type<tc>, window_params = [{transform_indices = @transform_0, window_bounds = array<i64: 2, 1000, 128>}, {transform_indices = @transform_1, window_bounds = array<i64: 2, 1000, 128>}, {transform_indices = @transform_2, window_bounds = array<i64: 2, 1000, 128>}, {pipeline_mode = #tpu.pipeline_mode<synchronous>, transform_indices = @transform_3, window_bounds = array<i64: 1, 128>}, {transform_indices = @transform_4, window_bounds = array<i64: 1, 1, 1000>}, {transform_indices = @transform_5, window_bounds = array<i64: 1, 1, 1000>}, {pipeline_mode = #tpu.pipeline_mode<synchronous>, transform_indices = @transform_6, window_bounds = array<i64: 128, 128>}, {pipeline_mode = #tpu.pipeline_mode<synchronous>, transform_indices = @transform_7, window_bounds = array<i64: 1, 128>}, {pipeline_mode = #tpu.pipeline_mode<synchronous>, transform_indices = @transform_8, window_bounds = array<i64: 128, 32>}, {pipeline_mode = #tpu.pipeline_mode<synchronous>, transform_indices = @transform_9, window_bounds = array<i64: 1, 32>}, {pipeline_mode = #tpu.pipeline_mode<synchronous>, transform_indices = @transform_10, window_bounds = array<i64: 64, 32>}]} {
    %eq3A = arith.constant 0 : i32
    %eq3A_0 = arith.cmpi eq, %arg0, %eq3A : i32
    %convert_element_type3A = arith.extui %eq3A_0 : i1 to i32
    %cond3A = arith.constant 0 : i32
    %cond3A_1 = arith.cmpi ne, %convert_element_type3A, %cond3A : i32
    scf.if %cond3A_1 {
      %broadcast_in_dim3A_141 = arith.constant 0.000000e+00 : f32
      %broadcast_in_dim3A_142 = vector.broadcast %broadcast_in_dim3A_141 : f32 to vector<64x128xf32>
      %swap3A_143 = arith.constant 0 : index
      %swap3A_144 = arith.constant 0 : index
      %swap3A_145 = vector.load %arg12[%swap3A_143, %swap3A_144] : memref<64x128xf32, #tpu.memory_space<vmem>>, vector<64x128xf32>
      tpu.vector_store %arg12[%swap3A_143, %swap3A_144], %broadcast_in_dim3A_142 {strides = array<i32>} : memref<64x128xf32, #tpu.memory_space<vmem>>, vector<64x128xf32>,
      %broadcast_in_dim3A_146 = arith.constant 0.000000e+00 : f32
      %broadcast_in_dim3A_147 = vector.broadcast %broadcast_in_dim3A_146 : f32 to vector<64x128xf32>
      %swap3A_148 = arith.constant 0 : index
      %swap3A_149 = arith.constant 0 : index
      %swap3A_150 = vector.load %arg13[%swap3A_148, %swap3A_149] : memref<64x128xf32, #tpu.memory_space<vmem>>, vector<64x128xf32>
      tpu.vector_store %arg13[%swap3A_148, %swap3A_149], %broadcast_in_dim3A_147 {strides = array<i32>} : memref<64x128xf32, #tpu.memory_space<vmem>>, vector<64x128xf32>,
    } else {
    }
    %get3A = arith.constant 0 : index
    %get3A_2 = arith.constant 0 : index
    %get3A_3 = arith.constant 0 : index
    %get3A_4 = vector.load %arg1[%get3A, %get3A_2, %get3A_3] : memref<2x1000x128xf32, #tpu.memory_space<vmem>>, vector<1x1000x1xf32>
    %get3A_5 = vector.shape_cast %get3A_4 : vector<1x1000x1xf32> to vector<1000x1xf32>
    %get3A_6 = arith.constant 1 : index
    %get3A_7 = arith.constant 0 : index
    %get3A_8 = arith.constant 0 : index
    %get3A_9 = vector.load %arg1[%get3A_6, %get3A_7, %get3A_8] : memref<2x1000x128xf32, #tpu.memory_space<vmem>>, vector<1x1000x1xf32>
    %get3A_10 = vector.shape_cast %get3A_9 : vector<1x1000x1xf32> to vector<1000x1xf32>
    %add3A = arith.addf %get3A_5, %get3A_10 : vector<1000x1xf32>
    %add3A_11 = arith.constant 1.000000e+00 : f32
    %add3A_12 = vector.broadcast %add3A_11 : f32 to vector<1000x1xf32>
    %add3A_13 = arith.addf %add3A, %add3A_12 : vector<1000x1xf32>
    %get3A_14 = arith.constant 0 : index
    %get3A_15 = arith.constant 0 : index
    %get3A_16 = arith.constant 64 : index
    %get3A_17 = vector.load %arg1[%get3A_14, %get3A_15, %get3A_16] : memref<2x1000x128xf32, #tpu.memory_space<vmem>>, vector<1x1000x1xf32>
    %get3A_18 = vector.shape_cast %get3A_17 : vector<1x1000x1xf32> to vector<1000x1xf32>
    %get3A_19 = arith.constant 1 : index
    %get3A_20 = arith.constant 0 : index
    %get3A_21 = arith.constant 64 : index
    %get3A_22 = vector.load %arg1[%get3A_19, %get3A_20, %get3A_21] : memref<2x1000x128xf32, #tpu.memory_space<vmem>>, vector<1x1000x1xf32>
    %get3A_23 = vector.shape_cast %get3A_22 : vector<1x1000x1xf32> to vector<1000x1xf32>
    %add3A_24 = arith.addf %get3A_18, %get3A_23 : vector<1000x1xf32>
    %add3A_25 = arith.constant 1.000000e+00 : f32
    %add3A_26 = vector.broadcast %add3A_25 : f32 to vector<1000x1xf32>
    %add3A_27 = arith.addf %add3A_24, %add3A_26 : vector<1000x1xf32>
    %rsqrt3A = math.rsqrt %add3A_13 : vector<1000x1xf32>
    %rsqrt3A_28 = math.rsqrt %add3A_27 : vector<1000x1xf32>
    %get3A_29 = arith.constant 0 : index
    %get3A_30 = arith.constant 0 : index
    %get3A_31 = arith.constant 0 : index
    %get3A_32 = vector.load %arg2[%get3A_29, %get3A_30, %get3A_31] : memref<2x1000x128xf32, #tpu.memory_space<vmem>>, vector<1x1000x64xf32>
    %get3A_33 = vector.shape_cast %get3A_32 : vector<1x1000x64xf32> to vector<1000x64xf32>
    %get3A_34 = arith.constant 1 : index
    %get3A_35 = arith.constant 0 : index
    %get3A_36 = arith.constant 0 : index
    %get3A_37 = vector.load %arg2[%get3A_34, %get3A_35, %get3A_36] : memref<2x1000x128xf32, #tpu.memory_space<vmem>>, vector<1x1000x64xf32>
    %get3A_38 = vector.shape_cast %get3A_37 : vector<1x1000x64xf32> to vector<1000x64xf32>
    %concatenate3A = tpu.concatenate %get3A_33, %get3A_38 in 1 : vector<1000x64xf32>, vector<1000x64xf32> -> vector<1000x128xf32>
    %get3A_39 = arith.constant 0 : index
    %get3A_40 = arith.constant 0 : index
    %get3A_41 = arith.constant 64 : index
    %get3A_42 = vector.load %arg2[%get3A_39, %get3A_40, %get3A_41] : memref<2x1000x128xf32, #tpu.memory_space<vmem>>, vector<1x1000x64xf32>
    %get3A_43 = vector.shape_cast %get3A_42 : vector<1x1000x64xf32> to vector<1000x64xf32>
    %get3A_44 = arith.constant 1 : index
    %get3A_45 = arith.constant 0 : index
    %get3A_46 = arith.constant 64 : index
    %get3A_47 = vector.load %arg2[%get3A_44, %get3A_45, %get3A_46] : memref<2x1000x128xf32, #tpu.memory_space<vmem>>, vector<1x1000x64xf32>
    %get3A_48 = vector.shape_cast %get3A_47 : vector<1x1000x64xf32> to vector<1000x64xf32>
    %concatenate3A_49 = tpu.concatenate %get3A_43, %get3A_48 in 1 : vector<1000x64xf32>, vector<1000x64xf32> -> vector<1000x128xf32>
    %get3A_50 = arith.constant 0 : index
    %get3A_51 = arith.constant 0 : index
    %get3A_52 = arith.constant 0 : index
    %get3A_53 = vector.load %arg3[%get3A_50, %get3A_51, %get3A_52] : memref<2x1000x128xf32, #tpu.memory_space<vmem>>, vector<1x1000x64xf32>
    %get3A_54 = vector.shape_cast %get3A_53 : vector<1x1000x64xf32> to vector<1000x64xf32>
    %get3A_55 = arith.constant 1 : index
    %get3A_56 = arith.constant 0 : index
    %get3A_57 = arith.constant 0 : index
    %get3A_58 = vector.load %arg3[%get3A_55, %get3A_56, %get3A_57] : memref<2x1000x128xf32, #tpu.memory_space<vmem>>, vector<1x1000x64xf32>
    %get3A_59 = vector.shape_cast %get3A_58 : vector<1x1000x64xf32> to vector<1000x64xf32>
    %concatenate3A_60 = tpu.concatenate %get3A_54, %get3A_59 in 1 : vector<1000x64xf32>, vector<1000x64xf32> -> vector<1000x128xf32>
    %get3A_61 = arith.constant 0 : index
    %get3A_62 = arith.constant 0 : index
    %get3A_63 = arith.constant 64 : index
    %get3A_64 = vector.load %arg3[%get3A_61, %get3A_62, %get3A_63] : memref<2x1000x128xf32, #tpu.memory_space<vmem>>, vector<1x1000x64xf32>
    %get3A_65 = vector.shape_cast %get3A_64 : vector<1x1000x64xf32> to vector<1000x64xf32>
    %get3A_66 = arith.constant 1 : index
    %get3A_67 = arith.constant 0 : index
    %get3A_68 = arith.constant 64 : index
    %get3A_69 = vector.load %arg3[%get3A_66, %get3A_67, %get3A_68] : memref<2x1000x128xf32, #tpu.memory_space<vmem>>, vector<1x1000x64xf32>
    %get3A_70 = vector.shape_cast %get3A_69 : vector<1x1000x64xf32> to vector<1000x64xf32>
    %concatenate3A_71 = tpu.concatenate %get3A_65, %get3A_70 in 1 : vector<1000x64xf32>, vector<1000x64xf32> -> vector<1000x128xf32>
    %add3A_72 = arith.addf %concatenate3A, %concatenate3A_60 : vector<1000x128xf32>
    %mul3A = vector.broadcast %rsqrt3A : vector<1000x1xf32> to vector<1000x128xf32>
    %mul3A_73 = arith.mulf %add3A_72, %mul3A : vector<1000x128xf32>
    %get3A_74 = arith.constant 0 : index
    %get3A_75 = arith.constant 0 : index
    %get3A_76 = vector.load %arg4[%get3A_74, %get3A_75] : memref<1x128xf32, #tpu.memory_space<vmem>>, vector<1x128xf32>
    %add3A_77 = vector.broadcast %get3A_76 : vector<1x128xf32> to vector<1000x128xf32>
    %add3A_78 = arith.addf %mul3A_73, %add3A_77 : vector<1000x128xf32>
    %max3A = arith.constant 0.000000e+00 : f32
    %max3A_79 = vector.broadcast %max3A : f32 to vector<1000x128xf32>
    %max3A_80 = arith.maximumf %add3A_78, %max3A_79 : vector<1000x128xf32>
    %add3A_81 = arith.addf %concatenate3A_49, %concatenate3A_71 : vector<1000x128xf32>
    %mul3A_82 = vector.broadcast %rsqrt3A_28 : vector<1000x1xf32> to vector<1000x128xf32>
    %mul3A_83 = arith.mulf %add3A_81, %mul3A_82 : vector<1000x128xf32>
    %get3A_84 = arith.constant 0 : index
    %get3A_85 = arith.constant 0 : index
    %get3A_86 = vector.load %arg4[%get3A_84, %get3A_85] : memref<1x128xf32, #tpu.memory_space<vmem>>, vector<1x128xf32>
    %add3A_87 = vector.broadcast %get3A_86 : vector<1x128xf32> to vector<1000x128xf32>
    %add3A_88 = arith.addf %mul3A_83, %add3A_87 : vector<1000x128xf32>
    %max3A_89 = arith.constant 0.000000e+00 : f32
    %max3A_90 = vector.broadcast %max3A_89 : f32 to vector<1000x128xf32>
    %max3A_91 = arith.maximumf %add3A_88, %max3A_90 : vector<1000x128xf32>
    %iota3A = tpu.iota {dimensions = array<i32: 0>} : vector<64x1xi32>
    %get3A_92 = arith.constant 0 : index
    %get3A_93 = arith.constant 0 : index
    %get3A_94 = arith.constant 0 : index
    %get3A_95 = vector.load %arg5[%get3A_92, %get3A_93, %get3A_94] : memref<1x1x1000xi32, #tpu.memory_space<vmem>>, vector<1x1x1000xi32>
    %get3A_96 = vector.shape_cast %get3A_95 : vector<1x1x1000xi32> to vector<1x1000xi32>
    %eq3A_97 = vector.broadcast %get3A_96 : vector<1x1000xi32> to vector<64x1000xi32>
    %eq3A_98 = vector.broadcast %iota3A : vector<64x1xi32> to vector<64x1000xi32>
    %eq3A_99 = arith.cmpi eq, %eq3A_97, %eq3A_98 : vector<64x1000xi32>
    %convert_element_type3A_100 = arith.extui %eq3A_99 : vector<64x1000xi1> to vector<64x1000xi32>
    %convert_element_type3A_101 = arith.sitofp %convert_element_type3A_100 : vector<64x1000xi32> to vector<64x1000xf32>
    %get3A_102 = arith.constant 0 : index
    %get3A_103 = arith.constant 0 : index
    %get3A_104 = arith.constant 0 : index
    %get3A_105 = vector.load %arg6[%get3A_102, %get3A_103, %get3A_104] : memref<1x1x1000xi32, #tpu.memory_space<vmem>>, vector<1x1x1000xi32>
    %get3A_106 = vector.shape_cast %get3A_105 : vector<1x1x1000xi32> to vector<1x1000xi32>
    %eq3A_107 = vector.broadcast %get3A_106 : vector<1x1000xi32> to vector<64x1000xi32>
    %eq3A_108 = vector.broadcast %iota3A : vector<64x1xi32> to vector<64x1000xi32>
    %eq3A_109 = arith.cmpi eq, %eq3A_107, %eq3A_108 : vector<64x1000xi32>
    %convert_element_type3A_110 = arith.extui %eq3A_109 : vector<64x1000xi1> to vector<64x1000xi32>
    %convert_element_type3A_111 = arith.sitofp %convert_element_type3A_110 : vector<64x1000xi32> to vector<64x1000xf32>
    %get3A_112 = arith.constant 0 : index
    %get3A_113 = arith.constant 0 : index
    %get3A_114 = vector.load %arg12[%get3A_112, %get3A_113] : memref<64x128xf32, #tpu.memory_space<vmem>>, vector<64x128xf32>
    %dot_general3A = arith.constant dense<0.000000e+00> : vector<64x128xf32>
    %dot_general3A_115 = tpu.matmul %convert_element_type3A_101, %max3A_80, %dot_general3A {dimension_numbers = #tpu.dot_dimension_numbers<[1], [0], [0], [1], [0, 0, 1, 1], [], []>, transpose_lhs_hint = false} : vector<64x1000xf32>, vector<1000x128xf32>, vector<64x128xf32> -> vector<64x128xf32>
    %dot_general3A_116 = arith.constant dense<0.000000e+00> : vector<64x128xf32>
    %dot_general3A_117 = tpu.matmul %convert_element_type3A_111, %max3A_91, %dot_general3A_116 {dimension_numbers = #tpu.dot_dimension_numbers<[1], [0], [0], [1], [0, 0, 1, 1], [], []>, transpose_lhs_hint = false} : vector<64x1000xf32>, vector<1000x128xf32>, vector<64x128xf32> -> vector<64x128xf32>
    %add3A_118 = arith.addf %dot_general3A_115, %dot_general3A_117 : vector<64x128xf32>
    %add3A_119 = arith.addf %get3A_114, %add3A_118 : vector<64x128xf32>
    %swap3A = arith.constant 0 : index
    %swap3A_120 = arith.constant 0 : index
    %swap3A_121 = vector.load %arg12[%swap3A, %swap3A_120] : memref<64x128xf32, #tpu.memory_space<vmem>>, vector<64x128xf32>
    tpu.vector_store %arg12[%swap3A, %swap3A_120], %add3A_119 {strides = array<i32>} : memref<64x128xf32, #tpu.memory_space<vmem>>, vector<64x128xf32>,
    %reduce_sum3A = arith.constant dense<0.000000e+00> : vector<64xf32>
    %reduce_sum3A_122 = vector.multi_reduction <add>, %convert_element_type3A_101, %reduce_sum3A [1] : vector<64x1000xf32> to vector<64xf32>
    %broadcast_in_dim3A = vector.shape_cast %reduce_sum3A_122 : vector<64xf32> to vector<64x1xf32>
    %reduce_sum3A_123 = arith.constant dense<0.000000e+00> : vector<64xf32>
    %reduce_sum3A_124 = vector.multi_reduction <add>, %convert_element_type3A_111, %reduce_sum3A_123 [1] : vector<64x1000xf32> to vector<64xf32>
    %broadcast_in_dim3A_125 = vector.shape_cast %reduce_sum3A_124 : vector<64xf32> to vector<64x1xf32>
    %add3A_126 = arith.addf %broadcast_in_dim3A, %broadcast_in_dim3A_125 : vector<64x1xf32>
    %get3A_127 = arith.constant 0 : index
    %get3A_128 = arith.constant 0 : index
    %get3A_129 = vector.load %arg13[%get3A_127, %get3A_128] : memref<64x128xf32, #tpu.memory_space<vmem>>, vector<64x128xf32>
    %broadcast_in_dim3A_130 = vector.shape_cast %add3A_126 : vector<64x1xf32> to vector<64x1xf32>
    %broadcast_in_dim3A_131 = vector.broadcast %broadcast_in_dim3A_130 : vector<64x1xf32> to vector<64x128xf32>
    %add3A_132 = arith.addf %get3A_129, %broadcast_in_dim3A_131 : vector<64x128xf32>
    %swap3A_133 = arith.constant 0 : index
    %swap3A_134 = arith.constant 0 : index
    %swap3A_135 = vector.load %arg13[%swap3A_133, %swap3A_134] : memref<64x128xf32, #tpu.memory_space<vmem>>, vector<64x128xf32>
    tpu.vector_store %arg13[%swap3A_133, %swap3A_134], %add3A_132 {strides = array<i32>} : memref<64x128xf32, #tpu.memory_space<vmem>>, vector<64x128xf32>,
    %eq3A_136 = arith.constant 4 : i32
    %eq3A_137 = arith.cmpi eq, %arg0, %eq3A_136 : i32
    %convert_element_type3A_138 = arith.extui %eq3A_137 : i1 to i32
    %cond3A_139 = arith.constant 0 : i32
    %cond3A_140 = arith.cmpi ne, %convert_element_type3A_138, %cond3A_139 : i32
    scf.if %cond3A_140 {
      %get3A_141 = arith.constant 0 : index
      %get3A_142 = arith.constant 0 : index
      %get3A_143 = vector.load %arg12[%get3A_141, %get3A_142] : memref<64x128xf32, #tpu.memory_space<vmem>>, vector<64x128xf32>
      %get3A_144 = arith.constant 0 : index
      %get3A_145 = arith.constant 0 : index
      %get3A_146 = vector.load %arg13[%get3A_144, %get3A_145] : memref<64x128xf32, #tpu.memory_space<vmem>>, vector<64x128xf32>
      %max3A_147 = arith.constant 1.000000e+00 : f32
      %max3A_148 = vector.broadcast %max3A_147 : f32 to vector<64x128xf32>
      %max3A_149 = arith.maximumf %get3A_146, %max3A_148 : vector<64x128xf32>
      %div3A = arith.divf %get3A_143, %max3A_149 : vector<64x128xf32>
      %get3A_150 = arith.constant 0 : index
      %get3A_151 = arith.constant 0 : index
      %get3A_152 = vector.load %arg7[%get3A_150, %get3A_151] : memref<128x128xf32, #tpu.memory_space<vmem>>, vector<128x128xf32>
      %dot_general3A_153 = arith.constant dense<0.000000e+00> : vector<64x128xf32>
      %dot_general3A_154 = tpu.matmul %div3A, %get3A_152, %dot_general3A_153 {dimension_numbers = #tpu.dot_dimension_numbers<[1], [0], [0], [1], [0, 0, 1, 1], [], []>, transpose_lhs_hint = false} : vector<64x128xf32>, vector<128x128xf32>, vector<64x128xf32> -> vector<64x128xf32>
      %get3A_155 = arith.constant 0 : index
      %get3A_156 = arith.constant 0 : index
      %get3A_157 = vector.load %arg8[%get3A_155, %get3A_156] : memref<1x128xf32, #tpu.memory_space<vmem>>, vector<1x128xf32>
      %add3A_158 = vector.broadcast %get3A_157 : vector<1x128xf32> to vector<64x128xf32>
      %add3A_159 = arith.addf %dot_general3A_154, %add3A_158 : vector<64x128xf32>
      %max3A_160 = arith.constant 0.000000e+00 : f32
      %max3A_161 = vector.broadcast %max3A_160 : f32 to vector<64x128xf32>
      %max3A_162 = arith.maximumf %add3A_159, %max3A_161 : vector<64x128xf32>
      %get3A_163 = arith.constant 0 : index
      %get3A_164 = arith.constant 0 : index
      %get3A_165 = vector.load %arg9[%get3A_163, %get3A_164] : memref<128x32xf32, #tpu.memory_space<vmem>>, vector<128x32xf32>
      %dot_general3A_166 = arith.constant dense<0.000000e+00> : vector<64x32xf32>
      %dot_general3A_167 = tpu.matmul %max3A_162, %get3A_165, %dot_general3A_166 {dimension_numbers = #tpu.dot_dimension_numbers<[1], [0], [0], [1], [0, 0, 1, 1], [], []>, transpose_lhs_hint = false} : vector<64x128xf32>, vector<128x32xf32>, vector<64x32xf32> -> vector<64x32xf32>
      %get3A_168 = arith.constant 0 : index
      %get3A_169 = arith.constant 0 : index
      %get3A_170 = vector.load %arg10[%get3A_168, %get3A_169] : memref<1x32xf32, #tpu.memory_space<vmem>>, vector<1x32xf32>
      %add3A_171 = vector.broadcast %get3A_170 : vector<1x32xf32> to vector<64x32xf32>
      %add3A_172 = arith.addf %dot_general3A_167, %add3A_171 : vector<64x32xf32>
      %swap3A_173 = arith.constant 0 : index
      %swap3A_174 = arith.constant 0 : index
      %swap3A_175 = vector.load %arg11[%swap3A_173, %swap3A_174] : memref<64x32xf32, #tpu.memory_space<vmem>>, vector<64x32xf32>
      tpu.vector_store %arg11[%swap3A_173, %swap3A_174], %add3A_172 {strides = array<i32>} : memref<64x32xf32, #tpu.memory_space<vmem>>, vector<64x32xf32>,
    } else {
    }
    return
  }
  func.func @transform_0(%arg0: i32) -> (i32, i32, i32) {
    %c0_i32 = arith.constant 0 : i32
    %c0_i32_0 = arith.constant 0 : i32
    %c0_i32_1 = arith.constant 0 : i32
    return %c0_i32, %arg0, %c0_i32_0 : i32, i32, i32
  }
  func.func @transform_1(%arg0: i32) -> (i32, i32, i32) {
    %c0_i32 = arith.constant 0 : i32
    %c0_i32_0 = arith.constant 0 : i32
    %c0_i32_1 = arith.constant 0 : i32
    return %c0_i32, %arg0, %c0_i32_0 : i32, i32, i32
  }
  func.func @transform_2(%arg0: i32) -> (i32, i32, i32) {
    %c0_i32 = arith.constant 0 : i32
    %c0_i32_0 = arith.constant 0 : i32
    %c0_i32_1 = arith.constant 0 : i32
    return %c0_i32, %arg0, %c0_i32_0 : i32, i32, i32
  }
  func.func @transform_3(%arg0: i32) -> (i32, i32) {
    %c0_i32 = arith.constant 0 : i32
    %c0_i32_0 = arith.constant 0 : i32
    %c0_i32_1 = arith.constant 0 : i32
    return %c0_i32, %c0_i32_0 : i32, i32
  }
  func.func @transform_4(%arg0: i32) -> (i32, i32, i32) {
    %c0_i32 = arith.constant 0 : i32
    %c0_i32_0 = arith.constant 0 : i32
    %c0_i32_1 = arith.constant 0 : i32
    return %arg0, %c0_i32, %c0_i32_0 : i32, i32, i32
  }
  func.func @transform_5(%arg0: i32) -> (i32, i32, i32) {
    %add3A = arith.constant 5 : i32
    %add3A_0 = arith.addi %add3A, %arg0 : i32
    %c0_i32 = arith.constant 0 : i32
    %c0_i32_1 = arith.constant 0 : i32
    %c0_i32_2 = arith.constant 0 : i32
    return %add3A_0, %c0_i32, %c0_i32_1 : i32, i32, i32
  }
  func.func @transform_6(%arg0: i32) -> (i32, i32) {
    %c0_i32 = arith.constant 0 : i32
    %c0_i32_0 = arith.constant 0 : i32
    %c0_i32_1 = arith.constant 0 : i32
    return %c0_i32, %c0_i32_0 : i32, i32
  }
  func.func @transform_7(%arg0: i32) -> (i32, i32) {
    %c0_i32 = arith.constant 0 : i32
    %c0_i32_0 = arith.constant 0 : i32
    %c0_i32_1 = arith.constant 0 : i32
    return %c0_i32, %c0_i32_0 : i32, i32
  }
  func.func @transform_8(%arg0: i32) -> (i32, i32) {
    %c0_i32 = arith.constant 0 : i32
    %c0_i32_0 = arith.constant 0 : i32
    %c0_i32_1 = arith.constant 0 : i32
    return %c0_i32, %c0_i32_0 : i32, i32
  }
  func.func @transform_9(%arg0: i32) -> (i32, i32) {
    %c0_i32 = arith.constant 0 : i32
    %c0_i32_0 = arith.constant 0 : i32
    %c0_i32_1 = arith.constant 0 : i32
    return %c0_i32, %c0_i32_0 : i32, i32
  }
  func.func @transform_10(%arg0: i32) -> (i32, i32) {
    %c0_i32 = arith.constant 0 : i32
    %c0_i32_0 = arith.constant 0 : i32
    %c0_i32_1 = arith.constant 0 : i32
    return %c0_i32, %c0_i32_0 : i32, i32
  }
}

</mosaic_0001>

<sc_bundles>
// kernel: kernel.10.cloned.1.call-start
scs
__scs_entry_jumppad:
0x0: {  	(pc) =	sbr.rel $0x88, $3  }
0x1: {  	(tag) =	ssettag $0x0;
	lr =	simm.s32 $0x1  }
0x2: {  	[smem:$0x3F94] =	sst lr;
	_ =	strace $0xD0000000  }
0x3: {  	_ = 	snop  }
0x4: {  	_ = 	snop  }
0x5: {  	_ = 	snop  }
0x6: {  	_ = 	snop  }
0x7: {  	_ = 	snop  }
__scs_overlays_trampoline_lowered:
0x8: {  	[smem:$0x3FA3] =	sst s0  }
0x9: {  	[smem:$0x3FA4] =	sst s1  }
0xa: {  	[smem:$0x3FA5] =	sst s2  }
0xb: {  	[smem:$0x3FA6] =	sst s3  }
0xc: {  	[smem:$0x3FA7] =	sst s4  }
0xd: {  	[smem:$0x3FA8] =	sst s5  }
0xe: {  	[smem:$0x3FA9] =	sst s6  }
0xf: {  	[smem:$0x3FAA] =	sst s7  }
0x10: {  	[smem:$0x3FAB] =	sst s8  }
0x11: {  	[smem:$0x3FAC] =	sst s9;
	s0 =	simm.s32 @!p0 $0x0  }
0x12: {  	s1 =	sld [smem:$0x3F92];
	s0 =	simm.s32 @p0 $0x1  }
0x13: {  	[smem:$0x3FAD] =	sst s0;
	s0 =	simm.s32 @!p1 $0x0  }
0x14: {  	s2 =	sld [smem:$0x3F91];
	s0 =	simm.s32 @p1 $0x1  }
0x15: {  	[smem:$0x3FAE] =	sst s0;
	s0 =	simm.s32 @!p2 $0x0  }
0x16: {  	s3 =	sld [smem:$0x3FDB];
	s0 =	simm.s32 @p2 $0x1  }
0x17: {  	s4 =	simm.s32 $0x1BF5;
	[smem:$0x3FB0] =	sst s0  }
0x18: {  	s0 =	sld [smem:$0x3F93];
	_ =	swait.ge [sflag:s4], $0x0  }
0x19: {  	s7 =	sld [smem:$0x3F94]  }
0x1a: {  	s8 =	sadd.s32 $0xFFFFE003, lr  }
0x1b: {  	s9 =	sadd.s32 $0xFFFFFEF7, lr;
	s5 =	simm.s32 $0xFFFFFFFF;
	p2 =	slt.u32 s8, $0xFFFFF086  }
0x1c: {  	p1 =	slt.u32 s9, $0xF7A;
	s5 =	simm.s32 @!p2 $0x0  }
0x1d: {  	s5 =	simm.s32 @p1 $0x1;
	p0 =	seq.s32 s7, s2  }
0x1e: {  	s7 =	smul.u32 @!p0 $0xF7A, s2;
	p2 =	seq.s32 @!p0 s5, $0x0  }
0x1f: {  	s9 =	smul.u32 $0xF7A, s1;
	s8 =	simm.s32 @!p0 $0x1BF5;
	p2 =	por !p2, p0  }
0x20: {  	[sflag:s8] =	ssyncset.s32 @!p0 $0xFFFFF086;
	s6 =	sadd.s32 @!p0 s3, s7;
	s7 =	simm.s32 @!p0 $0x108  }
0x21: {  	s3 =	sadd.s32 s3, s9;
	s6 =	sadd.s32 @!p0 $0x88, s6;
	s7 =	simm.s32 @p2 $0x1082  }
0x22: {  	[simem:s7], [sflag:s8] =	dma.local @!p0 [hbm:s6], $0xF7A  }
0x23: {  	s9 =	sor.u32 $0xD0000000, s2;
	s6 =	simm.s32 $0x108;
	_ =	swait.ge @!p0 [sflag:s8], $0x0  }
0x24: {  	s3 =	sadd.s32 $0x88, s3;
	s6 =	simm.s32 @!p1 $0x1082;
	[sflag:s4] =	ssyncset.s32 $0xFFFFF086  }
0x25: {  	[simem:s6], [sflag:s4] =	dma.local [hbm:s3], $0xF7A  }
0x26: {  	[smem:$0x3F94] =	sst s1;
	(tag) =	ssettag s2;
	_ =	strace s9  }
0x27: {  	s1 =	sld [smem:$0x3FA4]  }
0x28: {  	s2 =	sld [smem:$0x3FA5]  }
0x29: {  	s4 =	sld [smem:$0x3FA7]  }
0x2a: {  	p0 =	seq.s32 s5, $0x0;
	s5 =	sld [smem:$0x3FA8]  }
0x2b: {  	s6 =	sld [smem:$0x3FA9]  }
0x2c: {  	s7 =	sld [smem:$0x3FAA]  }
0x2d: {  	s3 =	simm.s32 $0x108;
	s8 =	sld [smem:$0x3FAB]  }
0x2e: {  	s3 =	simm.s32 @!p0 $0x1082;
	s9 =	sld [smem:$0x3FAC]  }
0x2f: {  	lr =	sadd.s32 s0, s3;
	s0 =	sld [smem:$0x3FA3]  }
0x30: {  	s3 =	sld [smem:$0x3FA6]  }
0x31: {  	[smem:$0x3FAF] =	sst s10  }
0x32: {  	s10 =	sld [smem:$0x3FAD];
	_ =	sdelay $0x3  }
0x33: {  	p0 =	seq.s32 s10, $0x1;
	s10 =	sld [smem:$0x3FAF];
	_ =	sdelay $0x3  }
0x34: {  	[smem:$0x3FAF] =	sst s10  }
0x35: {  	s10 =	sld [smem:$0x3FAE];
	_ =	sdelay $0x3  }
0x36: {  	p1 =	seq.s32 s10, $0x1;
	s10 =	sld [smem:$0x3FAF];
	_ =	sdelay $0x3  }
0x37: {  	[smem:$0x3FAF] =	sst s10  }
0x38: {  	s10 =	sld [smem:$0x3FB0]  }
0x39: {  	_ = 	snop;
	(pc) =	sbr.ind lr, $3  }
0x3a: {  	_ = 	snop  }
0x3b: {  	_ = 	snop  }
0x3c: {  	p2 =	seq.s32 s10, $0x1;
	s10 =	sld [smem:$0x3FAF]  }
0x3d: {  	_ =	shalt  }
0x3e: {  	_ =	shalt  }
0x3f: {  	_ =	shalt  }
0x40: {  	_ =	shalt  }
0x41: {  	_ =	shalt  }
0x42: {  	_ =	shalt  }
0x43: {  	_ =	shalt  }
0x44: {  	_ =	shalt  }
0x45: {  	_ =	shalt  }
0x46: {  	_ =	shalt  }
0x47: {  	_ =	shalt  }
0x48: {  	_ =	shalt  }
0x49: {  	_ =	shalt  }
0x4a: {  	_ =	shalt  }
0x4b: {  	_ =	shalt  }
0x4c: {  	_ =	shalt  }
0x4d: {  	_ =	shalt  }
0x4e: {  	_ =	shalt  }
0x4f: {  	_ =	shalt  }
0x50: {  	_ =	shalt  }
0x51: {  	_ =	shalt  }
0x52: {  	_ =	shalt  }
0x53: {  	_ =	shalt  }
0x54: {  	_ =	shalt  }
0x55: {  	_ =	shalt  }
0x56: {  	_ =	shalt  }
0x57: {  	_ =	shalt  }
0x58: {  	_ =	shalt  }
0x59: {  	_ =	shalt  }
0x5a: {  	_ =	shalt  }
0x5b: {  	_ =	shalt  }
0x5c: {  	_ =	shalt  }
0x5d: {  	_ =	shalt  }
0x5e: {  	_ =	shalt  }
0x5f: {  	_ =	shalt  }
0x60: {  	_ =	shalt  }
0x61: {  	_ =	shalt  }
0x62: {  	_ =	shalt  }
0x63: {  	_ =	shalt  }
0x64: {  	_ =	shalt  }
0x65: {  	_ =	shalt  }
0x66: {  	_ =	shalt  }
0x67: {  	_ =	shalt  }
0x68: {  	_ =	shalt  }
0x69: {  	_ =	shalt  }
0x6a: {  	_ =	shalt  }
0x6b: {  	_ =	shalt  }
0x6c: {  	_ =	shalt  }
0x6d: {  	_ =	shalt  }
0x6e: {  	_ =	shalt  }
0x6f: {  	_ =	shalt  }
0x70: {  	_ =	shalt  }
0x71: {  	_ =	shalt  }
0x72: {  	_ =	shalt  }
0x73: {  	_ =	shalt  }
0x74: {  	_ =	shalt  }
0x75: {  	_ =	shalt  }
0x76: {  	_ =	shalt  }
0x77: {  	_ =	shalt  }
0x78: {  	_ =	shalt  }
0x79: {  	_ =	shalt  }
0x7a: {  	_ =	shalt  }
0x7b: {  	_ =	shalt  }
0x7c: {  	_ =	shalt  }
0x7d: {  	_ =	shalt  }
0x7e: {  	_ =	shalt  }
0x7f: {  	_ =	shalt  }
0x80: {  	_ =	shalt  }
0x81: {  	_ =	shalt  }
0x82: {  	_ =	shalt  }
0x83: {  	_ =	shalt  }
0x84: {  	_ =	shalt  }
0x85: {  	_ =	shalt  }
0x86: {  	_ =	shalt  }
0x87: {  	_ =	shalt  }
.Lfunc_end0:
.L_simem_size_0:
called_computation_lowered:
.L_overlay_start_0:
0x88: {  	s2 =	sld [smem:$0x3FD9]  }
0x89: {  	s3 =	sld [smem:$0x3FFE];
	_ =	sdelay $0x1  }
0x8a: {  	s1 =	srdreg.scid  }
0x8b: {  	s0 =	sand.u32 $0x1, s1  }
0x8c: {  	s16 =	sshll.u32 s0, $0xA;
	s2 =	sadd.s32 s3, s2  }
0x8d: {  	s2 =	sadd.s32 s2, s16  }
0x8e: {  	[smem:$0x3FBB] =	sst s2  }
0x8f: {  	_ = 	snop  }
0x90: {  	(tm) =	ssettm $0x1  }
0x91: {  	s17 =	sld [smem:$0x3FFB];
	_ =	sdelay $0x3  }
0x92: {  	_ =	strace s17  }
0x93: {  	s2 =	sld [smem:$0x3FFC];
	_ =	sdelay $0x3  }
0x94: {  	_ =	strace s2  }
0x95: {  	s2 =	sld [smem:$0x3FFD];
	_ =	sdelay $0x3  }
0x96: {  	_ =	strace s2  }
0x97: {  	_ =	strace $0x8FFFFFFF  }
0x98: {  	s18 =	sld [smem:$0x3FDB];
	_ =	sdelay $0x1  }
0x99: {  	s19 =	simm.s32 $_scs_section_size  }
0x9a: {  	s4 =	simm.s32 $_size__tile_overlayer_lowered;
	s5 =	simm.s32 $_tile_overlayer_lowered  }
0x9b: {  	s22 =	simm.s32 $0x1BFF;
	s21 =	sshll.u32 s5, $0x1;
	s2 =	sadd.s32 s19, s18  }
0x9c: {  	s6 =	simm.s32 $0x0;
	s20 =	sshll.u32 s4, $0x1;
	s4 =	sadd.s32 s21, s2  }
0x9d: {  	[timem:s6], [sflag:s22] =	dma.local [hbm:s4], s20  }
0x9e: {  	_ =	swait.ge [sflag:s22], s20  }
0x9f: {  	s3 =	ssub.s32 $0x0, s20;
	[sflag:s22] =	ssyncset.done $0x0  }
0xa0: {  	[sflag:s22] =	ssyncadd.s32 s3;
	_ =	sdelay $0x1  }
0xa1: {  	s23 =	simm.s32 $0x1B8B  }
0xa2: {  	_ =	swait.ge [sflag:s23], $0x1  }
0xa3: {  	[sflag:s23] =	ssyncset.done $0x0  }
0xa4: {  	s25 =	simm.s32 $0x1B8E;
	s24 =	sld [smem:$0x3FFE];
	[sflag:s23] =	ssyncadd.s32 $0xFFFFFFFF  }
0xa5: {  	s26 =	simm.s32 $execute0_lowered;
	[smem:$0x3FD2] =	sst s25  }
0xa6: {  	s4 =	sshll.u32 s26, $0x1;
	_ =	strace $0x80000046;
	[dreg:$0x1] =	wrdreg $0xFFFFFFFF  }
0xa7: {  	s28 =	simm.s32 $_size_execute0_lowered;
	s2 =	sadd.s32 s2, s4;
	[dreg:$0x0] =	wrdreg $0x0  }
0xa8: {  	s4 =	sshll.u32 s28, $0x1;
	[dreg:$0x2] =	wrdreg s2  }
0xa9: {  	[dreg:$0x3] =	wrdreg s4  }
0xaa: {  	[dreg:$0x4] =	wrdreg $0xC0  }
0xab: {  	_ =	task [dreg:s6], $0x5FFFF  }
0xac: {  	[dreg:$0x1] =	wrdreg $0xFFFFFFFF  }
0xad: {  	[dreg:$0x0] =	wrdreg $0x60  }
0xae: {  	[dreg:$0x2] =	wrdreg s24  }
0xaf: {  	[dreg:$0x3] =	wrdreg $0x60E00  }
0xb0: {  	[dreg:$0x4] =	wrdreg $0x9  }
0xb1: {  	_ =	task.clear_ibuf [dreg:s6], $0x5FFFF;
	_ =	strace $0x90000046  }
0xb2: {  	s29 =	simm.s32 $0x9;
	_ =	strace $0x80000048  }
0xb3: {  	_ =	swait.ge [sflag:s29], $0x1  }
0xb4: {  	[sflag:s29] =	ssyncadd.s32 $0xFFFFFFFF  }
0xb5: {  	_ =	strace $0x90000048  }
0xb6: {  	_ =	sfence  }
0xb7: {  	s30 =	sld [smem:$0x0];
	_ =	sdelay $0x2  }
0xb8: {  	s31 =	sshll.u32 s1, $0xD;
	s1 =	sshrl.u32 s1, $0x2  }
0xb9: {  	s3 =	sand.u32 $0x4000, s31;
	s1 =	sadd.s32 s1, s30  }
0xba: {  	s0 =	sor.u32 s3, s0;
	s1 =	sshll.u32 s1, $0x11  }
0xbb: {  	s0 =	sor.u32 s1, s0  }
0xbc: {  	s0 =	sadd.s32 $0x8F2B, s0  }
0xbd: {  	[sflag:s0] =	ssyncadd.remote.s32 $0x1  }
0xbe: {  	_ =	sfence.sel $0xFFFF  }
0xbf: {  	[dreg:$0x0] =	wrdreg $0xFFFFFFFF;
	(pc) =	sbr.abs _section_cstart, $3  }
0xc0: {  	[dreg:$0x1] =	wrdreg $0xFFFFFFFF  }
0xc1: {  	_ =	task.clear_ibuf [dreg:s6], $0x2FFFF;
	_ =	strace $0x9FFFFFFF  }
0xc2: {  	(tm) =	ssettm $0x7FFFFFFF  }
0xc3: {  	_ =	shalt  }
tec
execute0_lowered:
.L_overlay_start_1:
0x0: {  	(tag) =	ssettag $0x1  }
0x1: {  	s5 =	rddreg [dreg:$0x0]  }
0x2: {  	s0 =	srdreg.scid;
	s2 =	rddreg [dreg:$0x1]  }
0x3: {  	s3 =	simm.s32 $0x0;
	s16 =	simm.s32 $0x64;
	s17 =	simm.s32 $0x28A0  }
0x4: {  	s20 =	simm.s32 $0x0;
	s4 =	sand.u32 $0x1, s0;
	s0 =	stileid.u32  }
0x5: {  	[smem:$0x7FF] =	sst s3;
	s11 =	sadd.s32 $0xEC00, s5;
	s7 =	smul.u32 $0x27100, s0  }
0x6: {  	s18 =	sadd.s32 $0x94200, s2;
	s1 =	sshll.u32 s4, $0x4;
	s10 =	smul.u32 $0x9C400, s4  }
0x7: {  	s31 =	ssub.s32 $0x2, s4;
	s12 =	smul.u32 $0x9E00, s0;
	p0 =	seq.s32 s0, $0xF  }
0x8: {  	s6 =	sor.u32 s0, s1;
	s1 =	rddreg [dreg:$0x2];
	_ =	strace $0x80000047  }
0x9: {  	s8 =	sshrl.u32 s31, $0x1;
	s18 =	sshrl.u32 @p0 s18, $0x3;
	s6 =	smul.u32 $0x514, s6  }
0xa: {  	s7 =	sshrl.u32 s7, $0x2;
	s13 =	ssub.s32 s31, s8;
	s14 =	sadd.s32 s12, s10  }
0xb: {  	s15 =	sshrl.u32 s10, $0x3;
	s19 =	sadd.s32 s12, s2;
	s4 =	sadd.s32 s7, s2  }
0xc: {  	s14 =	sshrl.u32 s14, $0x3;
	s12 =	smax.u32 s13, $0x1;
	s13 =	simm.s32 $0x41A0  }
0xd: {  	s19 =	sshrl.u32 @!p0 s19, $0x3;
	s6 =	sadd.s32 s6, s5;
	s7 =	sadd.s32 $0x3E80, s4  }
0xe: {  	s8 =	sadd.s32 $0x5DC0, s4;
	s9 =	sadd.s32 $0x7D00, s4;
	s10 =	sadd.s32 s11, s14  }
0xf: {  	s11 =	sadd.s32 s11, s15;
	s14 =	simm.s32 $0x2;
	s15 =	simm.s32 $0x1  }
0x10: {  	v0 =	vimm.f32 $0.0e+00;
	v1 =	vimm.f32 $1.000000000e+00;
	s5 =	sadd.s32 $0x4800, s6;
	s6 =	sadd.s32 $0x1F40, s4;
	s11 =	sadd.s32 $0x12840, s11  }
.LBB2_1:
0x11: {  	[tilespmem:s3], [sflag:$0x1] =	stream.linear.gather [hbm4b:s5+s3], $0x28A0, $0x38;
	[tilespmem:$0xFD20] =	vst v63  }
0x12: {  	s21 =	simm.s32 $0x0  }
.LBB2_2:
0x13: {  	p1 =	sne.s32 s21, $0x7C00  }
.Ltmp0:
0x14: {  	s22 =	sshra.s32 s21, $0x2;
	(pc) =	sbr.rel @p1 .LBB2_2-.Ltmp0, $4  }
0x15: {  	[tilespmem:s22+$0x41A0] =	vst v0  }
0x16: {  	[tilespmem:s22+$0x41B0] =	vst v0  }
0x17: {  	[tilespmem:s22+$0x41C0] =	vst v0  }
0x18: {  	s21 =	sadd.s32 $0x100, s21;
	[tilespmem:s22+$0x41D0] =	vst v0  }
0x19: {  	s22 =	simm.s32 $0x100;
	s21 =	simm.s32 $0x0  }
.LBB2_4:
0x1a: {  	p1 =	sne.s32 s22, $0x6300;
	[tilespmem:s21+$0x28D0] =	vst v1;
	s23 =	smov.u32 s22;
	s22 =	sadd.s32 $0x100, s22  }
.Ltmp1:
0x1b: {  	[tilespmem:s21+$0x28C0] =	vst v1;
	(pc) =	sbr.rel @p1 .LBB2_4-.Ltmp1, $3  }
0x1c: {  	[tilespmem:s21+$0x28A0] =	vst v1  }
0x1d: {  	[tilespmem:s21+$0x28B0] =	vst v1;
	_ =	sdelay $0x1  }
0x1e: {  	s21 =	sshra.s32 s23, $0x2  }
0x1f: {  	[tilespmem:s21+$0x28D0] =	vst v1  }
0x20: {  	[tilespmem:s21+$0x28C0] =	vst v1  }
0x21: {  	[tilespmem:s21+$0x28A0] =	vst v1  }
0x22: {  	[tilespmem:s21+$0x28B0] =	vst v1  }
0x23: {  	[spmem:s4] =	stream.linear.scatter [tilespmem:s13], [sflag:$0x2], $0x1F40, $0x38;
	[tilespmem:$0xFD20] =	vst v63  }
0x24: {  	_ =	swait.ge [sflag:s14], $0x1F40  }
0x25: {  	[sflag:s14] =	ssyncset.done $0x0  }
0x26: {  	[sflag:s14] =	ssyncadd.s32 $0xFFFFE0C0  }
0x27: {  	[spmem:s6] =	stream.linear.scatter [tilespmem:s13], [sflag:$0x2], $0x1F40, $0x38;
	[tilespmem:$0xFD20] =	vst v63  }
0x28: {  	_ =	swait.ge [sflag:s14], $0x1F40  }
0x29: {  	[sflag:s14] =	ssyncset.done $0x0  }
0x2a: {  	[sflag:s14] =	ssyncadd.s32 $0xFFFFE0C0  }
0x2b: {  	[spmem:s7] =	stream.linear.scatter [tilespmem:s13], [sflag:$0x2], $0x1F40, $0x38;
	[tilespmem:$0xFD20] =	vst v63  }
0x2c: {  	_ =	swait.ge [sflag:s14], $0x1F40  }
0x2d: {  	[sflag:s14] =	ssyncset.done $0x0  }
0x2e: {  	[sflag:s14] =	ssyncadd.s32 $0xFFFFE0C0  }
0x2f: {  	[spmem:s8] =	stream.linear.scatter [tilespmem:s13], [sflag:$0x2], $0x1F40, $0x38;
	[tilespmem:$0xFD20] =	vst v63  }
0x30: {  	_ =	swait.ge [sflag:s14], $0x1F40  }
0x31: {  	[sflag:s14] =	ssyncset.done $0x0  }
0x32: {  	[sflag:s14] =	ssyncadd.s32 $0xFFFFE0C0  }
0x33: {  	[spmem:s9] =	stream.linear.scatter [tilespmem:s13], [sflag:$0x2], $0x1F40, $0x38;
	[tilespmem:$0xFD20] =	vst v63  }
0x34: {  	_ =	swait.ge [sflag:s14], $0x1F40  }
0x35: {  	[sflag:s14] =	ssyncset.done $0x0  }
0x36: {  	[sflag:s14] =	ssyncadd.s32 $0xFFFFE0C0  }
0x37: {  	_ =	swait.ge [sflag:s15], $0x28A0  }
0x38: {  	[sflag:s15] =	ssyncset.done $0x0  }
0x39: {  	[sflag:s15] =	ssyncadd.s32 $0xFFFFD760  }
0x3a: {  	s31 =	simm.s32 $0x0;
	[bflag:$0x0] =	sbarrier.arrive $0xFFFF  }
0x3b: {  	[spmem:s2] =	stream.indirect.scatter.add.f32 [tilespmem:s17], [sflag:$0x2], $0x40, s31, s16, $0xb8;
	[tilespmem:$0xFD20] =	vst v63  }
0x3c: {  	_ =	swait.ge [sflag:s14], $0x1900  }
0x3d: {  	s21 =	simm.s32 $0x1A0;
	[sflag:s14] =	ssyncset.done $0x0  }
.LBB2_6:
0x3e: {  	s22 =	sshra.s32 s21, $0x2;
	[sflag:s14] =	ssyncadd.s32 $0xFFFFE700;
	p1 =	sne.s32 s21, $0xA0E0  }
0x3f: {  	[spmem:s2] =	stream.indirect.scatter.add.f32 [tilespmem:s17], [sflag:$0x2], $0x40, s22, s16, $0xb8;
	[tilespmem:$0xFD20] =	vst v63  }
.Ltmp2:
0x40: {  	_ = 	snop;
	(pc) =	sbr.rel @p1 .LBB2_6-.Ltmp2, $4  }
0x41: {  	_ = 	snop  }
0x42: {  	s21 =	sadd.s32 $0x1A0, s21  }
0x43: {  	_ =	swait.ge [sflag:s14], $0x1900  }
0x44: {  	[sflag:s14] =	ssyncset.done $0x0  }
0x45: {  	[sflag:s14] =	ssyncadd.s32 $0xFFFFE700  }
0x46: {  	s21 =	simm.s32 @p0 $0x1FC2;
	[bflag:$0x0] =	sbarrier.arrive $0xFFFF  }
0x47: {  	[hbm:s11], [sflag:s21] =	dma.local @p0 [spmem:s18], $0x1040  }
0x48: {  	s21 =	simm.s32 @p0 $0x2  }
0x49: {  	_ =	swait.ge @p0 [sflag:s21], $0x1040  }
0x4a: {  	s22 =	sshll.u32 @!p0 s0, $0x6;
	s20 =	sadd.s32 $0x1, s20;
	[sflag:s21] =	ssyncset.done @p0 $0x0  }
0x4b: {  	p1 =	sne.s32 s20, s12;
	[sflag:s21] =	ssyncadd.s32 @p0 $0xFFFFEFC0;
	s21 =	sor.u32 @!p0 $0x1C02, s22  }
0x4c: {  	[hbm:s10], [sflag:s21] =	dma.local @!p0 [spmem:s19], $0x13C0  }
.Ltmp3:
0x4d: {  	_ = 	snop;
	(pc) =	sbr.rel @p1 .LBB2_1-.Ltmp3, $4  }
0x4e: {  	s21 =	simm.s32 @!p0 $0x2  }
0x4f: {  	_ =	swait.ge @!p0 [sflag:s21], $0x13C0  }
0x50: {  	[sflag:s21] =	ssyncset.done @!p0 $0x0  }
0x51: {  	[sflag:s21] =	ssyncadd.s32 @!p0 $0xFFFFEC40  }
0x52: {  	_ =	sfence.sel $0x180000  }
0x53: {  	[bflag:$0x0] =	sbarrier.arrive $0xFFFF  }
0x54: {  	p0 =	sne.s32 s0, $0x0;
	_ =	strace $0x90000047  }
0x55: {  	s0 =	sadd.s32 @!p0 $0x100000, s1;
	[bflag:$0x2] =	sbarrier.arrive $0xFFFF  }
0x56: {  	[sflag:s0] =	ssyncadd.tile.s32 @!p0 $0x1;
	_ =	shalt  }
.Lfunc_end2:
_tile_overlayer_lowered:
.L_overlay_start_2:
0x57: {  	(tag) =	ssettag $0x2  }
0x58: {  	s0 =	rddreg [dreg:$0x0];
	s2 =	stileid.u32  }
0x59: {  	s1 =	rddreg [dreg:$0x1];
	p0 =	sne.s32 s2, $0x0  }
0x5a: {  	s3 =	rddreg [dreg:$0x2];
	[bflag:$0x3] =	sbarrier.arrive $0xFFFF;
	s2 =	simm.s32 @!p0 $0x1C02  }
0x5b: {  	[timem:s3], [sflag:s2] =	dma.local @!p0 [hbm:s0], s1  }
0x5c: {  	s0 =	simm.s32 @!p0 $0x2  }
0x5d: {  	_ =	swait.ge @!p0 [sflag:s0], s1  }
0x5e: {  	s1 =	ssub.s32 @!p0 $0x0, s1;
	[sflag:s0] =	ssyncset.done @!p0 $0x0  }
0x5f: {  	[sflag:s0] =	ssyncadd.s32 @!p0 s1  }
0x60: {  	[bflag:$0x3] =	sbarrier.arrive $0xFFFF  }
0x61: {  	_ =	shalt  }

// kernel: kernel.13.cloned.1.call-start
scs
__scs_entry_jumppad:
0x0: {  	(pc) =	sbr.rel $0x88, $3  }
0x1: {  	(tag) =	ssettag $0x0;
	lr =	simm.s32 $0x1  }
0x2: {  	[smem:$0x3F94] =	sst lr;
	_ =	strace $0xD0000000  }
0x3: {  	_ = 	snop  }
0x4: {  	_ = 	snop  }
0x5: {  	_ = 	snop  }
0x6: {  	_ = 	snop  }
0x7: {  	_ = 	snop  }
__scs_overlays_trampoline_lowered:
0x8: {  	[smem:$0x3FA3] =	sst s0  }
0x9: {  	[smem:$0x3FA4] =	sst s1  }
0xa: {  	[smem:$0x3FA5] =	sst s2  }
0xb: {  	[smem:$0x3FA6] =	sst s3  }
0xc: {  	[smem:$0x3FA7] =	sst s4  }
0xd: {  	[smem:$0x3FA8] =	sst s5  }
0xe: {  	[smem:$0x3FA9] =	sst s6  }
0xf: {  	[smem:$0x3FAA] =	sst s7  }
0x10: {  	[smem:$0x3FAB] =	sst s8  }
0x11: {  	[smem:$0x3FAC] =	sst s9;
	s0 =	simm.s32 @!p0 $0x0  }
0x12: {  	s1 =	sld [smem:$0x3F92];
	s0 =	simm.s32 @p0 $0x1  }
0x13: {  	[smem:$0x3FAD] =	sst s0;
	s0 =	simm.s32 @!p1 $0x0  }
0x14: {  	s2 =	sld [smem:$0x3F91];
	s0 =	simm.s32 @p1 $0x1  }
0x15: {  	[smem:$0x3FAE] =	sst s0;
	s0 =	simm.s32 @!p2 $0x0  }
0x16: {  	s3 =	sld [smem:$0x3FDB];
	s0 =	simm.s32 @p2 $0x1  }
0x17: {  	s4 =	simm.s32 $0x1BF5;
	[smem:$0x3FB0] =	sst s0  }
0x18: {  	s0 =	sld [smem:$0x3F93];
	_ =	swait.ge [sflag:s4], $0x0  }
0x19: {  	s7 =	sld [smem:$0x3F94]  }
0x1a: {  	s8 =	sadd.s32 $0xFFFFE003, lr  }
0x1b: {  	s9 =	sadd.s32 $0xFFFFFEF7, lr;
	s5 =	simm.s32 $0xFFFFFFFF;
	p2 =	slt.u32 s8, $0xFFFFF086  }
0x1c: {  	p1 =	slt.u32 s9, $0xF7A;
	s5 =	simm.s32 @!p2 $0x0  }
0x1d: {  	s5 =	simm.s32 @p1 $0x1;
	p0 =	seq.s32 s7, s2  }
0x1e: {  	s7 =	smul.u32 @!p0 $0xF7A, s2;
	p2 =	seq.s32 @!p0 s5, $0x0  }
0x1f: {  	s9 =	smul.u32 $0xF7A, s1;
	s8 =	simm.s32 @!p0 $0x1BF5;
	p2 =	por !p2, p0  }
0x20: {  	[sflag:s8] =	ssyncset.s32 @!p0 $0xFFFFF086;
	s6 =	sadd.s32 @!p0 s3, s7;
	s7 =	simm.s32 @!p0 $0x108  }
0x21: {  	s3 =	sadd.s32 s3, s9;
	s6 =	sadd.s32 @!p0 $0x88, s6;
	s7 =	simm.s32 @p2 $0x1082  }
0x22: {  	[simem:s7], [sflag:s8] =	dma.local @!p0 [hbm:s6], $0xF7A  }
0x23: {  	s9 =	sor.u32 $0xD0000000, s2;
	s6 =	simm.s32 $0x108;
	_ =	swait.ge @!p0 [sflag:s8], $0x0  }
0x24: {  	s3 =	sadd.s32 $0x88, s3;
	s6 =	simm.s32 @!p1 $0x1082;
	[sflag:s4] =	ssyncset.s32 $0xFFFFF086  }
0x25: {  	[simem:s6], [sflag:s4] =	dma.local [hbm:s3], $0xF7A  }
0x26: {  	[smem:$0x3F94] =	sst s1;
	(tag) =	ssettag s2;
	_ =	strace s9  }
0x27: {  	s1 =	sld [smem:$0x3FA4]  }
0x28: {  	s2 =	sld [smem:$0x3FA5]  }
0x29: {  	s4 =	sld [smem:$0x3FA7]  }
0x2a: {  	p0 =	seq.s32 s5, $0x0;
	s5 =	sld [smem:$0x3FA8]  }
0x2b: {  	s6 =	sld [smem:$0x3FA9]  }
0x2c: {  	s7 =	sld [smem:$0x3FAA]  }
0x2d: {  	s3 =	simm.s32 $0x108;
	s8 =	sld [smem:$0x3FAB]  }
0x2e: {  	s3 =	simm.s32 @!p0 $0x1082;
	s9 =	sld [smem:$0x3FAC]  }
0x2f: {  	lr =	sadd.s32 s0, s3;
	s0 =	sld [smem:$0x3FA3]  }
0x30: {  	s3 =	sld [smem:$0x3FA6]  }
0x31: {  	[smem:$0x3FAF] =	sst s10  }
0x32: {  	s10 =	sld [smem:$0x3FAD];
	_ =	sdelay $0x3  }
0x33: {  	p0 =	seq.s32 s10, $0x1;
	s10 =	sld [smem:$0x3FAF];
	_ =	sdelay $0x3  }
0x34: {  	[smem:$0x3FAF] =	sst s10  }
0x35: {  	s10 =	sld [smem:$0x3FAE];
	_ =	sdelay $0x3  }
0x36: {  	p1 =	seq.s32 s10, $0x1;
	s10 =	sld [smem:$0x3FAF];
	_ =	sdelay $0x3  }
0x37: {  	[smem:$0x3FAF] =	sst s10  }
0x38: {  	s10 =	sld [smem:$0x3FB0]  }
0x39: {  	_ = 	snop;
	(pc) =	sbr.ind lr, $3  }
0x3a: {  	_ = 	snop  }
0x3b: {  	_ = 	snop  }
0x3c: {  	p2 =	seq.s32 s10, $0x1;
	s10 =	sld [smem:$0x3FAF]  }
0x3d: {  	_ =	shalt  }
0x3e: {  	_ =	shalt  }
0x3f: {  	_ =	shalt  }
0x40: {  	_ =	shalt  }
0x41: {  	_ =	shalt  }
0x42: {  	_ =	shalt  }
0x43: {  	_ =	shalt  }
0x44: {  	_ =	shalt  }
0x45: {  	_ =	shalt  }
0x46: {  	_ =	shalt  }
0x47: {  	_ =	shalt  }
0x48: {  	_ =	shalt  }
0x49: {  	_ =	shalt  }
0x4a: {  	_ =	shalt  }
0x4b: {  	_ =	shalt  }
0x4c: {  	_ =	shalt  }
0x4d: {  	_ =	shalt  }
0x4e: {  	_ =	shalt  }
0x4f: {  	_ =	shalt  }
0x50: {  	_ =	shalt  }
0x51: {  	_ =	shalt  }
0x52: {  	_ =	shalt  }
0x53: {  	_ =	shalt  }
0x54: {  	_ =	shalt  }
0x55: {  	_ =	shalt  }
0x56: {  	_ =	shalt  }
0x57: {  	_ =	shalt  }
0x58: {  	_ =	shalt  }
0x59: {  	_ =	shalt  }
0x5a: {  	_ =	shalt  }
0x5b: {  	_ =	shalt  }
0x5c: {  	_ =	shalt  }
0x5d: {  	_ =	shalt  }
0x5e: {  	_ =	shalt  }
0x5f: {  	_ =	shalt  }
0x60: {  	_ =	shalt  }
0x61: {  	_ =	shalt  }
0x62: {  	_ =	shalt  }
0x63: {  	_ =	shalt  }
0x64: {  	_ =	shalt  }
0x65: {  	_ =	shalt  }
0x66: {  	_ =	shalt  }
0x67: {  	_ =	shalt  }
0x68: {  	_ =	shalt  }
0x69: {  	_ =	shalt  }
0x6a: {  	_ =	shalt  }
0x6b: {  	_ =	shalt  }
0x6c: {  	_ =	shalt  }
0x6d: {  	_ =	shalt  }
0x6e: {  	_ =	shalt  }
0x6f: {  	_ =	shalt  }
0x70: {  	_ =	shalt  }
0x71: {  	_ =	shalt  }
0x72: {  	_ =	shalt  }
0x73: {  	_ =	shalt  }
0x74: {  	_ =	shalt  }
0x75: {  	_ =	shalt  }
0x76: {  	_ =	shalt  }
0x77: {  	_ =	shalt  }
0x78: {  	_ =	shalt  }
0x79: {  	_ =	shalt  }
0x7a: {  	_ =	shalt  }
0x7b: {  	_ =	shalt  }
0x7c: {  	_ =	shalt  }
0x7d: {  	_ =	shalt  }
0x7e: {  	_ =	shalt  }
0x7f: {  	_ =	shalt  }
0x80: {  	_ =	shalt  }
0x81: {  	_ =	shalt  }
0x82: {  	_ =	shalt  }
0x83: {  	_ =	shalt  }
0x84: {  	_ =	shalt  }
0x85: {  	_ =	shalt  }
0x86: {  	_ =	shalt  }
0x87: {  	_ =	shalt  }
.Lfunc_end0:
.L_simem_size_0:
called_computation.1_lowered:
.L_overlay_start_0:
0x88: {  	s2 =	sld [smem:$0x3FD9]  }
0x89: {  	s3 =	sld [smem:$0x3FFE];
	_ =	sdelay $0x1  }
0x8a: {  	s1 =	srdreg.scid  }
0x8b: {  	s0 =	sand.u32 $0x1, s1  }
0x8c: {  	s16 =	sshll.u32 s0, $0xA;
	s2 =	sadd.s32 s3, s2  }
0x8d: {  	s2 =	sadd.s32 s2, s16  }
0x8e: {  	[smem:$0x3FBB] =	sst s2  }
0x8f: {  	_ = 	snop  }
0x90: {  	(tm) =	ssettm $0x1  }
0x91: {  	s17 =	sld [smem:$0x3FFB];
	_ =	sdelay $0x3  }
0x92: {  	_ =	strace s17  }
0x93: {  	s2 =	sld [smem:$0x3FFC];
	_ =	sdelay $0x3  }
0x94: {  	_ =	strace s2  }
0x95: {  	s2 =	sld [smem:$0x3FFD];
	_ =	sdelay $0x3  }
0x96: {  	_ =	strace s2  }
0x97: {  	_ =	strace $0x8FFFFFFF  }
0x98: {  	s18 =	sld [smem:$0x3FDB];
	_ =	sdelay $0x1  }
0x99: {  	s19 =	simm.s32 $_scs_section_size  }
0x9a: {  	s4 =	simm.s32 $_size__tile_overlayer_lowered;
	s5 =	simm.s32 $_tile_overlayer_lowered  }
0x9b: {  	s22 =	simm.s32 $0x1BFF;
	s21 =	sshll.u32 s5, $0x1;
	s2 =	sadd.s32 s19, s18  }
0x9c: {  	s6 =	simm.s32 $0x0;
	s20 =	sshll.u32 s4, $0x1;
	s4 =	sadd.s32 s21, s2  }
0x9d: {  	[timem:s6], [sflag:s22] =	dma.local [hbm:s4], s20  }
0x9e: {  	_ =	swait.ge [sflag:s22], s20  }
0x9f: {  	s3 =	ssub.s32 $0x0, s20;
	[sflag:s22] =	ssyncset.done $0x0  }
0xa0: {  	[sflag:s22] =	ssyncadd.s32 s3;
	_ =	sdelay $0x1  }
0xa1: {  	s23 =	simm.s32 $0x1B8B  }
0xa2: {  	_ =	swait.ge [sflag:s23], $0x1  }
0xa3: {  	[sflag:s23] =	ssyncset.done $0x0  }
0xa4: {  	s25 =	simm.s32 $0x1B8E;
	s24 =	sld [smem:$0x3FFE];
	[sflag:s23] =	ssyncadd.s32 $0xFFFFFFFF  }
0xa5: {  	s26 =	simm.s32 $execute0_lowered;
	[smem:$0x3FD2] =	sst s25  }
0xa6: {  	s4 =	sshll.u32 s26, $0x1;
	_ =	strace $0x80000049;
	[dreg:$0x1] =	wrdreg $0xFFFFFFFF  }
0xa7: {  	s28 =	simm.s32 $_size_execute0_lowered;
	s2 =	sadd.s32 s2, s4;
	[dreg:$0x0] =	wrdreg $0x0  }
0xa8: {  	s4 =	sshll.u32 s28, $0x1;
	[dreg:$0x2] =	wrdreg s2  }
0xa9: {  	[dreg:$0x3] =	wrdreg s4  }
0xaa: {  	[dreg:$0x4] =	wrdreg $0xC0  }
0xab: {  	_ =	task [dreg:s6], $0x5FFFF  }
0xac: {  	[dreg:$0x1] =	wrdreg $0xFFFFFFFF  }
0xad: {  	[dreg:$0x0] =	wrdreg $0x60  }
0xae: {  	[dreg:$0x2] =	wrdreg s24  }
0xaf: {  	[dreg:$0x3] =	wrdreg $0x125C00  }
0xb0: {  	[dreg:$0x4] =	wrdreg $0x9  }
0xb1: {  	_ =	task.clear_ibuf [dreg:s6], $0x5FFFF;
	_ =	strace $0x90000049  }
0xb2: {  	s29 =	simm.s32 $0x9;
	_ =	strace $0x8000004B  }
0xb3: {  	_ =	swait.ge [sflag:s29], $0x1  }
0xb4: {  	[sflag:s29] =	ssyncadd.s32 $0xFFFFFFFF  }
0xb5: {  	_ =	strace $0x9000004B  }
0xb6: {  	_ =	sfence  }
0xb7: {  	s30 =	sld [smem:$0x0];
	_ =	sdelay $0x2  }
0xb8: {  	s31 =	sshll.u32 s1, $0xD;
	s1 =	sshrl.u32 s1, $0x2  }
0xb9: {  	s3 =	sand.u32 $0x4000, s31;
	s1 =	sadd.s32 s1, s30  }
0xba: {  	s0 =	sor.u32 s3, s0;
	s1 =	sshll.u32 s1, $0x11  }
0xbb: {  	s0 =	sor.u32 s1, s0  }
0xbc: {  	s0 =	sadd.s32 $0x8F2B, s0  }
0xbd: {  	[sflag:s0] =	ssyncadd.remote.s32 $0x1  }
0xbe: {  	_ =	sfence.sel $0xFFFF  }
0xbf: {  	[dreg:$0x0] =	wrdreg $0xFFFFFFFF;
	(pc) =	sbr.abs _section_cstart, $3  }
0xc0: {  	[dreg:$0x1] =	wrdreg $0xFFFFFFFF  }
0xc1: {  	_ =	task.clear_ibuf [dreg:s6], $0x2FFFF;
	_ =	strace $0x9FFFFFFF  }
0xc2: {  	(tm) =	ssettm $0x7FFFFFFF  }
0xc3: {  	_ =	shalt  }
tec
execute0_lowered:
.L_overlay_start_1:
0x0: {  	(tag) =	ssettag $0x1  }
0x1: {  	s0 =	srdreg.scid  }
0x2: {  	s15 =	stileid.u32;
	s1 =	rddreg [dreg:$0x0]  }
0x3: {  	s2 =	rddreg [dreg:$0x1];
	s3 =	simm.s32 $0x0;
	s16 =	simm.s32 $0x10680  }
0x4: {  	s17 =	simm.s32 $0x5;
	s18 =	simm.s32 $0x1;
	s19 =	simm.s32 $0x2  }
0x5: {  	s20 =	simm.s32 $0x64;
	s21 =	simm.s32 $0xA280;
	s22 =	simm.s32 $0x68  }
0x6: {  	s23 =	simm.s32 $0xBB80;
	s28 =	simm.s32 $0xD480;
	s5 =	smul.u32 $0x5140, s15  }
0x7: {  	s29 =	simm.s32 $0x138;
	s30 =	simm.s32 $0xED80;
	s8 =	smul.u32 $0x27100, s15  }
0x8: {  	s31 =	simm.s32 $0x3;
	s0 =	sand.u32 $0x1, s0;
	s13 =	smul.u32 $0x9E00, s15  }
0x9: {  	[smem:$0x7FF] =	sst s3;
	p0 =	seq.s32 s15, $0xF;
	s4 =	smul.u32 $0x51400, s0  }
0xa: {  	_ =	strace $0x8000004A;
	s7 =	ssub.s32 $0x2, s0;
	s0 =	smul.u32 $0x9C400, s0  }
0xb: {  	s9 =	sshrl.u32 s7, $0x1;
	s25 =	sshrl.u32 s8, $0x2;
	s4 =	sadd.s32 s5, s4  }
0xc: {  	s5 =	sshrl.u32 s5, $0x3;
	s14 =	ssub.s32 s7, s9;
	s7 =	sadd.s32 s25, s2  }
0xd: {  	s26 =	sadd.s32 s13, s0;
	s0 =	sshrl.u32 s0, $0x3;
	s6 =	sshrl.u32 s4, $0x3  }
0xe: {  	s4 =	sadd.s32 $0x4800, s1;
	s5 =	sadd.s32 s5, s1;
	s8 =	sadd.s32 $0x1F40, s7  }
0xf: {  	s9 =	sadd.s32 $0x3E80, s7;
	s10 =	sadd.s32 $0x5DC0, s7;
	s11 =	sadd.s32 $0x7D00, s7  }
0x10: {  	s14 =	smax.u32 s14, $0x1;
	s6 =	sadd.s32 s6, s1;
	s5 =	sadd.s32 $0x4A400, s5  }
0x11: {  	s1 =	sadd.s32 $0x54800, s1;
	[dreg:$0x4] =	wrdreg s5;
	s5 =	sshrl.u32 s26, $0x3  }
0x12: {  	s6 =	sadd.s32 $0x35E00, s6;
	s0 =	sadd.s32 s1, s0;
	s12 =	sadd.s32 s1, s5  }
0x13: {  	s1 =	sadd.s32 s13, s2;
	s13 =	sadd.s32 $0x12840, s0;
	s0 =	sadd.s32 $0x94200, s2  }
0x14: {  	s26 =	simm.s32 $0xD0;
	[dreg:$0x3] =	wrdreg s6;
	s24 =	sshrl.u32 @p0 s0, $0x3  }
0x15: {  	v0 =	vimm.f32 $0.0e+00;
	s25 =	sshrl.u32 @!p0 s1, $0x3;
	s1 =	simm.s32 $0x4;
	s0 =	simm.s32 $0x0  }
.LBB2_1:
0x16: {  	s5 =	rddreg [dreg:$0x3]  }
0x17: {  	[tilespmem:s3], [sflag:$0x1] =	stream.linear.gather [hbm4b:s5+s3], $0x5140, $0x38;
	[tilespmem:$0x1C200] =	vst v63  }
0x18: {  	s15 =	rddreg [dreg:$0x4];
	s6 =	simm.s32 $0x5140  }
0x19: {  	[tilespmem:s6], [sflag:$0x2] =	stream.linear.gather [hbm4b:s15+s3], $0x5140, $0x38;
	[tilespmem:$0x1C200] =	vst v63  }
0x1a: {  	s5 =	simm.s32 $0x0;
	s15 =	simm.s32 $0x100  }
.LBB2_2:
0x1b: {  	p1 =	sne.s32 s15, $0x7C00;
	[tilespmem:s5+$0x106B0] =	vst v0;
	s6 =	smov.u32 s15;
	s15 =	sadd.s32 $0x100, s15  }
.Ltmp0:
0x1c: {  	[tilespmem:s5+$0x106A0] =	vst v0;
	(pc) =	sbr.rel @p1 .LBB2_2-.Ltmp0, $3  }
0x1d: {  	[tilespmem:s5+$0x10680] =	vst v0  }
0x1e: {  	[tilespmem:s5+$0x10690] =	vst v0;
	_ =	sdelay $0x1  }
0x1f: {  	s5 =	sshra.s32 s6, $0x2  }
0x20: {  	[tilespmem:s5+$0x106B0] =	vst v0  }
0x21: {  	[tilespmem:s5+$0x106A0] =	vst v0  }
0x22: {  	[tilespmem:s5+$0x10680] =	vst v0  }
0x23: {  	[tilespmem:s5+$0x10690] =	vst v0  }
0x24: {  	[spmem:s7] =	stream.linear.scatter [tilespmem:s16], [sflag:$0x5], $0x1F40, $0x38;
	[tilespmem:$0x1C200] =	vst v63  }
0x25: {  	_ =	swait.ge [sflag:s17], $0x1F40  }
0x26: {  	[sflag:s17] =	ssyncset.done $0x0  }
0x27: {  	[sflag:s17] =	ssyncadd.s32 $0xFFFFE0C0  }
0x28: {  	[spmem:s8] =	stream.linear.scatter [tilespmem:s16], [sflag:$0x5], $0x1F40, $0x38;
	[tilespmem:$0x1C200] =	vst v63  }
0x29: {  	_ =	swait.ge [sflag:s17], $0x1F40  }
0x2a: {  	[sflag:s17] =	ssyncset.done $0x0  }
0x2b: {  	[sflag:s17] =	ssyncadd.s32 $0xFFFFE0C0  }
0x2c: {  	[spmem:s9] =	stream.linear.scatter [tilespmem:s16], [sflag:$0x5], $0x1F40, $0x38;
	[tilespmem:$0x1C200] =	vst v63  }
0x2d: {  	_ =	swait.ge [sflag:s17], $0x1F40  }
0x2e: {  	[sflag:s17] =	ssyncset.done $0x0  }
0x2f: {  	[sflag:s17] =	ssyncadd.s32 $0xFFFFE0C0  }
0x30: {  	[spmem:s10] =	stream.linear.scatter [tilespmem:s16], [sflag:$0x5], $0x1F40, $0x38;
	[tilespmem:$0x1C200] =	vst v63  }
0x31: {  	_ =	swait.ge [sflag:s17], $0x1F40  }
0x32: {  	[sflag:s17] =	ssyncset.done $0x0  }
0x33: {  	[sflag:s17] =	ssyncadd.s32 $0xFFFFE0C0  }
0x34: {  	[spmem:s11] =	stream.linear.scatter [tilespmem:s16], [sflag:$0x5], $0x1F40, $0x38;
	[tilespmem:$0x1C200] =	vst v63  }
0x35: {  	_ =	swait.ge [sflag:s17], $0x1F40  }
0x36: {  	[sflag:s17] =	ssyncset.done $0x0  }
0x37: {  	[sflag:s17] =	ssyncadd.s32 $0xFFFFE0C0  }
0x38: {  	_ =	swait.ge [sflag:s18], $0x5140  }
0x39: {  	[sflag:s18] =	ssyncset.done $0x0  }
0x3a: {  	[sflag:s18] =	ssyncadd.s32 $0xFFFFAEC0  }
0x3b: {  	_ =	swait.ge [sflag:s19], $0x5140  }
0x3c: {  	[sflag:s19] =	ssyncset.done $0x0  }
0x3d: {  	s6 =	simm.s32 $0x0;
	[sflag:s19] =	ssyncadd.s32 $0xFFFFAEC0  }
0x3e: {  	[tilespmem:s21], [sflag:$0x1] =	stream.indirect.gather [hbm4b:s4+s20], $0x40, s6, s20, $0xb8;
	[tilespmem:$0x1C200] =	vst v63  }
0x3f: {  	_ = 	snop  }
0x40: {  	[tilespmem:s23], [sflag:$0x2] =	stream.indirect.gather [hbm4b:s4+s20], $0x40, s22, s20, $0xb8;
	[tilespmem:$0x1C200] =	vst v63  }
0x41: {  	_ = 	snop  }
0x42: {  	[tilespmem:s28], [sflag:$0x3] =	stream.indirect.gather [hbm4b:s4+s20], $0x40, s26, s20, $0xb8;
	[tilespmem:$0x1C200] =	vst v63  }
0x43: {  	_ = 	snop  }
0x44: {  	[tilespmem:s30], [sflag:$0x4] =	stream.indirect.gather [hbm4b:s4+s20], $0x40, s29, s20, $0xb8;
	[tilespmem:$0x1C200] =	vst v63  }
0x45: {  	[bflag:$0x0] =	sbarrier.arrive $0xFFFF  }
0x46: {  	_ =	swait.ge [sflag:s18], $0x1900  }
0x47: {  	[sflag:s18] =	ssyncset.done $0x0  }
0x48: {  	s15 =	simm.s32 $0x5140;
	[sflag:s18] =	ssyncadd.s32 $0xFFFFE700  }
0x49: {  	[spmem:s2] =	stream.indirect.scatter.add.f32 [tilespmem:s21], [sflag:$0x5], $0x40, s15, s20, $0xb8;
	[tilespmem:$0x1C200] =	vst v63  }
0x4a: {  	_ =	swait.ge [sflag:s17], $0x1900  }
0x4b: {  	[sflag:s17] =	ssyncset.done $0x0  }
0x4c: {  	s6 =	simm.s32 $0x1A0;
	[sflag:s17] =	ssyncadd.s32 $0xFFFFE700  }
0x4d: {  	[tilespmem:s21], [sflag:$0x1] =	stream.indirect.gather [hbm4b:s4+s20], $0x40, s6, s20, $0xb8;
	[tilespmem:$0x1C200] =	vst v63  }
0x4e: {  	_ =	swait.ge [sflag:s19], $0x1900  }
0x4f: {  	[sflag:s19] =	ssyncset.done $0x0  }
0x50: {  	s15 =	simm.s32 $0x51A8;
	[sflag:s19] =	ssyncadd.s32 $0xFFFFE700  }
0x51: {  	[spmem:s2] =	stream.indirect.scatter.add.f32 [tilespmem:s23], [sflag:$0x5], $0x40, s15, s20, $0xb8;
	[tilespmem:$0x1C200] =	vst v63  }
0x52: {  	_ =	swait.ge [sflag:s17], $0x1900  }
0x53: {  	[sflag:s17] =	ssyncset.done $0x0  }
0x54: {  	s6 =	simm.s32 $0x208;
	[sflag:s17] =	ssyncadd.s32 $0xFFFFE700  }
0x55: {  	[tilespmem:s23], [sflag:$0x2] =	stream.indirect.gather [hbm4b:s4+s20], $0x40, s6, s20, $0xb8;
	[tilespmem:$0x1C200] =	vst v63  }
0x56: {  	_ =	swait.ge [sflag:s31], $0x1900  }
0x57: {  	[sflag:s31] =	ssyncset.done $0x0  }
0x58: {  	s15 =	simm.s32 $0x5210;
	[sflag:s31] =	ssyncadd.s32 $0xFFFFE700  }
0x59: {  	[spmem:s2] =	stream.indirect.scatter.add.f32 [tilespmem:s28], [sflag:$0x5], $0x40, s15, s20, $0xb8;
	[tilespmem:$0x1C200] =	vst v63  }
0x5a: {  	_ =	swait.ge [sflag:s17], $0x1900  }
0x5b: {  	[sflag:s17] =	ssyncset.done $0x0  }
0x5c: {  	s6 =	simm.s32 $0x270;
	[sflag:s17] =	ssyncadd.s32 $0xFFFFE700  }
0x5d: {  	[tilespmem:s28], [sflag:$0x3] =	stream.indirect.gather [hbm4b:s4+s20], $0x40, s6, s20, $0xb8;
	[tilespmem:$0x1C200] =	vst v63  }
0x5e: {  	_ =	swait.ge [sflag:s1], $0x1900  }
0x5f: {  	[sflag:s1] =	ssyncset.done $0x0  }
0x60: {  	s15 =	simm.s32 $0x5278;
	[sflag:s1] =	ssyncadd.s32 $0xFFFFE700  }
0x61: {  	[spmem:s2] =	stream.indirect.scatter.add.f32 [tilespmem:s30], [sflag:$0x5], $0x40, s15, s20, $0xb8;
	[tilespmem:$0x1C200] =	vst v63  }
0x62: {  	_ =	swait.ge [sflag:s17], $0x1900  }
0x63: {  	[sflag:s17] =	ssyncset.done $0x0  }
0x64: {  	s5 =	simm.s32 $0x2D8;
	s15 =	simm.s32 $0x680;
	[sflag:s17] =	ssyncadd.s32 $0xFFFFE700  }
.LBB2_4:
0x65: {  	[tilespmem:s30], [sflag:$0x4] =	stream.indirect.gather [hbm4b:s4+s20], $0x40, s5, s20, $0xb8;
	[tilespmem:$0x1C200] =	vst v63  }
0x66: {  	s5 =	smov.u32 s15  }
0x67: {  	p1 =	sne.s32 s15, $0x13800;
	s15 =	sadd.s32 $0x680, s15;
	_ =	swait.ge [sflag:s18], $0x1900  }
0x68: {  	s5 =	sshra.s32 s5, $0x2;
	[sflag:s18] =	ssyncset.done $0x0  }
0x69: {  	s6 =	sadd.s32 $0x5140, s5;
	[sflag:s18] =	ssyncadd.s32 $0xFFFFE700  }
0x6a: {  	[spmem:s2] =	stream.indirect.scatter.add.f32 [tilespmem:s21], [sflag:$0x5], $0x40, s6, s20, $0xb8;
	[tilespmem:$0x1C200] =	vst v63  }
0x6b: {  	_ =	swait.ge [sflag:s17], $0x1900  }
0x6c: {  	[sflag:s17] =	ssyncset.done $0x0  }
0x6d: {  	s6 =	sadd.s32 $0x1A0, s5;
	[sflag:s17] =	ssyncadd.s32 $0xFFFFE700  }
0x6e: {  	[tilespmem:s21], [sflag:$0x1] =	stream.indirect.gather [hbm4b:s4+s20], $0x40, s6, s20, $0xb8;
	[tilespmem:$0x1C200] =	vst v63  }
0x6f: {  	_ =	swait.ge [sflag:s19], $0x1900  }
0x70: {  	[sflag:s19] =	ssyncset.done $0x0  }
0x71: {  	s6 =	sadd.s32 $0x51A8, s5;
	[sflag:s19] =	ssyncadd.s32 $0xFFFFE700  }
0x72: {  	[spmem:s2] =	stream.indirect.scatter.add.f32 [tilespmem:s23], [sflag:$0x5], $0x40, s6, s20, $0xb8;
	[tilespmem:$0x1C200] =	vst v63  }
0x73: {  	_ =	swait.ge [sflag:s17], $0x1900  }
0x74: {  	[sflag:s17] =	ssyncset.done $0x0  }
0x75: {  	s6 =	sadd.s32 $0x208, s5;
	[sflag:s17] =	ssyncadd.s32 $0xFFFFE700  }
0x76: {  	[tilespmem:s23], [sflag:$0x2] =	stream.indirect.gather [hbm4b:s4+s20], $0x40, s6, s20, $0xb8;
	[tilespmem:$0x1C200] =	vst v63  }
0x77: {  	_ =	swait.ge [sflag:s31], $0x1900  }
0x78: {  	[sflag:s31] =	ssyncset.done $0x0  }
0x79: {  	s6 =	sadd.s32 $0x5210, s5;
	[sflag:s31] =	ssyncadd.s32 $0xFFFFE700  }
0x7a: {  	[spmem:s2] =	stream.indirect.scatter.add.f32 [tilespmem:s28], [sflag:$0x5], $0x40, s6, s20, $0xb8;
	[tilespmem:$0x1C200] =	vst v63  }
0x7b: {  	_ =	swait.ge [sflag:s17], $0x1900  }
0x7c: {  	[sflag:s17] =	ssyncset.done $0x0  }
0x7d: {  	s6 =	sadd.s32 $0x270, s5;
	[sflag:s17] =	ssyncadd.s32 $0xFFFFE700  }
0x7e: {  	[tilespmem:s28], [sflag:$0x3] =	stream.indirect.gather [hbm4b:s4+s20], $0x40, s6, s20, $0xb8;
	[tilespmem:$0x1C200] =	vst v63  }
0x7f: {  	_ =	swait.ge [sflag:s1], $0x1900  }
0x80: {  	[sflag:s1] =	ssyncset.done $0x0  }
.Ltmp1:
0x81: {  	s6 =	sadd.s32 $0x5278, s5;
	[sflag:s1] =	ssyncadd.s32 $0xFFFFE700;
	(pc) =	sbr.rel @p1 .LBB2_4-.Ltmp1, $4  }
0x82: {  	[spmem:s2] =	stream.indirect.scatter.add.f32 [tilespmem:s30], [sflag:$0x5], $0x40, s6, s20, $0xb8;
	[tilespmem:$0x1C200] =	vst v63  }
0x83: {  	_ =	swait.ge [sflag:s17], $0x1900  }
0x84: {  	[sflag:s17] =	ssyncset.done $0x0  }
0x85: {  	s5 =	sadd.s32 $0x2D8, s5;
	[sflag:s17] =	ssyncadd.s32 $0xFFFFE700  }
0x86: {  	[tilespmem:s30], [sflag:$0x4] =	stream.indirect.gather [hbm4b:s4+s20], $0x40, s5, s20, $0xb8;
	[tilespmem:$0x1C200] =	vst v63  }
0x87: {  	_ =	swait.ge [sflag:s18], $0x1900  }
0x88: {  	[sflag:s18] =	ssyncset.done $0x0  }
0x89: {  	s6 =	simm.s32 $0xA0E0;
	[sflag:s18] =	ssyncadd.s32 $0xFFFFE700  }
0x8a: {  	[spmem:s2] =	stream.indirect.scatter.add.f32 [tilespmem:s21], [sflag:$0x5], $0x40, s6, s20, $0xb8;
	[tilespmem:$0x1C200] =	vst v63  }
0x8b: {  	_ =	swait.ge [sflag:s17], $0x1900  }
0x8c: {  	[sflag:s17] =	ssyncset.done $0x0  }
0x8d: {  	[sflag:s17] =	ssyncadd.s32 $0xFFFFE700  }
0x8e: {  	[tilespmem:s21], [sflag:$0x1] =	stream.indirect.gather [hbm4b:s4+s20], $0x40, s3, s20, $0xb8;
	[tilespmem:$0x1C200] =	vst v63  }
0x8f: {  	_ =	swait.ge [sflag:s19], $0x1900  }
0x90: {  	[sflag:s19] =	ssyncset.done $0x0  }
0x91: {  	s15 =	simm.s32 $0xA148;
	[sflag:s19] =	ssyncadd.s32 $0xFFFFE700  }
0x92: {  	[spmem:s2] =	stream.indirect.scatter.add.f32 [tilespmem:s23], [sflag:$0x5], $0x40, s15, s20, $0xb8;
	[tilespmem:$0x1C200] =	vst v63  }
0x93: {  	_ =	swait.ge [sflag:s17], $0x1900  }
0x94: {  	[sflag:s17] =	ssyncset.done $0x0  }
0x95: {  	[sflag:s17] =	ssyncadd.s32 $0xFFFFE700  }
0x96: {  	[tilespmem:s23], [sflag:$0x2] =	stream.indirect.gather [hbm4b:s4+s20], $0x40, s22, s20, $0xb8;
	[tilespmem:$0x1C200] =	vst v63  }
0x97: {  	_ =	swait.ge [sflag:s31], $0x1900  }
0x98: {  	[sflag:s31] =	ssyncset.done $0x0  }
0x99: {  	s6 =	simm.s32 $0xA1B0;
	[sflag:s31] =	ssyncadd.s32 $0xFFFFE700  }
0x9a: {  	[spmem:s2] =	stream.indirect.scatter.add.f32 [tilespmem:s28], [sflag:$0x5], $0x40, s6, s20, $0xb8;
	[tilespmem:$0x1C200] =	vst v63  }
0x9b: {  	_ =	swait.ge [sflag:s17], $0x1900  }
0x9c: {  	[sflag:s17] =	ssyncset.done $0x0  }
0x9d: {  	[sflag:s17] =	ssyncadd.s32 $0xFFFFE700  }
0x9e: {  	[tilespmem:s28], [sflag:$0x3] =	stream.indirect.gather [hbm4b:s4+s20], $0x40, s26, s20, $0xb8;
	[tilespmem:$0x1C200] =	vst v63  }
0x9f: {  	_ =	swait.ge [sflag:s1], $0x1900  }
0xa0: {  	[sflag:s1] =	ssyncset.done $0x0  }
0xa1: {  	s15 =	simm.s32 $0xA218;
	[sflag:s1] =	ssyncadd.s32 $0xFFFFE700  }
0xa2: {  	[spmem:s2] =	stream.indirect.scatter.add.f32 [tilespmem:s30], [sflag:$0x5], $0x40, s15, s20, $0xb8;
	[tilespmem:$0x1C200] =	vst v63  }
0xa3: {  	_ =	swait.ge [sflag:s17], $0x1900  }
0xa4: {  	[sflag:s17] =	ssyncset.done $0x0  }
0xa5: {  	[sflag:s17] =	ssyncadd.s32 $0xFFFFE700  }
0xa6: {  	[tilespmem:s30], [sflag:$0x4] =	stream.indirect.gather [hbm4b:s4+s20], $0x40, s29, s20, $0xb8;
	[tilespmem:$0x1C200] =	vst v63  }
0xa7: {  	_ =	swait.ge [sflag:s18], $0x1900  }
0xa8: {  	[sflag:s18] =	ssyncset.done $0x0  }
0xa9: {  	[sflag:s18] =	ssyncadd.s32 $0xFFFFE700  }
0xaa: {  	_ =	swait.ge [sflag:s19], $0x1900  }
0xab: {  	[sflag:s19] =	ssyncset.done $0x0  }
0xac: {  	[sflag:s19] =	ssyncadd.s32 $0xFFFFE700  }
0xad: {  	_ =	swait.ge [sflag:s31], $0x1900  }
0xae: {  	[sflag:s31] =	ssyncset.done $0x0  }
0xaf: {  	[sflag:s31] =	ssyncadd.s32 $0xFFFFE700  }
0xb0: {  	_ =	swait.ge [sflag:s1], $0x1900  }
0xb1: {  	[sflag:s1] =	ssyncset.done $0x0  }
0xb2: {  	[sflag:s1] =	ssyncadd.s32 $0xFFFFE700  }
0xb3: {  	s5 =	simm.s32 @p0 $0x1FC5;
	[bflag:$0x0] =	sbarrier.arrive $0xFFFF  }
0xb4: {  	[hbm:s13], [sflag:s5] =	dma.local @p0 [spmem:s24], $0x1040  }
0xb5: {  	s5 =	simm.s32 @p0 $0x5  }
0xb6: {  	s6 =	stileid.u32;
	_ =	swait.ge @p0 [sflag:s5], $0x1040  }
0xb7: {  	s0 =	sadd.s32 $0x1, s0;
	s6 =	sshll.u32 @!p0 s6, $0x6;
	[sflag:s5] =	ssyncset.done @p0 $0x0  }
0xb8: {  	p1 =	sne.s32 s0, s14;
	[sflag:s5] =	ssyncadd.s32 @p0 $0xFFFFEFC0;
	s5 =	sor.u32 @!p0 $0x1C05, s6  }
0xb9: {  	[hbm:s12], [sflag:s5] =	dma.local @!p0 [spmem:s25], $0x13C0  }
.Ltmp2:
0xba: {  	_ = 	snop;
	(pc) =	sbr.rel @p1 .LBB2_1-.Ltmp2, $4  }
0xbb: {  	s5 =	simm.s32 @!p0 $0x5  }
0xbc: {  	_ =	swait.ge @!p0 [sflag:s5], $0x13C0  }
0xbd: {  	[sflag:s5] =	ssyncset.done @!p0 $0x0  }
0xbe: {  	[sflag:s5] =	ssyncadd.s32 @!p0 $0xFFFFEC40  }
0xbf: {  	_ =	sfence.sel $0x180000  }
0xc0: {  	[bflag:$0x0] =	sbarrier.arrive $0xFFFF  }
0xc1: {  	_ =	strace $0x9000004A  }
0xc2: {  	s0 =	stileid.u32;
	[bflag:$0x2] =	sbarrier.arrive $0xFFFF  }
0xc3: {  	p0 =	sne.s32 s0, $0x0;
	s0 =	rddreg [dreg:$0x2]  }
0xc4: {  	s0 =	sadd.s32 @!p0 $0x100000, s0  }
0xc5: {  	[sflag:s0] =	ssyncadd.tile.s32 @!p0 $0x1;
	_ =	shalt  }
.Lfunc_end2:
_tile_overlayer_lowered:
.L_overlay_start_2:
0xc6: {  	(tag) =	ssettag $0x2  }
0xc7: {  	s0 =	rddreg [dreg:$0x0];
	s2 =	stileid.u32  }
0xc8: {  	s1 =	rddreg [dreg:$0x1];
	p0 =	sne.s32 s2, $0x0  }
0xc9: {  	s3 =	rddreg [dreg:$0x2];
	[bflag:$0x3] =	sbarrier.arrive $0xFFFF;
	s2 =	simm.s32 @!p0 $0x1C05  }
0xca: {  	[timem:s3], [sflag:s2] =	dma.local @!p0 [hbm:s0], s1  }
0xcb: {  	s0 =	simm.s32 @!p0 $0x5  }
0xcc: {  	_ =	swait.ge @!p0 [sflag:s0], s1  }
0xcd: {  	s1 =	ssub.s32 @!p0 $0x0, s1;
	[sflag:s0] =	ssyncset.done @!p0 $0x0  }
0xce: {  	[sflag:s0] =	ssyncadd.s32 @!p0 s1  }
0xcf: {  	[bflag:$0x3] =	sbarrier.arrive $0xFFFF  }
0xd0: {  	_ =	shalt  }

// kernel: kernel.16.cloned.1.call-start
scs
__scs_entry_jumppad:
0x0: {  	(pc) =	sbr.rel $0x88, $3  }
0x1: {  	(tag) =	ssettag $0x0;
	lr =	simm.s32 $0x1  }
0x2: {  	[smem:$0x3F94] =	sst lr;
	_ =	strace $0xD0000000  }
0x3: {  	_ = 	snop  }
0x4: {  	_ = 	snop  }
0x5: {  	_ = 	snop  }
0x6: {  	_ = 	snop  }
0x7: {  	_ = 	snop  }
__scs_overlays_trampoline_lowered:
0x8: {  	[smem:$0x3FA3] =	sst s0  }
0x9: {  	[smem:$0x3FA4] =	sst s1  }
0xa: {  	[smem:$0x3FA5] =	sst s2  }
0xb: {  	[smem:$0x3FA6] =	sst s3  }
0xc: {  	[smem:$0x3FA7] =	sst s4  }
0xd: {  	[smem:$0x3FA8] =	sst s5  }
0xe: {  	[smem:$0x3FA9] =	sst s6  }
0xf: {  	[smem:$0x3FAA] =	sst s7  }
0x10: {  	[smem:$0x3FAB] =	sst s8  }
0x11: {  	[smem:$0x3FAC] =	sst s9;
	s0 =	simm.s32 @!p0 $0x0  }
0x12: {  	s1 =	sld [smem:$0x3F92];
	s0 =	simm.s32 @p0 $0x1  }
0x13: {  	[smem:$0x3FAD] =	sst s0;
	s0 =	simm.s32 @!p1 $0x0  }
0x14: {  	s2 =	sld [smem:$0x3F91];
	s0 =	simm.s32 @p1 $0x1  }
0x15: {  	[smem:$0x3FAE] =	sst s0;
	s0 =	simm.s32 @!p2 $0x0  }
0x16: {  	s3 =	sld [smem:$0x3FDB];
	s0 =	simm.s32 @p2 $0x1  }
0x17: {  	s4 =	simm.s32 $0x1BF5;
	[smem:$0x3FB0] =	sst s0  }
0x18: {  	s0 =	sld [smem:$0x3F93];
	_ =	swait.ge [sflag:s4], $0x0  }
0x19: {  	s7 =	sld [smem:$0x3F94]  }
0x1a: {  	s8 =	sadd.s32 $0xFFFFE003, lr  }
0x1b: {  	s9 =	sadd.s32 $0xFFFFFEF7, lr;
	s5 =	simm.s32 $0xFFFFFFFF;
	p2 =	slt.u32 s8, $0xFFFFF086  }
0x1c: {  	p1 =	slt.u32 s9, $0xF7A;
	s5 =	simm.s32 @!p2 $0x0  }
0x1d: {  	s5 =	simm.s32 @p1 $0x1;
	p0 =	seq.s32 s7, s2  }
0x1e: {  	s7 =	smul.u32 @!p0 $0xF7A, s2;
	p2 =	seq.s32 @!p0 s5, $0x0  }
0x1f: {  	s9 =	smul.u32 $0xF7A, s1;
	s8 =	simm.s32 @!p0 $0x1BF5;
	p2 =	por !p2, p0  }
0x20: {  	[sflag:s8] =	ssyncset.s32 @!p0 $0xFFFFF086;
	s6 =	sadd.s32 @!p0 s3, s7;
	s7 =	simm.s32 @!p0 $0x108  }
0x21: {  	s3 =	sadd.s32 s3, s9;
	s6 =	sadd.s32 @!p0 $0x88, s6;
	s7 =	simm.s32 @p2 $0x1082  }
0x22: {  	[simem:s7], [sflag:s8] =	dma.local @!p0 [hbm:s6], $0xF7A  }
0x23: {  	s9 =	sor.u32 $0xD0000000, s2;
	s6 =	simm.s32 $0x108;
	_ =	swait.ge @!p0 [sflag:s8], $0x0  }
0x24: {  	s3 =	sadd.s32 $0x88, s3;
	s6 =	simm.s32 @!p1 $0x1082;
	[sflag:s4] =	ssyncset.s32 $0xFFFFF086  }
0x25: {  	[simem:s6], [sflag:s4] =	dma.local [hbm:s3], $0xF7A  }
0x26: {  	[smem:$0x3F94] =	sst s1;
	(tag) =	ssettag s2;
	_ =	strace s9  }
0x27: {  	s1 =	sld [smem:$0x3FA4]  }
0x28: {  	s2 =	sld [smem:$0x3FA5]  }
0x29: {  	s4 =	sld [smem:$0x3FA7]  }
0x2a: {  	p0 =	seq.s32 s5, $0x0;
	s5 =	sld [smem:$0x3FA8]  }
0x2b: {  	s6 =	sld [smem:$0x3FA9]  }
0x2c: {  	s7 =	sld [smem:$0x3FAA]  }
0x2d: {  	s3 =	simm.s32 $0x108;
	s8 =	sld [smem:$0x3FAB]  }
0x2e: {  	s3 =	simm.s32 @!p0 $0x1082;
	s9 =	sld [smem:$0x3FAC]  }
0x2f: {  	lr =	sadd.s32 s0, s3;
	s0 =	sld [smem:$0x3FA3]  }
0x30: {  	s3 =	sld [smem:$0x3FA6]  }
0x31: {  	[smem:$0x3FAF] =	sst s10  }
0x32: {  	s10 =	sld [smem:$0x3FAD];
	_ =	sdelay $0x3  }
0x33: {  	p0 =	seq.s32 s10, $0x1;
	s10 =	sld [smem:$0x3FAF];
	_ =	sdelay $0x3  }
0x34: {  	[smem:$0x3FAF] =	sst s10  }
0x35: {  	s10 =	sld [smem:$0x3FAE];
	_ =	sdelay $0x3  }
0x36: {  	p1 =	seq.s32 s10, $0x1;
	s10 =	sld [smem:$0x3FAF];
	_ =	sdelay $0x3  }
0x37: {  	[smem:$0x3FAF] =	sst s10  }
0x38: {  	s10 =	sld [smem:$0x3FB0]  }
0x39: {  	_ = 	snop;
	(pc) =	sbr.ind lr, $3  }
0x3a: {  	_ = 	snop  }
0x3b: {  	_ = 	snop  }
0x3c: {  	p2 =	seq.s32 s10, $0x1;
	s10 =	sld [smem:$0x3FAF]  }
0x3d: {  	_ =	shalt  }
0x3e: {  	_ =	shalt  }
0x3f: {  	_ =	shalt  }
0x40: {  	_ =	shalt  }
0x41: {  	_ =	shalt  }
0x42: {  	_ =	shalt  }
0x43: {  	_ =	shalt  }
0x44: {  	_ =	shalt  }
0x45: {  	_ =	shalt  }
0x46: {  	_ =	shalt  }
0x47: {  	_ =	shalt  }
0x48: {  	_ =	shalt  }
0x49: {  	_ =	shalt  }
0x4a: {  	_ =	shalt  }
0x4b: {  	_ =	shalt  }
0x4c: {  	_ =	shalt  }
0x4d: {  	_ =	shalt  }
0x4e: {  	_ =	shalt  }
0x4f: {  	_ =	shalt  }
0x50: {  	_ =	shalt  }
0x51: {  	_ =	shalt  }
0x52: {  	_ =	shalt  }
0x53: {  	_ =	shalt  }
0x54: {  	_ =	shalt  }
0x55: {  	_ =	shalt  }
0x56: {  	_ =	shalt  }
0x57: {  	_ =	shalt  }
0x58: {  	_ =	shalt  }
0x59: {  	_ =	shalt  }
0x5a: {  	_ =	shalt  }
0x5b: {  	_ =	shalt  }
0x5c: {  	_ =	shalt  }
0x5d: {  	_ =	shalt  }
0x5e: {  	_ =	shalt  }
0x5f: {  	_ =	shalt  }
0x60: {  	_ =	shalt  }
0x61: {  	_ =	shalt  }
0x62: {  	_ =	shalt  }
0x63: {  	_ =	shalt  }
0x64: {  	_ =	shalt  }
0x65: {  	_ =	shalt  }
0x66: {  	_ =	shalt  }
0x67: {  	_ =	shalt  }
0x68: {  	_ =	shalt  }
0x69: {  	_ =	shalt  }
0x6a: {  	_ =	shalt  }
0x6b: {  	_ =	shalt  }
0x6c: {  	_ =	shalt  }
0x6d: {  	_ =	shalt  }
0x6e: {  	_ =	shalt  }
0x6f: {  	_ =	shalt  }
0x70: {  	_ =	shalt  }
0x71: {  	_ =	shalt  }
0x72: {  	_ =	shalt  }
0x73: {  	_ =	shalt  }
0x74: {  	_ =	shalt  }
0x75: {  	_ =	shalt  }
0x76: {  	_ =	shalt  }
0x77: {  	_ =	shalt  }
0x78: {  	_ =	shalt  }
0x79: {  	_ =	shalt  }
0x7a: {  	_ =	shalt  }
0x7b: {  	_ =	shalt  }
0x7c: {  	_ =	shalt  }
0x7d: {  	_ =	shalt  }
0x7e: {  	_ =	shalt  }
0x7f: {  	_ =	shalt  }
0x80: {  	_ =	shalt  }
0x81: {  	_ =	shalt  }
0x82: {  	_ =	shalt  }
0x83: {  	_ =	shalt  }
0x84: {  	_ =	shalt  }
0x85: {  	_ =	shalt  }
0x86: {  	_ =	shalt  }
0x87: {  	_ =	shalt  }
.Lfunc_end0:
.L_simem_size_0:
called_computation.2_lowered:
.L_overlay_start_0:
0x88: {  	s2 =	sld [smem:$0x3FD9]  }
0x89: {  	s3 =	sld [smem:$0x3FFE];
	_ =	sdelay $0x1  }
0x8a: {  	s1 =	srdreg.scid  }
0x8b: {  	s0 =	sand.u32 $0x1, s1  }
0x8c: {  	s16 =	sshll.u32 s0, $0xA;
	s2 =	sadd.s32 s3, s2  }
0x8d: {  	s2 =	sadd.s32 s2, s16  }
0x8e: {  	[smem:$0x3FBB] =	sst s2  }
0x8f: {  	_ = 	snop  }
0x90: {  	(tm) =	ssettm $0x1  }
0x91: {  	s17 =	sld [smem:$0x3FFB];
	_ =	sdelay $0x3  }
0x92: {  	_ =	strace s17  }
0x93: {  	s2 =	sld [smem:$0x3FFC];
	_ =	sdelay $0x3  }
0x94: {  	_ =	strace s2  }
0x95: {  	s2 =	sld [smem:$0x3FFD];
	_ =	sdelay $0x3  }
0x96: {  	_ =	strace s2  }
0x97: {  	_ =	strace $0x8FFFFFFF  }
0x98: {  	s18 =	sld [smem:$0x3FDB];
	_ =	sdelay $0x1  }
0x99: {  	s19 =	simm.s32 $_scs_section_size  }
0x9a: {  	s4 =	simm.s32 $_size__tile_overlayer_lowered;
	s5 =	simm.s32 $_tile_overlayer_lowered  }
0x9b: {  	s22 =	simm.s32 $0x1BFF;
	s21 =	sshll.u32 s5, $0x1;
	s2 =	sadd.s32 s19, s18  }
0x9c: {  	s6 =	simm.s32 $0x0;
	s20 =	sshll.u32 s4, $0x1;
	s4 =	sadd.s32 s21, s2  }
0x9d: {  	[timem:s6], [sflag:s22] =	dma.local [hbm:s4], s20  }
0x9e: {  	_ =	swait.ge [sflag:s22], s20  }
0x9f: {  	s3 =	ssub.s32 $0x0, s20;
	[sflag:s22] =	ssyncset.done $0x0  }
0xa0: {  	[sflag:s22] =	ssyncadd.s32 s3;
	_ =	sdelay $0x1  }
0xa1: {  	s23 =	simm.s32 $0x1B8B  }
0xa2: {  	_ =	swait.ge [sflag:s23], $0x1  }
0xa3: {  	[sflag:s23] =	ssyncset.done $0x0  }
0xa4: {  	s25 =	simm.s32 $0x1B8E;
	s24 =	sld [smem:$0x3FFE];
	[sflag:s23] =	ssyncadd.s32 $0xFFFFFFFF  }
0xa5: {  	s26 =	simm.s32 $execute0_lowered;
	[smem:$0x3FD2] =	sst s25  }
0xa6: {  	s4 =	sshll.u32 s26, $0x1;
	_ =	strace $0x8000004C;
	[dreg:$0x1] =	wrdreg $0xFFFFFFFF  }
0xa7: {  	s28 =	simm.s32 $_size_execute0_lowered;
	s2 =	sadd.s32 s2, s4;
	[dreg:$0x0] =	wrdreg $0x0  }
0xa8: {  	s4 =	sshll.u32 s28, $0x1;
	[dreg:$0x2] =	wrdreg s2  }
0xa9: {  	[dreg:$0x3] =	wrdreg s4  }
0xaa: {  	[dreg:$0x4] =	wrdreg $0xC0  }
0xab: {  	_ =	task [dreg:s6], $0x5FFFF  }
0xac: {  	[dreg:$0x1] =	wrdreg $0xFFFFFFFF  }
0xad: {  	[dreg:$0x0] =	wrdreg $0x60  }
0xae: {  	[dreg:$0x2] =	wrdreg s24  }
0xaf: {  	[dreg:$0x3] =	wrdreg $0x125C00  }
0xb0: {  	[dreg:$0x4] =	wrdreg $0x9  }
0xb1: {  	_ =	task.clear_ibuf [dreg:s6], $0x5FFFF;
	_ =	strace $0x9000004C  }
0xb2: {  	s29 =	simm.s32 $0x9;
	_ =	strace $0x8000004E  }
0xb3: {  	_ =	swait.ge [sflag:s29], $0x1  }
0xb4: {  	[sflag:s29] =	ssyncadd.s32 $0xFFFFFFFF  }
0xb5: {  	_ =	strace $0x9000004E  }
0xb6: {  	_ =	sfence  }
0xb7: {  	s30 =	sld [smem:$0x0];
	_ =	sdelay $0x2  }
0xb8: {  	s31 =	sshll.u32 s1, $0xD;
	s1 =	sshrl.u32 s1, $0x2  }
0xb9: {  	s3 =	sand.u32 $0x4000, s31;
	s1 =	sadd.s32 s1, s30  }
0xba: {  	s0 =	sor.u32 s3, s0;
	s1 =	sshll.u32 s1, $0x11  }
0xbb: {  	s0 =	sor.u32 s1, s0  }
0xbc: {  	s0 =	sadd.s32 $0x8F2B, s0  }
0xbd: {  	[sflag:s0] =	ssyncadd.remote.s32 $0x1  }
0xbe: {  	_ =	sfence.sel $0xFFFF  }
0xbf: {  	[dreg:$0x0] =	wrdreg $0xFFFFFFFF;
	(pc) =	sbr.abs _section_cstart, $3  }
0xc0: {  	[dreg:$0x1] =	wrdreg $0xFFFFFFFF  }
0xc1: {  	_ =	task.clear_ibuf [dreg:s6], $0x2FFFF;
	_ =	strace $0x9FFFFFFF  }
0xc2: {  	(tm) =	ssettm $0x7FFFFFFF  }
0xc3: {  	_ =	shalt  }
tec
execute0_lowered:
.L_overlay_start_1:
0x0: {  	(tag) =	ssettag $0x1  }
0x1: {  	s0 =	srdreg.scid  }
0x2: {  	s15 =	stileid.u32;
	s1 =	rddreg [dreg:$0x0]  }
0x3: {  	s2 =	rddreg [dreg:$0x1];
	s3 =	simm.s32 $0x0;
	s16 =	simm.s32 $0x10680  }
0x4: {  	s17 =	simm.s32 $0x5;
	s18 =	simm.s32 $0x1;
	s19 =	simm.s32 $0x2  }
0x5: {  	s20 =	simm.s32 $0x64;
	s21 =	simm.s32 $0xA280;
	s22 =	simm.s32 $0x68  }
0x6: {  	s23 =	simm.s32 $0xBB80;
	s28 =	simm.s32 $0xD480;
	s5 =	smul.u32 $0x5140, s15  }
0x7: {  	s29 =	simm.s32 $0x138;
	s30 =	simm.s32 $0xED80;
	s8 =	smul.u32 $0x27100, s15  }
0x8: {  	s31 =	simm.s32 $0x3;
	s0 =	sand.u32 $0x1, s0;
	s13 =	smul.u32 $0x9E00, s15  }
0x9: {  	[smem:$0x7FF] =	sst s3;
	p0 =	seq.s32 s15, $0xF;
	s4 =	smul.u32 $0x51400, s0  }
0xa: {  	_ =	strace $0x8000004D;
	s7 =	ssub.s32 $0x2, s0;
	s0 =	smul.u32 $0x9C400, s0  }
0xb: {  	s9 =	sshrl.u32 s7, $0x1;
	s25 =	sshrl.u32 s8, $0x2;
	s4 =	sadd.s32 s5, s4  }
0xc: {  	s5 =	sshrl.u32 s5, $0x3;
	s14 =	ssub.s32 s7, s9;
	s7 =	sadd.s32 s25, s2  }
0xd: {  	s26 =	sadd.s32 s13, s0;
	s0 =	sshrl.u32 s0, $0x3;
	s6 =	sshrl.u32 s4, $0x3  }
0xe: {  	s4 =	sadd.s32 $0x4800, s1;
	s5 =	sadd.s32 s5, s1;
	s8 =	sadd.s32 $0x1F40, s7  }
0xf: {  	s9 =	sadd.s32 $0x3E80, s7;
	s10 =	sadd.s32 $0x5DC0, s7;
	s11 =	sadd.s32 $0x7D00, s7  }
0x10: {  	s14 =	smax.u32 s14, $0x1;
	s6 =	sadd.s32 s6, s1;
	s5 =	sadd.s32 $0x4A400, s5  }
0x11: {  	s1 =	sadd.s32 $0x54800, s1;
	[dreg:$0x4] =	wrdreg s5;
	s5 =	sshrl.u32 s26, $0x3  }
0x12: {  	s6 =	sadd.s32 $0x35E00, s6;
	s0 =	sadd.s32 s1, s0;
	s12 =	sadd.s32 s1, s5  }
0x13: {  	s1 =	sadd.s32 s13, s2;
	s13 =	sadd.s32 $0x12840, s0;
	s0 =	sadd.s32 $0x94200, s2  }
0x14: {  	s26 =	simm.s32 $0xD0;
	[dreg:$0x3] =	wrdreg s6;
	s24 =	sshrl.u32 @p0 s0, $0x3  }
0x15: {  	v0 =	vimm.f32 $0.0e+00;
	s25 =	sshrl.u32 @!p0 s1, $0x3;
	s1 =	simm.s32 $0x4;
	s0 =	simm.s32 $0x0  }
.LBB2_1:
0x16: {  	s5 =	rddreg [dreg:$0x3]  }
0x17: {  	[tilespmem:s3], [sflag:$0x1] =	stream.linear.gather [hbm4b:s5+s3], $0x5140, $0x38;
	[tilespmem:$0x1C200] =	vst v63  }
0x18: {  	s15 =	rddreg [dreg:$0x4];
	s6 =	simm.s32 $0x5140  }
0x19: {  	[tilespmem:s6], [sflag:$0x2] =	stream.linear.gather [hbm4b:s15+s3], $0x5140, $0x38;
	[tilespmem:$0x1C200] =	vst v63  }
0x1a: {  	s5 =	simm.s32 $0x0;
	s15 =	simm.s32 $0x100  }
.LBB2_2:
0x1b: {  	p1 =	sne.s32 s15, $0x7C00;
	[tilespmem:s5+$0x106B0] =	vst v0;
	s6 =	smov.u32 s15;
	s15 =	sadd.s32 $0x100, s15  }
.Ltmp0:
0x1c: {  	[tilespmem:s5+$0x106A0] =	vst v0;
	(pc) =	sbr.rel @p1 .LBB2_2-.Ltmp0, $3  }
0x1d: {  	[tilespmem:s5+$0x10680] =	vst v0  }
0x1e: {  	[tilespmem:s5+$0x10690] =	vst v0;
	_ =	sdelay $0x1  }
0x1f: {  	s5 =	sshra.s32 s6, $0x2  }
0x20: {  	[tilespmem:s5+$0x106B0] =	vst v0  }
0x21: {  	[tilespmem:s5+$0x106A0] =	vst v0  }
0x22: {  	[tilespmem:s5+$0x10680] =	vst v0  }
0x23: {  	[tilespmem:s5+$0x10690] =	vst v0  }
0x24: {  	[spmem:s7] =	stream.linear.scatter [tilespmem:s16], [sflag:$0x5], $0x1F40, $0x38;
	[tilespmem:$0x1C200] =	vst v63  }
0x25: {  	_ =	swait.ge [sflag:s17], $0x1F40  }
0x26: {  	[sflag:s17] =	ssyncset.done $0x0  }
0x27: {  	[sflag:s17] =	ssyncadd.s32 $0xFFFFE0C0  }
0x28: {  	[spmem:s8] =	stream.linear.scatter [tilespmem:s16], [sflag:$0x5], $0x1F40, $0x38;
	[tilespmem:$0x1C200] =	vst v63  }
0x29: {  	_ =	swait.ge [sflag:s17], $0x1F40  }
0x2a: {  	[sflag:s17] =	ssyncset.done $0x0  }
0x2b: {  	[sflag:s17] =	ssyncadd.s32 $0xFFFFE0C0  }
0x2c: {  	[spmem:s9] =	stream.linear.scatter [tilespmem:s16], [sflag:$0x5], $0x1F40, $0x38;
	[tilespmem:$0x1C200] =	vst v63  }
0x2d: {  	_ =	swait.ge [sflag:s17], $0x1F40  }
0x2e: {  	[sflag:s17] =	ssyncset.done $0x0  }
0x2f: {  	[sflag:s17] =	ssyncadd.s32 $0xFFFFE0C0  }
0x30: {  	[spmem:s10] =	stream.linear.scatter [tilespmem:s16], [sflag:$0x5], $0x1F40, $0x38;
	[tilespmem:$0x1C200] =	vst v63  }
0x31: {  	_ =	swait.ge [sflag:s17], $0x1F40  }
0x32: {  	[sflag:s17] =	ssyncset.done $0x0  }
0x33: {  	[sflag:s17] =	ssyncadd.s32 $0xFFFFE0C0  }
0x34: {  	[spmem:s11] =	stream.linear.scatter [tilespmem:s16], [sflag:$0x5], $0x1F40, $0x38;
	[tilespmem:$0x1C200] =	vst v63  }
0x35: {  	_ =	swait.ge [sflag:s17], $0x1F40  }
0x36: {  	[sflag:s17] =	ssyncset.done $0x0  }
0x37: {  	[sflag:s17] =	ssyncadd.s32 $0xFFFFE0C0  }
0x38: {  	_ =	swait.ge [sflag:s18], $0x5140  }
0x39: {  	[sflag:s18] =	ssyncset.done $0x0  }
0x3a: {  	[sflag:s18] =	ssyncadd.s32 $0xFFFFAEC0  }
0x3b: {  	_ =	swait.ge [sflag:s19], $0x5140  }
0x3c: {  	[sflag:s19] =	ssyncset.done $0x0  }
0x3d: {  	s6 =	simm.s32 $0x0;
	[sflag:s19] =	ssyncadd.s32 $0xFFFFAEC0  }
0x3e: {  	[tilespmem:s21], [sflag:$0x1] =	stream.indirect.gather [hbm4b:s4+s20], $0x40, s6, s20, $0xb8;
	[tilespmem:$0x1C200] =	vst v63  }
0x3f: {  	_ = 	snop  }
0x40: {  	[tilespmem:s23], [sflag:$0x2] =	stream.indirect.gather [hbm4b:s4+s20], $0x40, s22, s20, $0xb8;
	[tilespmem:$0x1C200] =	vst v63  }
0x41: {  	_ = 	snop  }
0x42: {  	[tilespmem:s28], [sflag:$0x3] =	stream.indirect.gather [hbm4b:s4+s20], $0x40, s26, s20, $0xb8;
	[tilespmem:$0x1C200] =	vst v63  }
0x43: {  	_ = 	snop  }
0x44: {  	[tilespmem:s30], [sflag:$0x4] =	stream.indirect.gather [hbm4b:s4+s20], $0x40, s29, s20, $0xb8;
	[tilespmem:$0x1C200] =	vst v63  }
0x45: {  	[bflag:$0x0] =	sbarrier.arrive $0xFFFF  }
0x46: {  	_ =	swait.ge [sflag:s18], $0x1900  }
0x47: {  	[sflag:s18] =	ssyncset.done $0x0  }
0x48: {  	s15 =	simm.s32 $0x5140;
	[sflag:s18] =	ssyncadd.s32 $0xFFFFE700  }
0x49: {  	[spmem:s2] =	stream.indirect.scatter.add.f32 [tilespmem:s21], [sflag:$0x5], $0x40, s15, s20, $0xb8;
	[tilespmem:$0x1C200] =	vst v63  }
0x4a: {  	_ =	swait.ge [sflag:s17], $0x1900  }
0x4b: {  	[sflag:s17] =	ssyncset.done $0x0  }
0x4c: {  	s6 =	simm.s32 $0x1A0;
	[sflag:s17] =	ssyncadd.s32 $0xFFFFE700  }
0x4d: {  	[tilespmem:s21], [sflag:$0x1] =	stream.indirect.gather [hbm4b:s4+s20], $0x40, s6, s20, $0xb8;
	[tilespmem:$0x1C200] =	vst v63  }
0x4e: {  	_ =	swait.ge [sflag:s19], $0x1900  }
0x4f: {  	[sflag:s19] =	ssyncset.done $0x0  }
0x50: {  	s15 =	simm.s32 $0x51A8;
	[sflag:s19] =	ssyncadd.s32 $0xFFFFE700  }
0x51: {  	[spmem:s2] =	stream.indirect.scatter.add.f32 [tilespmem:s23], [sflag:$0x5], $0x40, s15, s20, $0xb8;
	[tilespmem:$0x1C200] =	vst v63  }
0x52: {  	_ =	swait.ge [sflag:s17], $0x1900  }
0x53: {  	[sflag:s17] =	ssyncset.done $0x0  }
0x54: {  	s6 =	simm.s32 $0x208;
	[sflag:s17] =	ssyncadd.s32 $0xFFFFE700  }
0x55: {  	[tilespmem:s23], [sflag:$0x2] =	stream.indirect.gather [hbm4b:s4+s20], $0x40, s6, s20, $0xb8;
	[tilespmem:$0x1C200] =	vst v63  }
0x56: {  	_ =	swait.ge [sflag:s31], $0x1900  }
0x57: {  	[sflag:s31] =	ssyncset.done $0x0  }
0x58: {  	s15 =	simm.s32 $0x5210;
	[sflag:s31] =	ssyncadd.s32 $0xFFFFE700  }
0x59: {  	[spmem:s2] =	stream.indirect.scatter.add.f32 [tilespmem:s28], [sflag:$0x5], $0x40, s15, s20, $0xb8;
	[tilespmem:$0x1C200] =	vst v63  }
0x5a: {  	_ =	swait.ge [sflag:s17], $0x1900  }
0x5b: {  	[sflag:s17] =	ssyncset.done $0x0  }
0x5c: {  	s6 =	simm.s32 $0x270;
	[sflag:s17] =	ssyncadd.s32 $0xFFFFE700  }
0x5d: {  	[tilespmem:s28], [sflag:$0x3] =	stream.indirect.gather [hbm4b:s4+s20], $0x40, s6, s20, $0xb8;
	[tilespmem:$0x1C200] =	vst v63  }
0x5e: {  	_ =	swait.ge [sflag:s1], $0x1900  }
0x5f: {  	[sflag:s1] =	ssyncset.done $0x0  }
0x60: {  	s15 =	simm.s32 $0x5278;
	[sflag:s1] =	ssyncadd.s32 $0xFFFFE700  }
0x61: {  	[spmem:s2] =	stream.indirect.scatter.add.f32 [tilespmem:s30], [sflag:$0x5], $0x40, s15, s20, $0xb8;
	[tilespmem:$0x1C200] =	vst v63  }
0x62: {  	_ =	swait.ge [sflag:s17], $0x1900  }
0x63: {  	[sflag:s17] =	ssyncset.done $0x0  }
0x64: {  	s5 =	simm.s32 $0x2D8;
	s15 =	simm.s32 $0x680;
	[sflag:s17] =	ssyncadd.s32 $0xFFFFE700  }
.LBB2_4:
0x65: {  	[tilespmem:s30], [sflag:$0x4] =	stream.indirect.gather [hbm4b:s4+s20], $0x40, s5, s20, $0xb8;
	[tilespmem:$0x1C200] =	vst v63  }
0x66: {  	s5 =	smov.u32 s15  }
0x67: {  	p1 =	sne.s32 s15, $0x13800;
	s15 =	sadd.s32 $0x680, s15;
	_ =	swait.ge [sflag:s18], $0x1900  }
0x68: {  	s5 =	sshra.s32 s5, $0x2;
	[sflag:s18] =	ssyncset.done $0x0  }
0x69: {  	s6 =	sadd.s32 $0x5140, s5;
	[sflag:s18] =	ssyncadd.s32 $0xFFFFE700  }
0x6a: {  	[spmem:s2] =	stream.indirect.scatter.add.f32 [tilespmem:s21], [sflag:$0x5], $0x40, s6, s20, $0xb8;
	[tilespmem:$0x1C200] =	vst v63  }
0x6b: {  	_ =	swait.ge [sflag:s17], $0x1900  }
0x6c: {  	[sflag:s17] =	ssyncset.done $0x0  }
0x6d: {  	s6 =	sadd.s32 $0x1A0, s5;
	[sflag:s17] =	ssyncadd.s32 $0xFFFFE700  }
0x6e: {  	[tilespmem:s21], [sflag:$0x1] =	stream.indirect.gather [hbm4b:s4+s20], $0x40, s6, s20, $0xb8;
	[tilespmem:$0x1C200] =	vst v63  }
0x6f: {  	_ =	swait.ge [sflag:s19], $0x1900  }
0x70: {  	[sflag:s19] =	ssyncset.done $0x0  }
0x71: {  	s6 =	sadd.s32 $0x51A8, s5;
	[sflag:s19] =	ssyncadd.s32 $0xFFFFE700  }
0x72: {  	[spmem:s2] =	stream.indirect.scatter.add.f32 [tilespmem:s23], [sflag:$0x5], $0x40, s6, s20, $0xb8;
	[tilespmem:$0x1C200] =	vst v63  }
0x73: {  	_ =	swait.ge [sflag:s17], $0x1900  }
0x74: {  	[sflag:s17] =	ssyncset.done $0x0  }
0x75: {  	s6 =	sadd.s32 $0x208, s5;
	[sflag:s17] =	ssyncadd.s32 $0xFFFFE700  }
0x76: {  	[tilespmem:s23], [sflag:$0x2] =	stream.indirect.gather [hbm4b:s4+s20], $0x40, s6, s20, $0xb8;
	[tilespmem:$0x1C200] =	vst v63  }
0x77: {  	_ =	swait.ge [sflag:s31], $0x1900  }
0x78: {  	[sflag:s31] =	ssyncset.done $0x0  }
0x79: {  	s6 =	sadd.s32 $0x5210, s5;
	[sflag:s31] =	ssyncadd.s32 $0xFFFFE700  }
0x7a: {  	[spmem:s2] =	stream.indirect.scatter.add.f32 [tilespmem:s28], [sflag:$0x5], $0x40, s6, s20, $0xb8;
	[tilespmem:$0x1C200] =	vst v63  }
0x7b: {  	_ =	swait.ge [sflag:s17], $0x1900  }
0x7c: {  	[sflag:s17] =	ssyncset.done $0x0  }
0x7d: {  	s6 =	sadd.s32 $0x270, s5;
	[sflag:s17] =	ssyncadd.s32 $0xFFFFE700  }
0x7e: {  	[tilespmem:s28], [sflag:$0x3] =	stream.indirect.gather [hbm4b:s4+s20], $0x40, s6, s20, $0xb8;
	[tilespmem:$0x1C200] =	vst v63  }
0x7f: {  	_ =	swait.ge [sflag:s1], $0x1900  }
0x80: {  	[sflag:s1] =	ssyncset.done $0x0  }
.Ltmp1:
0x81: {  	s6 =	sadd.s32 $0x5278, s5;
	[sflag:s1] =	ssyncadd.s32 $0xFFFFE700;
	(pc) =	sbr.rel @p1 .LBB2_4-.Ltmp1, $4  }
0x82: {  	[spmem:s2] =	stream.indirect.scatter.add.f32 [tilespmem:s30], [sflag:$0x5], $0x40, s6, s20, $0xb8;
	[tilespmem:$0x1C200] =	vst v63  }
0x83: {  	_ =	swait.ge [sflag:s17], $0x1900  }
0x84: {  	[sflag:s17] =	ssyncset.done $0x0  }
0x85: {  	s5 =	sadd.s32 $0x2D8, s5;
	[sflag:s17] =	ssyncadd.s32 $0xFFFFE700  }
0x86: {  	[tilespmem:s30], [sflag:$0x4] =	stream.indirect.gather [hbm4b:s4+s20], $0x40, s5, s20, $0xb8;
	[tilespmem:$0x1C200] =	vst v63  }
0x87: {  	_ =	swait.ge [sflag:s18], $0x1900  }
0x88: {  	[sflag:s18] =	ssyncset.done $0x0  }
0x89: {  	s6 =	simm.s32 $0xA0E0;
	[sflag:s18] =	ssyncadd.s32 $0xFFFFE700  }
0x8a: {  	[spmem:s2] =	stream.indirect.scatter.add.f32 [tilespmem:s21], [sflag:$0x5], $0x40, s6, s20, $0xb8;
	[tilespmem:$0x1C200] =	vst v63  }
0x8b: {  	_ =	swait.ge [sflag:s17], $0x1900  }
0x8c: {  	[sflag:s17] =	ssyncset.done $0x0  }
0x8d: {  	[sflag:s17] =	ssyncadd.s32 $0xFFFFE700  }
0x8e: {  	[tilespmem:s21], [sflag:$0x1] =	stream.indirect.gather [hbm4b:s4+s20], $0x40, s3, s20, $0xb8;
	[tilespmem:$0x1C200] =	vst v63  }
0x8f: {  	_ =	swait.ge [sflag:s19], $0x1900  }
0x90: {  	[sflag:s19] =	ssyncset.done $0x0  }
0x91: {  	s15 =	simm.s32 $0xA148;
	[sflag:s19] =	ssyncadd.s32 $0xFFFFE700  }
0x92: {  	[spmem:s2] =	stream.indirect.scatter.add.f32 [tilespmem:s23], [sflag:$0x5], $0x40, s15, s20, $0xb8;
	[tilespmem:$0x1C200] =	vst v63  }
0x93: {  	_ =	swait.ge [sflag:s17], $0x1900  }
0x94: {  	[sflag:s17] =	ssyncset.done $0x0  }
0x95: {  	[sflag:s17] =	ssyncadd.s32 $0xFFFFE700  }
0x96: {  	[tilespmem:s23], [sflag:$0x2] =	stream.indirect.gather [hbm4b:s4+s20], $0x40, s22, s20, $0xb8;
	[tilespmem:$0x1C200] =	vst v63  }
0x97: {  	_ =	swait.ge [sflag:s31], $0x1900  }
0x98: {  	[sflag:s31] =	ssyncset.done $0x0  }
0x99: {  	s6 =	simm.s32 $0xA1B0;
	[sflag:s31] =	ssyncadd.s32 $0xFFFFE700  }
0x9a: {  	[spmem:s2] =	stream.indirect.scatter.add.f32 [tilespmem:s28], [sflag:$0x5], $0x40, s6, s20, $0xb8;
	[tilespmem:$0x1C200] =	vst v63  }
0x9b: {  	_ =	swait.ge [sflag:s17], $0x1900  }
0x9c: {  	[sflag:s17] =	ssyncset.done $0x0  }
0x9d: {  	[sflag:s17] =	ssyncadd.s32 $0xFFFFE700  }
0x9e: {  	[tilespmem:s28], [sflag:$0x3] =	stream.indirect.gather [hbm4b:s4+s20], $0x40, s26, s20, $0xb8;
	[tilespmem:$0x1C200] =	vst v63  }
0x9f: {  	_ =	swait.ge [sflag:s1], $0x1900  }
0xa0: {  	[sflag:s1] =	ssyncset.done $0x0  }
0xa1: {  	s15 =	simm.s32 $0xA218;
	[sflag:s1] =	ssyncadd.s32 $0xFFFFE700  }
0xa2: {  	[spmem:s2] =	stream.indirect.scatter.add.f32 [tilespmem:s30], [sflag:$0x5], $0x40, s15, s20, $0xb8;
	[tilespmem:$0x1C200] =	vst v63  }
0xa3: {  	_ =	swait.ge [sflag:s17], $0x1900  }
0xa4: {  	[sflag:s17] =	ssyncset.done $0x0  }
0xa5: {  	[sflag:s17] =	ssyncadd.s32 $0xFFFFE700  }
0xa6: {  	[tilespmem:s30], [sflag:$0x4] =	stream.indirect.gather [hbm4b:s4+s20], $0x40, s29, s20, $0xb8;
	[tilespmem:$0x1C200] =	vst v63  }
0xa7: {  	_ =	swait.ge [sflag:s18], $0x1900  }
0xa8: {  	[sflag:s18] =	ssyncset.done $0x0  }
0xa9: {  	[sflag:s18] =	ssyncadd.s32 $0xFFFFE700  }
0xaa: {  	_ =	swait.ge [sflag:s19], $0x1900  }
0xab: {  	[sflag:s19] =	ssyncset.done $0x0  }
0xac: {  	[sflag:s19] =	ssyncadd.s32 $0xFFFFE700  }
0xad: {  	_ =	swait.ge [sflag:s31], $0x1900  }
0xae: {  	[sflag:s31] =	ssyncset.done $0x0  }
0xaf: {  	[sflag:s31] =	ssyncadd.s32 $0xFFFFE700  }
0xb0: {  	_ =	swait.ge [sflag:s1], $0x1900  }
0xb1: {  	[sflag:s1] =	ssyncset.done $0x0  }
0xb2: {  	[sflag:s1] =	ssyncadd.s32 $0xFFFFE700  }
0xb3: {  	s5 =	simm.s32 @p0 $0x1FC5;
	[bflag:$0x0] =	sbarrier.arrive $0xFFFF  }
0xb4: {  	[hbm:s13], [sflag:s5] =	dma.local @p0 [spmem:s24], $0x1040  }
0xb5: {  	s5 =	simm.s32 @p0 $0x5  }
0xb6: {  	s6 =	stileid.u32;
	_ =	swait.ge @p0 [sflag:s5], $0x1040  }
0xb7: {  	s0 =	sadd.s32 $0x1, s0;
	s6 =	sshll.u32 @!p0 s6, $0x6;
	[sflag:s5] =	ssyncset.done @p0 $0x0  }
0xb8: {  	p1 =	sne.s32 s0, s14;
	[sflag:s5] =	ssyncadd.s32 @p0 $0xFFFFEFC0;
	s5 =	sor.u32 @!p0 $0x1C05, s6  }
0xb9: {  	[hbm:s12], [sflag:s5] =	dma.local @!p0 [spmem:s25], $0x13C0  }
.Ltmp2:
0xba: {  	_ = 	snop;
	(pc) =	sbr.rel @p1 .LBB2_1-.Ltmp2, $4  }
0xbb: {  	s5 =	simm.s32 @!p0 $0x5  }
0xbc: {  	_ =	swait.ge @!p0 [sflag:s5], $0x13C0  }
0xbd: {  	[sflag:s5] =	ssyncset.done @!p0 $0x0  }
0xbe: {  	[sflag:s5] =	ssyncadd.s32 @!p0 $0xFFFFEC40  }
0xbf: {  	_ =	sfence.sel $0x180000  }
0xc0: {  	[bflag:$0x0] =	sbarrier.arrive $0xFFFF  }
0xc1: {  	_ =	strace $0x9000004D  }
0xc2: {  	s0 =	stileid.u32;
	[bflag:$0x2] =	sbarrier.arrive $0xFFFF  }
0xc3: {  	p0 =	sne.s32 s0, $0x0;
	s0 =	rddreg [dreg:$0x2]  }
0xc4: {  	s0 =	sadd.s32 @!p0 $0x100000, s0  }
0xc5: {  	[sflag:s0] =	ssyncadd.tile.s32 @!p0 $0x1;
	_ =	shalt  }
.Lfunc_end2:
_tile_overlayer_lowered:
.L_overlay_start_2:
0xc6: {  	(tag) =	ssettag $0x2  }
0xc7: {  	s0 =	rddreg [dreg:$0x0];
	s2 =	stileid.u32  }
0xc8: {  	s1 =	rddreg [dreg:$0x1];
	p0 =	sne.s32 s2, $0x0  }
0xc9: {  	s3 =	rddreg [dreg:$0x2];
	[bflag:$0x3] =	sbarrier.arrive $0xFFFF;
	s2 =	simm.s32 @!p0 $0x1C05  }
0xca: {  	[timem:s3], [sflag:s2] =	dma.local @!p0 [hbm:s0], s1  }
0xcb: {  	s0 =	simm.s32 @!p0 $0x5  }
0xcc: {  	_ =	swait.ge @!p0 [sflag:s0], s1  }
0xcd: {  	s1 =	ssub.s32 @!p0 $0x0, s1;
	[sflag:s0] =	ssyncset.done @!p0 $0x0  }
0xce: {  	[sflag:s0] =	ssyncadd.s32 @!p0 s1  }
0xcf: {  	[bflag:$0x3] =	sbarrier.arrive $0xFFFF  }
0xd0: {  	_ =	shalt  }

// kernel: kernel.19.cloned.1.call-start
scs
__scs_entry_jumppad:
0x0: {  	(pc) =	sbr.rel $0x88, $3  }
0x1: {  	(tag) =	ssettag $0x0;
	lr =	simm.s32 $0x1  }
0x2: {  	[smem:$0x3F94] =	sst lr;
	_ =	strace $0xD0000000  }
0x3: {  	_ = 	snop  }
0x4: {  	_ = 	snop  }
0x5: {  	_ = 	snop  }
0x6: {  	_ = 	snop  }
0x7: {  	_ = 	snop  }
__scs_overlays_trampoline_lowered:
0x8: {  	[smem:$0x3FA3] =	sst s0  }
0x9: {  	[smem:$0x3FA4] =	sst s1  }
0xa: {  	[smem:$0x3FA5] =	sst s2  }
0xb: {  	[smem:$0x3FA6] =	sst s3  }
0xc: {  	[smem:$0x3FA7] =	sst s4  }
0xd: {  	[smem:$0x3FA8] =	sst s5  }
0xe: {  	[smem:$0x3FA9] =	sst s6  }
0xf: {  	[smem:$0x3FAA] =	sst s7  }
0x10: {  	[smem:$0x3FAB] =	sst s8  }
0x11: {  	[smem:$0x3FAC] =	sst s9;
	s0 =	simm.s32 @!p0 $0x0  }
0x12: {  	s1 =	sld [smem:$0x3F92];
	s0 =	simm.s32 @p0 $0x1  }
0x13: {  	[smem:$0x3FAD] =	sst s0;
	s0 =	simm.s32 @!p1 $0x0  }
0x14: {  	s2 =	sld [smem:$0x3F91];
	s0 =	simm.s32 @p1 $0x1  }
0x15: {  	[smem:$0x3FAE] =	sst s0;
	s0 =	simm.s32 @!p2 $0x0  }
0x16: {  	s3 =	sld [smem:$0x3FDB];
	s0 =	simm.s32 @p2 $0x1  }
0x17: {  	s4 =	simm.s32 $0x1BF5;
	[smem:$0x3FB0] =	sst s0  }
0x18: {  	s0 =	sld [smem:$0x3F93];
	_ =	swait.ge [sflag:s4], $0x0  }
0x19: {  	s7 =	sld [smem:$0x3F94]  }
0x1a: {  	s8 =	sadd.s32 $0xFFFFE003, lr  }
0x1b: {  	s9 =	sadd.s32 $0xFFFFFEF7, lr;
	s5 =	simm.s32 $0xFFFFFFFF;
	p2 =	slt.u32 s8, $0xFFFFF086  }
0x1c: {  	p1 =	slt.u32 s9, $0xF7A;
	s5 =	simm.s32 @!p2 $0x0  }
0x1d: {  	s5 =	simm.s32 @p1 $0x1;
	p0 =	seq.s32 s7, s2  }
0x1e: {  	s7 =	smul.u32 @!p0 $0xF7A, s2;
	p2 =	seq.s32 @!p0 s5, $0x0  }
0x1f: {  	s9 =	smul.u32 $0xF7A, s1;
	s8 =	simm.s32 @!p0 $0x1BF5;
	p2 =	por !p2, p0  }
0x20: {  	[sflag:s8] =	ssyncset.s32 @!p0 $0xFFFFF086;
	s6 =	sadd.s32 @!p0 s3, s7;
	s7 =	simm.s32 @!p0 $0x108  }
0x21: {  	s3 =	sadd.s32 s3, s9;
	s6 =	sadd.s32 @!p0 $0x88, s6;
	s7 =	simm.s32 @p2 $0x1082  }
0x22: {  	[simem:s7], [sflag:s8] =	dma.local @!p0 [hbm:s6], $0xF7A  }
0x23: {  	s9 =	sor.u32 $0xD0000000, s2;
	s6 =	simm.s32 $0x108;
	_ =	swait.ge @!p0 [sflag:s8], $0x0  }
0x24: {  	s3 =	sadd.s32 $0x88, s3;
	s6 =	simm.s32 @!p1 $0x1082;
	[sflag:s4] =	ssyncset.s32 $0xFFFFF086  }
0x25: {  	[simem:s6], [sflag:s4] =	dma.local [hbm:s3], $0xF7A  }
0x26: {  	[smem:$0x3F94] =	sst s1;
	(tag) =	ssettag s2;
	_ =	strace s9  }
0x27: {  	s1 =	sld [smem:$0x3FA4]  }
0x28: {  	s2 =	sld [smem:$0x3FA5]  }
0x29: {  	s4 =	sld [smem:$0x3FA7]  }
0x2a: {  	p0 =	seq.s32 s5, $0x0;
	s5 =	sld [smem:$0x3FA8]  }
0x2b: {  	s6 =	sld [smem:$0x3FA9]  }
0x2c: {  	s7 =	sld [smem:$0x3FAA]  }
0x2d: {  	s3 =	simm.s32 $0x108;
	s8 =	sld [smem:$0x3FAB]  }
0x2e: {  	s3 =	simm.s32 @!p0 $0x1082;
	s9 =	sld [smem:$0x3FAC]  }
0x2f: {  	lr =	sadd.s32 s0, s3;
	s0 =	sld [smem:$0x3FA3]  }
0x30: {  	s3 =	sld [smem:$0x3FA6]  }
0x31: {  	[smem:$0x3FAF] =	sst s10  }
0x32: {  	s10 =	sld [smem:$0x3FAD];
	_ =	sdelay $0x3  }
0x33: {  	p0 =	seq.s32 s10, $0x1;
	s10 =	sld [smem:$0x3FAF];
	_ =	sdelay $0x3  }
0x34: {  	[smem:$0x3FAF] =	sst s10  }
0x35: {  	s10 =	sld [smem:$0x3FAE];
	_ =	sdelay $0x3  }
0x36: {  	p1 =	seq.s32 s10, $0x1;
	s10 =	sld [smem:$0x3FAF];
	_ =	sdelay $0x3  }
0x37: {  	[smem:$0x3FAF] =	sst s10  }
0x38: {  	s10 =	sld [smem:$0x3FB0]  }
0x39: {  	_ = 	snop;
	(pc) =	sbr.ind lr, $3  }
0x3a: {  	_ = 	snop  }
0x3b: {  	_ = 	snop  }
0x3c: {  	p2 =	seq.s32 s10, $0x1;
	s10 =	sld [smem:$0x3FAF]  }
0x3d: {  	_ =	shalt  }
0x3e: {  	_ =	shalt  }
0x3f: {  	_ =	shalt  }
0x40: {  	_ =	shalt  }
0x41: {  	_ =	shalt  }
0x42: {  	_ =	shalt  }
0x43: {  	_ =	shalt  }
0x44: {  	_ =	shalt  }
0x45: {  	_ =	shalt  }
0x46: {  	_ =	shalt  }
0x47: {  	_ =	shalt  }
0x48: {  	_ =	shalt  }
0x49: {  	_ =	shalt  }
0x4a: {  	_ =	shalt  }
0x4b: {  	_ =	shalt  }
0x4c: {  	_ =	shalt  }
0x4d: {  	_ =	shalt  }
0x4e: {  	_ =	shalt  }
0x4f: {  	_ =	shalt  }
0x50: {  	_ =	shalt  }
0x51: {  	_ =	shalt  }
0x52: {  	_ =	shalt  }
0x53: {  	_ =	shalt  }
0x54: {  	_ =	shalt  }
0x55: {  	_ =	shalt  }
0x56: {  	_ =	shalt  }
0x57: {  	_ =	shalt  }
0x58: {  	_ =	shalt  }
0x59: {  	_ =	shalt  }
0x5a: {  	_ =	shalt  }
0x5b: {  	_ =	shalt  }
0x5c: {  	_ =	shalt  }
0x5d: {  	_ =	shalt  }
0x5e: {  	_ =	shalt  }
0x5f: {  	_ =	shalt  }
0x60: {  	_ =	shalt  }
0x61: {  	_ =	shalt  }
0x62: {  	_ =	shalt  }
0x63: {  	_ =	shalt  }
0x64: {  	_ =	shalt  }
0x65: {  	_ =	shalt  }
0x66: {  	_ =	shalt  }
0x67: {  	_ =	shalt  }
0x68: {  	_ =	shalt  }
0x69: {  	_ =	shalt  }
0x6a: {  	_ =	shalt  }
0x6b: {  	_ =	shalt  }
0x6c: {  	_ =	shalt  }
0x6d: {  	_ =	shalt  }
0x6e: {  	_ =	shalt  }
0x6f: {  	_ =	shalt  }
0x70: {  	_ =	shalt  }
0x71: {  	_ =	shalt  }
0x72: {  	_ =	shalt  }
0x73: {  	_ =	shalt  }
0x74: {  	_ =	shalt  }
0x75: {  	_ =	shalt  }
0x76: {  	_ =	shalt  }
0x77: {  	_ =	shalt  }
0x78: {  	_ =	shalt  }
0x79: {  	_ =	shalt  }
0x7a: {  	_ =	shalt  }
0x7b: {  	_ =	shalt  }
0x7c: {  	_ =	shalt  }
0x7d: {  	_ =	shalt  }
0x7e: {  	_ =	shalt  }
0x7f: {  	_ =	shalt  }
0x80: {  	_ =	shalt  }
0x81: {  	_ =	shalt  }
0x82: {  	_ =	shalt  }
0x83: {  	_ =	shalt  }
0x84: {  	_ =	shalt  }
0x85: {  	_ =	shalt  }
0x86: {  	_ =	shalt  }
0x87: {  	_ =	shalt  }
.Lfunc_end0:
.L_simem_size_0:
called_computation.3_lowered:
.L_overlay_start_0:
0x88: {  	s2 =	sld [smem:$0x3FD9]  }
0x89: {  	s3 =	sld [smem:$0x3FFE];
	_ =	sdelay $0x1  }
0x8a: {  	s1 =	srdreg.scid  }
0x8b: {  	s0 =	sand.u32 $0x1, s1  }
0x8c: {  	s16 =	sshll.u32 s0, $0xA;
	s2 =	sadd.s32 s3, s2  }
0x8d: {  	s2 =	sadd.s32 s2, s16  }
0x8e: {  	[smem:$0x3FBB] =	sst s2  }
0x8f: {  	_ = 	snop  }
0x90: {  	(tm) =	ssettm $0x1  }
0x91: {  	s17 =	sld [smem:$0x3FFB];
	_ =	sdelay $0x3  }
0x92: {  	_ =	strace s17  }
0x93: {  	s2 =	sld [smem:$0x3FFC];
	_ =	sdelay $0x3  }
0x94: {  	_ =	strace s2  }
0x95: {  	s2 =	sld [smem:$0x3FFD];
	_ =	sdelay $0x3  }
0x96: {  	_ =	strace s2  }
0x97: {  	_ =	strace $0x8FFFFFFF  }
0x98: {  	s18 =	sld [smem:$0x3FDB];
	_ =	sdelay $0x1  }
0x99: {  	s19 =	simm.s32 $_scs_section_size  }
0x9a: {  	s4 =	simm.s32 $_size__tile_overlayer_lowered;
	s5 =	simm.s32 $_tile_overlayer_lowered  }
0x9b: {  	s22 =	simm.s32 $0x1BFF;
	s21 =	sshll.u32 s5, $0x1;
	s2 =	sadd.s32 s19, s18  }
0x9c: {  	s6 =	simm.s32 $0x0;
	s20 =	sshll.u32 s4, $0x1;
	s4 =	sadd.s32 s21, s2  }
0x9d: {  	[timem:s6], [sflag:s22] =	dma.local [hbm:s4], s20  }
0x9e: {  	_ =	swait.ge [sflag:s22], s20  }
0x9f: {  	s3 =	ssub.s32 $0x0, s20;
	[sflag:s22] =	ssyncset.done $0x0  }
0xa0: {  	[sflag:s22] =	ssyncadd.s32 s3;
	_ =	sdelay $0x1  }
0xa1: {  	s23 =	simm.s32 $0x1B8B  }
0xa2: {  	_ =	swait.ge [sflag:s23], $0x1  }
0xa3: {  	[sflag:s23] =	ssyncset.done $0x0  }
0xa4: {  	s25 =	simm.s32 $0x1B8E;
	s24 =	sld [smem:$0x3FFE];
	[sflag:s23] =	ssyncadd.s32 $0xFFFFFFFF  }
0xa5: {  	s26 =	simm.s32 $execute0_lowered;
	[smem:$0x3FD2] =	sst s25  }
0xa6: {  	s4 =	sshll.u32 s26, $0x1;
	_ =	strace $0x8000004F;
	[dreg:$0x1] =	wrdreg $0xFFFFFFFF  }
0xa7: {  	s28 =	simm.s32 $_size_execute0_lowered;
	s2 =	sadd.s32 s2, s4;
	[dreg:$0x0] =	wrdreg $0x0  }
0xa8: {  	s4 =	sshll.u32 s28, $0x1;
	[dreg:$0x2] =	wrdreg s2  }
0xa9: {  	[dreg:$0x3] =	wrdreg s4  }
0xaa: {  	[dreg:$0x4] =	wrdreg $0xC0  }
0xab: {  	_ =	task [dreg:s6], $0x5FFFF  }
0xac: {  	[dreg:$0x1] =	wrdreg $0xFFFFFFFF  }
0xad: {  	[dreg:$0x0] =	wrdreg $0x60  }
0xae: {  	[dreg:$0x2] =	wrdreg s24  }
0xaf: {  	[dreg:$0x3] =	wrdreg $0x125C00  }
0xb0: {  	[dreg:$0x4] =	wrdreg $0x9  }
0xb1: {  	_ =	task.clear_ibuf [dreg:s6], $0x5FFFF;
	_ =	strace $0x9000004F  }
0xb2: {  	s29 =	simm.s32 $0x9;
	_ =	strace $0x80000051  }
0xb3: {  	_ =	swait.ge [sflag:s29], $0x1  }
0xb4: {  	[sflag:s29] =	ssyncadd.s32 $0xFFFFFFFF  }
0xb5: {  	_ =	strace $0x90000051  }
0xb6: {  	_ =	sfence  }
0xb7: {  	s30 =	sld [smem:$0x0];
	_ =	sdelay $0x2  }
0xb8: {  	s31 =	sshll.u32 s1, $0xD;
	s1 =	sshrl.u32 s1, $0x2  }
0xb9: {  	s3 =	sand.u32 $0x4000, s31;
	s1 =	sadd.s32 s1, s30  }
0xba: {  	s0 =	sor.u32 s3, s0;
	s1 =	sshll.u32 s1, $0x11  }
0xbb: {  	s0 =	sor.u32 s1, s0  }
0xbc: {  	s0 =	sadd.s32 $0x8F2B, s0  }
0xbd: {  	[sflag:s0] =	ssyncadd.remote.s32 $0x1  }
0xbe: {  	_ =	sfence.sel $0xFFFF  }
0xbf: {  	[dreg:$0x0] =	wrdreg $0xFFFFFFFF;
	(pc) =	sbr.abs _section_cstart, $3  }
0xc0: {  	[dreg:$0x1] =	wrdreg $0xFFFFFFFF  }
0xc1: {  	_ =	task.clear_ibuf [dreg:s6], $0x2FFFF;
	_ =	strace $0x9FFFFFFF  }
0xc2: {  	(tm) =	ssettm $0x7FFFFFFF  }
0xc3: {  	_ =	shalt  }
tec
execute0_lowered:
.L_overlay_start_1:
0x0: {  	(tag) =	ssettag $0x1  }
0x1: {  	s0 =	srdreg.scid  }
0x2: {  	s15 =	stileid.u32;
	s1 =	rddreg [dreg:$0x0]  }
0x3: {  	s2 =	rddreg [dreg:$0x1];
	s3 =	simm.s32 $0x0;
	s16 =	simm.s32 $0x10680  }
0x4: {  	s17 =	simm.s32 $0x5;
	s18 =	simm.s32 $0x1;
	s19 =	simm.s32 $0x2  }
0x5: {  	s20 =	simm.s32 $0x64;
	s21 =	simm.s32 $0xA280;
	s22 =	simm.s32 $0x68  }
0x6: {  	s23 =	simm.s32 $0xBB80;
	s28 =	simm.s32 $0xD480;
	s5 =	smul.u32 $0x5140, s15  }
0x7: {  	s29 =	simm.s32 $0x138;
	s30 =	simm.s32 $0xED80;
	s8 =	smul.u32 $0x27100, s15  }
0x8: {  	s31 =	simm.s32 $0x3;
	s0 =	sand.u32 $0x1, s0;
	s13 =	smul.u32 $0x9E00, s15  }
0x9: {  	[smem:$0x7FF] =	sst s3;
	p0 =	seq.s32 s15, $0xF;
	s4 =	smul.u32 $0x51400, s0  }
0xa: {  	_ =	strace $0x80000050;
	s7 =	ssub.s32 $0x2, s0;
	s0 =	smul.u32 $0x9C400, s0  }
0xb: {  	s9 =	sshrl.u32 s7, $0x1;
	s25 =	sshrl.u32 s8, $0x2;
	s4 =	sadd.s32 s5, s4  }
0xc: {  	s5 =	sshrl.u32 s5, $0x3;
	s14 =	ssub.s32 s7, s9;
	s7 =	sadd.s32 s25, s2  }
0xd: {  	s26 =	sadd.s32 s13, s0;
	s0 =	sshrl.u32 s0, $0x3;
	s6 =	sshrl.u32 s4, $0x3  }
0xe: {  	s4 =	sadd.s32 $0x4800, s1;
	s5 =	sadd.s32 s5, s1;
	s8 =	sadd.s32 $0x1F40, s7  }
0xf: {  	s9 =	sadd.s32 $0x3E80, s7;
	s10 =	sadd.s32 $0x5DC0, s7;
	s11 =	sadd.s32 $0x7D00, s7  }
0x10: {  	s14 =	smax.u32 s14, $0x1;
	s6 =	sadd.s32 s6, s1;
	s5 =	sadd.s32 $0x4A400, s5  }
0x11: {  	s1 =	sadd.s32 $0x54800, s1;
	[dreg:$0x4] =	wrdreg s5;
	s5 =	sshrl.u32 s26, $0x3  }
0x12: {  	s6 =	sadd.s32 $0x35E00, s6;
	s0 =	sadd.s32 s1, s0;
	s12 =	sadd.s32 s1, s5  }
0x13: {  	s1 =	sadd.s32 s13, s2;
	s13 =	sadd.s32 $0x12840, s0;
	s0 =	sadd.s32 $0x94200, s2  }
0x14: {  	s26 =	simm.s32 $0xD0;
	[dreg:$0x3] =	wrdreg s6;
	s24 =	sshrl.u32 @p0 s0, $0x3  }
0x15: {  	v0 =	vimm.f32 $0.0e+00;
	s25 =	sshrl.u32 @!p0 s1, $0x3;
	s1 =	simm.s32 $0x4;
	s0 =	simm.s32 $0x0  }
.LBB2_1:
0x16: {  	s5 =	rddreg [dreg:$0x3]  }
0x17: {  	[tilespmem:s3], [sflag:$0x1] =	stream.linear.gather [hbm4b:s5+s3], $0x5140, $0x38;
	[tilespmem:$0x1C200] =	vst v63  }
0x18: {  	s15 =	rddreg [dreg:$0x4];
	s6 =	simm.s32 $0x5140  }
0x19: {  	[tilespmem:s6], [sflag:$0x2] =	stream.linear.gather [hbm4b:s15+s3], $0x5140, $0x38;
	[tilespmem:$0x1C200] =	vst v63  }
0x1a: {  	s5 =	simm.s32 $0x0;
	s15 =	simm.s32 $0x100  }
.LBB2_2:
0x1b: {  	p1 =	sne.s32 s15, $0x7C00;
	[tilespmem:s5+$0x106B0] =	vst v0;
	s6 =	smov.u32 s15;
	s15 =	sadd.s32 $0x100, s15  }
.Ltmp0:
0x1c: {  	[tilespmem:s5+$0x106A0] =	vst v0;
	(pc) =	sbr.rel @p1 .LBB2_2-.Ltmp0, $3  }
0x1d: {  	[tilespmem:s5+$0x10680] =	vst v0  }
0x1e: {  	[tilespmem:s5+$0x10690] =	vst v0;
	_ =	sdelay $0x1  }
0x1f: {  	s5 =	sshra.s32 s6, $0x2  }
0x20: {  	[tilespmem:s5+$0x106B0] =	vst v0  }
0x21: {  	[tilespmem:s5+$0x106A0] =	vst v0  }
0x22: {  	[tilespmem:s5+$0x10680] =	vst v0  }
0x23: {  	[tilespmem:s5+$0x10690] =	vst v0  }
0x24: {  	[spmem:s7] =	stream.linear.scatter [tilespmem:s16], [sflag:$0x5], $0x1F40, $0x38;
	[tilespmem:$0x1C200] =	vst v63  }
0x25: {  	_ =	swait.ge [sflag:s17], $0x1F40  }
0x26: {  	[sflag:s17] =	ssyncset.done $0x0  }
0x27: {  	[sflag:s17] =	ssyncadd.s32 $0xFFFFE0C0  }
0x28: {  	[spmem:s8] =	stream.linear.scatter [tilespmem:s16], [sflag:$0x5], $0x1F40, $0x38;
	[tilespmem:$0x1C200] =	vst v63  }
0x29: {  	_ =	swait.ge [sflag:s17], $0x1F40  }
0x2a: {  	[sflag:s17] =	ssyncset.done $0x0  }
0x2b: {  	[sflag:s17] =	ssyncadd.s32 $0xFFFFE0C0  }
0x2c: {  	[spmem:s9] =	stream.linear.scatter [tilespmem:s16], [sflag:$0x5], $0x1F40, $0x38;
	[tilespmem:$0x1C200] =	vst v63  }
0x2d: {  	_ =	swait.ge [sflag:s17], $0x1F40  }
0x2e: {  	[sflag:s17] =	ssyncset.done $0x0  }
0x2f: {  	[sflag:s17] =	ssyncadd.s32 $0xFFFFE0C0  }
0x30: {  	[spmem:s10] =	stream.linear.scatter [tilespmem:s16], [sflag:$0x5], $0x1F40, $0x38;
	[tilespmem:$0x1C200] =	vst v63  }
0x31: {  	_ =	swait.ge [sflag:s17], $0x1F40  }
0x32: {  	[sflag:s17] =	ssyncset.done $0x0  }
0x33: {  	[sflag:s17] =	ssyncadd.s32 $0xFFFFE0C0  }
0x34: {  	[spmem:s11] =	stream.linear.scatter [tilespmem:s16], [sflag:$0x5], $0x1F40, $0x38;
	[tilespmem:$0x1C200] =	vst v63  }
0x35: {  	_ =	swait.ge [sflag:s17], $0x1F40  }
0x36: {  	[sflag:s17] =	ssyncset.done $0x0  }
0x37: {  	[sflag:s17] =	ssyncadd.s32 $0xFFFFE0C0  }
0x38: {  	_ =	swait.ge [sflag:s18], $0x5140  }
0x39: {  	[sflag:s18] =	ssyncset.done $0x0  }
0x3a: {  	[sflag:s18] =	ssyncadd.s32 $0xFFFFAEC0  }
0x3b: {  	_ =	swait.ge [sflag:s19], $0x5140  }
0x3c: {  	[sflag:s19] =	ssyncset.done $0x0  }
0x3d: {  	s6 =	simm.s32 $0x0;
	[sflag:s19] =	ssyncadd.s32 $0xFFFFAEC0  }
0x3e: {  	[tilespmem:s21], [sflag:$0x1] =	stream.indirect.gather [hbm4b:s4+s20], $0x40, s6, s20, $0xb8;
	[tilespmem:$0x1C200] =	vst v63  }
0x3f: {  	_ = 	snop  }
0x40: {  	[tilespmem:s23], [sflag:$0x2] =	stream.indirect.gather [hbm4b:s4+s20], $0x40, s22, s20, $0xb8;
	[tilespmem:$0x1C200] =	vst v63  }
0x41: {  	_ = 	snop  }
0x42: {  	[tilespmem:s28], [sflag:$0x3] =	stream.indirect.gather [hbm4b:s4+s20], $0x40, s26, s20, $0xb8;
	[tilespmem:$0x1C200] =	vst v63  }
0x43: {  	_ = 	snop  }
0x44: {  	[tilespmem:s30], [sflag:$0x4] =	stream.indirect.gather [hbm4b:s4+s20], $0x40, s29, s20, $0xb8;
	[tilespmem:$0x1C200] =	vst v63  }
0x45: {  	[bflag:$0x0] =	sbarrier.arrive $0xFFFF  }
0x46: {  	_ =	swait.ge [sflag:s18], $0x1900  }
0x47: {  	[sflag:s18] =	ssyncset.done $0x0  }
0x48: {  	s15 =	simm.s32 $0x5140;
	[sflag:s18] =	ssyncadd.s32 $0xFFFFE700  }
0x49: {  	[spmem:s2] =	stream.indirect.scatter.add.f32 [tilespmem:s21], [sflag:$0x5], $0x40, s15, s20, $0xb8;
	[tilespmem:$0x1C200] =	vst v63  }
0x4a: {  	_ =	swait.ge [sflag:s17], $0x1900  }
0x4b: {  	[sflag:s17] =	ssyncset.done $0x0  }
0x4c: {  	s6 =	simm.s32 $0x1A0;
	[sflag:s17] =	ssyncadd.s32 $0xFFFFE700  }
0x4d: {  	[tilespmem:s21], [sflag:$0x1] =	stream.indirect.gather [hbm4b:s4+s20], $0x40, s6, s20, $0xb8;
	[tilespmem:$0x1C200] =	vst v63  }
0x4e: {  	_ =	swait.ge [sflag:s19], $0x1900  }
0x4f: {  	[sflag:s19] =	ssyncset.done $0x0  }
0x50: {  	s15 =	simm.s32 $0x51A8;
	[sflag:s19] =	ssyncadd.s32 $0xFFFFE700  }
0x51: {  	[spmem:s2] =	stream.indirect.scatter.add.f32 [tilespmem:s23], [sflag:$0x5], $0x40, s15, s20, $0xb8;
	[tilespmem:$0x1C200] =	vst v63  }
0x52: {  	_ =	swait.ge [sflag:s17], $0x1900  }
0x53: {  	[sflag:s17] =	ssyncset.done $0x0  }
0x54: {  	s6 =	simm.s32 $0x208;
	[sflag:s17] =	ssyncadd.s32 $0xFFFFE700  }
0x55: {  	[tilespmem:s23], [sflag:$0x2] =	stream.indirect.gather [hbm4b:s4+s20], $0x40, s6, s20, $0xb8;
	[tilespmem:$0x1C200] =	vst v63  }
0x56: {  	_ =	swait.ge [sflag:s31], $0x1900  }
0x57: {  	[sflag:s31] =	ssyncset.done $0x0  }
0x58: {  	s15 =	simm.s32 $0x5210;
	[sflag:s31] =	ssyncadd.s32 $0xFFFFE700  }
0x59: {  	[spmem:s2] =	stream.indirect.scatter.add.f32 [tilespmem:s28], [sflag:$0x5], $0x40, s15, s20, $0xb8;
	[tilespmem:$0x1C200] =	vst v63  }
0x5a: {  	_ =	swait.ge [sflag:s17], $0x1900  }
0x5b: {  	[sflag:s17] =	ssyncset.done $0x0  }
0x5c: {  	s6 =	simm.s32 $0x270;
	[sflag:s17] =	ssyncadd.s32 $0xFFFFE700  }
0x5d: {  	[tilespmem:s28], [sflag:$0x3] =	stream.indirect.gather [hbm4b:s4+s20], $0x40, s6, s20, $0xb8;
	[tilespmem:$0x1C200] =	vst v63  }
0x5e: {  	_ =	swait.ge [sflag:s1], $0x1900  }
0x5f: {  	[sflag:s1] =	ssyncset.done $0x0  }
0x60: {  	s15 =	simm.s32 $0x5278;
	[sflag:s1] =	ssyncadd.s32 $0xFFFFE700  }
0x61: {  	[spmem:s2] =	stream.indirect.scatter.add.f32 [tilespmem:s30], [sflag:$0x5], $0x40, s15, s20, $0xb8;
	[tilespmem:$0x1C200] =	vst v63  }
0x62: {  	_ =	swait.ge [sflag:s17], $0x1900  }
0x63: {  	[sflag:s17] =	ssyncset.done $0x0  }
0x64: {  	s5 =	simm.s32 $0x2D8;
	s15 =	simm.s32 $0x680;
	[sflag:s17] =	ssyncadd.s32 $0xFFFFE700  }
.LBB2_4:
0x65: {  	[tilespmem:s30], [sflag:$0x4] =	stream.indirect.gather [hbm4b:s4+s20], $0x40, s5, s20, $0xb8;
	[tilespmem:$0x1C200] =	vst v63  }
0x66: {  	s5 =	smov.u32 s15  }
0x67: {  	p1 =	sne.s32 s15, $0x13800;
	s15 =	sadd.s32 $0x680, s15;
	_ =	swait.ge [sflag:s18], $0x1900  }
0x68: {  	s5 =	sshra.s32 s5, $0x2;
	[sflag:s18] =	ssyncset.done $0x0  }
0x69: {  	s6 =	sadd.s32 $0x5140, s5;
	[sflag:s18] =	ssyncadd.s32 $0xFFFFE700  }
0x6a: {  	[spmem:s2] =	stream.indirect.scatter.add.f32 [tilespmem:s21], [sflag:$0x5], $0x40, s6, s20, $0xb8;
	[tilespmem:$0x1C200] =	vst v63  }
0x6b: {  	_ =	swait.ge [sflag:s17], $0x1900  }
0x6c: {  	[sflag:s17] =	ssyncset.done $0x0  }
0x6d: {  	s6 =	sadd.s32 $0x1A0, s5;
	[sflag:s17] =	ssyncadd.s32 $0xFFFFE700  }
0x6e: {  	[tilespmem:s21], [sflag:$0x1] =	stream.indirect.gather [hbm4b:s4+s20], $0x40, s6, s20, $0xb8;
	[tilespmem:$0x1C200] =	vst v63  }
0x6f: {  	_ =	swait.ge [sflag:s19], $0x1900  }
0x70: {  	[sflag:s19] =	ssyncset.done $0x0  }
0x71: {  	s6 =	sadd.s32 $0x51A8, s5;
	[sflag:s19] =	ssyncadd.s32 $0xFFFFE700  }
0x72: {  	[spmem:s2] =	stream.indirect.scatter.add.f32 [tilespmem:s23], [sflag:$0x5], $0x40, s6, s20, $0xb8;
	[tilespmem:$0x1C200] =	vst v63  }
0x73: {  	_ =	swait.ge [sflag:s17], $0x1900  }
0x74: {  	[sflag:s17] =	ssyncset.done $0x0  }
0x75: {  	s6 =	sadd.s32 $0x208, s5;
	[sflag:s17] =	ssyncadd.s32 $0xFFFFE700  }
0x76: {  	[tilespmem:s23], [sflag:$0x2] =	stream.indirect.gather [hbm4b:s4+s20], $0x40, s6, s20, $0xb8;
	[tilespmem:$0x1C200] =	vst v63  }
0x77: {  	_ =	swait.ge [sflag:s31], $0x1900  }
0x78: {  	[sflag:s31] =	ssyncset.done $0x0  }
0x79: {  	s6 =	sadd.s32 $0x5210, s5;
	[sflag:s31] =	ssyncadd.s32 $0xFFFFE700  }
0x7a: {  	[spmem:s2] =	stream.indirect.scatter.add.f32 [tilespmem:s28], [sflag:$0x5], $0x40, s6, s20, $0xb8;
	[tilespmem:$0x1C200] =	vst v63  }
0x7b: {  	_ =	swait.ge [sflag:s17], $0x1900  }
0x7c: {  	[sflag:s17] =	ssyncset.done $0x0  }
0x7d: {  	s6 =	sadd.s32 $0x270, s5;
	[sflag:s17] =	ssyncadd.s32 $0xFFFFE700  }
0x7e: {  	[tilespmem:s28], [sflag:$0x3] =	stream.indirect.gather [hbm4b:s4+s20], $0x40, s6, s20, $0xb8;
	[tilespmem:$0x1C200] =	vst v63  }
0x7f: {  	_ =	swait.ge [sflag:s1], $0x1900  }
0x80: {  	[sflag:s1] =	ssyncset.done $0x0  }
.Ltmp1:
0x81: {  	s6 =	sadd.s32 $0x5278, s5;
	[sflag:s1] =	ssyncadd.s32 $0xFFFFE700;
	(pc) =	sbr.rel @p1 .LBB2_4-.Ltmp1, $4  }
0x82: {  	[spmem:s2] =	stream.indirect.scatter.add.f32 [tilespmem:s30], [sflag:$0x5], $0x40, s6, s20, $0xb8;
	[tilespmem:$0x1C200] =	vst v63  }
0x83: {  	_ =	swait.ge [sflag:s17], $0x1900  }
0x84: {  	[sflag:s17] =	ssyncset.done $0x0  }
0x85: {  	s5 =	sadd.s32 $0x2D8, s5;
	[sflag:s17] =	ssyncadd.s32 $0xFFFFE700  }
0x86: {  	[tilespmem:s30], [sflag:$0x4] =	stream.indirect.gather [hbm4b:s4+s20], $0x40, s5, s20, $0xb8;
	[tilespmem:$0x1C200] =	vst v63  }
0x87: {  	_ =	swait.ge [sflag:s18], $0x1900  }
0x88: {  	[sflag:s18] =	ssyncset.done $0x0  }
0x89: {  	s6 =	simm.s32 $0xA0E0;
	[sflag:s18] =	ssyncadd.s32 $0xFFFFE700  }
0x8a: {  	[spmem:s2] =	stream.indirect.scatter.add.f32 [tilespmem:s21], [sflag:$0x5], $0x40, s6, s20, $0xb8;
	[tilespmem:$0x1C200] =	vst v63  }
0x8b: {  	_ =	swait.ge [sflag:s17], $0x1900  }
0x8c: {  	[sflag:s17] =	ssyncset.done $0x0  }
0x8d: {  	[sflag:s17] =	ssyncadd.s32 $0xFFFFE700  }
0x8e: {  	[tilespmem:s21], [sflag:$0x1] =	stream.indirect.gather [hbm4b:s4+s20], $0x40, s3, s20, $0xb8;
	[tilespmem:$0x1C200] =	vst v63  }
0x8f: {  	_ =	swait.ge [sflag:s19], $0x1900  }
0x90: {  	[sflag:s19] =	ssyncset.done $0x0  }
0x91: {  	s15 =	simm.s32 $0xA148;
	[sflag:s19] =	ssyncadd.s32 $0xFFFFE700  }
0x92: {  	[spmem:s2] =	stream.indirect.scatter.add.f32 [tilespmem:s23], [sflag:$0x5], $0x40, s15, s20, $0xb8;
	[tilespmem:$0x1C200] =	vst v63  }
0x93: {  	_ =	swait.ge [sflag:s17], $0x1900  }
0x94: {  	[sflag:s17] =	ssyncset.done $0x0  }
0x95: {  	[sflag:s17] =	ssyncadd.s32 $0xFFFFE700  }
0x96: {  	[tilespmem:s23], [sflag:$0x2] =	stream.indirect.gather [hbm4b:s4+s20], $0x40, s22, s20, $0xb8;
	[tilespmem:$0x1C200] =	vst v63  }
0x97: {  	_ =	swait.ge [sflag:s31], $0x1900  }
0x98: {  	[sflag:s31] =	ssyncset.done $0x0  }
0x99: {  	s6 =	simm.s32 $0xA1B0;
	[sflag:s31] =	ssyncadd.s32 $0xFFFFE700  }
0x9a: {  	[spmem:s2] =	stream.indirect.scatter.add.f32 [tilespmem:s28], [sflag:$0x5], $0x40, s6, s20, $0xb8;
	[tilespmem:$0x1C200] =	vst v63  }
0x9b: {  	_ =	swait.ge [sflag:s17], $0x1900  }
0x9c: {  	[sflag:s17] =	ssyncset.done $0x0  }
0x9d: {  	[sflag:s17] =	ssyncadd.s32 $0xFFFFE700  }
0x9e: {  	[tilespmem:s28], [sflag:$0x3] =	stream.indirect.gather [hbm4b:s4+s20], $0x40, s26, s20, $0xb8;
	[tilespmem:$0x1C200] =	vst v63  }
0x9f: {  	_ =	swait.ge [sflag:s1], $0x1900  }
0xa0: {  	[sflag:s1] =	ssyncset.done $0x0  }
0xa1: {  	s15 =	simm.s32 $0xA218;
	[sflag:s1] =	ssyncadd.s32 $0xFFFFE700  }
0xa2: {  	[spmem:s2] =	stream.indirect.scatter.add.f32 [tilespmem:s30], [sflag:$0x5], $0x40, s15, s20, $0xb8;
	[tilespmem:$0x1C200] =	vst v63  }
0xa3: {  	_ =	swait.ge [sflag:s17], $0x1900  }
0xa4: {  	[sflag:s17] =	ssyncset.done $0x0  }
0xa5: {  	[sflag:s17] =	ssyncadd.s32 $0xFFFFE700  }
0xa6: {  	[tilespmem:s30], [sflag:$0x4] =	stream.indirect.gather [hbm4b:s4+s20], $0x40, s29, s20, $0xb8;
	[tilespmem:$0x1C200] =	vst v63  }
0xa7: {  	_ =	swait.ge [sflag:s18], $0x1900  }
0xa8: {  	[sflag:s18] =	ssyncset.done $0x0  }
0xa9: {  	[sflag:s18] =	ssyncadd.s32 $0xFFFFE700  }
0xaa: {  	_ =	swait.ge [sflag:s19], $0x1900  }
0xab: {  	[sflag:s19] =	ssyncset.done $0x0  }
0xac: {  	[sflag:s19] =	ssyncadd.s32 $0xFFFFE700  }
0xad: {  	_ =	swait.ge [sflag:s31], $0x1900  }
0xae: {  	[sflag:s31] =	ssyncset.done $0x0  }
0xaf: {  	[sflag:s31] =	ssyncadd.s32 $0xFFFFE700  }
0xb0: {  	_ =	swait.ge [sflag:s1], $0x1900  }
0xb1: {  	[sflag:s1] =	ssyncset.done $0x0  }
0xb2: {  	[sflag:s1] =	ssyncadd.s32 $0xFFFFE700  }
0xb3: {  	s5 =	simm.s32 @p0 $0x1FC5;
	[bflag:$0x0] =	sbarrier.arrive $0xFFFF  }
0xb4: {  	[hbm:s13], [sflag:s5] =	dma.local @p0 [spmem:s24], $0x1040  }
0xb5: {  	s5 =	simm.s32 @p0 $0x5  }
0xb6: {  	s6 =	stileid.u32;
	_ =	swait.ge @p0 [sflag:s5], $0x1040  }
0xb7: {  	s0 =	sadd.s32 $0x1, s0;
	s6 =	sshll.u32 @!p0 s6, $0x6;
	[sflag:s5] =	ssyncset.done @p0 $0x0  }
0xb8: {  	p1 =	sne.s32 s0, s14;
	[sflag:s5] =	ssyncadd.s32 @p0 $0xFFFFEFC0;
	s5 =	sor.u32 @!p0 $0x1C05, s6  }
0xb9: {  	[hbm:s12], [sflag:s5] =	dma.local @!p0 [spmem:s25], $0x13C0  }
.Ltmp2:
0xba: {  	_ = 	snop;
	(pc) =	sbr.rel @p1 .LBB2_1-.Ltmp2, $4  }
0xbb: {  	s5 =	simm.s32 @!p0 $0x5  }
0xbc: {  	_ =	swait.ge @!p0 [sflag:s5], $0x13C0  }
0xbd: {  	[sflag:s5] =	ssyncset.done @!p0 $0x0  }
0xbe: {  	[sflag:s5] =	ssyncadd.s32 @!p0 $0xFFFFEC40  }
0xbf: {  	_ =	sfence.sel $0x180000  }
0xc0: {  	[bflag:$0x0] =	sbarrier.arrive $0xFFFF  }
0xc1: {  	_ =	strace $0x90000050  }
0xc2: {  	s0 =	stileid.u32;
	[bflag:$0x2] =	sbarrier.arrive $0xFFFF  }
0xc3: {  	p0 =	sne.s32 s0, $0x0;
	s0 =	rddreg [dreg:$0x2]  }
0xc4: {  	s0 =	sadd.s32 @!p0 $0x100000, s0  }
0xc5: {  	[sflag:s0] =	ssyncadd.tile.s32 @!p0 $0x1;
	_ =	shalt  }
.Lfunc_end2:
_tile_overlayer_lowered:
.L_overlay_start_2:
0xc6: {  	(tag) =	ssettag $0x2  }
0xc7: {  	s0 =	rddreg [dreg:$0x0];
	s2 =	stileid.u32  }
0xc8: {  	s1 =	rddreg [dreg:$0x1];
	p0 =	sne.s32 s2, $0x0  }
0xc9: {  	s3 =	rddreg [dreg:$0x2];
	[bflag:$0x3] =	sbarrier.arrive $0xFFFF;
	s2 =	simm.s32 @!p0 $0x1C05  }
0xca: {  	[timem:s3], [sflag:s2] =	dma.local @!p0 [hbm:s0], s1  }
0xcb: {  	s0 =	simm.s32 @!p0 $0x5  }
0xcc: {  	_ =	swait.ge @!p0 [sflag:s0], s1  }
0xcd: {  	s1 =	ssub.s32 @!p0 $0x0, s1;
	[sflag:s0] =	ssyncset.done @!p0 $0x0  }
0xce: {  	[sflag:s0] =	ssyncadd.s32 @!p0 s1  }
0xcf: {  	[bflag:$0x3] =	sbarrier.arrive $0xFFFF  }
0xd0: {  	_ =	shalt  }

</sc_bundles>
